<compile_context>
chip_gen: v7x
topology: tpu7x:2x2x1
jax: 0.10.2.dev20260603
libtpu: 0.0.44.dev20260713+nightly
codegen_flags: <defaults>
</compile_context>

<pallas_src>
import jax
import jax.numpy as jnp
from jax import lax
from jax.experimental import pallas as pl
from jax.experimental.pallas import tpu as pltpu
from jax.experimental.pallas import tpu_sc as plsc

N_NODES = 10000
N_EDGES = 320000
D_FEAT = 128
H1 = 256
H2 = 256
D_OUT = 128

NC = 2
NS = 16
EB = 128
NPAD = 10240
RPT = NPAD // NS


def _sc_mesh():
    return plsc.VectorSubcoreMesh(
        core_axis_name="c", subcore_axis_name="s", num_cores=NC, num_subcores=NS
    )


def _zero_acc(zero_hbm, acc, s):
    pltpu.sync_copy(zero_hbm, acc.at[pl.ds(s * RPT, RPT)])


def _copy_out(acc, out_hbm, s):
    pltpu.sync_copy(acc.at[pl.ds(s * RPT, RPT)],
                    out_hbm.at[pl.ds(s * RPT, RPT)])


def _deg_body(src_hbm, dst_hbm, ones_hbm, zero_hbm, outa, outb,
              didx_a, didx_b, onesv, acc, isem, ssem):
    c = lax.axis_index("c")
    s = lax.axis_index("s")
    _zero_acc(zero_hbm, acc, s)
    pltpu.sync_copy(ones_hbm, onesv)
    plsc.subcore_barrier()
    nb = 156 + jnp.where(s < 4, 1, 0)
    base0 = (156 * s + jnp.minimum(s, 4)) * EB

    def run(idx_hbm):
        def didx_load(i, buf):
            return pltpu.async_copy(idx_hbm.at[pl.ds(base0 + i * EB, EB)],
                                    buf, isem)

        def wait_didx(buf):
            pltpu.make_async_copy(idx_hbm.at[pl.ds(0, EB)], buf, isem).wait()

        def wait_scatter():
            pltpu.make_async_copy(onesv, acc.at[didx_a], ssem).wait()

        didx_load(0, didx_a)

        def phase(i, dcur, dnxt, prefetch=True):
            @pl.when(i > 0)
            def _():
                wait_scatter()

            if prefetch:
                @pl.when(i + 1 < nb)
                def _():
                    didx_load(i + 1, dnxt)
            wait_didx(dcur)
            pltpu.async_copy(onesv, acc.at[dcur], ssem, add=True)

        def it(i2, carry):
            phase(2 * i2, didx_a, didx_b)
            phase(2 * i2 + 1, didx_b, didx_a)
            return carry

        lax.fori_loop(0, 156 // 2, it, 0)

        @pl.when(s < 4)
        def _():
            phase(156, didx_a, didx_b, prefetch=False)
        wait_scatter()

    @pl.when(c == 0)
    def _():
        run(dst_hbm)

    @pl.when(c == 1)
    def _():
        run(src_hbm)

    plsc.subcore_barrier()

    @pl.when(c == 0)
    def _():
        _copy_out(acc, outa, s)

    @pl.when(c == 1)
    def _():
        _copy_out(acc, outb, s)


_deg_call = pl.kernel(
    _deg_body,
    out_type=[
        jax.ShapeDtypeStruct((NPAD, 128), jnp.float32),
        jax.ShapeDtypeStruct((NPAD, 128), jnp.float32),
    ],
    mesh=_sc_mesh(),
    scratch_types=[
        pltpu.VMEM((EB,), jnp.int32),
        pltpu.VMEM((EB,), jnp.int32),
        pltpu.VMEM((EB, 128), jnp.float32),
        pltpu.VMEM_SHARED((NPAD, 128), jnp.float32),
        pltpu.SemaphoreType.DMA,
        pltpu.SemaphoreType.DMA,
    ],
)


def _agg_body(hsa, hsb, src_hbm, dst_hbm, zero_hbm, outa, outb,
              sidx_all, didx_a, didx_b, rows2, acc, gsem, isem, ssem):
    c = lax.axis_index("c")
    s = lax.axis_index("s")
    _zero_acc(zero_hbm, acc, s)
    plsc.subcore_barrier()
    nb = 78 + jnp.where(s < 2, 1, 0)

    def run(hs, ebase):
        base0 = ebase + (78 * s + jnp.minimum(s, 2)) * EB
        pltpu.sync_copy(src_hbm.at[pl.ds(base0, 78 * EB)],
                        sidx_all.at[pl.ds(0, 78 * EB)])

        @pl.when(s < 2)
        def _():
            pltpu.sync_copy(src_hbm.at[pl.ds(base0 + 78 * EB, EB)],
                            sidx_all.at[pl.ds(78 * EB, EB)])

        def didx_load(i, buf):
            return pltpu.async_copy(dst_hbm.at[pl.ds(base0 + i * EB, EB)],
                                    buf, isem)

        def gather(i, p):
            return pltpu.async_copy(
                hs.at[sidx_all.at[pl.ds(i * EB, EB)]], rows2.at[p], gsem)

        def wait_gather(p):
            pltpu.make_async_copy(hs.at[sidx_all.at[pl.ds(0, EB)]],
                                  rows2.at[p], gsem).wait()

        def wait_didx(buf):
            pltpu.make_async_copy(dst_hbm.at[pl.ds(0, EB)], buf, isem).wait()

        def wait_scatter():
            pltpu.make_async_copy(rows2.at[0], acc.at[didx_a], ssem).wait()

        didx_load(0, didx_a)
        gather(0, 0)

        def phase(i, p, dcur, dnxt, prefetch=True):
            @pl.when(i > 0)
            def _():
                wait_scatter()

            if prefetch:
                @pl.when(i + 1 < nb)
                def _():
                    didx_load(i + 1, dnxt)
                    gather(i + 1, 1 - p)
            wait_gather(p)
            wait_didx(dcur)
            pltpu.async_copy(rows2.at[p], acc.at[dcur], ssem, add=True)

        def it(i2, carry):
            phase(2 * i2, 0, didx_a, didx_b)
            phase(2 * i2 + 1, 1, didx_b, didx_a)
            return carry

        lax.fori_loop(0, 78 // 2, it, 0)

        @pl.when(s < 2)
        def _():
            phase(78, 0, didx_a, didx_b, prefetch=False)
        wait_scatter()

    @pl.when(c == 0)
    def _():
        run(hsa, 0)

    @pl.when(c == 1)
    def _():
        run(hsb, N_EDGES // 2)

    plsc.subcore_barrier()

    @pl.when(c == 0)
    def _():
        _copy_out(acc, outa, s)

    @pl.when(c == 1)
    def _():
        _copy_out(acc, outb, s)


_agg = pl.kernel(
    _agg_body,
    out_type=[
        jax.ShapeDtypeStruct((NPAD, 128), jnp.float32),
        jax.ShapeDtypeStruct((NPAD, 128), jnp.float32),
    ],
    mesh=_sc_mesh(),
    scratch_types=[
        pltpu.VMEM((79 * EB,), jnp.int32),
        pltpu.VMEM((EB,), jnp.int32),
        pltpu.VMEM((EB,), jnp.int32),
        pltpu.VMEM((2, EB, 128), jnp.float32),
        pltpu.VMEM_SHARED((NPAD, 128), jnp.float32),
        pltpu.SemaphoreType.DMA,
        pltpu.SemaphoreType.DMA,
        pltpu.SemaphoreType.DMA,
    ],
)


_RB = 1024
_NB = NPAD // _RB


def _rows(ref, i):
    return ref[pl.ds(i * _RB, _RB), :]


def _tc1_body(aa_ref, ab_ref, nd_ref, ns_ref, w_ref, b_ref, oa_ref, ob_ref):
    i = pl.program_id(0)
    nd = _rows(nd_ref, i)
    agg = (aa_ref[...] + ab_ref[...]) * nd
    h = jnp.tanh(
        jnp.dot(agg, w_ref[...], preferred_element_type=jnp.float32) + b_ref[...]
    )
    h = h * _rows(ns_ref, i)
    oa_ref[...] = h[:, : H1 // 2]
    ob_ref[...] = h[:, H1 // 2:]


def _tc2_body(aa0_ref, aa1_ref, ab0_ref, ab1_ref, nd_ref, ns_ref, w_ref,
              b_ref, wm_ref, o_ref):
    i = pl.program_id(0)
    nd = _rows(nd_ref, i)
    agg = jnp.concatenate(
        [aa0_ref[...] + aa1_ref[...], ab0_ref[...] + ab1_ref[...]], axis=1
    ) * nd
    h = jax.nn.relu(
        jnp.dot(agg, w_ref[...], preferred_element_type=jnp.float32) + b_ref[...]
    )
    h = h * _rows(ns_ref, i)
    o_ref[...] = jnp.dot(h, wm_ref[...], preferred_element_type=jnp.float32)


def _tc3_body(aa_ref, ab_ref, nd_ref, b_ref, eps_ref, z_ref, zm_ref):
    i = pl.program_id(0)
    nd = nd_ref[pl.ds(i * 1000, 1000), :]
    zm = (aa_ref[...] + ab_ref[...]) * nd + b_ref[...]
    zm_ref[...] = zm
    z_ref[...] = zm + jnp.exp(zm) * eps_ref[...]


def _full(shape):
    return pl.BlockSpec(shape, lambda i: (0, 0))


def _blk(cols):
    return pl.BlockSpec((_RB, cols), lambda i: (i, 0))


def _tc1(aa, ab, nd, ns, w, b):
    return pl.pallas_call(
        _tc1_body,
        grid=(_NB,),
        in_specs=[
            _blk(D_FEAT), _blk(D_FEAT),
            _full((NPAD, 1)), _full((NPAD, 1)),
            _full((D_FEAT, H1)), _full((1, H1)),
        ],
        out_specs=[_blk(H1 // 2), _blk(H1 // 2)],
        out_shape=[
            jax.ShapeDtypeStruct((NPAD, H1 // 2), jnp.float32),
            jax.ShapeDtypeStruct((NPAD, H1 // 2), jnp.float32),
        ],
    )(aa, ab, nd, ns, w, b)


def _tc2(aa0, aa1, ab0, ab1, nd, ns, w, b, wm):
    return pl.pallas_call(
        _tc2_body,
        grid=(_NB,),
        in_specs=[
            _blk(H1 // 2), _blk(H1 // 2), _blk(H1 // 2), _blk(H1 // 2),
            _full((NPAD, 1)), _full((NPAD, 1)),
            _full((H1, H2)), _full((1, H2)), _full((H2, D_OUT)),
        ],
        out_specs=_blk(D_OUT),
        out_shape=jax.ShapeDtypeStruct((NPAD, D_OUT), jnp.float32),
    )(aa0, aa1, ab0, ab1, nd, ns, w, b, wm)


def _tc3(aa, ab, nd, b, eps):
    blk = pl.BlockSpec((1000, D_OUT), lambda i: (i, 0))
    return pl.pallas_call(
        _tc3_body,
        grid=(N_NODES // 1000,),
        in_specs=[
            blk, blk,
            _full((NPAD, 1)), _full((1, D_OUT)), blk,
        ],
        out_specs=[blk, blk],
        out_shape=[
            jax.ShapeDtypeStruct((N_NODES, D_OUT), jnp.float32),
            jax.ShapeDtypeStruct((N_NODES, D_OUT), jnp.float32),
        ],
    )(aa, ab, nd, b, eps)


def kernel(x, edge_index, W1, b1, W2, b2, Wm, bm):
    src = edge_index[0]
    dst = edge_index[1]

    ones = jnp.ones((EB, 128), jnp.float32)
    zrows = jnp.zeros((RPT, 128), jnp.float32)

    degi, dego = _deg_call(src, dst, ones, zrows)
    ns = lax.rsqrt(jnp.clip(dego[:, :1], 1.0, None))
    nd = lax.rsqrt(jnp.clip(degi[:, :1], 1.0, None))

    xs = jnp.pad(x * ns[:N_NODES], ((0, NPAD - N_NODES), (0, 0)))
    a1a, a1b = _agg(xs, xs, src, dst, zrows)
    h1a, h1b = _tc1(a1a, a1b, nd, ns, W1, b1.reshape(1, H1))
    a2aa, a2ab = _agg(h1a, h1a, src, dst, zrows)
    a2ba, a2bb = _agg(h1b, h1b, src, dst, zrows)
    h2p = _tc2(a2aa, a2ab, a2ba, a2bb, nd, ns, W2, b2.reshape(1, H2), Wm)
    a3a, a3b = _agg(h2p, h2p, src, dst, zrows)

    eps = jax.random.normal(jax.random.key(42), (N_NODES, D_OUT), jnp.float32)
    z, zm = _tc3(a3a, a3b, nd, bm.reshape(1, D_OUT), eps)
    return (z, zm, zm)

# --- scband reference (transcript-rebuilt; emitter-appended) ---
"""Pipeline reference for scband-gnnmodel-26268019983050 (READ-ONLY COPY).

The authoritative reference and input builder live on the scoring server;
editing this copy changes nothing except your own understanding.
"""

import jax, jax.numpy as jnp
import numpy as np

N_NODES = 10000
N_EDGES = 320000
D_FEAT = 128
H1 = 256
H2 = 256
D_OUT = 128


def setup_inputs(seed: int = 0) -> dict:
    key = jax.random.key(seed)
    ks = jax.random.split(key, 10)
    x = jax.random.normal(ks[0], (N_NODES, D_FEAT), dtype=jnp.float32)
    edge_index = jax.random.randint(ks[1], (2, N_EDGES), 0, N_NODES, dtype=jnp.int64 if jax.config.jax_enable_x64 else jnp.int32).astype(jnp.int32)
    W1 = jax.random.normal(ks[2], (D_FEAT, H1), dtype=jnp.float32) * (1.0 / np.sqrt(D_FEAT))
    b1 = jnp.zeros((H1,), dtype=jnp.float32)
    W2 = jax.random.normal(ks[3], (H1, H2), dtype=jnp.float32) * (1.0 / np.sqrt(H1))
    b2 = jnp.zeros((H2,), dtype=jnp.float32)
    Wm = jax.random.normal(ks[4], (H2, D_OUT), dtype=jnp.float32) * (1.0 / np.sqrt(H2))
    bm = jnp.zeros((D_OUT,), dtype=jnp.float32)
    return {"x": x, "edge_index": edge_index, "W1": W1, "b1": b1, "W2": W2, "b2": b2, "Wm": Wm, "bm": bm}


def _graph_conv(h, src, dst, norm_s, norm_d, W, b):
    # DGL GraphConv with norm='both': D_out^{-1/2} scaling on src feats,
    # sum aggregation to dst, D_in^{-1/2} scaling, then linear + bias.
    m = (h * norm_s[:, None])[src]
    agg = jax.ops.segment_sum(m, dst, num_segments=N_NODES)
    agg = agg * norm_d[:, None]
    return agg @ W + b


def reference(x, edge_index, W1, b1, W2, b2, Wm, bm):
    src = edge_index[0]
    dst = edge_index[1]
    deg_out = jnp.clip(jnp.bincount(src, length=N_NODES), 1, None).astype(jnp.float32)
    deg_in = jnp.clip(jnp.bincount(dst, length=N_NODES), 1, None).astype(jnp.float32)
    norm_s = deg_out ** -0.5
    norm_d = deg_in ** -0.5
    # dropout p=0.0 -> identity
    h = jnp.tanh(_graph_conv(x, src, dst, norm_s, norm_d, W1, b1))
    h = jax.nn.relu(_graph_conv(h, src, dst, norm_s, norm_d, W2, b2))
    z_adj_mean = _graph_conv(h, src, dst, norm_s, norm_d, Wm, bm)
    # Faithful to original forward: dec_mean is called twice (log_std uses dec_mean weights)
    z_adj_log_std = _graph_conv(h, src, dst, norm_s, norm_d, Wm, bm)
    eps = jax.random.normal(jax.random.key(42), z_adj_mean.shape, dtype=z_adj_mean.dtype)
    z_adj = z_adj_mean + jnp.exp(z_adj_log_std) * eps
    return (z_adj, z_adj_log_std, z_adj_mean)

if __name__ == "__main__":
    import jax
    _d = setup_inputs()
    print(jax.jit(kernel)(*tuple(_d.values())))

</pallas_src>

<mosaic_0001>
#map = affine_map<(d0, d1) -> (0, 0)>
#map1 = affine_map<(d0, d1) -> (0)>
module attributes {stable_mosaic.version = 14 : i64} {
  func.func @_agg_body(%arg0: i32, %arg1: i32, %arg2: memref<10240x128xf32, #tpu.memory_space<hbm>>, %arg3: memref<10240x128xf32, #tpu.memory_space<hbm>>, %arg4: memref<320000xi32, #tpu.memory_space<hbm>>, %arg5: memref<320000xi32, #tpu.memory_space<hbm>>, %arg6: memref<640x128xf32, #tpu.memory_space<hbm>>, %arg7: memref<10240x128xf32, #tpu.memory_space<hbm>>, %arg8: memref<10240x128xf32, #tpu.memory_space<hbm>>, %arg9: memref<10112xi32, #tpu.memory_space<vmem>>, %arg10: memref<128xi32, #tpu.memory_space<vmem>>, %arg11: memref<128xi32, #tpu.memory_space<vmem>>, %arg12: memref<2x128x128xf32, #tpu.memory_space<vmem>>, %arg13: memref<10240x128xf32, #tpu.memory_space<vmem_shared>>, %arg14: memref<!tpu.dma_semaphore, #tpu.memory_space<semaphore_mem>>, %arg15: memref<!tpu.dma_semaphore, #tpu.memory_space<semaphore_mem>>, %arg16: memref<!tpu.dma_semaphore, #tpu.memory_space<semaphore_mem>>) attributes {dimension_semantics = [#tpu.dimension_semantics<core_parallel>, #tpu.dimension_semantics<subcore_parallel>], iteration_bounds = array<i64: 2, 16>, scalar_prefetch = 0 : i64, scratch_operands = 8 : i64, tpu.core_type = #tpu.core_type<sc_vector_subcore>, window_params = [{transform_indices = #map}, {transform_indices = #map}, {transform_indices = #map1}, {transform_indices = #map1}, {transform_indices = #map}, {transform_indices = #map}, {transform_indices = #map}]} {
    %mul3A = arith.constant 640 : i32
    %mul3A_0 = arith.muli %arg1, %mul3A : i32
    "tpu.region"() ({
      %run_scoped3A = tpu.sem_alloc : memref<!tpu.dma_semaphore, #tpu.memory_space<semaphore_mem>>
      %dma_start3A = arith.constant 0 : i32
      %dma_start3A_22 = tpu.memref_slice %arg13[%mul3A_0, %dma_start3A] : memref<10240x128xf32, #tpu.memory_space<vmem_shared>> -> memref<640x128xf32, #tpu.memory_space<vmem_shared>>
      tpu.enqueue_dma source(%arg6 : memref<640x128xf32, #tpu.memory_space<hbm>>) target(%dma_start3A_22 : memref<640x128xf32, #tpu.memory_space<vmem_shared>>) target_semaphore(%run_scoped3A : memref<!tpu.dma_semaphore, #tpu.memory_space<semaphore_mem>>)
      %dma_wait3A = arith.constant 0 : i32
      %dma_wait3A_23 = tpu.memref_slice %arg13[%mul3A_0, %dma_wait3A] : memref<10240x128xf32, #tpu.memory_space<vmem_shared>> -> memref<640x128xf32, #tpu.memory_space<vmem_shared>>
      tpu.wait_dma2 semaphore(%run_scoped3A : memref<!tpu.dma_semaphore, #tpu.memory_space<semaphore_mem>>) src(%arg6 : memref<640x128xf32, #tpu.memory_space<hbm>>) dst(%dma_wait3A_23 : memref<640x128xf32, #tpu.memory_space<vmem_shared>>)
      tpu.yield
    }) : () -> ()
    %barrier3A = arith.constant 0 : index
    tpu.barrier barrier_id(%barrier3A)
    %lt3A = arith.constant 2 : i32
    %lt3A_1 = arith.cmpi slt, %arg1, %lt3A : i32
    %jit3A = arith.constant 1 : i32
    %jit3A_2 = arith.constant 0 : i32
    %select_n3A = arith.select %lt3A_1, %jit3A, %jit3A_2 : i32
    %add3A = arith.constant 78 : i32
    %add3A_3 = arith.addi %add3A, %select_n3A : i32
    %eq3A = arith.constant 0 : i32
    %eq3A_4 = arith.cmpi eq, %arg0, %eq3A : i32
    %convert_element_type3A = arith.extui %eq3A_4 : i1 to i32
    %cond3A = arith.constant 0 : i32
    %cond3A_5 = arith.cmpi ne, %convert_element_type3A, %cond3A : i32
    scf.if %cond3A_5 {
      %mul3A_22 = arith.constant 78 : i32
      %mul3A_23 = arith.muli %mul3A_22, %arg1 : i32
      %min3A = arith.constant 2 : i32
      %min3A_24 = arith.minsi %arg1, %min3A : i32
      %add3A_25 = arith.addi %mul3A_23, %min3A_24 : i32
      %mul3A_26 = arith.constant 128 : i32
      %mul3A_27 = arith.muli %add3A_25, %mul3A_26 : i32
      %add3A_28 = arith.constant 0 : i32
      %add3A_29 = arith.addi %add3A_28, %mul3A_27 : i32
      "tpu.region"() ({
        %run_scoped3A = tpu.sem_alloc : memref<!tpu.dma_semaphore, #tpu.memory_space<semaphore_mem>>
        %dma_start3A_65 = arith.constant 0 : i32
        %dma_start3A_66 = tpu.memref_slice %arg9[%dma_start3A_65] : memref<10112xi32, #tpu.memory_space<vmem>> -> memref<9984xi32, #tpu.memory_space<vmem>>
        %dma_start3A_67 = tpu.memref_slice %arg4[%add3A_29] : memref<320000xi32, #tpu.memory_space<hbm>> -> memref<9984xi32, #tpu.memory_space<hbm>>
        %dma_start3A_68 = arith.constant 0 : i32
        %dma_start3A_69 = tpu.memref_slice %arg9[%dma_start3A_68] : memref<10112xi32, #tpu.memory_space<vmem>> -> memref<9984xi32, #tpu.memory_space<vmem>>
        %dma_start3A_70 = tpu.memref_slice %arg4[%add3A_29] : memref<320000xi32, #tpu.memory_space<hbm>> -> memref<9984xi32, #tpu.memory_space<hbm>>
        tpu.enqueue_dma source(%dma_start3A_70 : memref<9984xi32, #tpu.memory_space<hbm>>) target(%dma_start3A_69 : memref<9984xi32, #tpu.memory_space<vmem>>) target_semaphore(%run_scoped3A : memref<!tpu.dma_semaphore, #tpu.memory_space<semaphore_mem>>)
        %dma_wait3A_71 = arith.constant 0 : i32
        %dma_wait3A_72 = tpu.memref_slice %arg9[%dma_wait3A_71] : memref<10112xi32, #tpu.memory_space<vmem>> -> memref<9984xi32, #tpu.memory_space<vmem>>
        %dma_wait3A_73 = tpu.memref_slice %arg4[%add3A_29] : memref<320000xi32, #tpu.memory_space<hbm>> -> memref<9984xi32, #tpu.memory_space<hbm>>
        %dma_wait3A_74 = arith.constant 0 : i32
        %dma_wait3A_75 = tpu.memref_slice %arg9[%dma_wait3A_74] : memref<10112xi32, #tpu.memory_space<vmem>> -> memref<9984xi32, #tpu.memory_space<vmem>>
        %dma_wait3A_76 = tpu.memref_slice %arg4[%add3A_29] : memref<320000xi32, #tpu.memory_space<hbm>> -> memref<9984xi32, #tpu.memory_space<hbm>>
        tpu.wait_dma2 semaphore(%run_scoped3A : memref<!tpu.dma_semaphore, #tpu.memory_space<semaphore_mem>>) src(%dma_wait3A_76 : memref<9984xi32, #tpu.memory_space<hbm>>) dst(%dma_wait3A_75 : memref<9984xi32, #tpu.memory_space<vmem>>)
        tpu.yield
      }) : () -> ()
      %lt3A_30 = arith.constant 2 : i32
      %lt3A_31 = arith.cmpi slt, %arg1, %lt3A_30 : i32
      %convert_element_type3A_32 = arith.extui %lt3A_31 : i1 to i32
      %cond3A_33 = arith.constant 0 : i32
      %cond3A_34 = arith.cmpi ne, %convert_element_type3A_32, %cond3A_33 : i32
      scf.if %cond3A_34 {
        %add3A_65 = arith.constant 9984 : i32
        %add3A_66 = arith.addi %add3A_29, %add3A_65 : i32
        "tpu.region"() ({
          %run_scoped3A = tpu.sem_alloc : memref<!tpu.dma_semaphore, #tpu.memory_space<semaphore_mem>>
          %dma_start3A_67 = arith.constant 9984 : i32
          %dma_start3A_68 = tpu.memref_slice %arg9[%dma_start3A_67] : memref<10112xi32, #tpu.memory_space<vmem>> -> memref<128xi32, #tpu.memory_space<vmem>>
          %dma_start3A_69 = tpu.memref_slice %arg4[%add3A_66] : memref<320000xi32, #tpu.memory_space<hbm>> -> memref<128xi32, #tpu.memory_space<hbm>>
          %dma_start3A_70 = arith.constant 9984 : i32
          %dma_start3A_71 = tpu.memref_slice %arg9[%dma_start3A_70] : memref<10112xi32, #tpu.memory_space<vmem>> -> memref<128xi32, #tpu.memory_space<vmem>>
          %dma_start3A_72 = tpu.memref_slice %arg4[%add3A_66] : memref<320000xi32, #tpu.memory_space<hbm>> -> memref<128xi32, #tpu.memory_space<hbm>>
          tpu.enqueue_dma source(%dma_start3A_72 : memref<128xi32, #tpu.memory_space<hbm>>) target(%dma_start3A_71 : memref<128xi32, #tpu.memory_space<vmem>>) target_semaphore(%run_scoped3A : memref<!tpu.dma_semaphore, #tpu.memory_space<semaphore_mem>>)
          %dma_wait3A_73 = arith.constant 9984 : i32
          %dma_wait3A_74 = tpu.memref_slice %arg9[%dma_wait3A_73] : memref<10112xi32, #tpu.memory_space<vmem>> -> memref<128xi32, #tpu.memory_space<vmem>>
          %dma_wait3A_75 = tpu.memref_slice %arg4[%add3A_66] : memref<320000xi32, #tpu.memory_space<hbm>> -> memref<128xi32, #tpu.memory_space<hbm>>
          %dma_wait3A_76 = arith.constant 9984 : i32
          %dma_wait3A_77 = tpu.memref_slice %arg9[%dma_wait3A_76] : memref<10112xi32, #tpu.memory_space<vmem>> -> memref<128xi32, #tpu.memory_space<vmem>>
          %dma_wait3A_78 = tpu.memref_slice %arg4[%add3A_66] : memref<320000xi32, #tpu.memory_space<hbm>> -> memref<128xi32, #tpu.memory_space<hbm>>
          tpu.wait_dma2 semaphore(%run_scoped3A : memref<!tpu.dma_semaphore, #tpu.memory_space<semaphore_mem>>) src(%dma_wait3A_78 : memref<128xi32, #tpu.memory_space<hbm>>) dst(%dma_wait3A_77 : memref<128xi32, #tpu.memory_space<vmem>>)
          tpu.yield
        }) : () -> ()
      } else {
      }
      %add3A_35 = arith.constant 0 : i32
      %add3A_36 = arith.addi %add3A_29, %add3A_35 : i32
      %dma_start3A = tpu.memref_slice %arg5[%add3A_36] : memref<320000xi32, #tpu.memory_space<hbm>> -> memref<128xi32, #tpu.memory_space<hbm>>
      %dma_start3A_37 = tpu.memref_slice %arg5[%add3A_36] : memref<320000xi32, #tpu.memory_space<hbm>> -> memref<128xi32, #tpu.memory_space<hbm>>
      tpu.enqueue_dma source(%dma_start3A_37 : memref<128xi32, #tpu.memory_space<hbm>>) target(%arg10 : memref<128xi32, #tpu.memory_space<vmem>>) target_semaphore(%arg15 : memref<!tpu.dma_semaphore, #tpu.memory_space<semaphore_mem>>)
      %dma_start3A_38 = arith.constant 0 : i32
      %dma_start3A_39 = arith.constant 0 : i32
      %dma_start3A_40 = arith.constant 0 : i32
      %dma_start3A_41 = tpu.memref_slice %arg12[%dma_start3A_38, %dma_start3A_39, %dma_start3A_40] : memref<2x128x128xf32, #tpu.memory_space<vmem>> -> memref<1x128x128xf32, #tpu.memory_space<vmem>>
      %dma_start3A_42 = tpu.memref_squeeze %dma_start3A_41 : memref<1x128x128xf32, #tpu.memory_space<vmem>> -> memref<128x128xf32, #tpu.memory_space<vmem>>
      %dma_start3A_43 = arith.constant 0 : i32
      %dma_start3A_44 = tpu.memref_slice %arg9[%dma_start3A_43] : memref<10112xi32, #tpu.memory_space<vmem>> -> memref<128xi32, #tpu.memory_space<vmem>>
      %dma_start3A_45 = arith.constant 0 : i32
      %dma_start3A_46 = arith.constant 0 : i32
      %dma_start3A_47 = tpu.memref_slice %arg2[%dma_start3A_45, %dma_start3A_46] : memref<10240x128xf32, #tpu.memory_space<hbm>> -> memref<10240x128xf32, #tpu.memory_space<hbm>>
      tpu.enqueue_indirect_dma source(%dma_start3A_47 : memref<10240x128xf32, #tpu.memory_space<hbm>>) target(%dma_start3A_42 : memref<128x128xf32, #tpu.memory_space<vmem>>) offsets(%dma_start3A_44 : memref<128xi32, #tpu.memory_space<vmem>>) semaphore(%arg14 : memref<!tpu.dma_semaphore, #tpu.memory_space<semaphore_mem>>)
      %scan3A = arith.constant 0 : i32
      %scan3A_48 = arith.constant 0 : i32
      %scan3A_49 = arith.constant 39 : i32
      %scan3A_50 = arith.addi %scan3A_48, %scan3A_49 : i32
      %scan3A_51 = arith.constant 1 : i32
      scf.for %scan3A_65 = %scan3A_48 to %scan3A_50 step %scan3A_51  : i32 {
        %mul3A_66 = arith.constant 2 : i32
        %mul3A_67 = arith.muli %mul3A_66, %scan3A_65 : i32
        %gt3A = arith.constant 0 : i32
        %gt3A_68 = arith.cmpi sgt, %mul3A_67, %gt3A : i32
        %convert_element_type3A_69 = arith.extui %gt3A_68 : i1 to i32
        %cond3A_70 = arith.constant 0 : i32
        %cond3A_71 = arith.cmpi ne, %convert_element_type3A_69, %cond3A_70 : i32
        scf.if %cond3A_71 {
          %dma_wait3A_137 = arith.constant 0 : i32
          %dma_wait3A_138 = arith.constant 0 : i32
          %dma_wait3A_139 = arith.constant 0 : i32
          %dma_wait3A_140 = tpu.memref_slice %arg12[%dma_wait3A_137, %dma_wait3A_138, %dma_wait3A_139] : memref<2x128x128xf32, #tpu.memory_space<vmem>> -> memref<1x128x128xf32, #tpu.memory_space<vmem>>
          %dma_wait3A_141 = tpu.memref_squeeze %dma_wait3A_140 : memref<1x128x128xf32, #tpu.memory_space<vmem>> -> memref<128x128xf32, #tpu.memory_space<vmem>>
          %dma_wait3A_142 = arith.constant 0 : i32
          %dma_wait3A_143 = arith.constant 0 : i32
          %dma_wait3A_144 = tpu.memref_slice %arg13[%dma_wait3A_142, %dma_wait3A_143] : memref<10240x128xf32, #tpu.memory_space<vmem_shared>> -> memref<10240x128xf32, #tpu.memory_space<vmem_shared>>
          tpu.wait_indirect_dma semaphore(%arg16 : memref<!tpu.dma_semaphore, #tpu.memory_space<semaphore_mem>>) src(%dma_wait3A_141 : memref<128x128xf32, #tpu.memory_space<vmem>>) dst(%dma_wait3A_144 : memref<10240x128xf32, #tpu.memory_space<vmem_shared>>)
        } else {
        }
        %add3A_72 = arith.constant 1 : i32
        %add3A_73 = arith.addi %mul3A_67, %add3A_72 : i32
        %lt3A_74 = arith.cmpi slt, %add3A_73, %add3A_3 : i32
        %convert_element_type3A_75 = arith.extui %lt3A_74 : i1 to i32
        %cond3A_76 = arith.constant 0 : i32
        %cond3A_77 = arith.cmpi ne, %convert_element_type3A_75, %cond3A_76 : i32
        scf.if %cond3A_77 {
          %add3A_137 = arith.constant 1 : i32
          %add3A_138 = arith.addi %mul3A_67, %add3A_137 : i32
          %mul3A_139 = arith.constant 128 : i32
          %mul3A_140 = arith.muli %add3A_138, %mul3A_139 : i32
          %add3A_141 = arith.addi %add3A_29, %mul3A_140 : i32
          %dma_start3A_142 = tpu.memref_slice %arg5[%add3A_141] : memref<320000xi32, #tpu.memory_space<hbm>> -> memref<128xi32, #tpu.memory_space<hbm>>
          %dma_start3A_143 = tpu.memref_slice %arg5[%add3A_141] : memref<320000xi32, #tpu.memory_space<hbm>> -> memref<128xi32, #tpu.memory_space<hbm>>
          tpu.enqueue_dma source(%dma_start3A_143 : memref<128xi32, #tpu.memory_space<hbm>>) target(%arg11 : memref<128xi32, #tpu.memory_space<vmem>>) target_semaphore(%arg15 : memref<!tpu.dma_semaphore, #tpu.memory_space<semaphore_mem>>)
          %add3A_144 = arith.constant 1 : i32
          %add3A_145 = arith.addi %mul3A_67, %add3A_144 : i32
          %mul3A_146 = arith.constant 128 : i32
          %mul3A_147 = arith.muli %add3A_145, %mul3A_146 : i32
          %dma_start3A_148 = arith.constant 1 : i32
          %dma_start3A_149 = arith.constant 0 : i32
          %dma_start3A_150 = arith.constant 0 : i32
          %dma_start3A_151 = tpu.memref_slice %arg12[%dma_start3A_148, %dma_start3A_149, %dma_start3A_150] : memref<2x128x128xf32, #tpu.memory_space<vmem>> -> memref<1x128x128xf32, #tpu.memory_space<vmem>>
          %dma_start3A_152 = tpu.memref_squeeze %dma_start3A_151 : memref<1x128x128xf32, #tpu.memory_space<vmem>> -> memref<128x128xf32, #tpu.memory_space<vmem>>
          %dma_start3A_153 = tpu.memref_slice %arg9[%mul3A_147] : memref<10112xi32, #tpu.memory_space<vmem>> -> memref<128xi32, #tpu.memory_space<vmem>>
          %dma_start3A_154 = arith.constant 0 : i32
          %dma_start3A_155 = arith.constant 0 : i32
          %dma_start3A_156 = tpu.memref_slice %arg2[%dma_start3A_154, %dma_start3A_155] : memref<10240x128xf32, #tpu.memory_space<hbm>> -> memref<10240x128xf32, #tpu.memory_space<hbm>>
          tpu.enqueue_indirect_dma source(%dma_start3A_156 : memref<10240x128xf32, #tpu.memory_space<hbm>>) target(%dma_start3A_152 : memref<128x128xf32, #tpu.memory_space<vmem>>) offsets(%dma_start3A_153 : memref<128xi32, #tpu.memory_space<vmem>>) semaphore(%arg14 : memref<!tpu.dma_semaphore, #tpu.memory_space<semaphore_mem>>)
        } else {
        }
        %dma_wait3A_78 = arith.constant 0 : i32
        %dma_wait3A_79 = arith.constant 0 : i32
        %dma_wait3A_80 = arith.constant 0 : i32
        %dma_wait3A_81 = tpu.memref_slice %arg12[%dma_wait3A_78, %dma_wait3A_79, %dma_wait3A_80] : memref<2x128x128xf32, #tpu.memory_space<vmem>> -> memref<1x128x128xf32, #tpu.memory_space<vmem>>
        %dma_wait3A_82 = tpu.memref_squeeze %dma_wait3A_81 : memref<1x128x128xf32, #tpu.memory_space<vmem>> -> memref<128x128xf32, #tpu.memory_space<vmem>>
        %dma_wait3A_83 = arith.constant 0 : i32
        %dma_wait3A_84 = tpu.memref_slice %arg9[%dma_wait3A_83] : memref<10112xi32, #tpu.memory_space<vmem>> -> memref<128xi32, #tpu.memory_space<vmem>>
        %dma_wait3A_85 = arith.constant 0 : i32
        %dma_wait3A_86 = arith.constant 0 : i32
        %dma_wait3A_87 = tpu.memref_slice %arg2[%dma_wait3A_85, %dma_wait3A_86] : memref<10240x128xf32, #tpu.memory_space<hbm>> -> memref<10240x128xf32, #tpu.memory_space<hbm>>
        tpu.wait_indirect_dma semaphore(%arg14 : memref<!tpu.dma_semaphore, #tpu.memory_space<semaphore_mem>>) src(%dma_wait3A_87 : memref<10240x128xf32, #tpu.memory_space<hbm>>) dst(%dma_wait3A_82 : memref<128x128xf32, #tpu.memory_space<vmem>>)
        %dma_wait3A_88 = arith.constant 0 : i32
        %dma_wait3A_89 = tpu.memref_slice %arg5[%dma_wait3A_88] : memref<320000xi32, #tpu.memory_space<hbm>> -> memref<128xi32, #tpu.memory_space<hbm>>
        %dma_wait3A_90 = arith.constant 0 : i32
        %dma_wait3A_91 = tpu.memref_slice %arg5[%dma_wait3A_90] : memref<320000xi32, #tpu.memory_space<hbm>> -> memref<128xi32, #tpu.memory_space<hbm>>
        tpu.wait_dma2 semaphore(%arg15 : memref<!tpu.dma_semaphore, #tpu.memory_space<semaphore_mem>>) src(%dma_wait3A_91 : memref<128xi32, #tpu.memory_space<hbm>>) dst(%arg10 : memref<128xi32, #tpu.memory_space<vmem>>)
        %dma_start3A_92 = arith.constant 0 : i32
        %dma_start3A_93 = arith.constant 0 : i32
        %dma_start3A_94 = arith.constant 0 : i32
        %dma_start3A_95 = tpu.memref_slice %arg12[%dma_start3A_92, %dma_start3A_93, %dma_start3A_94] : memref<2x128x128xf32, #tpu.memory_space<vmem>> -> memref<1x128x128xf32, #tpu.memory_space<vmem>>
        %dma_start3A_96 = tpu.memref_squeeze %dma_start3A_95 : memref<1x128x128xf32, #tpu.memory_space<vmem>> -> memref<128x128xf32, #tpu.memory_space<vmem>>
        %dma_start3A_97 = arith.constant 0 : i32
        %dma_start3A_98 = arith.constant 0 : i32
        %dma_start3A_99 = tpu.memref_slice %arg13[%dma_start3A_97, %dma_start3A_98] : memref<10240x128xf32, #tpu.memory_space<vmem_shared>> -> memref<10240x128xf32, #tpu.memory_space<vmem_shared>>
        tpu.enqueue_indirect_dma source(%dma_start3A_96 : memref<128x128xf32, #tpu.memory_space<vmem>>) target(%dma_start3A_99 : memref<10240x128xf32, #tpu.memory_space<vmem_shared>>) offsets(%arg10 : memref<128xi32, #tpu.memory_space<vmem>>) semaphore(%arg16 : memref<!tpu.dma_semaphore, #tpu.memory_space<semaphore_mem>>) {add = true}
        %mul3A_100 = arith.constant 2 : i32
        %mul3A_101 = arith.muli %mul3A_100, %scan3A_65 : i32
        %add3A_102 = arith.constant 1 : i32
        %add3A_103 = arith.addi %mul3A_101, %add3A_102 : i32
        %gt3A_104 = arith.constant 0 : i32
        %gt3A_105 = arith.cmpi sgt, %add3A_103, %gt3A_104 : i32
        %convert_element_type3A_106 = arith.extui %gt3A_105 : i1 to i32
        %cond3A_107 = arith.constant 0 : i32
        %cond3A_108 = arith.cmpi ne, %convert_element_type3A_106, %cond3A_107 : i32
        scf.if %cond3A_108 {
          %dma_wait3A_137 = arith.constant 0 : i32
          %dma_wait3A_138 = arith.constant 0 : i32
          %dma_wait3A_139 = arith.constant 0 : i32
          %dma_wait3A_140 = tpu.memref_slice %arg12[%dma_wait3A_137, %dma_wait3A_138, %dma_wait3A_139] : memref<2x128x128xf32, #tpu.memory_space<vmem>> -> memref<1x128x128xf32, #tpu.memory_space<vmem>>
          %dma_wait3A_141 = tpu.memref_squeeze %dma_wait3A_140 : memref<1x128x128xf32, #tpu.memory_space<vmem>> -> memref<128x128xf32, #tpu.memory_space<vmem>>
          %dma_wait3A_142 = arith.constant 0 : i32
          %dma_wait3A_143 = arith.constant 0 : i32
          %dma_wait3A_144 = tpu.memref_slice %arg13[%dma_wait3A_142, %dma_wait3A_143] : memref<10240x128xf32, #tpu.memory_space<vmem_shared>> -> memref<10240x128xf32, #tpu.memory_space<vmem_shared>>
          tpu.wait_indirect_dma semaphore(%arg16 : memref<!tpu.dma_semaphore, #tpu.memory_space<semaphore_mem>>) src(%dma_wait3A_141 : memref<128x128xf32, #tpu.memory_space<vmem>>) dst(%dma_wait3A_144 : memref<10240x128xf32, #tpu.memory_space<vmem_shared>>)
        } else {
        }
        %add3A_109 = arith.constant 1 : i32
        %add3A_110 = arith.addi %add3A_103, %add3A_109 : i32
        %lt3A_111 = arith.cmpi slt, %add3A_110, %add3A_3 : i32
        %convert_element_type3A_112 = arith.extui %lt3A_111 : i1 to i32
        %cond3A_113 = arith.constant 0 : i32
        %cond3A_114 = arith.cmpi ne, %convert_element_type3A_112, %cond3A_113 : i32
        scf.if %cond3A_114 {
          %add3A_137 = arith.constant 1 : i32
          %add3A_138 = arith.addi %add3A_103, %add3A_137 : i32
          %mul3A_139 = arith.constant 128 : i32
          %mul3A_140 = arith.muli %add3A_138, %mul3A_139 : i32
          %add3A_141 = arith.addi %add3A_29, %mul3A_140 : i32
          %dma_start3A_142 = tpu.memref_slice %arg5[%add3A_141] : memref<320000xi32, #tpu.memory_space<hbm>> -> memref<128xi32, #tpu.memory_space<hbm>>
          %dma_start3A_143 = tpu.memref_slice %arg5[%add3A_141] : memref<320000xi32, #tpu.memory_space<hbm>> -> memref<128xi32, #tpu.memory_space<hbm>>
          tpu.enqueue_dma source(%dma_start3A_143 : memref<128xi32, #tpu.memory_space<hbm>>) target(%arg10 : memref<128xi32, #tpu.memory_space<vmem>>) target_semaphore(%arg15 : memref<!tpu.dma_semaphore, #tpu.memory_space<semaphore_mem>>)
          %add3A_144 = arith.constant 1 : i32
          %add3A_145 = arith.addi %add3A_103, %add3A_144 : i32
          %mul3A_146 = arith.constant 128 : i32
          %mul3A_147 = arith.muli %add3A_145, %mul3A_146 : i32
          %dma_start3A_148 = arith.constant 0 : i32
          %dma_start3A_149 = arith.constant 0 : i32
          %dma_start3A_150 = arith.constant 0 : i32
          %dma_start3A_151 = tpu.memref_slice %arg12[%dma_start3A_148, %dma_start3A_149, %dma_start3A_150] : memref<2x128x128xf32, #tpu.memory_space<vmem>> -> memref<1x128x128xf32, #tpu.memory_space<vmem>>
          %dma_start3A_152 = tpu.memref_squeeze %dma_start3A_151 : memref<1x128x128xf32, #tpu.memory_space<vmem>> -> memref<128x128xf32, #tpu.memory_space<vmem>>
          %dma_start3A_153 = tpu.memref_slice %arg9[%mul3A_147] : memref<10112xi32, #tpu.memory_space<vmem>> -> memref<128xi32, #tpu.memory_space<vmem>>
          %dma_start3A_154 = arith.constant 0 : i32
          %dma_start3A_155 = arith.constant 0 : i32
          %dma_start3A_156 = tpu.memref_slice %arg2[%dma_start3A_154, %dma_start3A_155] : memref<10240x128xf32, #tpu.memory_space<hbm>> -> memref<10240x128xf32, #tpu.memory_space<hbm>>
          tpu.enqueue_indirect_dma source(%dma_start3A_156 : memref<10240x128xf32, #tpu.memory_space<hbm>>) target(%dma_start3A_152 : memref<128x128xf32, #tpu.memory_space<vmem>>) offsets(%dma_start3A_153 : memref<128xi32, #tpu.memory_space<vmem>>) semaphore(%arg14 : memref<!tpu.dma_semaphore, #tpu.memory_space<semaphore_mem>>)
        } else {
        }
        %dma_wait3A_115 = arith.constant 1 : i32
        %dma_wait3A_116 = arith.constant 0 : i32
        %dma_wait3A_117 = arith.constant 0 : i32
        %dma_wait3A_118 = tpu.memref_slice %arg12[%dma_wait3A_115, %dma_wait3A_116, %dma_wait3A_117] : memref<2x128x128xf32, #tpu.memory_space<vmem>> -> memref<1x128x128xf32, #tpu.memory_space<vmem>>
        %dma_wait3A_119 = tpu.memref_squeeze %dma_wait3A_118 : memref<1x128x128xf32, #tpu.memory_space<vmem>> -> memref<128x128xf32, #tpu.memory_space<vmem>>
        %dma_wait3A_120 = arith.constant 0 : i32
        %dma_wait3A_121 = tpu.memref_slice %arg9[%dma_wait3A_120] : memref<10112xi32, #tpu.memory_space<vmem>> -> memref<128xi32, #tpu.memory_space<vmem>>
        %dma_wait3A_122 = arith.constant 0 : i32
        %dma_wait3A_123 = arith.constant 0 : i32
        %dma_wait3A_124 = tpu.memref_slice %arg2[%dma_wait3A_122, %dma_wait3A_123] : memref<10240x128xf32, #tpu.memory_space<hbm>> -> memref<10240x128xf32, #tpu.memory_space<hbm>>
        tpu.wait_indirect_dma semaphore(%arg14 : memref<!tpu.dma_semaphore, #tpu.memory_space<semaphore_mem>>) src(%dma_wait3A_124 : memref<10240x128xf32, #tpu.memory_space<hbm>>) dst(%dma_wait3A_119 : memref<128x128xf32, #tpu.memory_space<vmem>>)
        %dma_wait3A_125 = arith.constant 0 : i32
        %dma_wait3A_126 = tpu.memref_slice %arg5[%dma_wait3A_125] : memref<320000xi32, #tpu.memory_space<hbm>> -> memref<128xi32, #tpu.memory_space<hbm>>
        %dma_wait3A_127 = arith.constant 0 : i32
        %dma_wait3A_128 = tpu.memref_slice %arg5[%dma_wait3A_127] : memref<320000xi32, #tpu.memory_space<hbm>> -> memref<128xi32, #tpu.memory_space<hbm>>
        tpu.wait_dma2 semaphore(%arg15 : memref<!tpu.dma_semaphore, #tpu.memory_space<semaphore_mem>>) src(%dma_wait3A_128 : memref<128xi32, #tpu.memory_space<hbm>>) dst(%arg11 : memref<128xi32, #tpu.memory_space<vmem>>)
        %dma_start3A_129 = arith.constant 1 : i32
        %dma_start3A_130 = arith.constant 0 : i32
        %dma_start3A_131 = arith.constant 0 : i32
        %dma_start3A_132 = tpu.memref_slice %arg12[%dma_start3A_129, %dma_start3A_130, %dma_start3A_131] : memref<2x128x128xf32, #tpu.memory_space<vmem>> -> memref<1x128x128xf32, #tpu.memory_space<vmem>>
        %dma_start3A_133 = tpu.memref_squeeze %dma_start3A_132 : memref<1x128x128xf32, #tpu.memory_space<vmem>> -> memref<128x128xf32, #tpu.memory_space<vmem>>
        %dma_start3A_134 = arith.constant 0 : i32
        %dma_start3A_135 = arith.constant 0 : i32
        %dma_start3A_136 = tpu.memref_slice %arg13[%dma_start3A_134, %dma_start3A_135] : memref<10240x128xf32, #tpu.memory_space<vmem_shared>> -> memref<10240x128xf32, #tpu.memory_space<vmem_shared>>
        tpu.enqueue_indirect_dma source(%dma_start3A_133 : memref<128x128xf32, #tpu.memory_space<vmem>>) target(%dma_start3A_136 : memref<10240x128xf32, #tpu.memory_space<vmem_shared>>) offsets(%arg11 : memref<128xi32, #tpu.memory_space<vmem>>) semaphore(%arg16 : memref<!tpu.dma_semaphore, #tpu.memory_space<semaphore_mem>>) {add = true}
      }
      %scan3A_52 = arith.constant 39 : i32
      %lt3A_53 = arith.constant 2 : i32
      %lt3A_54 = arith.cmpi slt, %arg1, %lt3A_53 : i32
      %convert_element_type3A_55 = arith.extui %lt3A_54 : i1 to i32
      %cond3A_56 = arith.constant 0 : i32
      %cond3A_57 = arith.cmpi ne, %convert_element_type3A_55, %cond3A_56 : i32
      scf.if %cond3A_57 {
        %dma_wait3A_65 = arith.constant 0 : i32
        %dma_wait3A_66 = arith.constant 0 : i32
        %dma_wait3A_67 = arith.constant 0 : i32
        %dma_wait3A_68 = tpu.memref_slice %arg12[%dma_wait3A_65, %dma_wait3A_66, %dma_wait3A_67] : memref<2x128x128xf32, #tpu.memory_space<vmem>> -> memref<1x128x128xf32, #tpu.memory_space<vmem>>
        %dma_wait3A_69 = tpu.memref_squeeze %dma_wait3A_68 : memref<1x128x128xf32, #tpu.memory_space<vmem>> -> memref<128x128xf32, #tpu.memory_space<vmem>>
        %dma_wait3A_70 = arith.constant 0 : i32
        %dma_wait3A_71 = arith.constant 0 : i32
        %dma_wait3A_72 = tpu.memref_slice %arg13[%dma_wait3A_70, %dma_wait3A_71] : memref<10240x128xf32, #tpu.memory_space<vmem_shared>> -> memref<10240x128xf32, #tpu.memory_space<vmem_shared>>
        tpu.wait_indirect_dma semaphore(%arg16 : memref<!tpu.dma_semaphore, #tpu.memory_space<semaphore_mem>>) src(%dma_wait3A_69 : memref<128x128xf32, #tpu.memory_space<vmem>>) dst(%dma_wait3A_72 : memref<10240x128xf32, #tpu.memory_space<vmem_shared>>)
        %dma_wait3A_73 = arith.constant 0 : i32
        %dma_wait3A_74 = arith.constant 0 : i32
        %dma_wait3A_75 = arith.constant 0 : i32
        %dma_wait3A_76 = tpu.memref_slice %arg12[%dma_wait3A_73, %dma_wait3A_74, %dma_wait3A_75] : memref<2x128x128xf32, #tpu.memory_space<vmem>> -> memref<1x128x128xf32, #tpu.memory_space<vmem>>
        %dma_wait3A_77 = tpu.memref_squeeze %dma_wait3A_76 : memref<1x128x128xf32, #tpu.memory_space<vmem>> -> memref<128x128xf32, #tpu.memory_space<vmem>>
        %dma_wait3A_78 = arith.constant 0 : i32
        %dma_wait3A_79 = tpu.memref_slice %arg9[%dma_wait3A_78] : memref<10112xi32, #tpu.memory_space<vmem>> -> memref<128xi32, #tpu.memory_space<vmem>>
        %dma_wait3A_80 = arith.constant 0 : i32
        %dma_wait3A_81 = arith.constant 0 : i32
        %dma_wait3A_82 = tpu.memref_slice %arg2[%dma_wait3A_80, %dma_wait3A_81] : memref<10240x128xf32, #tpu.memory_space<hbm>> -> memref<10240x128xf32, #tpu.memory_space<hbm>>
        tpu.wait_indirect_dma semaphore(%arg14 : memref<!tpu.dma_semaphore, #tpu.memory_space<semaphore_mem>>) src(%dma_wait3A_82 : memref<10240x128xf32, #tpu.memory_space<hbm>>) dst(%dma_wait3A_77 : memref<128x128xf32, #tpu.memory_space<vmem>>)
        %dma_wait3A_83 = arith.constant 0 : i32
        %dma_wait3A_84 = tpu.memref_slice %arg5[%dma_wait3A_83] : memref<320000xi32, #tpu.memory_space<hbm>> -> memref<128xi32, #tpu.memory_space<hbm>>
        %dma_wait3A_85 = arith.constant 0 : i32
        %dma_wait3A_86 = tpu.memref_slice %arg5[%dma_wait3A_85] : memref<320000xi32, #tpu.memory_space<hbm>> -> memref<128xi32, #tpu.memory_space<hbm>>
        tpu.wait_dma2 semaphore(%arg15 : memref<!tpu.dma_semaphore, #tpu.memory_space<semaphore_mem>>) src(%dma_wait3A_86 : memref<128xi32, #tpu.memory_space<hbm>>) dst(%arg10 : memref<128xi32, #tpu.memory_space<vmem>>)
        %dma_start3A_87 = arith.constant 0 : i32
        %dma_start3A_88 = arith.constant 0 : i32
        %dma_start3A_89 = arith.constant 0 : i32
        %dma_start3A_90 = tpu.memref_slice %arg12[%dma_start3A_87, %dma_start3A_88, %dma_start3A_89] : memref<2x128x128xf32, #tpu.memory_space<vmem>> -> memref<1x128x128xf32, #tpu.memory_space<vmem>>
        %dma_start3A_91 = tpu.memref_squeeze %dma_start3A_90 : memref<1x128x128xf32, #tpu.memory_space<vmem>> -> memref<128x128xf32, #tpu.memory_space<vmem>>
        %dma_start3A_92 = arith.constant 0 : i32
        %dma_start3A_93 = arith.constant 0 : i32
        %dma_start3A_94 = tpu.memref_slice %arg13[%dma_start3A_92, %dma_start3A_93] : memref<10240x128xf32, #tpu.memory_space<vmem_shared>> -> memref<10240x128xf32, #tpu.memory_space<vmem_shared>>
        tpu.enqueue_indirect_dma source(%dma_start3A_91 : memref<128x128xf32, #tpu.memory_space<vmem>>) target(%dma_start3A_94 : memref<10240x128xf32, #tpu.memory_space<vmem_shared>>) offsets(%arg10 : memref<128xi32, #tpu.memory_space<vmem>>) semaphore(%arg16 : memref<!tpu.dma_semaphore, #tpu.memory_space<semaphore_mem>>) {add = true}
      } else {
      }
      %dma_wait3A = arith.constant 0 : i32
      %dma_wait3A_58 = arith.constant 0 : i32
      %dma_wait3A_59 = arith.constant 0 : i32
      %dma_wait3A_60 = tpu.memref_slice %arg12[%dma_wait3A, %dma_wait3A_58, %dma_wait3A_59] : memref<2x128x128xf32, #tpu.memory_space<vmem>> -> memref<1x128x128xf32, #tpu.memory_space<vmem>>
      %dma_wait3A_61 = tpu.memref_squeeze %dma_wait3A_60 : memref<1x128x128xf32, #tpu.memory_space<vmem>> -> memref<128x128xf32, #tpu.memory_space<vmem>>
      %dma_wait3A_62 = arith.constant 0 : i32
      %dma_wait3A_63 = arith.constant 0 : i32
      %dma_wait3A_64 = tpu.memref_slice %arg13[%dma_wait3A_62, %dma_wait3A_63] : memref<10240x128xf32, #tpu.memory_space<vmem_shared>> -> memref<10240x128xf32, #tpu.memory_space<vmem_shared>>
      tpu.wait_indirect_dma semaphore(%arg16 : memref<!tpu.dma_semaphore, #tpu.memory_space<semaphore_mem>>) src(%dma_wait3A_61 : memref<128x128xf32, #tpu.memory_space<vmem>>) dst(%dma_wait3A_64 : memref<10240x128xf32, #tpu.memory_space<vmem_shared>>)
    } else {
    }
    %eq3A_6 = arith.constant 1 : i32
    %eq3A_7 = arith.cmpi eq, %arg0, %eq3A_6 : i32
    %convert_element_type3A_8 = arith.extui %eq3A_7 : i1 to i32
    %cond3A_9 = arith.constant 0 : i32
    %cond3A_10 = arith.cmpi ne, %convert_element_type3A_8, %cond3A_9 : i32
    scf.if %cond3A_10 {
      %mul3A_22 = arith.constant 78 : i32
      %mul3A_23 = arith.muli %mul3A_22, %arg1 : i32
      %min3A = arith.constant 2 : i32
      %min3A_24 = arith.minsi %arg1, %min3A : i32
      %add3A_25 = arith.addi %mul3A_23, %min3A_24 : i32
      %mul3A_26 = arith.constant 128 : i32
      %mul3A_27 = arith.muli %add3A_25, %mul3A_26 : i32
      %add3A_28 = arith.constant 160000 : i32
      %add3A_29 = arith.addi %add3A_28, %mul3A_27 : i32
      "tpu.region"() ({
        %run_scoped3A = tpu.sem_alloc : memref<!tpu.dma_semaphore, #tpu.memory_space<semaphore_mem>>
        %dma_start3A_65 = arith.constant 0 : i32
        %dma_start3A_66 = tpu.memref_slice %arg9[%dma_start3A_65] : memref<10112xi32, #tpu.memory_space<vmem>> -> memref<9984xi32, #tpu.memory_space<vmem>>
        %dma_start3A_67 = tpu.memref_slice %arg4[%add3A_29] : memref<320000xi32, #tpu.memory_space<hbm>> -> memref<9984xi32, #tpu.memory_space<hbm>>
        %dma_start3A_68 = arith.constant 0 : i32
        %dma_start3A_69 = tpu.memref_slice %arg9[%dma_start3A_68] : memref<10112xi32, #tpu.memory_space<vmem>> -> memref<9984xi32, #tpu.memory_space<vmem>>
        %dma_start3A_70 = tpu.memref_slice %arg4[%add3A_29] : memref<320000xi32, #tpu.memory_space<hbm>> -> memref<9984xi32, #tpu.memory_space<hbm>>
        tpu.enqueue_dma source(%dma_start3A_70 : memref<9984xi32, #tpu.memory_space<hbm>>) target(%dma_start3A_69 : memref<9984xi32, #tpu.memory_space<vmem>>) target_semaphore(%run_scoped3A : memref<!tpu.dma_semaphore, #tpu.memory_space<semaphore_mem>>)
        %dma_wait3A_71 = arith.constant 0 : i32
        %dma_wait3A_72 = tpu.memref_slice %arg9[%dma_wait3A_71] : memref<10112xi32, #tpu.memory_space<vmem>> -> memref<9984xi32, #tpu.memory_space<vmem>>
        %dma_wait3A_73 = tpu.memref_slice %arg4[%add3A_29] : memref<320000xi32, #tpu.memory_space<hbm>> -> memref<9984xi32, #tpu.memory_space<hbm>>
        %dma_wait3A_74 = arith.constant 0 : i32
        %dma_wait3A_75 = tpu.memref_slice %arg9[%dma_wait3A_74] : memref<10112xi32, #tpu.memory_space<vmem>> -> memref<9984xi32, #tpu.memory_space<vmem>>
        %dma_wait3A_76 = tpu.memref_slice %arg4[%add3A_29] : memref<320000xi32, #tpu.memory_space<hbm>> -> memref<9984xi32, #tpu.memory_space<hbm>>
        tpu.wait_dma2 semaphore(%run_scoped3A : memref<!tpu.dma_semaphore, #tpu.memory_space<semaphore_mem>>) src(%dma_wait3A_76 : memref<9984xi32, #tpu.memory_space<hbm>>) dst(%dma_wait3A_75 : memref<9984xi32, #tpu.memory_space<vmem>>)
        tpu.yield
      }) : () -> ()
      %lt3A_30 = arith.constant 2 : i32
      %lt3A_31 = arith.cmpi slt, %arg1, %lt3A_30 : i32
      %convert_element_type3A_32 = arith.extui %lt3A_31 : i1 to i32
      %cond3A_33 = arith.constant 0 : i32
      %cond3A_34 = arith.cmpi ne, %convert_element_type3A_32, %cond3A_33 : i32
      scf.if %cond3A_34 {
        %add3A_65 = arith.constant 9984 : i32
        %add3A_66 = arith.addi %add3A_29, %add3A_65 : i32
        "tpu.region"() ({
          %run_scoped3A = tpu.sem_alloc : memref<!tpu.dma_semaphore, #tpu.memory_space<semaphore_mem>>
          %dma_start3A_67 = arith.constant 9984 : i32
          %dma_start3A_68 = tpu.memref_slice %arg9[%dma_start3A_67] : memref<10112xi32, #tpu.memory_space<vmem>> -> memref<128xi32, #tpu.memory_space<vmem>>
          %dma_start3A_69 = tpu.memref_slice %arg4[%add3A_66] : memref<320000xi32, #tpu.memory_space<hbm>> -> memref<128xi32, #tpu.memory_space<hbm>>
          %dma_start3A_70 = arith.constant 9984 : i32
          %dma_start3A_71 = tpu.memref_slice %arg9[%dma_start3A_70] : memref<10112xi32, #tpu.memory_space<vmem>> -> memref<128xi32, #tpu.memory_space<vmem>>
          %dma_start3A_72 = tpu.memref_slice %arg4[%add3A_66] : memref<320000xi32, #tpu.memory_space<hbm>> -> memref<128xi32, #tpu.memory_space<hbm>>
          tpu.enqueue_dma source(%dma_start3A_72 : memref<128xi32, #tpu.memory_space<hbm>>) target(%dma_start3A_71 : memref<128xi32, #tpu.memory_space<vmem>>) target_semaphore(%run_scoped3A : memref<!tpu.dma_semaphore, #tpu.memory_space<semaphore_mem>>)
          %dma_wait3A_73 = arith.constant 9984 : i32
          %dma_wait3A_74 = tpu.memref_slice %arg9[%dma_wait3A_73] : memref<10112xi32, #tpu.memory_space<vmem>> -> memref<128xi32, #tpu.memory_space<vmem>>
          %dma_wait3A_75 = tpu.memref_slice %arg4[%add3A_66] : memref<320000xi32, #tpu.memory_space<hbm>> -> memref<128xi32, #tpu.memory_space<hbm>>
          %dma_wait3A_76 = arith.constant 9984 : i32
          %dma_wait3A_77 = tpu.memref_slice %arg9[%dma_wait3A_76] : memref<10112xi32, #tpu.memory_space<vmem>> -> memref<128xi32, #tpu.memory_space<vmem>>
          %dma_wait3A_78 = tpu.memref_slice %arg4[%add3A_66] : memref<320000xi32, #tpu.memory_space<hbm>> -> memref<128xi32, #tpu.memory_space<hbm>>
          tpu.wait_dma2 semaphore(%run_scoped3A : memref<!tpu.dma_semaphore, #tpu.memory_space<semaphore_mem>>) src(%dma_wait3A_78 : memref<128xi32, #tpu.memory_space<hbm>>) dst(%dma_wait3A_77 : memref<128xi32, #tpu.memory_space<vmem>>)
          tpu.yield
        }) : () -> ()
      } else {
      }
      %add3A_35 = arith.constant 0 : i32
      %add3A_36 = arith.addi %add3A_29, %add3A_35 : i32
      %dma_start3A = tpu.memref_slice %arg5[%add3A_36] : memref<320000xi32, #tpu.memory_space<hbm>> -> memref<128xi32, #tpu.memory_space<hbm>>
      %dma_start3A_37 = tpu.memref_slice %arg5[%add3A_36] : memref<320000xi32, #tpu.memory_space<hbm>> -> memref<128xi32, #tpu.memory_space<hbm>>
      tpu.enqueue_dma source(%dma_start3A_37 : memref<128xi32, #tpu.memory_space<hbm>>) target(%arg10 : memref<128xi32, #tpu.memory_space<vmem>>) target_semaphore(%arg15 : memref<!tpu.dma_semaphore, #tpu.memory_space<semaphore_mem>>)
      %dma_start3A_38 = arith.constant 0 : i32
      %dma_start3A_39 = arith.constant 0 : i32
      %dma_start3A_40 = arith.constant 0 : i32
      %dma_start3A_41 = tpu.memref_slice %arg12[%dma_start3A_38, %dma_start3A_39, %dma_start3A_40] : memref<2x128x128xf32, #tpu.memory_space<vmem>> -> memref<1x128x128xf32, #tpu.memory_space<vmem>>
      %dma_start3A_42 = tpu.memref_squeeze %dma_start3A_41 : memref<1x128x128xf32, #tpu.memory_space<vmem>> -> memref<128x128xf32, #tpu.memory_space<vmem>>
      %dma_start3A_43 = arith.constant 0 : i32
      %dma_start3A_44 = tpu.memref_slice %arg9[%dma_start3A_43] : memref<10112xi32, #tpu.memory_space<vmem>> -> memref<128xi32, #tpu.memory_space<vmem>>
      %dma_start3A_45 = arith.constant 0 : i32
      %dma_start3A_46 = arith.constant 0 : i32
      %dma_start3A_47 = tpu.memref_slice %arg3[%dma_start3A_45, %dma_start3A_46] : memref<10240x128xf32, #tpu.memory_space<hbm>> -> memref<10240x128xf32, #tpu.memory_space<hbm>>
      tpu.enqueue_indirect_dma source(%dma_start3A_47 : memref<10240x128xf32, #tpu.memory_space<hbm>>) target(%dma_start3A_42 : memref<128x128xf32, #tpu.memory_space<vmem>>) offsets(%dma_start3A_44 : memref<128xi32, #tpu.memory_space<vmem>>) semaphore(%arg14 : memref<!tpu.dma_semaphore, #tpu.memory_space<semaphore_mem>>)
      %scan3A = arith.constant 0 : i32
      %scan3A_48 = arith.constant 0 : i32
      %scan3A_49 = arith.constant 39 : i32
      %scan3A_50 = arith.addi %scan3A_48, %scan3A_49 : i32
      %scan3A_51 = arith.constant 1 : i32
      scf.for %scan3A_65 = %scan3A_48 to %scan3A_50 step %scan3A_51  : i32 {
        %mul3A_66 = arith.constant 2 : i32
        %mul3A_67 = arith.muli %mul3A_66, %scan3A_65 : i32
        %gt3A = arith.constant 0 : i32
        %gt3A_68 = arith.cmpi sgt, %mul3A_67, %gt3A : i32
        %convert_element_type3A_69 = arith.extui %gt3A_68 : i1 to i32
        %cond3A_70 = arith.constant 0 : i32
        %cond3A_71 = arith.cmpi ne, %convert_element_type3A_69, %cond3A_70 : i32
        scf.if %cond3A_71 {
          %dma_wait3A_137 = arith.constant 0 : i32
          %dma_wait3A_138 = arith.constant 0 : i32
          %dma_wait3A_139 = arith.constant 0 : i32
          %dma_wait3A_140 = tpu.memref_slice %arg12[%dma_wait3A_137, %dma_wait3A_138, %dma_wait3A_139] : memref<2x128x128xf32, #tpu.memory_space<vmem>> -> memref<1x128x128xf32, #tpu.memory_space<vmem>>
          %dma_wait3A_141 = tpu.memref_squeeze %dma_wait3A_140 : memref<1x128x128xf32, #tpu.memory_space<vmem>> -> memref<128x128xf32, #tpu.memory_space<vmem>>
          %dma_wait3A_142 = arith.constant 0 : i32
          %dma_wait3A_143 = arith.constant 0 : i32
          %dma_wait3A_144 = tpu.memref_slice %arg13[%dma_wait3A_142, %dma_wait3A_143] : memref<10240x128xf32, #tpu.memory_space<vmem_shared>> -> memref<10240x128xf32, #tpu.memory_space<vmem_shared>>
          tpu.wait_indirect_dma semaphore(%arg16 : memref<!tpu.dma_semaphore, #tpu.memory_space<semaphore_mem>>) src(%dma_wait3A_141 : memref<128x128xf32, #tpu.memory_space<vmem>>) dst(%dma_wait3A_144 : memref<10240x128xf32, #tpu.memory_space<vmem_shared>>)
        } else {
        }
        %add3A_72 = arith.constant 1 : i32
        %add3A_73 = arith.addi %mul3A_67, %add3A_72 : i32
        %lt3A_74 = arith.cmpi slt, %add3A_73, %add3A_3 : i32
        %convert_element_type3A_75 = arith.extui %lt3A_74 : i1 to i32
        %cond3A_76 = arith.constant 0 : i32
        %cond3A_77 = arith.cmpi ne, %convert_element_type3A_75, %cond3A_76 : i32
        scf.if %cond3A_77 {
          %add3A_137 = arith.constant 1 : i32
          %add3A_138 = arith.addi %mul3A_67, %add3A_137 : i32
          %mul3A_139 = arith.constant 128 : i32
          %mul3A_140 = arith.muli %add3A_138, %mul3A_139 : i32
          %add3A_141 = arith.addi %add3A_29, %mul3A_140 : i32
          %dma_start3A_142 = tpu.memref_slice %arg5[%add3A_141] : memref<320000xi32, #tpu.memory_space<hbm>> -> memref<128xi32, #tpu.memory_space<hbm>>
          %dma_start3A_143 = tpu.memref_slice %arg5[%add3A_141] : memref<320000xi32, #tpu.memory_space<hbm>> -> memref<128xi32, #tpu.memory_space<hbm>>
          tpu.enqueue_dma source(%dma_start3A_143 : memref<128xi32, #tpu.memory_space<hbm>>) target(%arg11 : memref<128xi32, #tpu.memory_space<vmem>>) target_semaphore(%arg15 : memref<!tpu.dma_semaphore, #tpu.memory_space<semaphore_mem>>)
          %add3A_144 = arith.constant 1 : i32
          %add3A_145 = arith.addi %mul3A_67, %add3A_144 : i32
          %mul3A_146 = arith.constant 128 : i32
          %mul3A_147 = arith.muli %add3A_145, %mul3A_146 : i32
          %dma_start3A_148 = arith.constant 1 : i32
          %dma_start3A_149 = arith.constant 0 : i32
          %dma_start3A_150 = arith.constant 0 : i32
          %dma_start3A_151 = tpu.memref_slice %arg12[%dma_start3A_148, %dma_start3A_149, %dma_start3A_150] : memref<2x128x128xf32, #tpu.memory_space<vmem>> -> memref<1x128x128xf32, #tpu.memory_space<vmem>>
          %dma_start3A_152 = tpu.memref_squeeze %dma_start3A_151 : memref<1x128x128xf32, #tpu.memory_space<vmem>> -> memref<128x128xf32, #tpu.memory_space<vmem>>
          %dma_start3A_153 = tpu.memref_slice %arg9[%mul3A_147] : memref<10112xi32, #tpu.memory_space<vmem>> -> memref<128xi32, #tpu.memory_space<vmem>>
          %dma_start3A_154 = arith.constant 0 : i32
          %dma_start3A_155 = arith.constant 0 : i32
          %dma_start3A_156 = tpu.memref_slice %arg3[%dma_start3A_154, %dma_start3A_155] : memref<10240x128xf32, #tpu.memory_space<hbm>> -> memref<10240x128xf32, #tpu.memory_space<hbm>>
          tpu.enqueue_indirect_dma source(%dma_start3A_156 : memref<10240x128xf32, #tpu.memory_space<hbm>>) target(%dma_start3A_152 : memref<128x128xf32, #tpu.memory_space<vmem>>) offsets(%dma_start3A_153 : memref<128xi32, #tpu.memory_space<vmem>>) semaphore(%arg14 : memref<!tpu.dma_semaphore, #tpu.memory_space<semaphore_mem>>)
        } else {
        }
        %dma_wait3A_78 = arith.constant 0 : i32
        %dma_wait3A_79 = arith.constant 0 : i32
        %dma_wait3A_80 = arith.constant 0 : i32
        %dma_wait3A_81 = tpu.memref_slice %arg12[%dma_wait3A_78, %dma_wait3A_79, %dma_wait3A_80] : memref<2x128x128xf32, #tpu.memory_space<vmem>> -> memref<1x128x128xf32, #tpu.memory_space<vmem>>
        %dma_wait3A_82 = tpu.memref_squeeze %dma_wait3A_81 : memref<1x128x128xf32, #tpu.memory_space<vmem>> -> memref<128x128xf32, #tpu.memory_space<vmem>>
        %dma_wait3A_83 = arith.constant 0 : i32
        %dma_wait3A_84 = tpu.memref_slice %arg9[%dma_wait3A_83] : memref<10112xi32, #tpu.memory_space<vmem>> -> memref<128xi32, #tpu.memory_space<vmem>>
        %dma_wait3A_85 = arith.constant 0 : i32
        %dma_wait3A_86 = arith.constant 0 : i32
        %dma_wait3A_87 = tpu.memref_slice %arg3[%dma_wait3A_85, %dma_wait3A_86] : memref<10240x128xf32, #tpu.memory_space<hbm>> -> memref<10240x128xf32, #tpu.memory_space<hbm>>
        tpu.wait_indirect_dma semaphore(%arg14 : memref<!tpu.dma_semaphore, #tpu.memory_space<semaphore_mem>>) src(%dma_wait3A_87 : memref<10240x128xf32, #tpu.memory_space<hbm>>) dst(%dma_wait3A_82 : memref<128x128xf32, #tpu.memory_space<vmem>>)
        %dma_wait3A_88 = arith.constant 0 : i32
        %dma_wait3A_89 = tpu.memref_slice %arg5[%dma_wait3A_88] : memref<320000xi32, #tpu.memory_space<hbm>> -> memref<128xi32, #tpu.memory_space<hbm>>
        %dma_wait3A_90 = arith.constant 0 : i32
        %dma_wait3A_91 = tpu.memref_slice %arg5[%dma_wait3A_90] : memref<320000xi32, #tpu.memory_space<hbm>> -> memref<128xi32, #tpu.memory_space<hbm>>
        tpu.wait_dma2 semaphore(%arg15 : memref<!tpu.dma_semaphore, #tpu.memory_space<semaphore_mem>>) src(%dma_wait3A_91 : memref<128xi32, #tpu.memory_space<hbm>>) dst(%arg10 : memref<128xi32, #tpu.memory_space<vmem>>)
        %dma_start3A_92 = arith.constant 0 : i32
        %dma_start3A_93 = arith.constant 0 : i32
        %dma_start3A_94 = arith.constant 0 : i32
        %dma_start3A_95 = tpu.memref_slice %arg12[%dma_start3A_92, %dma_start3A_93, %dma_start3A_94] : memref<2x128x128xf32, #tpu.memory_space<vmem>> -> memref<1x128x128xf32, #tpu.memory_space<vmem>>
        %dma_start3A_96 = tpu.memref_squeeze %dma_start3A_95 : memref<1x128x128xf32, #tpu.memory_space<vmem>> -> memref<128x128xf32, #tpu.memory_space<vmem>>
        %dma_start3A_97 = arith.constant 0 : i32
        %dma_start3A_98 = arith.constant 0 : i32
        %dma_start3A_99 = tpu.memref_slice %arg13[%dma_start3A_97, %dma_start3A_98] : memref<10240x128xf32, #tpu.memory_space<vmem_shared>> -> memref<10240x128xf32, #tpu.memory_space<vmem_shared>>
        tpu.enqueue_indirect_dma source(%dma_start3A_96 : memref<128x128xf32, #tpu.memory_space<vmem>>) target(%dma_start3A_99 : memref<10240x128xf32, #tpu.memory_space<vmem_shared>>) offsets(%arg10 : memref<128xi32, #tpu.memory_space<vmem>>) semaphore(%arg16 : memref<!tpu.dma_semaphore, #tpu.memory_space<semaphore_mem>>) {add = true}
        %mul3A_100 = arith.constant 2 : i32
        %mul3A_101 = arith.muli %mul3A_100, %scan3A_65 : i32
        %add3A_102 = arith.constant 1 : i32
        %add3A_103 = arith.addi %mul3A_101, %add3A_102 : i32
        %gt3A_104 = arith.constant 0 : i32
        %gt3A_105 = arith.cmpi sgt, %add3A_103, %gt3A_104 : i32
        %convert_element_type3A_106 = arith.extui %gt3A_105 : i1 to i32
        %cond3A_107 = arith.constant 0 : i32
        %cond3A_108 = arith.cmpi ne, %convert_element_type3A_106, %cond3A_107 : i32
        scf.if %cond3A_108 {
          %dma_wait3A_137 = arith.constant 0 : i32
          %dma_wait3A_138 = arith.constant 0 : i32
          %dma_wait3A_139 = arith.constant 0 : i32
          %dma_wait3A_140 = tpu.memref_slice %arg12[%dma_wait3A_137, %dma_wait3A_138, %dma_wait3A_139] : memref<2x128x128xf32, #tpu.memory_space<vmem>> -> memref<1x128x128xf32, #tpu.memory_space<vmem>>
          %dma_wait3A_141 = tpu.memref_squeeze %dma_wait3A_140 : memref<1x128x128xf32, #tpu.memory_space<vmem>> -> memref<128x128xf32, #tpu.memory_space<vmem>>
          %dma_wait3A_142 = arith.constant 0 : i32
          %dma_wait3A_143 = arith.constant 0 : i32
          %dma_wait3A_144 = tpu.memref_slice %arg13[%dma_wait3A_142, %dma_wait3A_143] : memref<10240x128xf32, #tpu.memory_space<vmem_shared>> -> memref<10240x128xf32, #tpu.memory_space<vmem_shared>>
          tpu.wait_indirect_dma semaphore(%arg16 : memref<!tpu.dma_semaphore, #tpu.memory_space<semaphore_mem>>) src(%dma_wait3A_141 : memref<128x128xf32, #tpu.memory_space<vmem>>) dst(%dma_wait3A_144 : memref<10240x128xf32, #tpu.memory_space<vmem_shared>>)
        } else {
        }
        %add3A_109 = arith.constant 1 : i32
        %add3A_110 = arith.addi %add3A_103, %add3A_109 : i32
        %lt3A_111 = arith.cmpi slt, %add3A_110, %add3A_3 : i32
        %convert_element_type3A_112 = arith.extui %lt3A_111 : i1 to i32
        %cond3A_113 = arith.constant 0 : i32
        %cond3A_114 = arith.cmpi ne, %convert_element_type3A_112, %cond3A_113 : i32
        scf.if %cond3A_114 {
          %add3A_137 = arith.constant 1 : i32
          %add3A_138 = arith.addi %add3A_103, %add3A_137 : i32
          %mul3A_139 = arith.constant 128 : i32
          %mul3A_140 = arith.muli %add3A_138, %mul3A_139 : i32
          %add3A_141 = arith.addi %add3A_29, %mul3A_140 : i32
          %dma_start3A_142 = tpu.memref_slice %arg5[%add3A_141] : memref<320000xi32, #tpu.memory_space<hbm>> -> memref<128xi32, #tpu.memory_space<hbm>>
          %dma_start3A_143 = tpu.memref_slice %arg5[%add3A_141] : memref<320000xi32, #tpu.memory_space<hbm>> -> memref<128xi32, #tpu.memory_space<hbm>>
          tpu.enqueue_dma source(%dma_start3A_143 : memref<128xi32, #tpu.memory_space<hbm>>) target(%arg10 : memref<128xi32, #tpu.memory_space<vmem>>) target_semaphore(%arg15 : memref<!tpu.dma_semaphore, #tpu.memory_space<semaphore_mem>>)
          %add3A_144 = arith.constant 1 : i32
          %add3A_145 = arith.addi %add3A_103, %add3A_144 : i32
          %mul3A_146 = arith.constant 128 : i32
          %mul3A_147 = arith.muli %add3A_145, %mul3A_146 : i32
          %dma_start3A_148 = arith.constant 0 : i32
          %dma_start3A_149 = arith.constant 0 : i32
          %dma_start3A_150 = arith.constant 0 : i32
          %dma_start3A_151 = tpu.memref_slice %arg12[%dma_start3A_148, %dma_start3A_149, %dma_start3A_150] : memref<2x128x128xf32, #tpu.memory_space<vmem>> -> memref<1x128x128xf32, #tpu.memory_space<vmem>>
          %dma_start3A_152 = tpu.memref_squeeze %dma_start3A_151 : memref<1x128x128xf32, #tpu.memory_space<vmem>> -> memref<128x128xf32, #tpu.memory_space<vmem>>
          %dma_start3A_153 = tpu.memref_slice %arg9[%mul3A_147] : memref<10112xi32, #tpu.memory_space<vmem>> -> memref<128xi32, #tpu.memory_space<vmem>>
          %dma_start3A_154 = arith.constant 0 : i32
          %dma_start3A_155 = arith.constant 0 : i32
          %dma_start3A_156 = tpu.memref_slice %arg3[%dma_start3A_154, %dma_start3A_155] : memref<10240x128xf32, #tpu.memory_space<hbm>> -> memref<10240x128xf32, #tpu.memory_space<hbm>>
          tpu.enqueue_indirect_dma source(%dma_start3A_156 : memref<10240x128xf32, #tpu.memory_space<hbm>>) target(%dma_start3A_152 : memref<128x128xf32, #tpu.memory_space<vmem>>) offsets(%dma_start3A_153 : memref<128xi32, #tpu.memory_space<vmem>>) semaphore(%arg14 : memref<!tpu.dma_semaphore, #tpu.memory_space<semaphore_mem>>)
        } else {
        }
        %dma_wait3A_115 = arith.constant 1 : i32
        %dma_wait3A_116 = arith.constant 0 : i32
        %dma_wait3A_117 = arith.constant 0 : i32
        %dma_wait3A_118 = tpu.memref_slice %arg12[%dma_wait3A_115, %dma_wait3A_116, %dma_wait3A_117] : memref<2x128x128xf32, #tpu.memory_space<vmem>> -> memref<1x128x128xf32, #tpu.memory_space<vmem>>
        %dma_wait3A_119 = tpu.memref_squeeze %dma_wait3A_118 : memref<1x128x128xf32, #tpu.memory_space<vmem>> -> memref<128x128xf32, #tpu.memory_space<vmem>>
        %dma_wait3A_120 = arith.constant 0 : i32
        %dma_wait3A_121 = tpu.memref_slice %arg9[%dma_wait3A_120] : memref<10112xi32, #tpu.memory_space<vmem>> -> memref<128xi32, #tpu.memory_space<vmem>>
        %dma_wait3A_122 = arith.constant 0 : i32
        %dma_wait3A_123 = arith.constant 0 : i32
        %dma_wait3A_124 = tpu.memref_slice %arg3[%dma_wait3A_122, %dma_wait3A_123] : memref<10240x128xf32, #tpu.memory_space<hbm>> -> memref<10240x128xf32, #tpu.memory_space<hbm>>
        tpu.wait_indirect_dma semaphore(%arg14 : memref<!tpu.dma_semaphore, #tpu.memory_space<semaphore_mem>>) src(%dma_wait3A_124 : memref<10240x128xf32, #tpu.memory_space<hbm>>) dst(%dma_wait3A_119 : memref<128x128xf32, #tpu.memory_space<vmem>>)
        %dma_wait3A_125 = arith.constant 0 : i32
        %dma_wait3A_126 = tpu.memref_slice %arg5[%dma_wait3A_125] : memref<320000xi32, #tpu.memory_space<hbm>> -> memref<128xi32, #tpu.memory_space<hbm>>
        %dma_wait3A_127 = arith.constant 0 : i32
        %dma_wait3A_128 = tpu.memref_slice %arg5[%dma_wait3A_127] : memref<320000xi32, #tpu.memory_space<hbm>> -> memref<128xi32, #tpu.memory_space<hbm>>
        tpu.wait_dma2 semaphore(%arg15 : memref<!tpu.dma_semaphore, #tpu.memory_space<semaphore_mem>>) src(%dma_wait3A_128 : memref<128xi32, #tpu.memory_space<hbm>>) dst(%arg11 : memref<128xi32, #tpu.memory_space<vmem>>)
        %dma_start3A_129 = arith.constant 1 : i32
        %dma_start3A_130 = arith.constant 0 : i32
        %dma_start3A_131 = arith.constant 0 : i32
        %dma_start3A_132 = tpu.memref_slice %arg12[%dma_start3A_129, %dma_start3A_130, %dma_start3A_131] : memref<2x128x128xf32, #tpu.memory_space<vmem>> -> memref<1x128x128xf32, #tpu.memory_space<vmem>>
        %dma_start3A_133 = tpu.memref_squeeze %dma_start3A_132 : memref<1x128x128xf32, #tpu.memory_space<vmem>> -> memref<128x128xf32, #tpu.memory_space<vmem>>
        %dma_start3A_134 = arith.constant 0 : i32
        %dma_start3A_135 = arith.constant 0 : i32
        %dma_start3A_136 = tpu.memref_slice %arg13[%dma_start3A_134, %dma_start3A_135] : memref<10240x128xf32, #tpu.memory_space<vmem_shared>> -> memref<10240x128xf32, #tpu.memory_space<vmem_shared>>
        tpu.enqueue_indirect_dma source(%dma_start3A_133 : memref<128x128xf32, #tpu.memory_space<vmem>>) target(%dma_start3A_136 : memref<10240x128xf32, #tpu.memory_space<vmem_shared>>) offsets(%arg11 : memref<128xi32, #tpu.memory_space<vmem>>) semaphore(%arg16 : memref<!tpu.dma_semaphore, #tpu.memory_space<semaphore_mem>>) {add = true}
      }
      %scan3A_52 = arith.constant 39 : i32
      %lt3A_53 = arith.constant 2 : i32
      %lt3A_54 = arith.cmpi slt, %arg1, %lt3A_53 : i32
      %convert_element_type3A_55 = arith.extui %lt3A_54 : i1 to i32
      %cond3A_56 = arith.constant 0 : i32
      %cond3A_57 = arith.cmpi ne, %convert_element_type3A_55, %cond3A_56 : i32
      scf.if %cond3A_57 {
        %dma_wait3A_65 = arith.constant 0 : i32
        %dma_wait3A_66 = arith.constant 0 : i32
        %dma_wait3A_67 = arith.constant 0 : i32
        %dma_wait3A_68 = tpu.memref_slice %arg12[%dma_wait3A_65, %dma_wait3A_66, %dma_wait3A_67] : memref<2x128x128xf32, #tpu.memory_space<vmem>> -> memref<1x128x128xf32, #tpu.memory_space<vmem>>
        %dma_wait3A_69 = tpu.memref_squeeze %dma_wait3A_68 : memref<1x128x128xf32, #tpu.memory_space<vmem>> -> memref<128x128xf32, #tpu.memory_space<vmem>>
        %dma_wait3A_70 = arith.constant 0 : i32
        %dma_wait3A_71 = arith.constant 0 : i32
        %dma_wait3A_72 = tpu.memref_slice %arg13[%dma_wait3A_70, %dma_wait3A_71] : memref<10240x128xf32, #tpu.memory_space<vmem_shared>> -> memref<10240x128xf32, #tpu.memory_space<vmem_shared>>
        tpu.wait_indirect_dma semaphore(%arg16 : memref<!tpu.dma_semaphore, #tpu.memory_space<semaphore_mem>>) src(%dma_wait3A_69 : memref<128x128xf32, #tpu.memory_space<vmem>>) dst(%dma_wait3A_72 : memref<10240x128xf32, #tpu.memory_space<vmem_shared>>)
        %dma_wait3A_73 = arith.constant 0 : i32
        %dma_wait3A_74 = arith.constant 0 : i32
        %dma_wait3A_75 = arith.constant 0 : i32
        %dma_wait3A_76 = tpu.memref_slice %arg12[%dma_wait3A_73, %dma_wait3A_74, %dma_wait3A_75] : memref<2x128x128xf32, #tpu.memory_space<vmem>> -> memref<1x128x128xf32, #tpu.memory_space<vmem>>
        %dma_wait3A_77 = tpu.memref_squeeze %dma_wait3A_76 : memref<1x128x128xf32, #tpu.memory_space<vmem>> -> memref<128x128xf32, #tpu.memory_space<vmem>>
        %dma_wait3A_78 = arith.constant 0 : i32
        %dma_wait3A_79 = tpu.memref_slice %arg9[%dma_wait3A_78] : memref<10112xi32, #tpu.memory_space<vmem>> -> memref<128xi32, #tpu.memory_space<vmem>>
        %dma_wait3A_80 = arith.constant 0 : i32
        %dma_wait3A_81 = arith.constant 0 : i32
        %dma_wait3A_82 = tpu.memref_slice %arg3[%dma_wait3A_80, %dma_wait3A_81] : memref<10240x128xf32, #tpu.memory_space<hbm>> -> memref<10240x128xf32, #tpu.memory_space<hbm>>
        tpu.wait_indirect_dma semaphore(%arg14 : memref<!tpu.dma_semaphore, #tpu.memory_space<semaphore_mem>>) src(%dma_wait3A_82 : memref<10240x128xf32, #tpu.memory_space<hbm>>) dst(%dma_wait3A_77 : memref<128x128xf32, #tpu.memory_space<vmem>>)
        %dma_wait3A_83 = arith.constant 0 : i32
        %dma_wait3A_84 = tpu.memref_slice %arg5[%dma_wait3A_83] : memref<320000xi32, #tpu.memory_space<hbm>> -> memref<128xi32, #tpu.memory_space<hbm>>
        %dma_wait3A_85 = arith.constant 0 : i32
        %dma_wait3A_86 = tpu.memref_slice %arg5[%dma_wait3A_85] : memref<320000xi32, #tpu.memory_space<hbm>> -> memref<128xi32, #tpu.memory_space<hbm>>
        tpu.wait_dma2 semaphore(%arg15 : memref<!tpu.dma_semaphore, #tpu.memory_space<semaphore_mem>>) src(%dma_wait3A_86 : memref<128xi32, #tpu.memory_space<hbm>>) dst(%arg10 : memref<128xi32, #tpu.memory_space<vmem>>)
        %dma_start3A_87 = arith.constant 0 : i32
        %dma_start3A_88 = arith.constant 0 : i32
        %dma_start3A_89 = arith.constant 0 : i32
        %dma_start3A_90 = tpu.memref_slice %arg12[%dma_start3A_87, %dma_start3A_88, %dma_start3A_89] : memref<2x128x128xf32, #tpu.memory_space<vmem>> -> memref<1x128x128xf32, #tpu.memory_space<vmem>>
        %dma_start3A_91 = tpu.memref_squeeze %dma_start3A_90 : memref<1x128x128xf32, #tpu.memory_space<vmem>> -> memref<128x128xf32, #tpu.memory_space<vmem>>
        %dma_start3A_92 = arith.constant 0 : i32
        %dma_start3A_93 = arith.constant 0 : i32
        %dma_start3A_94 = tpu.memref_slice %arg13[%dma_start3A_92, %dma_start3A_93] : memref<10240x128xf32, #tpu.memory_space<vmem_shared>> -> memref<10240x128xf32, #tpu.memory_space<vmem_shared>>
        tpu.enqueue_indirect_dma source(%dma_start3A_91 : memref<128x128xf32, #tpu.memory_space<vmem>>) target(%dma_start3A_94 : memref<10240x128xf32, #tpu.memory_space<vmem_shared>>) offsets(%arg10 : memref<128xi32, #tpu.memory_space<vmem>>) semaphore(%arg16 : memref<!tpu.dma_semaphore, #tpu.memory_space<semaphore_mem>>) {add = true}
      } else {
      }
      %dma_wait3A = arith.constant 0 : i32
      %dma_wait3A_58 = arith.constant 0 : i32
      %dma_wait3A_59 = arith.constant 0 : i32
      %dma_wait3A_60 = tpu.memref_slice %arg12[%dma_wait3A, %dma_wait3A_58, %dma_wait3A_59] : memref<2x128x128xf32, #tpu.memory_space<vmem>> -> memref<1x128x128xf32, #tpu.memory_space<vmem>>
      %dma_wait3A_61 = tpu.memref_squeeze %dma_wait3A_60 : memref<1x128x128xf32, #tpu.memory_space<vmem>> -> memref<128x128xf32, #tpu.memory_space<vmem>>
      %dma_wait3A_62 = arith.constant 0 : i32
      %dma_wait3A_63 = arith.constant 0 : i32
      %dma_wait3A_64 = tpu.memref_slice %arg13[%dma_wait3A_62, %dma_wait3A_63] : memref<10240x128xf32, #tpu.memory_space<vmem_shared>> -> memref<10240x128xf32, #tpu.memory_space<vmem_shared>>
      tpu.wait_indirect_dma semaphore(%arg16 : memref<!tpu.dma_semaphore, #tpu.memory_space<semaphore_mem>>) src(%dma_wait3A_61 : memref<128x128xf32, #tpu.memory_space<vmem>>) dst(%dma_wait3A_64 : memref<10240x128xf32, #tpu.memory_space<vmem_shared>>)
    } else {
    }
    %barrier3A_11 = arith.constant 0 : index
    tpu.barrier barrier_id(%barrier3A_11)
    %eq3A_12 = arith.constant 0 : i32
    %eq3A_13 = arith.cmpi eq, %arg0, %eq3A_12 : i32
    %convert_element_type3A_14 = arith.extui %eq3A_13 : i1 to i32
    %cond3A_15 = arith.constant 0 : i32
    %cond3A_16 = arith.cmpi ne, %convert_element_type3A_14, %cond3A_15 : i32
    scf.if %cond3A_16 {
      %mul3A_22 = arith.constant 640 : i32
      %mul3A_23 = arith.muli %arg1, %mul3A_22 : i32
      %mul3A_24 = arith.constant 640 : i32
      %mul3A_25 = arith.muli %arg1, %mul3A_24 : i32
      "tpu.region"() ({
        %run_scoped3A = tpu.sem_alloc : memref<!tpu.dma_semaphore, #tpu.memory_space<semaphore_mem>>
        %dma_start3A = arith.constant 0 : i32
        %dma_start3A_26 = tpu.memref_slice %arg7[%mul3A_25, %dma_start3A] : memref<10240x128xf32, #tpu.memory_space<hbm>> -> memref<640x128xf32, #tpu.memory_space<hbm>>
        %dma_start3A_27 = arith.constant 0 : i32
        %dma_start3A_28 = tpu.memref_slice %arg13[%mul3A_23, %dma_start3A_27] : memref<10240x128xf32, #tpu.memory_space<vmem_shared>> -> memref<640x128xf32, #tpu.memory_space<vmem_shared>>
        tpu.enqueue_dma source(%dma_start3A_28 : memref<640x128xf32, #tpu.memory_space<vmem_shared>>) target(%dma_start3A_26 : memref<640x128xf32, #tpu.memory_space<hbm>>) target_semaphore(%run_scoped3A : memref<!tpu.dma_semaphore, #tpu.memory_space<semaphore_mem>>)
        %dma_wait3A = arith.constant 0 : i32
        %dma_wait3A_29 = tpu.memref_slice %arg7[%mul3A_25, %dma_wait3A] : memref<10240x128xf32, #tpu.memory_space<hbm>> -> memref<640x128xf32, #tpu.memory_space<hbm>>
        %dma_wait3A_30 = arith.constant 0 : i32
        %dma_wait3A_31 = tpu.memref_slice %arg13[%mul3A_23, %dma_wait3A_30] : memref<10240x128xf32, #tpu.memory_space<vmem_shared>> -> memref<640x128xf32, #tpu.memory_space<vmem_shared>>
        tpu.wait_dma2 semaphore(%run_scoped3A : memref<!tpu.dma_semaphore, #tpu.memory_space<semaphore_mem>>) src(%dma_wait3A_31 : memref<640x128xf32, #tpu.memory_space<vmem_shared>>) dst(%dma_wait3A_29 : memref<640x128xf32, #tpu.memory_space<hbm>>)
        tpu.yield
      }) : () -> ()
    } else {
    }
    %eq3A_17 = arith.constant 1 : i32
    %eq3A_18 = arith.cmpi eq, %arg0, %eq3A_17 : i32
    %convert_element_type3A_19 = arith.extui %eq3A_18 : i1 to i32
    %cond3A_20 = arith.constant 0 : i32
    %cond3A_21 = arith.cmpi ne, %convert_element_type3A_19, %cond3A_20 : i32
    scf.if %cond3A_21 {
      %mul3A_22 = arith.constant 640 : i32
      %mul3A_23 = arith.muli %arg1, %mul3A_22 : i32
      %mul3A_24 = arith.constant 640 : i32
      %mul3A_25 = arith.muli %arg1, %mul3A_24 : i32
      "tpu.region"() ({
        %run_scoped3A = tpu.sem_alloc : memref<!tpu.dma_semaphore, #tpu.memory_space<semaphore_mem>>
        %dma_start3A = arith.constant 0 : i32
        %dma_start3A_26 = tpu.memref_slice %arg8[%mul3A_25, %dma_start3A] : memref<10240x128xf32, #tpu.memory_space<hbm>> -> memref<640x128xf32, #tpu.memory_space<hbm>>
        %dma_start3A_27 = arith.constant 0 : i32
        %dma_start3A_28 = tpu.memref_slice %arg13[%mul3A_23, %dma_start3A_27] : memref<10240x128xf32, #tpu.memory_space<vmem_shared>> -> memref<640x128xf32, #tpu.memory_space<vmem_shared>>
        tpu.enqueue_dma source(%dma_start3A_28 : memref<640x128xf32, #tpu.memory_space<vmem_shared>>) target(%dma_start3A_26 : memref<640x128xf32, #tpu.memory_space<hbm>>) target_semaphore(%run_scoped3A : memref<!tpu.dma_semaphore, #tpu.memory_space<semaphore_mem>>)
        %dma_wait3A = arith.constant 0 : i32
        %dma_wait3A_29 = tpu.memref_slice %arg8[%mul3A_25, %dma_wait3A] : memref<10240x128xf32, #tpu.memory_space<hbm>> -> memref<640x128xf32, #tpu.memory_space<hbm>>
        %dma_wait3A_30 = arith.constant 0 : i32
        %dma_wait3A_31 = tpu.memref_slice %arg13[%mul3A_23, %dma_wait3A_30] : memref<10240x128xf32, #tpu.memory_space<vmem_shared>> -> memref<640x128xf32, #tpu.memory_space<vmem_shared>>
        tpu.wait_dma2 semaphore(%run_scoped3A : memref<!tpu.dma_semaphore, #tpu.memory_space<semaphore_mem>>) src(%dma_wait3A_31 : memref<640x128xf32, #tpu.memory_space<vmem_shared>>) dst(%dma_wait3A_29 : memref<640x128xf32, #tpu.memory_space<hbm>>)
        tpu.yield
      }) : () -> ()
    } else {
    }
    return
  }
}

#map = affine_map<(d0, d1) -> (0, 0)>
#map1 = affine_map<(d0, d1) -> (0)>
module attributes {stable_mosaic.version = 14 : i64} {
  func.func @_agg_body(%arg0: i32, %arg1: i32, %arg2: memref<10240x128xf32, #tpu.memory_space<hbm>>, %arg3: memref<10240x128xf32, #tpu.memory_space<hbm>>, %arg4: memref<320000xi32, #tpu.memory_space<hbm>>, %arg5: memref<320000xi32, #tpu.memory_space<hbm>>, %arg6: memref<640x128xf32, #tpu.memory_space<hbm>>, %arg7: memref<10240x128xf32, #tpu.memory_space<hbm>>, %arg8: memref<10240x128xf32, #tpu.memory_space<hbm>>, %arg9: memref<10112xi32, #tpu.memory_space<vmem>>, %arg10: memref<128xi32, #tpu.memory_space<vmem>>, %arg11: memref<128xi32, #tpu.memory_space<vmem>>, %arg12: memref<2x128x128xf32, #tpu.memory_space<vmem>>, %arg13: memref<10240x128xf32, #tpu.memory_space<vmem_shared>>, %arg14: memref<!tpu.dma_semaphore, #tpu.memory_space<semaphore_mem>>, %arg15: memref<!tpu.dma_semaphore, #tpu.memory_space<semaphore_mem>>, %arg16: memref<!tpu.dma_semaphore, #tpu.memory_space<semaphore_mem>>) attributes {dimension_semantics = [#tpu.dimension_semantics<core_parallel>, #tpu.dimension_semantics<subcore_parallel>], iteration_bounds = array<i64: 2, 16>, scalar_prefetch = 0 : i64, scratch_operands = 8 : i64, tpu.core_type = #tpu.core_type<sc_vector_subcore>, window_params = [{transform_indices = #map}, {transform_indices = #map}, {transform_indices = #map1}, {transform_indices = #map1}, {transform_indices = #map}, {transform_indices = #map}, {transform_indices = #map}]} {
    %mul3A = arith.constant 640 : i32
    %mul3A_0 = arith.muli %arg1, %mul3A : i32
    "tpu.region"() ({
      %run_scoped3A = tpu.sem_alloc : memref<!tpu.dma_semaphore, #tpu.memory_space<semaphore_mem>>
      %dma_start3A = arith.constant 0 : i32
      %dma_start3A_22 = tpu.memref_slice %arg13[%mul3A_0, %dma_start3A] : memref<10240x128xf32, #tpu.memory_space<vmem_shared>> -> memref<640x128xf32, #tpu.memory_space<vmem_shared>>
      tpu.enqueue_dma source(%arg6 : memref<640x128xf32, #tpu.memory_space<hbm>>) target(%dma_start3A_22 : memref<640x128xf32, #tpu.memory_space<vmem_shared>>) target_semaphore(%run_scoped3A : memref<!tpu.dma_semaphore, #tpu.memory_space<semaphore_mem>>)
      %dma_wait3A = arith.constant 0 : i32
      %dma_wait3A_23 = tpu.memref_slice %arg13[%mul3A_0, %dma_wait3A] : memref<10240x128xf32, #tpu.memory_space<vmem_shared>> -> memref<640x128xf32, #tpu.memory_space<vmem_shared>>
      tpu.wait_dma2 semaphore(%run_scoped3A : memref<!tpu.dma_semaphore, #tpu.memory_space<semaphore_mem>>) src(%arg6 : memref<640x128xf32, #tpu.memory_space<hbm>>) dst(%dma_wait3A_23 : memref<640x128xf32, #tpu.memory_space<vmem_shared>>)
      tpu.yield
    }) : () -> ()
    %barrier3A = arith.constant 0 : index
    tpu.barrier barrier_id(%barrier3A)
    %lt3A = arith.constant 2 : i32
    %lt3A_1 = arith.cmpi slt, %arg1, %lt3A : i32
    %jit3A = arith.constant 1 : i32
    %jit3A_2 = arith.constant 0 : i32
    %select_n3A = arith.select %lt3A_1, %jit3A, %jit3A_2 : i32
    %add3A = arith.constant 78 : i32
    %add3A_3 = arith.addi %add3A, %select_n3A : i32
    %eq3A = arith.constant 0 : i32
    %eq3A_4 = arith.cmpi eq, %arg0, %eq3A : i32
    %convert_element_type3A = arith.extui %eq3A_4 : i1 to i32
    %cond3A = arith.constant 0 : i32
    %cond3A_5 = arith.cmpi ne, %convert_element_type3A, %cond3A : i32
    scf.if %cond3A_5 {
      %mul3A_22 = arith.constant 78 : i32
      %mul3A_23 = arith.muli %mul3A_22, %arg1 : i32
      %min3A = arith.constant 2 : i32
      %min3A_24 = arith.minsi %arg1, %min3A : i32
      %add3A_25 = arith.addi %mul3A_23, %min3A_24 : i32
      %mul3A_26 = arith.constant 128 : i32
      %mul3A_27 = arith.muli %add3A_25, %mul3A_26 : i32
      %add3A_28 = arith.constant 0 : i32
      %add3A_29 = arith.addi %add3A_28, %mul3A_27 : i32
      "tpu.region"() ({
        %run_scoped3A = tpu.sem_alloc : memref<!tpu.dma_semaphore, #tpu.memory_space<semaphore_mem>>
        %dma_start3A_65 = arith.constant 0 : i32
        %dma_start3A_66 = tpu.memref_slice %arg9[%dma_start3A_65] : memref<10112xi32, #tpu.memory_space<vmem>> -> memref<9984xi32, #tpu.memory_space<vmem>>
        %dma_start3A_67 = tpu.memref_slice %arg4[%add3A_29] : memref<320000xi32, #tpu.memory_space<hbm>> -> memref<9984xi32, #tpu.memory_space<hbm>>
        %dma_start3A_68 = arith.constant 0 : i32
        %dma_start3A_69 = tpu.memref_slice %arg9[%dma_start3A_68] : memref<10112xi32, #tpu.memory_space<vmem>> -> memref<9984xi32, #tpu.memory_space<vmem>>
        %dma_start3A_70 = tpu.memref_slice %arg4[%add3A_29] : memref<320000xi32, #tpu.memory_space<hbm>> -> memref<9984xi32, #tpu.memory_space<hbm>>
        tpu.enqueue_dma source(%dma_start3A_70 : memref<9984xi32, #tpu.memory_space<hbm>>) target(%dma_start3A_69 : memref<9984xi32, #tpu.memory_space<vmem>>) target_semaphore(%run_scoped3A : memref<!tpu.dma_semaphore, #tpu.memory_space<semaphore_mem>>)
        %dma_wait3A_71 = arith.constant 0 : i32
        %dma_wait3A_72 = tpu.memref_slice %arg9[%dma_wait3A_71] : memref<10112xi32, #tpu.memory_space<vmem>> -> memref<9984xi32, #tpu.memory_space<vmem>>
        %dma_wait3A_73 = tpu.memref_slice %arg4[%add3A_29] : memref<320000xi32, #tpu.memory_space<hbm>> -> memref<9984xi32, #tpu.memory_space<hbm>>
        %dma_wait3A_74 = arith.constant 0 : i32
        %dma_wait3A_75 = tpu.memref_slice %arg9[%dma_wait3A_74] : memref<10112xi32, #tpu.memory_space<vmem>> -> memref<9984xi32, #tpu.memory_space<vmem>>
        %dma_wait3A_76 = tpu.memref_slice %arg4[%add3A_29] : memref<320000xi32, #tpu.memory_space<hbm>> -> memref<9984xi32, #tpu.memory_space<hbm>>
        tpu.wait_dma2 semaphore(%run_scoped3A : memref<!tpu.dma_semaphore, #tpu.memory_space<semaphore_mem>>) src(%dma_wait3A_76 : memref<9984xi32, #tpu.memory_space<hbm>>) dst(%dma_wait3A_75 : memref<9984xi32, #tpu.memory_space<vmem>>)
        tpu.yield
      }) : () -> ()
      %lt3A_30 = arith.constant 2 : i32
      %lt3A_31 = arith.cmpi slt, %arg1, %lt3A_30 : i32
      %convert_element_type3A_32 = arith.extui %lt3A_31 : i1 to i32
      %cond3A_33 = arith.constant 0 : i32
      %cond3A_34 = arith.cmpi ne, %convert_element_type3A_32, %cond3A_33 : i32
      scf.if %cond3A_34 {
        %add3A_65 = arith.constant 9984 : i32
        %add3A_66 = arith.addi %add3A_29, %add3A_65 : i32
        "tpu.region"() ({
          %run_scoped3A = tpu.sem_alloc : memref<!tpu.dma_semaphore, #tpu.memory_space<semaphore_mem>>
          %dma_start3A_67 = arith.constant 9984 : i32
          %dma_start3A_68 = tpu.memref_slice %arg9[%dma_start3A_67] : memref<10112xi32, #tpu.memory_space<vmem>> -> memref<128xi32, #tpu.memory_space<vmem>>
          %dma_start3A_69 = tpu.memref_slice %arg4[%add3A_66] : memref<320000xi32, #tpu.memory_space<hbm>> -> memref<128xi32, #tpu.memory_space<hbm>>
          %dma_start3A_70 = arith.constant 9984 : i32
          %dma_start3A_71 = tpu.memref_slice %arg9[%dma_start3A_70] : memref<10112xi32, #tpu.memory_space<vmem>> -> memref<128xi32, #tpu.memory_space<vmem>>
          %dma_start3A_72 = tpu.memref_slice %arg4[%add3A_66] : memref<320000xi32, #tpu.memory_space<hbm>> -> memref<128xi32, #tpu.memory_space<hbm>>
          tpu.enqueue_dma source(%dma_start3A_72 : memref<128xi32, #tpu.memory_space<hbm>>) target(%dma_start3A_71 : memref<128xi32, #tpu.memory_space<vmem>>) target_semaphore(%run_scoped3A : memref<!tpu.dma_semaphore, #tpu.memory_space<semaphore_mem>>)
          %dma_wait3A_73 = arith.constant 9984 : i32
          %dma_wait3A_74 = tpu.memref_slice %arg9[%dma_wait3A_73] : memref<10112xi32, #tpu.memory_space<vmem>> -> memref<128xi32, #tpu.memory_space<vmem>>
          %dma_wait3A_75 = tpu.memref_slice %arg4[%add3A_66] : memref<320000xi32, #tpu.memory_space<hbm>> -> memref<128xi32, #tpu.memory_space<hbm>>
          %dma_wait3A_76 = arith.constant 9984 : i32
          %dma_wait3A_77 = tpu.memref_slice %arg9[%dma_wait3A_76] : memref<10112xi32, #tpu.memory_space<vmem>> -> memref<128xi32, #tpu.memory_space<vmem>>
          %dma_wait3A_78 = tpu.memref_slice %arg4[%add3A_66] : memref<320000xi32, #tpu.memory_space<hbm>> -> memref<128xi32, #tpu.memory_space<hbm>>
          tpu.wait_dma2 semaphore(%run_scoped3A : memref<!tpu.dma_semaphore, #tpu.memory_space<semaphore_mem>>) src(%dma_wait3A_78 : memref<128xi32, #tpu.memory_space<hbm>>) dst(%dma_wait3A_77 : memref<128xi32, #tpu.memory_space<vmem>>)
          tpu.yield
        }) : () -> ()
      } else {
      }
      %add3A_35 = arith.constant 0 : i32
      %add3A_36 = arith.addi %add3A_29, %add3A_35 : i32
      %dma_start3A = tpu.memref_slice %arg5[%add3A_36] : memref<320000xi32, #tpu.memory_space<hbm>> -> memref<128xi32, #tpu.memory_space<hbm>>
      %dma_start3A_37 = tpu.memref_slice %arg5[%add3A_36] : memref<320000xi32, #tpu.memory_space<hbm>> -> memref<128xi32, #tpu.memory_space<hbm>>
      tpu.enqueue_dma source(%dma_start3A_37 : memref<128xi32, #tpu.memory_space<hbm>>) target(%arg10 : memref<128xi32, #tpu.memory_space<vmem>>) target_semaphore(%arg15 : memref<!tpu.dma_semaphore, #tpu.memory_space<semaphore_mem>>)
      %dma_start3A_38 = arith.constant 0 : i32
      %dma_start3A_39 = arith.constant 0 : i32
      %dma_start3A_40 = arith.constant 0 : i32
      %dma_start3A_41 = tpu.memref_slice %arg12[%dma_start3A_38, %dma_start3A_39, %dma_start3A_40] : memref<2x128x128xf32, #tpu.memory_space<vmem>> -> memref<1x128x128xf32, #tpu.memory_space<vmem>>
      %dma_start3A_42 = tpu.memref_squeeze %dma_start3A_41 : memref<1x128x128xf32, #tpu.memory_space<vmem>> -> memref<128x128xf32, #tpu.memory_space<vmem>>
      %dma_start3A_43 = arith.constant 0 : i32
      %dma_start3A_44 = tpu.memref_slice %arg9[%dma_start3A_43] : memref<10112xi32, #tpu.memory_space<vmem>> -> memref<128xi32, #tpu.memory_space<vmem>>
      %dma_start3A_45 = arith.constant 0 : i32
      %dma_start3A_46 = arith.constant 0 : i32
      %dma_start3A_47 = tpu.memref_slice %arg2[%dma_start3A_45, %dma_start3A_46] : memref<10240x128xf32, #tpu.memory_space<hbm>> -> memref<10240x128xf32, #tpu.memory_space<hbm>>
      tpu.enqueue_indirect_dma source(%dma_start3A_47 : memref<10240x128xf32, #tpu.memory_space<hbm>>) target(%dma_start3A_42 : memref<128x128xf32, #tpu.memory_space<vmem>>) offsets(%dma_start3A_44 : memref<128xi32, #tpu.memory_space<vmem>>) semaphore(%arg14 : memref<!tpu.dma_semaphore, #tpu.memory_space<semaphore_mem>>)
      %scan3A = arith.constant 0 : i32
      %scan3A_48 = arith.constant 0 : i32
      %scan3A_49 = arith.constant 39 : i32
      %scan3A_50 = arith.addi %scan3A_48, %scan3A_49 : i32
      %scan3A_51 = arith.constant 1 : i32
      scf.for %scan3A_65 = %scan3A_48 to %scan3A_50 step %scan3A_51  : i32 {
        %mul3A_66 = arith.constant 2 : i32
        %mul3A_67 = arith.muli %mul3A_66, %scan3A_65 : i32
        %gt3A = arith.constant 0 : i32
        %gt3A_68 = arith.cmpi sgt, %mul3A_67, %gt3A : i32
        %convert_element_type3A_69 = arith.extui %gt3A_68 : i1 to i32
        %cond3A_70 = arith.constant 0 : i32
        %cond3A_71 = arith.cmpi ne, %convert_element_type3A_69, %cond3A_70 : i32
        scf.if %cond3A_71 {
          %dma_wait3A_137 = arith.constant 0 : i32
          %dma_wait3A_138 = arith.constant 0 : i32
          %dma_wait3A_139 = arith.constant 0 : i32
          %dma_wait3A_140 = tpu.memref_slice %arg12[%dma_wait3A_137, %dma_wait3A_138, %dma_wait3A_139] : memref<2x128x128xf32, #tpu.memory_space<vmem>> -> memref<1x128x128xf32, #tpu.memory_space<vmem>>
          %dma_wait3A_141 = tpu.memref_squeeze %dma_wait3A_140 : memref<1x128x128xf32, #tpu.memory_space<vmem>> -> memref<128x128xf32, #tpu.memory_space<vmem>>
          %dma_wait3A_142 = arith.constant 0 : i32
          %dma_wait3A_143 = arith.constant 0 : i32
          %dma_wait3A_144 = tpu.memref_slice %arg13[%dma_wait3A_142, %dma_wait3A_143] : memref<10240x128xf32, #tpu.memory_space<vmem_shared>> -> memref<10240x128xf32, #tpu.memory_space<vmem_shared>>
          tpu.wait_indirect_dma semaphore(%arg16 : memref<!tpu.dma_semaphore, #tpu.memory_space<semaphore_mem>>) src(%dma_wait3A_141 : memref<128x128xf32, #tpu.memory_space<vmem>>) dst(%dma_wait3A_144 : memref<10240x128xf32, #tpu.memory_space<vmem_shared>>)
        } else {
        }
        %add3A_72 = arith.constant 1 : i32
        %add3A_73 = arith.addi %mul3A_67, %add3A_72 : i32
        %lt3A_74 = arith.cmpi slt, %add3A_73, %add3A_3 : i32
        %convert_element_type3A_75 = arith.extui %lt3A_74 : i1 to i32
        %cond3A_76 = arith.constant 0 : i32
        %cond3A_77 = arith.cmpi ne, %convert_element_type3A_75, %cond3A_76 : i32
        scf.if %cond3A_77 {
          %add3A_137 = arith.constant 1 : i32
          %add3A_138 = arith.addi %mul3A_67, %add3A_137 : i32
          %mul3A_139 = arith.constant 128 : i32
          %mul3A_140 = arith.muli %add3A_138, %mul3A_139 : i32
          %add3A_141 = arith.addi %add3A_29, %mul3A_140 : i32
          %dma_start3A_142 = tpu.memref_slice %arg5[%add3A_141] : memref<320000xi32, #tpu.memory_space<hbm>> -> memref<128xi32, #tpu.memory_space<hbm>>
          %dma_start3A_143 = tpu.memref_slice %arg5[%add3A_141] : memref<320000xi32, #tpu.memory_space<hbm>> -> memref<128xi32, #tpu.memory_space<hbm>>
          tpu.enqueue_dma source(%dma_start3A_143 : memref<128xi32, #tpu.memory_space<hbm>>) target(%arg11 : memref<128xi32, #tpu.memory_space<vmem>>) target_semaphore(%arg15 : memref<!tpu.dma_semaphore, #tpu.memory_space<semaphore_mem>>)
          %add3A_144 = arith.constant 1 : i32
          %add3A_145 = arith.addi %mul3A_67, %add3A_144 : i32
          %mul3A_146 = arith.constant 128 : i32
          %mul3A_147 = arith.muli %add3A_145, %mul3A_146 : i32
          %dma_start3A_148 = arith.constant 1 : i32
          %dma_start3A_149 = arith.constant 0 : i32
          %dma_start3A_150 = arith.constant 0 : i32
          %dma_start3A_151 = tpu.memref_slice %arg12[%dma_start3A_148, %dma_start3A_149, %dma_start3A_150] : memref<2x128x128xf32, #tpu.memory_space<vmem>> -> memref<1x128x128xf32, #tpu.memory_space<vmem>>
          %dma_start3A_152 = tpu.memref_squeeze %dma_start3A_151 : memref<1x128x128xf32, #tpu.memory_space<vmem>> -> memref<128x128xf32, #tpu.memory_space<vmem>>
          %dma_start3A_153 = tpu.memref_slice %arg9[%mul3A_147] : memref<10112xi32, #tpu.memory_space<vmem>> -> memref<128xi32, #tpu.memory_space<vmem>>
          %dma_start3A_154 = arith.constant 0 : i32
          %dma_start3A_155 = arith.constant 0 : i32
          %dma_start3A_156 = tpu.memref_slice %arg2[%dma_start3A_154, %dma_start3A_155] : memref<10240x128xf32, #tpu.memory_space<hbm>> -> memref<10240x128xf32, #tpu.memory_space<hbm>>
          tpu.enqueue_indirect_dma source(%dma_start3A_156 : memref<10240x128xf32, #tpu.memory_space<hbm>>) target(%dma_start3A_152 : memref<128x128xf32, #tpu.memory_space<vmem>>) offsets(%dma_start3A_153 : memref<128xi32, #tpu.memory_space<vmem>>) semaphore(%arg14 : memref<!tpu.dma_semaphore, #tpu.memory_space<semaphore_mem>>)
        } else {
        }
        %dma_wait3A_78 = arith.constant 0 : i32
        %dma_wait3A_79 = arith.constant 0 : i32
        %dma_wait3A_80 = arith.constant 0 : i32
        %dma_wait3A_81 = tpu.memref_slice %arg12[%dma_wait3A_78, %dma_wait3A_79, %dma_wait3A_80] : memref<2x128x128xf32, #tpu.memory_space<vmem>> -> memref<1x128x128xf32, #tpu.memory_space<vmem>>
        %dma_wait3A_82 = tpu.memref_squeeze %dma_wait3A_81 : memref<1x128x128xf32, #tpu.memory_space<vmem>> -> memref<128x128xf32, #tpu.memory_space<vmem>>
        %dma_wait3A_83 = arith.constant 0 : i32
        %dma_wait3A_84 = tpu.memref_slice %arg9[%dma_wait3A_83] : memref<10112xi32, #tpu.memory_space<vmem>> -> memref<128xi32, #tpu.memory_space<vmem>>
        %dma_wait3A_85 = arith.constant 0 : i32
        %dma_wait3A_86 = arith.constant 0 : i32
        %dma_wait3A_87 = tpu.memref_slice %arg2[%dma_wait3A_85, %dma_wait3A_86] : memref<10240x128xf32, #tpu.memory_space<hbm>> -> memref<10240x128xf32, #tpu.memory_space<hbm>>
        tpu.wait_indirect_dma semaphore(%arg14 : memref<!tpu.dma_semaphore, #tpu.memory_space<semaphore_mem>>) src(%dma_wait3A_87 : memref<10240x128xf32, #tpu.memory_space<hbm>>) dst(%dma_wait3A_82 : memref<128x128xf32, #tpu.memory_space<vmem>>)
        %dma_wait3A_88 = arith.constant 0 : i32
        %dma_wait3A_89 = tpu.memref_slice %arg5[%dma_wait3A_88] : memref<320000xi32, #tpu.memory_space<hbm>> -> memref<128xi32, #tpu.memory_space<hbm>>
        %dma_wait3A_90 = arith.constant 0 : i32
        %dma_wait3A_91 = tpu.memref_slice %arg5[%dma_wait3A_90] : memref<320000xi32, #tpu.memory_space<hbm>> -> memref<128xi32, #tpu.memory_space<hbm>>
        tpu.wait_dma2 semaphore(%arg15 : memref<!tpu.dma_semaphore, #tpu.memory_space<semaphore_mem>>) src(%dma_wait3A_91 : memref<128xi32, #tpu.memory_space<hbm>>) dst(%arg10 : memref<128xi32, #tpu.memory_space<vmem>>)
        %dma_start3A_92 = arith.constant 0 : i32
        %dma_start3A_93 = arith.constant 0 : i32
        %dma_start3A_94 = arith.constant 0 : i32
        %dma_start3A_95 = tpu.memref_slice %arg12[%dma_start3A_92, %dma_start3A_93, %dma_start3A_94] : memref<2x128x128xf32, #tpu.memory_space<vmem>> -> memref<1x128x128xf32, #tpu.memory_space<vmem>>
        %dma_start3A_96 = tpu.memref_squeeze %dma_start3A_95 : memref<1x128x128xf32, #tpu.memory_space<vmem>> -> memref<128x128xf32, #tpu.memory_space<vmem>>
        %dma_start3A_97 = arith.constant 0 : i32
        %dma_start3A_98 = arith.constant 0 : i32
        %dma_start3A_99 = tpu.memref_slice %arg13[%dma_start3A_97, %dma_start3A_98] : memref<10240x128xf32, #tpu.memory_space<vmem_shared>> -> memref<10240x128xf32, #tpu.memory_space<vmem_shared>>
        tpu.enqueue_indirect_dma source(%dma_start3A_96 : memref<128x128xf32, #tpu.memory_space<vmem>>) target(%dma_start3A_99 : memref<10240x128xf32, #tpu.memory_space<vmem_shared>>) offsets(%arg10 : memref<128xi32, #tpu.memory_space<vmem>>) semaphore(%arg16 : memref<!tpu.dma_semaphore, #tpu.memory_space<semaphore_mem>>) {add = true}
        %mul3A_100 = arith.constant 2 : i32
        %mul3A_101 = arith.muli %mul3A_100, %scan3A_65 : i32
        %add3A_102 = arith.constant 1 : i32
        %add3A_103 = arith.addi %mul3A_101, %add3A_102 : i32
        %gt3A_104 = arith.constant 0 : i32
        %gt3A_105 = arith.cmpi sgt, %add3A_103, %gt3A_104 : i32
        %convert_element_type3A_106 = arith.extui %gt3A_105 : i1 to i32
        %cond3A_107 = arith.constant 0 : i32
        %cond3A_108 = arith.cmpi ne, %convert_element_type3A_106, %cond3A_107 : i32
        scf.if %cond3A_108 {
          %dma_wait3A_137 = arith.constant 0 : i32
          %dma_wait3A_138 = arith.constant 0 : i32
          %dma_wait3A_139 = arith.constant 0 : i32
          %dma_wait3A_140 = tpu.memref_slice %arg12[%dma_wait3A_137, %dma_wait3A_138, %dma_wait3A_139] : memref<2x128x128xf32, #tpu.memory_space<vmem>> -> memref<1x128x128xf32, #tpu.memory_space<vmem>>
          %dma_wait3A_141 = tpu.memref_squeeze %dma_wait3A_140 : memref<1x128x128xf32, #tpu.memory_space<vmem>> -> memref<128x128xf32, #tpu.memory_space<vmem>>
          %dma_wait3A_142 = arith.constant 0 : i32
          %dma_wait3A_143 = arith.constant 0 : i32
          %dma_wait3A_144 = tpu.memref_slice %arg13[%dma_wait3A_142, %dma_wait3A_143] : memref<10240x128xf32, #tpu.memory_space<vmem_shared>> -> memref<10240x128xf32, #tpu.memory_space<vmem_shared>>
          tpu.wait_indirect_dma semaphore(%arg16 : memref<!tpu.dma_semaphore, #tpu.memory_space<semaphore_mem>>) src(%dma_wait3A_141 : memref<128x128xf32, #tpu.memory_space<vmem>>) dst(%dma_wait3A_144 : memref<10240x128xf32, #tpu.memory_space<vmem_shared>>)
        } else {
        }
        %add3A_109 = arith.constant 1 : i32
        %add3A_110 = arith.addi %add3A_103, %add3A_109 : i32
        %lt3A_111 = arith.cmpi slt, %add3A_110, %add3A_3 : i32
        %convert_element_type3A_112 = arith.extui %lt3A_111 : i1 to i32
        %cond3A_113 = arith.constant 0 : i32
        %cond3A_114 = arith.cmpi ne, %convert_element_type3A_112, %cond3A_113 : i32
        scf.if %cond3A_114 {
          %add3A_137 = arith.constant 1 : i32
          %add3A_138 = arith.addi %add3A_103, %add3A_137 : i32
          %mul3A_139 = arith.constant 128 : i32
          %mul3A_140 = arith.muli %add3A_138, %mul3A_139 : i32
          %add3A_141 = arith.addi %add3A_29, %mul3A_140 : i32
          %dma_start3A_142 = tpu.memref_slice %arg5[%add3A_141] : memref<320000xi32, #tpu.memory_space<hbm>> -> memref<128xi32, #tpu.memory_space<hbm>>
          %dma_start3A_143 = tpu.memref_slice %arg5[%add3A_141] : memref<320000xi32, #tpu.memory_space<hbm>> -> memref<128xi32, #tpu.memory_space<hbm>>
          tpu.enqueue_dma source(%dma_start3A_143 : memref<128xi32, #tpu.memory_space<hbm>>) target(%arg10 : memref<128xi32, #tpu.memory_space<vmem>>) target_semaphore(%arg15 : memref<!tpu.dma_semaphore, #tpu.memory_space<semaphore_mem>>)
          %add3A_144 = arith.constant 1 : i32
          %add3A_145 = arith.addi %add3A_103, %add3A_144 : i32
          %mul3A_146 = arith.constant 128 : i32
          %mul3A_147 = arith.muli %add3A_145, %mul3A_146 : i32
          %dma_start3A_148 = arith.constant 0 : i32
          %dma_start3A_149 = arith.constant 0 : i32
          %dma_start3A_150 = arith.constant 0 : i32
          %dma_start3A_151 = tpu.memref_slice %arg12[%dma_start3A_148, %dma_start3A_149, %dma_start3A_150] : memref<2x128x128xf32, #tpu.memory_space<vmem>> -> memref<1x128x128xf32, #tpu.memory_space<vmem>>
          %dma_start3A_152 = tpu.memref_squeeze %dma_start3A_151 : memref<1x128x128xf32, #tpu.memory_space<vmem>> -> memref<128x128xf32, #tpu.memory_space<vmem>>
          %dma_start3A_153 = tpu.memref_slice %arg9[%mul3A_147] : memref<10112xi32, #tpu.memory_space<vmem>> -> memref<128xi32, #tpu.memory_space<vmem>>
          %dma_start3A_154 = arith.constant 0 : i32
          %dma_start3A_155 = arith.constant 0 : i32
          %dma_start3A_156 = tpu.memref_slice %arg2[%dma_start3A_154, %dma_start3A_155] : memref<10240x128xf32, #tpu.memory_space<hbm>> -> memref<10240x128xf32, #tpu.memory_space<hbm>>
          tpu.enqueue_indirect_dma source(%dma_start3A_156 : memref<10240x128xf32, #tpu.memory_space<hbm>>) target(%dma_start3A_152 : memref<128x128xf32, #tpu.memory_space<vmem>>) offsets(%dma_start3A_153 : memref<128xi32, #tpu.memory_space<vmem>>) semaphore(%arg14 : memref<!tpu.dma_semaphore, #tpu.memory_space<semaphore_mem>>)
        } else {
        }
        %dma_wait3A_115 = arith.constant 1 : i32
        %dma_wait3A_116 = arith.constant 0 : i32
        %dma_wait3A_117 = arith.constant 0 : i32
        %dma_wait3A_118 = tpu.memref_slice %arg12[%dma_wait3A_115, %dma_wait3A_116, %dma_wait3A_117] : memref<2x128x128xf32, #tpu.memory_space<vmem>> -> memref<1x128x128xf32, #tpu.memory_space<vmem>>
        %dma_wait3A_119 = tpu.memref_squeeze %dma_wait3A_118 : memref<1x128x128xf32, #tpu.memory_space<vmem>> -> memref<128x128xf32, #tpu.memory_space<vmem>>
        %dma_wait3A_120 = arith.constant 0 : i32
        %dma_wait3A_121 = tpu.memref_slice %arg9[%dma_wait3A_120] : memref<10112xi32, #tpu.memory_space<vmem>> -> memref<128xi32, #tpu.memory_space<vmem>>
        %dma_wait3A_122 = arith.constant 0 : i32
        %dma_wait3A_123 = arith.constant 0 : i32
        %dma_wait3A_124 = tpu.memref_slice %arg2[%dma_wait3A_122, %dma_wait3A_123] : memref<10240x128xf32, #tpu.memory_space<hbm>> -> memref<10240x128xf32, #tpu.memory_space<hbm>>
        tpu.wait_indirect_dma semaphore(%arg14 : memref<!tpu.dma_semaphore, #tpu.memory_space<semaphore_mem>>) src(%dma_wait3A_124 : memref<10240x128xf32, #tpu.memory_space<hbm>>) dst(%dma_wait3A_119 : memref<128x128xf32, #tpu.memory_space<vmem>>)
        %dma_wait3A_125 = arith.constant 0 : i32
        %dma_wait3A_126 = tpu.memref_slice %arg5[%dma_wait3A_125] : memref<320000xi32, #tpu.memory_space<hbm>> -> memref<128xi32, #tpu.memory_space<hbm>>
        %dma_wait3A_127 = arith.constant 0 : i32
        %dma_wait3A_128 = tpu.memref_slice %arg5[%dma_wait3A_127] : memref<320000xi32, #tpu.memory_space<hbm>> -> memref<128xi32, #tpu.memory_space<hbm>>
        tpu.wait_dma2 semaphore(%arg15 : memref<!tpu.dma_semaphore, #tpu.memory_space<semaphore_mem>>) src(%dma_wait3A_128 : memref<128xi32, #tpu.memory_space<hbm>>) dst(%arg11 : memref<128xi32, #tpu.memory_space<vmem>>)
        %dma_start3A_129 = arith.constant 1 : i32
        %dma_start3A_130 = arith.constant 0 : i32
        %dma_start3A_131 = arith.constant 0 : i32
        %dma_start3A_132 = tpu.memref_slice %arg12[%dma_start3A_129, %dma_start3A_130, %dma_start3A_131] : memref<2x128x128xf32, #tpu.memory_space<vmem>> -> memref<1x128x128xf32, #tpu.memory_space<vmem>>
        %dma_start3A_133 = tpu.memref_squeeze %dma_start3A_132 : memref<1x128x128xf32, #tpu.memory_space<vmem>> -> memref<128x128xf32, #tpu.memory_space<vmem>>
        %dma_start3A_134 = arith.constant 0 : i32
        %dma_start3A_135 = arith.constant 0 : i32
        %dma_start3A_136 = tpu.memref_slice %arg13[%dma_start3A_134, %dma_start3A_135] : memref<10240x128xf32, #tpu.memory_space<vmem_shared>> -> memref<10240x128xf32, #tpu.memory_space<vmem_shared>>
        tpu.enqueue_indirect_dma source(%dma_start3A_133 : memref<128x128xf32, #tpu.memory_space<vmem>>) target(%dma_start3A_136 : memref<10240x128xf32, #tpu.memory_space<vmem_shared>>) offsets(%arg11 : memref<128xi32, #tpu.memory_space<vmem>>) semaphore(%arg16 : memref<!tpu.dma_semaphore, #tpu.memory_space<semaphore_mem>>) {add = true}
      }
      %scan3A_52 = arith.constant 39 : i32
      %lt3A_53 = arith.constant 2 : i32
      %lt3A_54 = arith.cmpi slt, %arg1, %lt3A_53 : i32
      %convert_element_type3A_55 = arith.extui %lt3A_54 : i1 to i32
      %cond3A_56 = arith.constant 0 : i32
      %cond3A_57 = arith.cmpi ne, %convert_element_type3A_55, %cond3A_56 : i32
      scf.if %cond3A_57 {
        %dma_wait3A_65 = arith.constant 0 : i32
        %dma_wait3A_66 = arith.constant 0 : i32
        %dma_wait3A_67 = arith.constant 0 : i32
        %dma_wait3A_68 = tpu.memref_slice %arg12[%dma_wait3A_65, %dma_wait3A_66, %dma_wait3A_67] : memref<2x128x128xf32, #tpu.memory_space<vmem>> -> memref<1x128x128xf32, #tpu.memory_space<vmem>>
        %dma_wait3A_69 = tpu.memref_squeeze %dma_wait3A_68 : memref<1x128x128xf32, #tpu.memory_space<vmem>> -> memref<128x128xf32, #tpu.memory_space<vmem>>
        %dma_wait3A_70 = arith.constant 0 : i32
        %dma_wait3A_71 = arith.constant 0 : i32
        %dma_wait3A_72 = tpu.memref_slice %arg13[%dma_wait3A_70, %dma_wait3A_71] : memref<10240x128xf32, #tpu.memory_space<vmem_shared>> -> memref<10240x128xf32, #tpu.memory_space<vmem_shared>>
        tpu.wait_indirect_dma semaphore(%arg16 : memref<!tpu.dma_semaphore, #tpu.memory_space<semaphore_mem>>) src(%dma_wait3A_69 : memref<128x128xf32, #tpu.memory_space<vmem>>) dst(%dma_wait3A_72 : memref<10240x128xf32, #tpu.memory_space<vmem_shared>>)
        %dma_wait3A_73 = arith.constant 0 : i32
        %dma_wait3A_74 = arith.constant 0 : i32
        %dma_wait3A_75 = arith.constant 0 : i32
        %dma_wait3A_76 = tpu.memref_slice %arg12[%dma_wait3A_73, %dma_wait3A_74, %dma_wait3A_75] : memref<2x128x128xf32, #tpu.memory_space<vmem>> -> memref<1x128x128xf32, #tpu.memory_space<vmem>>
        %dma_wait3A_77 = tpu.memref_squeeze %dma_wait3A_76 : memref<1x128x128xf32, #tpu.memory_space<vmem>> -> memref<128x128xf32, #tpu.memory_space<vmem>>
        %dma_wait3A_78 = arith.constant 0 : i32
        %dma_wait3A_79 = tpu.memref_slice %arg9[%dma_wait3A_78] : memref<10112xi32, #tpu.memory_space<vmem>> -> memref<128xi32, #tpu.memory_space<vmem>>
        %dma_wait3A_80 = arith.constant 0 : i32
        %dma_wait3A_81 = arith.constant 0 : i32
        %dma_wait3A_82 = tpu.memref_slice %arg2[%dma_wait3A_80, %dma_wait3A_81] : memref<10240x128xf32, #tpu.memory_space<hbm>> -> memref<10240x128xf32, #tpu.memory_space<hbm>>
        tpu.wait_indirect_dma semaphore(%arg14 : memref<!tpu.dma_semaphore, #tpu.memory_space<semaphore_mem>>) src(%dma_wait3A_82 : memref<10240x128xf32, #tpu.memory_space<hbm>>) dst(%dma_wait3A_77 : memref<128x128xf32, #tpu.memory_space<vmem>>)
        %dma_wait3A_83 = arith.constant 0 : i32
        %dma_wait3A_84 = tpu.memref_slice %arg5[%dma_wait3A_83] : memref<320000xi32, #tpu.memory_space<hbm>> -> memref<128xi32, #tpu.memory_space<hbm>>
        %dma_wait3A_85 = arith.constant 0 : i32
        %dma_wait3A_86 = tpu.memref_slice %arg5[%dma_wait3A_85] : memref<320000xi32, #tpu.memory_space<hbm>> -> memref<128xi32, #tpu.memory_space<hbm>>
        tpu.wait_dma2 semaphore(%arg15 : memref<!tpu.dma_semaphore, #tpu.memory_space<semaphore_mem>>) src(%dma_wait3A_86 : memref<128xi32, #tpu.memory_space<hbm>>) dst(%arg10 : memref<128xi32, #tpu.memory_space<vmem>>)
        %dma_start3A_87 = arith.constant 0 : i32
        %dma_start3A_88 = arith.constant 0 : i32
        %dma_start3A_89 = arith.constant 0 : i32
        %dma_start3A_90 = tpu.memref_slice %arg12[%dma_start3A_87, %dma_start3A_88, %dma_start3A_89] : memref<2x128x128xf32, #tpu.memory_space<vmem>> -> memref<1x128x128xf32, #tpu.memory_space<vmem>>
        %dma_start3A_91 = tpu.memref_squeeze %dma_start3A_90 : memref<1x128x128xf32, #tpu.memory_space<vmem>> -> memref<128x128xf32, #tpu.memory_space<vmem>>
        %dma_start3A_92 = arith.constant 0 : i32
        %dma_start3A_93 = arith.constant 0 : i32
        %dma_start3A_94 = tpu.memref_slice %arg13[%dma_start3A_92, %dma_start3A_93] : memref<10240x128xf32, #tpu.memory_space<vmem_shared>> -> memref<10240x128xf32, #tpu.memory_space<vmem_shared>>
        tpu.enqueue_indirect_dma source(%dma_start3A_91 : memref<128x128xf32, #tpu.memory_space<vmem>>) target(%dma_start3A_94 : memref<10240x128xf32, #tpu.memory_space<vmem_shared>>) offsets(%arg10 : memref<128xi32, #tpu.memory_space<vmem>>) semaphore(%arg16 : memref<!tpu.dma_semaphore, #tpu.memory_space<semaphore_mem>>) {add = true}
      } else {
      }
      %dma_wait3A = arith.constant 0 : i32
      %dma_wait3A_58 = arith.constant 0 : i32
      %dma_wait3A_59 = arith.constant 0 : i32
      %dma_wait3A_60 = tpu.memref_slice %arg12[%dma_wait3A, %dma_wait3A_58, %dma_wait3A_59] : memref<2x128x128xf32, #tpu.memory_space<vmem>> -> memref<1x128x128xf32, #tpu.memory_space<vmem>>
      %dma_wait3A_61 = tpu.memref_squeeze %dma_wait3A_60 : memref<1x128x128xf32, #tpu.memory_space<vmem>> -> memref<128x128xf32, #tpu.memory_space<vmem>>
      %dma_wait3A_62 = arith.constant 0 : i32
      %dma_wait3A_63 = arith.constant 0 : i32
      %dma_wait3A_64 = tpu.memref_slice %arg13[%dma_wait3A_62, %dma_wait3A_63] : memref<10240x128xf32, #tpu.memory_space<vmem_shared>> -> memref<10240x128xf32, #tpu.memory_space<vmem_shared>>
      tpu.wait_indirect_dma semaphore(%arg16 : memref<!tpu.dma_semaphore, #tpu.memory_space<semaphore_mem>>) src(%dma_wait3A_61 : memref<128x128xf32, #tpu.memory_space<vmem>>) dst(%dma_wait3A_64 : memref<10240x128xf32, #tpu.memory_space<vmem_shared>>)
    } else {
    }
    %eq3A_6 = arith.constant 1 : i32
    %eq3A_7 = arith.cmpi eq, %arg0, %eq3A_6 : i32
    %convert_element_type3A_8 = arith.extui %eq3A_7 : i1 to i32
    %cond3A_9 = arith.constant 0 : i32
    %cond3A_10 = arith.cmpi ne, %convert_element_type3A_8, %cond3A_9 : i32
    scf.if %cond3A_10 {
      %mul3A_22 = arith.constant 78 : i32
      %mul3A_23 = arith.muli %mul3A_22, %arg1 : i32
      %min3A = arith.constant 2 : i32
      %min3A_24 = arith.minsi %arg1, %min3A : i32
      %add3A_25 = arith.addi %mul3A_23, %min3A_24 : i32
      %mul3A_26 = arith.constant 128 : i32
      %mul3A_27 = arith.muli %add3A_25, %mul3A_26 : i32
      %add3A_28 = arith.constant 160000 : i32
      %add3A_29 = arith.addi %add3A_28, %mul3A_27 : i32
      "tpu.region"() ({
        %run_scoped3A = tpu.sem_alloc : memref<!tpu.dma_semaphore, #tpu.memory_space<semaphore_mem>>
        %dma_start3A_65 = arith.constant 0 : i32
        %dma_start3A_66 = tpu.memref_slice %arg9[%dma_start3A_65] : memref<10112xi32, #tpu.memory_space<vmem>> -> memref<9984xi32, #tpu.memory_space<vmem>>
        %dma_start3A_67 = tpu.memref_slice %arg4[%add3A_29] : memref<320000xi32, #tpu.memory_space<hbm>> -> memref<9984xi32, #tpu.memory_space<hbm>>
        %dma_start3A_68 = arith.constant 0 : i32
        %dma_start3A_69 = tpu.memref_slice %arg9[%dma_start3A_68] : memref<10112xi32, #tpu.memory_space<vmem>> -> memref<9984xi32, #tpu.memory_space<vmem>>
        %dma_start3A_70 = tpu.memref_slice %arg4[%add3A_29] : memref<320000xi32, #tpu.memory_space<hbm>> -> memref<9984xi32, #tpu.memory_space<hbm>>
        tpu.enqueue_dma source(%dma_start3A_70 : memref<9984xi32, #tpu.memory_space<hbm>>) target(%dma_start3A_69 : memref<9984xi32, #tpu.memory_space<vmem>>) target_semaphore(%run_scoped3A : memref<!tpu.dma_semaphore, #tpu.memory_space<semaphore_mem>>)
        %dma_wait3A_71 = arith.constant 0 : i32
        %dma_wait3A_72 = tpu.memref_slice %arg9[%dma_wait3A_71] : memref<10112xi32, #tpu.memory_space<vmem>> -> memref<9984xi32, #tpu.memory_space<vmem>>
        %dma_wait3A_73 = tpu.memref_slice %arg4[%add3A_29] : memref<320000xi32, #tpu.memory_space<hbm>> -> memref<9984xi32, #tpu.memory_space<hbm>>
        %dma_wait3A_74 = arith.constant 0 : i32
        %dma_wait3A_75 = tpu.memref_slice %arg9[%dma_wait3A_74] : memref<10112xi32, #tpu.memory_space<vmem>> -> memref<9984xi32, #tpu.memory_space<vmem>>
        %dma_wait3A_76 = tpu.memref_slice %arg4[%add3A_29] : memref<320000xi32, #tpu.memory_space<hbm>> -> memref<9984xi32, #tpu.memory_space<hbm>>
        tpu.wait_dma2 semaphore(%run_scoped3A : memref<!tpu.dma_semaphore, #tpu.memory_space<semaphore_mem>>) src(%dma_wait3A_76 : memref<9984xi32, #tpu.memory_space<hbm>>) dst(%dma_wait3A_75 : memref<9984xi32, #tpu.memory_space<vmem>>)
        tpu.yield
      }) : () -> ()
      %lt3A_30 = arith.constant 2 : i32
      %lt3A_31 = arith.cmpi slt, %arg1, %lt3A_30 : i32
      %convert_element_type3A_32 = arith.extui %lt3A_31 : i1 to i32
      %cond3A_33 = arith.constant 0 : i32
      %cond3A_34 = arith.cmpi ne, %convert_element_type3A_32, %cond3A_33 : i32
      scf.if %cond3A_34 {
        %add3A_65 = arith.constant 9984 : i32
        %add3A_66 = arith.addi %add3A_29, %add3A_65 : i32
        "tpu.region"() ({
          %run_scoped3A = tpu.sem_alloc : memref<!tpu.dma_semaphore, #tpu.memory_space<semaphore_mem>>
          %dma_start3A_67 = arith.constant 9984 : i32
          %dma_start3A_68 = tpu.memref_slice %arg9[%dma_start3A_67] : memref<10112xi32, #tpu.memory_space<vmem>> -> memref<128xi32, #tpu.memory_space<vmem>>
          %dma_start3A_69 = tpu.memref_slice %arg4[%add3A_66] : memref<320000xi32, #tpu.memory_space<hbm>> -> memref<128xi32, #tpu.memory_space<hbm>>
          %dma_start3A_70 = arith.constant 9984 : i32
          %dma_start3A_71 = tpu.memref_slice %arg9[%dma_start3A_70] : memref<10112xi32, #tpu.memory_space<vmem>> -> memref<128xi32, #tpu.memory_space<vmem>>
          %dma_start3A_72 = tpu.memref_slice %arg4[%add3A_66] : memref<320000xi32, #tpu.memory_space<hbm>> -> memref<128xi32, #tpu.memory_space<hbm>>
          tpu.enqueue_dma source(%dma_start3A_72 : memref<128xi32, #tpu.memory_space<hbm>>) target(%dma_start3A_71 : memref<128xi32, #tpu.memory_space<vmem>>) target_semaphore(%run_scoped3A : memref<!tpu.dma_semaphore, #tpu.memory_space<semaphore_mem>>)
          %dma_wait3A_73 = arith.constant 9984 : i32
          %dma_wait3A_74 = tpu.memref_slice %arg9[%dma_wait3A_73] : memref<10112xi32, #tpu.memory_space<vmem>> -> memref<128xi32, #tpu.memory_space<vmem>>
          %dma_wait3A_75 = tpu.memref_slice %arg4[%add3A_66] : memref<320000xi32, #tpu.memory_space<hbm>> -> memref<128xi32, #tpu.memory_space<hbm>>
          %dma_wait3A_76 = arith.constant 9984 : i32
          %dma_wait3A_77 = tpu.memref_slice %arg9[%dma_wait3A_76] : memref<10112xi32, #tpu.memory_space<vmem>> -> memref<128xi32, #tpu.memory_space<vmem>>
          %dma_wait3A_78 = tpu.memref_slice %arg4[%add3A_66] : memref<320000xi32, #tpu.memory_space<hbm>> -> memref<128xi32, #tpu.memory_space<hbm>>
          tpu.wait_dma2 semaphore(%run_scoped3A : memref<!tpu.dma_semaphore, #tpu.memory_space<semaphore_mem>>) src(%dma_wait3A_78 : memref<128xi32, #tpu.memory_space<hbm>>) dst(%dma_wait3A_77 : memref<128xi32, #tpu.memory_space<vmem>>)
          tpu.yield
        }) : () -> ()
      } else {
      }
      %add3A_35 = arith.constant 0 : i32
      %add3A_36 = arith.addi %add3A_29, %add3A_35 : i32
      %dma_start3A = tpu.memref_slice %arg5[%add3A_36] : memref<320000xi32, #tpu.memory_space<hbm>> -> memref<128xi32, #tpu.memory_space<hbm>>
      %dma_start3A_37 = tpu.memref_slice %arg5[%add3A_36] : memref<320000xi32, #tpu.memory_space<hbm>> -> memref<128xi32, #tpu.memory_space<hbm>>
      tpu.enqueue_dma source(%dma_start3A_37 : memref<128xi32, #tpu.memory_space<hbm>>) target(%arg10 : memref<128xi32, #tpu.memory_space<vmem>>) target_semaphore(%arg15 : memref<!tpu.dma_semaphore, #tpu.memory_space<semaphore_mem>>)
      %dma_start3A_38 = arith.constant 0 : i32
      %dma_start3A_39 = arith.constant 0 : i32
      %dma_start3A_40 = arith.constant 0 : i32
      %dma_start3A_41 = tpu.memref_slice %arg12[%dma_start3A_38, %dma_start3A_39, %dma_start3A_40] : memref<2x128x128xf32, #tpu.memory_space<vmem>> -> memref<1x128x128xf32, #tpu.memory_space<vmem>>
      %dma_start3A_42 = tpu.memref_squeeze %dma_start3A_41 : memref<1x128x128xf32, #tpu.memory_space<vmem>> -> memref<128x128xf32, #tpu.memory_space<vmem>>
      %dma_start3A_43 = arith.constant 0 : i32
      %dma_start3A_44 = tpu.memref_slice %arg9[%dma_start3A_43] : memref<10112xi32, #tpu.memory_space<vmem>> -> memref<128xi32, #tpu.memory_space<vmem>>
      %dma_start3A_45 = arith.constant 0 : i32
      %dma_start3A_46 = arith.constant 0 : i32
      %dma_start3A_47 = tpu.memref_slice %arg3[%dma_start3A_45, %dma_start3A_46] : memref<10240x128xf32, #tpu.memory_space<hbm>> -> memref<10240x128xf32, #tpu.memory_space<hbm>>
      tpu.enqueue_indirect_dma source(%dma_start3A_47 : memref<10240x128xf32, #tpu.memory_space<hbm>>) target(%dma_start3A_42 : memref<128x128xf32, #tpu.memory_space<vmem>>) offsets(%dma_start3A_44 : memref<128xi32, #tpu.memory_space<vmem>>) semaphore(%arg14 : memref<!tpu.dma_semaphore, #tpu.memory_space<semaphore_mem>>)
      %scan3A = arith.constant 0 : i32
      %scan3A_48 = arith.constant 0 : i32
      %scan3A_49 = arith.constant 39 : i32
      %scan3A_50 = arith.addi %scan3A_48, %scan3A_49 : i32
      %scan3A_51 = arith.constant 1 : i32
      scf.for %scan3A_65 = %scan3A_48 to %scan3A_50 step %scan3A_51  : i32 {
        %mul3A_66 = arith.constant 2 : i32
        %mul3A_67 = arith.muli %mul3A_66, %scan3A_65 : i32
        %gt3A = arith.constant 0 : i32
        %gt3A_68 = arith.cmpi sgt, %mul3A_67, %gt3A : i32
        %convert_element_type3A_69 = arith.extui %gt3A_68 : i1 to i32
        %cond3A_70 = arith.constant 0 : i32
        %cond3A_71 = arith.cmpi ne, %convert_element_type3A_69, %cond3A_70 : i32
        scf.if %cond3A_71 {
          %dma_wait3A_137 = arith.constant 0 : i32
          %dma_wait3A_138 = arith.constant 0 : i32
          %dma_wait3A_139 = arith.constant 0 : i32
          %dma_wait3A_140 = tpu.memref_slice %arg12[%dma_wait3A_137, %dma_wait3A_138, %dma_wait3A_139] : memref<2x128x128xf32, #tpu.memory_space<vmem>> -> memref<1x128x128xf32, #tpu.memory_space<vmem>>
          %dma_wait3A_141 = tpu.memref_squeeze %dma_wait3A_140 : memref<1x128x128xf32, #tpu.memory_space<vmem>> -> memref<128x128xf32, #tpu.memory_space<vmem>>
          %dma_wait3A_142 = arith.constant 0 : i32
          %dma_wait3A_143 = arith.constant 0 : i32
          %dma_wait3A_144 = tpu.memref_slice %arg13[%dma_wait3A_142, %dma_wait3A_143] : memref<10240x128xf32, #tpu.memory_space<vmem_shared>> -> memref<10240x128xf32, #tpu.memory_space<vmem_shared>>
          tpu.wait_indirect_dma semaphore(%arg16 : memref<!tpu.dma_semaphore, #tpu.memory_space<semaphore_mem>>) src(%dma_wait3A_141 : memref<128x128xf32, #tpu.memory_space<vmem>>) dst(%dma_wait3A_144 : memref<10240x128xf32, #tpu.memory_space<vmem_shared>>)
        } else {
        }
        %add3A_72 = arith.constant 1 : i32
        %add3A_73 = arith.addi %mul3A_67, %add3A_72 : i32
        %lt3A_74 = arith.cmpi slt, %add3A_73, %add3A_3 : i32
        %convert_element_type3A_75 = arith.extui %lt3A_74 : i1 to i32
        %cond3A_76 = arith.constant 0 : i32
        %cond3A_77 = arith.cmpi ne, %convert_element_type3A_75, %cond3A_76 : i32
        scf.if %cond3A_77 {
          %add3A_137 = arith.constant 1 : i32
          %add3A_138 = arith.addi %mul3A_67, %add3A_137 : i32
          %mul3A_139 = arith.constant 128 : i32
          %mul3A_140 = arith.muli %add3A_138, %mul3A_139 : i32
          %add3A_141 = arith.addi %add3A_29, %mul3A_140 : i32
          %dma_start3A_142 = tpu.memref_slice %arg5[%add3A_141] : memref<320000xi32, #tpu.memory_space<hbm>> -> memref<128xi32, #tpu.memory_space<hbm>>
          %dma_start3A_143 = tpu.memref_slice %arg5[%add3A_141] : memref<320000xi32, #tpu.memory_space<hbm>> -> memref<128xi32, #tpu.memory_space<hbm>>
          tpu.enqueue_dma source(%dma_start3A_143 : memref<128xi32, #tpu.memory_space<hbm>>) target(%arg11 : memref<128xi32, #tpu.memory_space<vmem>>) target_semaphore(%arg15 : memref<!tpu.dma_semaphore, #tpu.memory_space<semaphore_mem>>)
          %add3A_144 = arith.constant 1 : i32
          %add3A_145 = arith.addi %mul3A_67, %add3A_144 : i32
          %mul3A_146 = arith.constant 128 : i32
          %mul3A_147 = arith.muli %add3A_145, %mul3A_146 : i32
          %dma_start3A_148 = arith.constant 1 : i32
          %dma_start3A_149 = arith.constant 0 : i32
          %dma_start3A_150 = arith.constant 0 : i32
          %dma_start3A_151 = tpu.memref_slice %arg12[%dma_start3A_148, %dma_start3A_149, %dma_start3A_150] : memref<2x128x128xf32, #tpu.memory_space<vmem>> -> memref<1x128x128xf32, #tpu.memory_space<vmem>>
          %dma_start3A_152 = tpu.memref_squeeze %dma_start3A_151 : memref<1x128x128xf32, #tpu.memory_space<vmem>> -> memref<128x128xf32, #tpu.memory_space<vmem>>
          %dma_start3A_153 = tpu.memref_slice %arg9[%mul3A_147] : memref<10112xi32, #tpu.memory_space<vmem>> -> memref<128xi32, #tpu.memory_space<vmem>>
          %dma_start3A_154 = arith.constant 0 : i32
          %dma_start3A_155 = arith.constant 0 : i32
          %dma_start3A_156 = tpu.memref_slice %arg3[%dma_start3A_154, %dma_start3A_155] : memref<10240x128xf32, #tpu.memory_space<hbm>> -> memref<10240x128xf32, #tpu.memory_space<hbm>>
          tpu.enqueue_indirect_dma source(%dma_start3A_156 : memref<10240x128xf32, #tpu.memory_space<hbm>>) target(%dma_start3A_152 : memref<128x128xf32, #tpu.memory_space<vmem>>) offsets(%dma_start3A_153 : memref<128xi32, #tpu.memory_space<vmem>>) semaphore(%arg14 : memref<!tpu.dma_semaphore, #tpu.memory_space<semaphore_mem>>)
        } else {
        }
        %dma_wait3A_78 = arith.constant 0 : i32
        %dma_wait3A_79 = arith.constant 0 : i32
        %dma_wait3A_80 = arith.constant 0 : i32
        %dma_wait3A_81 = tpu.memref_slice %arg12[%dma_wait3A_78, %dma_wait3A_79, %dma_wait3A_80] : memref<2x128x128xf32, #tpu.memory_space<vmem>> -> memref<1x128x128xf32, #tpu.memory_space<vmem>>
        %dma_wait3A_82 = tpu.memref_squeeze %dma_wait3A_81 : memref<1x128x128xf32, #tpu.memory_space<vmem>> -> memref<128x128xf32, #tpu.memory_space<vmem>>
        %dma_wait3A_83 = arith.constant 0 : i32
        %dma_wait3A_84 = tpu.memref_slice %arg9[%dma_wait3A_83] : memref<10112xi32, #tpu.memory_space<vmem>> -> memref<128xi32, #tpu.memory_space<vmem>>
        %dma_wait3A_85 = arith.constant 0 : i32
        %dma_wait3A_86 = arith.constant 0 : i32
        %dma_wait3A_87 = tpu.memref_slice %arg3[%dma_wait3A_85, %dma_wait3A_86] : memref<10240x128xf32, #tpu.memory_space<hbm>> -> memref<10240x128xf32, #tpu.memory_space<hbm>>
        tpu.wait_indirect_dma semaphore(%arg14 : memref<!tpu.dma_semaphore, #tpu.memory_space<semaphore_mem>>) src(%dma_wait3A_87 : memref<10240x128xf32, #tpu.memory_space<hbm>>) dst(%dma_wait3A_82 : memref<128x128xf32, #tpu.memory_space<vmem>>)
        %dma_wait3A_88 = arith.constant 0 : i32
        %dma_wait3A_89 = tpu.memref_slice %arg5[%dma_wait3A_88] : memref<320000xi32, #tpu.memory_space<hbm>> -> memref<128xi32, #tpu.memory_space<hbm>>
        %dma_wait3A_90 = arith.constant 0 : i32
        %dma_wait3A_91 = tpu.memref_slice %arg5[%dma_wait3A_90] : memref<320000xi32, #tpu.memory_space<hbm>> -> memref<128xi32, #tpu.memory_space<hbm>>
        tpu.wait_dma2 semaphore(%arg15 : memref<!tpu.dma_semaphore, #tpu.memory_space<semaphore_mem>>) src(%dma_wait3A_91 : memref<128xi32, #tpu.memory_space<hbm>>) dst(%arg10 : memref<128xi32, #tpu.memory_space<vmem>>)
        %dma_start3A_92 = arith.constant 0 : i32
        %dma_start3A_93 = arith.constant 0 : i32
        %dma_start3A_94 = arith.constant 0 : i32
        %dma_start3A_95 = tpu.memref_slice %arg12[%dma_start3A_92, %dma_start3A_93, %dma_start3A_94] : memref<2x128x128xf32, #tpu.memory_space<vmem>> -> memref<1x128x128xf32, #tpu.memory_space<vmem>>
        %dma_start3A_96 = tpu.memref_squeeze %dma_start3A_95 : memref<1x128x128xf32, #tpu.memory_space<vmem>> -> memref<128x128xf32, #tpu.memory_space<vmem>>
        %dma_start3A_97 = arith.constant 0 : i32
        %dma_start3A_98 = arith.constant 0 : i32
        %dma_start3A_99 = tpu.memref_slice %arg13[%dma_start3A_97, %dma_start3A_98] : memref<10240x128xf32, #tpu.memory_space<vmem_shared>> -> memref<10240x128xf32, #tpu.memory_space<vmem_shared>>
        tpu.enqueue_indirect_dma source(%dma_start3A_96 : memref<128x128xf32, #tpu.memory_space<vmem>>) target(%dma_start3A_99 : memref<10240x128xf32, #tpu.memory_space<vmem_shared>>) offsets(%arg10 : memref<128xi32, #tpu.memory_space<vmem>>) semaphore(%arg16 : memref<!tpu.dma_semaphore, #tpu.memory_space<semaphore_mem>>) {add = true}
        %mul3A_100 = arith.constant 2 : i32
        %mul3A_101 = arith.muli %mul3A_100, %scan3A_65 : i32
        %add3A_102 = arith.constant 1 : i32
        %add3A_103 = arith.addi %mul3A_101, %add3A_102 : i32
        %gt3A_104 = arith.constant 0 : i32
        %gt3A_105 = arith.cmpi sgt, %add3A_103, %gt3A_104 : i32
        %convert_element_type3A_106 = arith.extui %gt3A_105 : i1 to i32
        %cond3A_107 = arith.constant 0 : i32
        %cond3A_108 = arith.cmpi ne, %convert_element_type3A_106, %cond3A_107 : i32
        scf.if %cond3A_108 {
          %dma_wait3A_137 = arith.constant 0 : i32
          %dma_wait3A_138 = arith.constant 0 : i32
          %dma_wait3A_139 = arith.constant 0 : i32
          %dma_wait3A_140 = tpu.memref_slice %arg12[%dma_wait3A_137, %dma_wait3A_138, %dma_wait3A_139] : memref<2x128x128xf32, #tpu.memory_space<vmem>> -> memref<1x128x128xf32, #tpu.memory_space<vmem>>
          %dma_wait3A_141 = tpu.memref_squeeze %dma_wait3A_140 : memref<1x128x128xf32, #tpu.memory_space<vmem>> -> memref<128x128xf32, #tpu.memory_space<vmem>>
          %dma_wait3A_142 = arith.constant 0 : i32
          %dma_wait3A_143 = arith.constant 0 : i32
          %dma_wait3A_144 = tpu.memref_slice %arg13[%dma_wait3A_142, %dma_wait3A_143] : memref<10240x128xf32, #tpu.memory_space<vmem_shared>> -> memref<10240x128xf32, #tpu.memory_space<vmem_shared>>
          tpu.wait_indirect_dma semaphore(%arg16 : memref<!tpu.dma_semaphore, #tpu.memory_space<semaphore_mem>>) src(%dma_wait3A_141 : memref<128x128xf32, #tpu.memory_space<vmem>>) dst(%dma_wait3A_144 : memref<10240x128xf32, #tpu.memory_space<vmem_shared>>)
        } else {
        }
        %add3A_109 = arith.constant 1 : i32
        %add3A_110 = arith.addi %add3A_103, %add3A_109 : i32
        %lt3A_111 = arith.cmpi slt, %add3A_110, %add3A_3 : i32
        %convert_element_type3A_112 = arith.extui %lt3A_111 : i1 to i32
        %cond3A_113 = arith.constant 0 : i32
        %cond3A_114 = arith.cmpi ne, %convert_element_type3A_112, %cond3A_113 : i32
        scf.if %cond3A_114 {
          %add3A_137 = arith.constant 1 : i32
          %add3A_138 = arith.addi %add3A_103, %add3A_137 : i32
          %mul3A_139 = arith.constant 128 : i32
          %mul3A_140 = arith.muli %add3A_138, %mul3A_139 : i32
          %add3A_141 = arith.addi %add3A_29, %mul3A_140 : i32
          %dma_start3A_142 = tpu.memref_slice %arg5[%add3A_141] : memref<320000xi32, #tpu.memory_space<hbm>> -> memref<128xi32, #tpu.memory_space<hbm>>
          %dma_start3A_143 = tpu.memref_slice %arg5[%add3A_141] : memref<320000xi32, #tpu.memory_space<hbm>> -> memref<128xi32, #tpu.memory_space<hbm>>
          tpu.enqueue_dma source(%dma_start3A_143 : memref<128xi32, #tpu.memory_space<hbm>>) target(%arg10 : memref<128xi32, #tpu.memory_space<vmem>>) target_semaphore(%arg15 : memref<!tpu.dma_semaphore, #tpu.memory_space<semaphore_mem>>)
          %add3A_144 = arith.constant 1 : i32
          %add3A_145 = arith.addi %add3A_103, %add3A_144 : i32
          %mul3A_146 = arith.constant 128 : i32
          %mul3A_147 = arith.muli %add3A_145, %mul3A_146 : i32
          %dma_start3A_148 = arith.constant 0 : i32
          %dma_start3A_149 = arith.constant 0 : i32
          %dma_start3A_150 = arith.constant 0 : i32
          %dma_start3A_151 = tpu.memref_slice %arg12[%dma_start3A_148, %dma_start3A_149, %dma_start3A_150] : memref<2x128x128xf32, #tpu.memory_space<vmem>> -> memref<1x128x128xf32, #tpu.memory_space<vmem>>
          %dma_start3A_152 = tpu.memref_squeeze %dma_start3A_151 : memref<1x128x128xf32, #tpu.memory_space<vmem>> -> memref<128x128xf32, #tpu.memory_space<vmem>>
          %dma_start3A_153 = tpu.memref_slice %arg9[%mul3A_147] : memref<10112xi32, #tpu.memory_space<vmem>> -> memref<128xi32, #tpu.memory_space<vmem>>
          %dma_start3A_154 = arith.constant 0 : i32
          %dma_start3A_155 = arith.constant 0 : i32
          %dma_start3A_156 = tpu.memref_slice %arg3[%dma_start3A_154, %dma_start3A_155] : memref<10240x128xf32, #tpu.memory_space<hbm>> -> memref<10240x128xf32, #tpu.memory_space<hbm>>
          tpu.enqueue_indirect_dma source(%dma_start3A_156 : memref<10240x128xf32, #tpu.memory_space<hbm>>) target(%dma_start3A_152 : memref<128x128xf32, #tpu.memory_space<vmem>>) offsets(%dma_start3A_153 : memref<128xi32, #tpu.memory_space<vmem>>) semaphore(%arg14 : memref<!tpu.dma_semaphore, #tpu.memory_space<semaphore_mem>>)
        } else {
        }
        %dma_wait3A_115 = arith.constant 1 : i32
        %dma_wait3A_116 = arith.constant 0 : i32
        %dma_wait3A_117 = arith.constant 0 : i32
        %dma_wait3A_118 = tpu.memref_slice %arg12[%dma_wait3A_115, %dma_wait3A_116, %dma_wait3A_117] : memref<2x128x128xf32, #tpu.memory_space<vmem>> -> memref<1x128x128xf32, #tpu.memory_space<vmem>>
        %dma_wait3A_119 = tpu.memref_squeeze %dma_wait3A_118 : memref<1x128x128xf32, #tpu.memory_space<vmem>> -> memref<128x128xf32, #tpu.memory_space<vmem>>
        %dma_wait3A_120 = arith.constant 0 : i32
        %dma_wait3A_121 = tpu.memref_slice %arg9[%dma_wait3A_120] : memref<10112xi32, #tpu.memory_space<vmem>> -> memref<128xi32, #tpu.memory_space<vmem>>
        %dma_wait3A_122 = arith.constant 0 : i32
        %dma_wait3A_123 = arith.constant 0 : i32
        %dma_wait3A_124 = tpu.memref_slice %arg3[%dma_wait3A_122, %dma_wait3A_123] : memref<10240x128xf32, #tpu.memory_space<hbm>> -> memref<10240x128xf32, #tpu.memory_space<hbm>>
        tpu.wait_indirect_dma semaphore(%arg14 : memref<!tpu.dma_semaphore, #tpu.memory_space<semaphore_mem>>) src(%dma_wait3A_124 : memref<10240x128xf32, #tpu.memory_space<hbm>>) dst(%dma_wait3A_119 : memref<128x128xf32, #tpu.memory_space<vmem>>)
        %dma_wait3A_125 = arith.constant 0 : i32
        %dma_wait3A_126 = tpu.memref_slice %arg5[%dma_wait3A_125] : memref<320000xi32, #tpu.memory_space<hbm>> -> memref<128xi32, #tpu.memory_space<hbm>>
        %dma_wait3A_127 = arith.constant 0 : i32
        %dma_wait3A_128 = tpu.memref_slice %arg5[%dma_wait3A_127] : memref<320000xi32, #tpu.memory_space<hbm>> -> memref<128xi32, #tpu.memory_space<hbm>>
        tpu.wait_dma2 semaphore(%arg15 : memref<!tpu.dma_semaphore, #tpu.memory_space<semaphore_mem>>) src(%dma_wait3A_128 : memref<128xi32, #tpu.memory_space<hbm>>) dst(%arg11 : memref<128xi32, #tpu.memory_space<vmem>>)
        %dma_start3A_129 = arith.constant 1 : i32
        %dma_start3A_130 = arith.constant 0 : i32
        %dma_start3A_131 = arith.constant 0 : i32
        %dma_start3A_132 = tpu.memref_slice %arg12[%dma_start3A_129, %dma_start3A_130, %dma_start3A_131] : memref<2x128x128xf32, #tpu.memory_space<vmem>> -> memref<1x128x128xf32, #tpu.memory_space<vmem>>
        %dma_start3A_133 = tpu.memref_squeeze %dma_start3A_132 : memref<1x128x128xf32, #tpu.memory_space<vmem>> -> memref<128x128xf32, #tpu.memory_space<vmem>>
        %dma_start3A_134 = arith.constant 0 : i32
        %dma_start3A_135 = arith.constant 0 : i32
        %dma_start3A_136 = tpu.memref_slice %arg13[%dma_start3A_134, %dma_start3A_135] : memref<10240x128xf32, #tpu.memory_space<vmem_shared>> -> memref<10240x128xf32, #tpu.memory_space<vmem_shared>>
        tpu.enqueue_indirect_dma source(%dma_start3A_133 : memref<128x128xf32, #tpu.memory_space<vmem>>) target(%dma_start3A_136 : memref<10240x128xf32, #tpu.memory_space<vmem_shared>>) offsets(%arg11 : memref<128xi32, #tpu.memory_space<vmem>>) semaphore(%arg16 : memref<!tpu.dma_semaphore, #tpu.memory_space<semaphore_mem>>) {add = true}
      }
      %scan3A_52 = arith.constant 39 : i32
      %lt3A_53 = arith.constant 2 : i32
      %lt3A_54 = arith.cmpi slt, %arg1, %lt3A_53 : i32
      %convert_element_type3A_55 = arith.extui %lt3A_54 : i1 to i32
      %cond3A_56 = arith.constant 0 : i32
      %cond3A_57 = arith.cmpi ne, %convert_element_type3A_55, %cond3A_56 : i32
      scf.if %cond3A_57 {
        %dma_wait3A_65 = arith.constant 0 : i32
        %dma_wait3A_66 = arith.constant 0 : i32
        %dma_wait3A_67 = arith.constant 0 : i32
        %dma_wait3A_68 = tpu.memref_slice %arg12[%dma_wait3A_65, %dma_wait3A_66, %dma_wait3A_67] : memref<2x128x128xf32, #tpu.memory_space<vmem>> -> memref<1x128x128xf32, #tpu.memory_space<vmem>>
        %dma_wait3A_69 = tpu.memref_squeeze %dma_wait3A_68 : memref<1x128x128xf32, #tpu.memory_space<vmem>> -> memref<128x128xf32, #tpu.memory_space<vmem>>
        %dma_wait3A_70 = arith.constant 0 : i32
        %dma_wait3A_71 = arith.constant 0 : i32
        %dma_wait3A_72 = tpu.memref_slice %arg13[%dma_wait3A_70, %dma_wait3A_71] : memref<10240x128xf32, #tpu.memory_space<vmem_shared>> -> memref<10240x128xf32, #tpu.memory_space<vmem_shared>>
        tpu.wait_indirect_dma semaphore(%arg16 : memref<!tpu.dma_semaphore, #tpu.memory_space<semaphore_mem>>) src(%dma_wait3A_69 : memref<128x128xf32, #tpu.memory_space<vmem>>) dst(%dma_wait3A_72 : memref<10240x128xf32, #tpu.memory_space<vmem_shared>>)
        %dma_wait3A_73 = arith.constant 0 : i32
        %dma_wait3A_74 = arith.constant 0 : i32
        %dma_wait3A_75 = arith.constant 0 : i32
        %dma_wait3A_76 = tpu.memref_slice %arg12[%dma_wait3A_73, %dma_wait3A_74, %dma_wait3A_75] : memref<2x128x128xf32, #tpu.memory_space<vmem>> -> memref<1x128x128xf32, #tpu.memory_space<vmem>>
        %dma_wait3A_77 = tpu.memref_squeeze %dma_wait3A_76 : memref<1x128x128xf32, #tpu.memory_space<vmem>> -> memref<128x128xf32, #tpu.memory_space<vmem>>
        %dma_wait3A_78 = arith.constant 0 : i32
        %dma_wait3A_79 = tpu.memref_slice %arg9[%dma_wait3A_78] : memref<10112xi32, #tpu.memory_space<vmem>> -> memref<128xi32, #tpu.memory_space<vmem>>
        %dma_wait3A_80 = arith.constant 0 : i32
        %dma_wait3A_81 = arith.constant 0 : i32
        %dma_wait3A_82 = tpu.memref_slice %arg3[%dma_wait3A_80, %dma_wait3A_81] : memref<10240x128xf32, #tpu.memory_space<hbm>> -> memref<10240x128xf32, #tpu.memory_space<hbm>>
        tpu.wait_indirect_dma semaphore(%arg14 : memref<!tpu.dma_semaphore, #tpu.memory_space<semaphore_mem>>) src(%dma_wait3A_82 : memref<10240x128xf32, #tpu.memory_space<hbm>>) dst(%dma_wait3A_77 : memref<128x128xf32, #tpu.memory_space<vmem>>)
        %dma_wait3A_83 = arith.constant 0 : i32
        %dma_wait3A_84 = tpu.memref_slice %arg5[%dma_wait3A_83] : memref<320000xi32, #tpu.memory_space<hbm>> -> memref<128xi32, #tpu.memory_space<hbm>>
        %dma_wait3A_85 = arith.constant 0 : i32
        %dma_wait3A_86 = tpu.memref_slice %arg5[%dma_wait3A_85] : memref<320000xi32, #tpu.memory_space<hbm>> -> memref<128xi32, #tpu.memory_space<hbm>>
        tpu.wait_dma2 semaphore(%arg15 : memref<!tpu.dma_semaphore, #tpu.memory_space<semaphore_mem>>) src(%dma_wait3A_86 : memref<128xi32, #tpu.memory_space<hbm>>) dst(%arg10 : memref<128xi32, #tpu.memory_space<vmem>>)
        %dma_start3A_87 = arith.constant 0 : i32
        %dma_start3A_88 = arith.constant 0 : i32
        %dma_start3A_89 = arith.constant 0 : i32
        %dma_start3A_90 = tpu.memref_slice %arg12[%dma_start3A_87, %dma_start3A_88, %dma_start3A_89] : memref<2x128x128xf32, #tpu.memory_space<vmem>> -> memref<1x128x128xf32, #tpu.memory_space<vmem>>
        %dma_start3A_91 = tpu.memref_squeeze %dma_start3A_90 : memref<1x128x128xf32, #tpu.memory_space<vmem>> -> memref<128x128xf32, #tpu.memory_space<vmem>>
        %dma_start3A_92 = arith.constant 0 : i32
        %dma_start3A_93 = arith.constant 0 : i32
        %dma_start3A_94 = tpu.memref_slice %arg13[%dma_start3A_92, %dma_start3A_93] : memref<10240x128xf32, #tpu.memory_space<vmem_shared>> -> memref<10240x128xf32, #tpu.memory_space<vmem_shared>>
        tpu.enqueue_indirect_dma source(%dma_start3A_91 : memref<128x128xf32, #tpu.memory_space<vmem>>) target(%dma_start3A_94 : memref<10240x128xf32, #tpu.memory_space<vmem_shared>>) offsets(%arg10 : memref<128xi32, #tpu.memory_space<vmem>>) semaphore(%arg16 : memref<!tpu.dma_semaphore, #tpu.memory_space<semaphore_mem>>) {add = true}
      } else {
      }
      %dma_wait3A = arith.constant 0 : i32
      %dma_wait3A_58 = arith.constant 0 : i32
      %dma_wait3A_59 = arith.constant 0 : i32
      %dma_wait3A_60 = tpu.memref_slice %arg12[%dma_wait3A, %dma_wait3A_58, %dma_wait3A_59] : memref<2x128x128xf32, #tpu.memory_space<vmem>> -> memref<1x128x128xf32, #tpu.memory_space<vmem>>
      %dma_wait3A_61 = tpu.memref_squeeze %dma_wait3A_60 : memref<1x128x128xf32, #tpu.memory_space<vmem>> -> memref<128x128xf32, #tpu.memory_space<vmem>>
      %dma_wait3A_62 = arith.constant 0 : i32
      %dma_wait3A_63 = arith.constant 0 : i32
      %dma_wait3A_64 = tpu.memref_slice %arg13[%dma_wait3A_62, %dma_wait3A_63] : memref<10240x128xf32, #tpu.memory_space<vmem_shared>> -> memref<10240x128xf32, #tpu.memory_space<vmem_shared>>
      tpu.wait_indirect_dma semaphore(%arg16 : memref<!tpu.dma_semaphore, #tpu.memory_space<semaphore_mem>>) src(%dma_wait3A_61 : memref<128x128xf32, #tpu.memory_space<vmem>>) dst(%dma_wait3A_64 : memref<10240x128xf32, #tpu.memory_space<vmem_shared>>)
    } else {
    }
    %barrier3A_11 = arith.constant 0 : index
    tpu.barrier barrier_id(%barrier3A_11)
    %eq3A_12 = arith.constant 0 : i32
    %eq3A_13 = arith.cmpi eq, %arg0, %eq3A_12 : i32
    %convert_element_type3A_14 = arith.extui %eq3A_13 : i1 to i32
    %cond3A_15 = arith.constant 0 : i32
    %cond3A_16 = arith.cmpi ne, %convert_element_type3A_14, %cond3A_15 : i32
    scf.if %cond3A_16 {
      %mul3A_22 = arith.constant 640 : i32
      %mul3A_23 = arith.muli %arg1, %mul3A_22 : i32
      %mul3A_24 = arith.constant 640 : i32
      %mul3A_25 = arith.muli %arg1, %mul3A_24 : i32
      "tpu.region"() ({
        %run_scoped3A = tpu.sem_alloc : memref<!tpu.dma_semaphore, #tpu.memory_space<semaphore_mem>>
        %dma_start3A = arith.constant 0 : i32
        %dma_start3A_26 = tpu.memref_slice %arg7[%mul3A_25, %dma_start3A] : memref<10240x128xf32, #tpu.memory_space<hbm>> -> memref<640x128xf32, #tpu.memory_space<hbm>>
        %dma_start3A_27 = arith.constant 0 : i32
        %dma_start3A_28 = tpu.memref_slice %arg13[%mul3A_23, %dma_start3A_27] : memref<10240x128xf32, #tpu.memory_space<vmem_shared>> -> memref<640x128xf32, #tpu.memory_space<vmem_shared>>
        tpu.enqueue_dma source(%dma_start3A_28 : memref<640x128xf32, #tpu.memory_space<vmem_shared>>) target(%dma_start3A_26 : memref<640x128xf32, #tpu.memory_space<hbm>>) target_semaphore(%run_scoped3A : memref<!tpu.dma_semaphore, #tpu.memory_space<semaphore_mem>>)
        %dma_wait3A = arith.constant 0 : i32
        %dma_wait3A_29 = tpu.memref_slice %arg7[%mul3A_25, %dma_wait3A] : memref<10240x128xf32, #tpu.memory_space<hbm>> -> memref<640x128xf32, #tpu.memory_space<hbm>>
        %dma_wait3A_30 = arith.constant 0 : i32
        %dma_wait3A_31 = tpu.memref_slice %arg13[%mul3A_23, %dma_wait3A_30] : memref<10240x128xf32, #tpu.memory_space<vmem_shared>> -> memref<640x128xf32, #tpu.memory_space<vmem_shared>>
        tpu.wait_dma2 semaphore(%run_scoped3A : memref<!tpu.dma_semaphore, #tpu.memory_space<semaphore_mem>>) src(%dma_wait3A_31 : memref<640x128xf32, #tpu.memory_space<vmem_shared>>) dst(%dma_wait3A_29 : memref<640x128xf32, #tpu.memory_space<hbm>>)
        tpu.yield
      }) : () -> ()
    } else {
    }
    %eq3A_17 = arith.constant 1 : i32
    %eq3A_18 = arith.cmpi eq, %arg0, %eq3A_17 : i32
    %convert_element_type3A_19 = arith.extui %eq3A_18 : i1 to i32
    %cond3A_20 = arith.constant 0 : i32
    %cond3A_21 = arith.cmpi ne, %convert_element_type3A_19, %cond3A_20 : i32
    scf.if %cond3A_21 {
      %mul3A_22 = arith.constant 640 : i32
      %mul3A_23 = arith.muli %arg1, %mul3A_22 : i32
      %mul3A_24 = arith.constant 640 : i32
      %mul3A_25 = arith.muli %arg1, %mul3A_24 : i32
      "tpu.region"() ({
        %run_scoped3A = tpu.sem_alloc : memref<!tpu.dma_semaphore, #tpu.memory_space<semaphore_mem>>
        %dma_start3A = arith.constant 0 : i32
        %dma_start3A_26 = tpu.memref_slice %arg8[%mul3A_25, %dma_start3A] : memref<10240x128xf32, #tpu.memory_space<hbm>> -> memref<640x128xf32, #tpu.memory_space<hbm>>
        %dma_start3A_27 = arith.constant 0 : i32
        %dma_start3A_28 = tpu.memref_slice %arg13[%mul3A_23, %dma_start3A_27] : memref<10240x128xf32, #tpu.memory_space<vmem_shared>> -> memref<640x128xf32, #tpu.memory_space<vmem_shared>>
        tpu.enqueue_dma source(%dma_start3A_28 : memref<640x128xf32, #tpu.memory_space<vmem_shared>>) target(%dma_start3A_26 : memref<640x128xf32, #tpu.memory_space<hbm>>) target_semaphore(%run_scoped3A : memref<!tpu.dma_semaphore, #tpu.memory_space<semaphore_mem>>)
        %dma_wait3A = arith.constant 0 : i32
        %dma_wait3A_29 = tpu.memref_slice %arg8[%mul3A_25, %dma_wait3A] : memref<10240x128xf32, #tpu.memory_space<hbm>> -> memref<640x128xf32, #tpu.memory_space<hbm>>
        %dma_wait3A_30 = arith.constant 0 : i32
        %dma_wait3A_31 = tpu.memref_slice %arg13[%mul3A_23, %dma_wait3A_30] : memref<10240x128xf32, #tpu.memory_space<vmem_shared>> -> memref<640x128xf32, #tpu.memory_space<vmem_shared>>
        tpu.wait_dma2 semaphore(%run_scoped3A : memref<!tpu.dma_semaphore, #tpu.memory_space<semaphore_mem>>) src(%dma_wait3A_31 : memref<640x128xf32, #tpu.memory_space<vmem_shared>>) dst(%dma_wait3A_29 : memref<640x128xf32, #tpu.memory_space<hbm>>)
        tpu.yield
      }) : () -> ()
    } else {
    }
    return
  }
}

#map = affine_map<(d0, d1) -> (0, 0)>
#map1 = affine_map<(d0, d1) -> (0)>
module attributes {stable_mosaic.version = 14 : i64} {
  func.func @_agg_body(%arg0: i32, %arg1: i32, %arg2: memref<10240x128xf32, #tpu.memory_space<hbm>>, %arg3: memref<10240x128xf32, #tpu.memory_space<hbm>>, %arg4: memref<320000xi32, #tpu.memory_space<hbm>>, %arg5: memref<320000xi32, #tpu.memory_space<hbm>>, %arg6: memref<640x128xf32, #tpu.memory_space<hbm>>, %arg7: memref<10240x128xf32, #tpu.memory_space<hbm>>, %arg8: memref<10240x128xf32, #tpu.memory_space<hbm>>, %arg9: memref<10112xi32, #tpu.memory_space<vmem>>, %arg10: memref<128xi32, #tpu.memory_space<vmem>>, %arg11: memref<128xi32, #tpu.memory_space<vmem>>, %arg12: memref<2x128x128xf32, #tpu.memory_space<vmem>>, %arg13: memref<10240x128xf32, #tpu.memory_space<vmem_shared>>, %arg14: memref<!tpu.dma_semaphore, #tpu.memory_space<semaphore_mem>>, %arg15: memref<!tpu.dma_semaphore, #tpu.memory_space<semaphore_mem>>, %arg16: memref<!tpu.dma_semaphore, #tpu.memory_space<semaphore_mem>>) attributes {dimension_semantics = [#tpu.dimension_semantics<core_parallel>, #tpu.dimension_semantics<subcore_parallel>], iteration_bounds = array<i64: 2, 16>, scalar_prefetch = 0 : i64, scratch_operands = 8 : i64, tpu.core_type = #tpu.core_type<sc_vector_subcore>, window_params = [{transform_indices = #map}, {transform_indices = #map}, {transform_indices = #map1}, {transform_indices = #map1}, {transform_indices = #map}, {transform_indices = #map}, {transform_indices = #map}]} {
    %mul3A = arith.constant 640 : i32
    %mul3A_0 = arith.muli %arg1, %mul3A : i32
    "tpu.region"() ({
      %run_scoped3A = tpu.sem_alloc : memref<!tpu.dma_semaphore, #tpu.memory_space<semaphore_mem>>
      %dma_start3A = arith.constant 0 : i32
      %dma_start3A_22 = tpu.memref_slice %arg13[%mul3A_0, %dma_start3A] : memref<10240x128xf32, #tpu.memory_space<vmem_shared>> -> memref<640x128xf32, #tpu.memory_space<vmem_shared>>
      tpu.enqueue_dma source(%arg6 : memref<640x128xf32, #tpu.memory_space<hbm>>) target(%dma_start3A_22 : memref<640x128xf32, #tpu.memory_space<vmem_shared>>) target_semaphore(%run_scoped3A : memref<!tpu.dma_semaphore, #tpu.memory_space<semaphore_mem>>)
      %dma_wait3A = arith.constant 0 : i32
      %dma_wait3A_23 = tpu.memref_slice %arg13[%mul3A_0, %dma_wait3A] : memref<10240x128xf32, #tpu.memory_space<vmem_shared>> -> memref<640x128xf32, #tpu.memory_space<vmem_shared>>
      tpu.wait_dma2 semaphore(%run_scoped3A : memref<!tpu.dma_semaphore, #tpu.memory_space<semaphore_mem>>) src(%arg6 : memref<640x128xf32, #tpu.memory_space<hbm>>) dst(%dma_wait3A_23 : memref<640x128xf32, #tpu.memory_space<vmem_shared>>)
      tpu.yield
    }) : () -> ()
    %barrier3A = arith.constant 0 : index
    tpu.barrier barrier_id(%barrier3A)
    %lt3A = arith.constant 2 : i32
    %lt3A_1 = arith.cmpi slt, %arg1, %lt3A : i32
    %jit3A = arith.constant 1 : i32
    %jit3A_2 = arith.constant 0 : i32
    %select_n3A = arith.select %lt3A_1, %jit3A, %jit3A_2 : i32
    %add3A = arith.constant 78 : i32
    %add3A_3 = arith.addi %add3A, %select_n3A : i32
    %eq3A = arith.constant 0 : i32
    %eq3A_4 = arith.cmpi eq, %arg0, %eq3A : i32
    %convert_element_type3A = arith.extui %eq3A_4 : i1 to i32
    %cond3A = arith.constant 0 : i32
    %cond3A_5 = arith.cmpi ne, %convert_element_type3A, %cond3A : i32
    scf.if %cond3A_5 {
      %mul3A_22 = arith.constant 78 : i32
      %mul3A_23 = arith.muli %mul3A_22, %arg1 : i32
      %min3A = arith.constant 2 : i32
      %min3A_24 = arith.minsi %arg1, %min3A : i32
      %add3A_25 = arith.addi %mul3A_23, %min3A_24 : i32
      %mul3A_26 = arith.constant 128 : i32
      %mul3A_27 = arith.muli %add3A_25, %mul3A_26 : i32
      %add3A_28 = arith.constant 0 : i32
      %add3A_29 = arith.addi %add3A_28, %mul3A_27 : i32
      "tpu.region"() ({
        %run_scoped3A = tpu.sem_alloc : memref<!tpu.dma_semaphore, #tpu.memory_space<semaphore_mem>>
        %dma_start3A_65 = arith.constant 0 : i32
        %dma_start3A_66 = tpu.memref_slice %arg9[%dma_start3A_65] : memref<10112xi32, #tpu.memory_space<vmem>> -> memref<9984xi32, #tpu.memory_space<vmem>>
        %dma_start3A_67 = tpu.memref_slice %arg4[%add3A_29] : memref<320000xi32, #tpu.memory_space<hbm>> -> memref<9984xi32, #tpu.memory_space<hbm>>
        %dma_start3A_68 = arith.constant 0 : i32
        %dma_start3A_69 = tpu.memref_slice %arg9[%dma_start3A_68] : memref<10112xi32, #tpu.memory_space<vmem>> -> memref<9984xi32, #tpu.memory_space<vmem>>
        %dma_start3A_70 = tpu.memref_slice %arg4[%add3A_29] : memref<320000xi32, #tpu.memory_space<hbm>> -> memref<9984xi32, #tpu.memory_space<hbm>>
        tpu.enqueue_dma source(%dma_start3A_70 : memref<9984xi32, #tpu.memory_space<hbm>>) target(%dma_start3A_69 : memref<9984xi32, #tpu.memory_space<vmem>>) target_semaphore(%run_scoped3A : memref<!tpu.dma_semaphore, #tpu.memory_space<semaphore_mem>>)
        %dma_wait3A_71 = arith.constant 0 : i32
        %dma_wait3A_72 = tpu.memref_slice %arg9[%dma_wait3A_71] : memref<10112xi32, #tpu.memory_space<vmem>> -> memref<9984xi32, #tpu.memory_space<vmem>>
        %dma_wait3A_73 = tpu.memref_slice %arg4[%add3A_29] : memref<320000xi32, #tpu.memory_space<hbm>> -> memref<9984xi32, #tpu.memory_space<hbm>>
        %dma_wait3A_74 = arith.constant 0 : i32
        %dma_wait3A_75 = tpu.memref_slice %arg9[%dma_wait3A_74] : memref<10112xi32, #tpu.memory_space<vmem>> -> memref<9984xi32, #tpu.memory_space<vmem>>
        %dma_wait3A_76 = tpu.memref_slice %arg4[%add3A_29] : memref<320000xi32, #tpu.memory_space<hbm>> -> memref<9984xi32, #tpu.memory_space<hbm>>
        tpu.wait_dma2 semaphore(%run_scoped3A : memref<!tpu.dma_semaphore, #tpu.memory_space<semaphore_mem>>) src(%dma_wait3A_76 : memref<9984xi32, #tpu.memory_space<hbm>>) dst(%dma_wait3A_75 : memref<9984xi32, #tpu.memory_space<vmem>>)
        tpu.yield
      }) : () -> ()
      %lt3A_30 = arith.constant 2 : i32
      %lt3A_31 = arith.cmpi slt, %arg1, %lt3A_30 : i32
      %convert_element_type3A_32 = arith.extui %lt3A_31 : i1 to i32
      %cond3A_33 = arith.constant 0 : i32
      %cond3A_34 = arith.cmpi ne, %convert_element_type3A_32, %cond3A_33 : i32
      scf.if %cond3A_34 {
        %add3A_65 = arith.constant 9984 : i32
        %add3A_66 = arith.addi %add3A_29, %add3A_65 : i32
        "tpu.region"() ({
          %run_scoped3A = tpu.sem_alloc : memref<!tpu.dma_semaphore, #tpu.memory_space<semaphore_mem>>
          %dma_start3A_67 = arith.constant 9984 : i32
          %dma_start3A_68 = tpu.memref_slice %arg9[%dma_start3A_67] : memref<10112xi32, #tpu.memory_space<vmem>> -> memref<128xi32, #tpu.memory_space<vmem>>
          %dma_start3A_69 = tpu.memref_slice %arg4[%add3A_66] : memref<320000xi32, #tpu.memory_space<hbm>> -> memref<128xi32, #tpu.memory_space<hbm>>
          %dma_start3A_70 = arith.constant 9984 : i32
          %dma_start3A_71 = tpu.memref_slice %arg9[%dma_start3A_70] : memref<10112xi32, #tpu.memory_space<vmem>> -> memref<128xi32, #tpu.memory_space<vmem>>
          %dma_start3A_72 = tpu.memref_slice %arg4[%add3A_66] : memref<320000xi32, #tpu.memory_space<hbm>> -> memref<128xi32, #tpu.memory_space<hbm>>
          tpu.enqueue_dma source(%dma_start3A_72 : memref<128xi32, #tpu.memory_space<hbm>>) target(%dma_start3A_71 : memref<128xi32, #tpu.memory_space<vmem>>) target_semaphore(%run_scoped3A : memref<!tpu.dma_semaphore, #tpu.memory_space<semaphore_mem>>)
          %dma_wait3A_73 = arith.constant 9984 : i32
          %dma_wait3A_74 = tpu.memref_slice %arg9[%dma_wait3A_73] : memref<10112xi32, #tpu.memory_space<vmem>> -> memref<128xi32, #tpu.memory_space<vmem>>
          %dma_wait3A_75 = tpu.memref_slice %arg4[%add3A_66] : memref<320000xi32, #tpu.memory_space<hbm>> -> memref<128xi32, #tpu.memory_space<hbm>>
          %dma_wait3A_76 = arith.constant 9984 : i32
          %dma_wait3A_77 = tpu.memref_slice %arg9[%dma_wait3A_76] : memref<10112xi32, #tpu.memory_space<vmem>> -> memref<128xi32, #tpu.memory_space<vmem>>
          %dma_wait3A_78 = tpu.memref_slice %arg4[%add3A_66] : memref<320000xi32, #tpu.memory_space<hbm>> -> memref<128xi32, #tpu.memory_space<hbm>>
          tpu.wait_dma2 semaphore(%run_scoped3A : memref<!tpu.dma_semaphore, #tpu.memory_space<semaphore_mem>>) src(%dma_wait3A_78 : memref<128xi32, #tpu.memory_space<hbm>>) dst(%dma_wait3A_77 : memref<128xi32, #tpu.memory_space<vmem>>)
          tpu.yield
        }) : () -> ()
      } else {
      }
      %add3A_35 = arith.constant 0 : i32
      %add3A_36 = arith.addi %add3A_29, %add3A_35 : i32
      %dma_start3A = tpu.memref_slice %arg5[%add3A_36] : memref<320000xi32, #tpu.memory_space<hbm>> -> memref<128xi32, #tpu.memory_space<hbm>>
      %dma_start3A_37 = tpu.memref_slice %arg5[%add3A_36] : memref<320000xi32, #tpu.memory_space<hbm>> -> memref<128xi32, #tpu.memory_space<hbm>>
      tpu.enqueue_dma source(%dma_start3A_37 : memref<128xi32, #tpu.memory_space<hbm>>) target(%arg10 : memref<128xi32, #tpu.memory_space<vmem>>) target_semaphore(%arg15 : memref<!tpu.dma_semaphore, #tpu.memory_space<semaphore_mem>>)
      %dma_start3A_38 = arith.constant 0 : i32
      %dma_start3A_39 = arith.constant 0 : i32
      %dma_start3A_40 = arith.constant 0 : i32
      %dma_start3A_41 = tpu.memref_slice %arg12[%dma_start3A_38, %dma_start3A_39, %dma_start3A_40] : memref<2x128x128xf32, #tpu.memory_space<vmem>> -> memref<1x128x128xf32, #tpu.memory_space<vmem>>
      %dma_start3A_42 = tpu.memref_squeeze %dma_start3A_41 : memref<1x128x128xf32, #tpu.memory_space<vmem>> -> memref<128x128xf32, #tpu.memory_space<vmem>>
      %dma_start3A_43 = arith.constant 0 : i32
      %dma_start3A_44 = tpu.memref_slice %arg9[%dma_start3A_43] : memref<10112xi32, #tpu.memory_space<vmem>> -> memref<128xi32, #tpu.memory_space<vmem>>
      %dma_start3A_45 = arith.constant 0 : i32
      %dma_start3A_46 = arith.constant 0 : i32
      %dma_start3A_47 = tpu.memref_slice %arg2[%dma_start3A_45, %dma_start3A_46] : memref<10240x128xf32, #tpu.memory_space<hbm>> -> memref<10240x128xf32, #tpu.memory_space<hbm>>
      tpu.enqueue_indirect_dma source(%dma_start3A_47 : memref<10240x128xf32, #tpu.memory_space<hbm>>) target(%dma_start3A_42 : memref<128x128xf32, #tpu.memory_space<vmem>>) offsets(%dma_start3A_44 : memref<128xi32, #tpu.memory_space<vmem>>) semaphore(%arg14 : memref<!tpu.dma_semaphore, #tpu.memory_space<semaphore_mem>>)
      %scan3A = arith.constant 0 : i32
      %scan3A_48 = arith.constant 0 : i32
      %scan3A_49 = arith.constant 39 : i32
      %scan3A_50 = arith.addi %scan3A_48, %scan3A_49 : i32
      %scan3A_51 = arith.constant 1 : i32
      scf.for %scan3A_65 = %scan3A_48 to %scan3A_50 step %scan3A_51  : i32 {
        %mul3A_66 = arith.constant 2 : i32
        %mul3A_67 = arith.muli %mul3A_66, %scan3A_65 : i32
        %gt3A = arith.constant 0 : i32
        %gt3A_68 = arith.cmpi sgt, %mul3A_67, %gt3A : i32
        %convert_element_type3A_69 = arith.extui %gt3A_68 : i1 to i32
        %cond3A_70 = arith.constant 0 : i32
        %cond3A_71 = arith.cmpi ne, %convert_element_type3A_69, %cond3A_70 : i32
        scf.if %cond3A_71 {
          %dma_wait3A_137 = arith.constant 0 : i32
          %dma_wait3A_138 = arith.constant 0 : i32
          %dma_wait3A_139 = arith.constant 0 : i32
          %dma_wait3A_140 = tpu.memref_slice %arg12[%dma_wait3A_137, %dma_wait3A_138, %dma_wait3A_139] : memref<2x128x128xf32, #tpu.memory_space<vmem>> -> memref<1x128x128xf32, #tpu.memory_space<vmem>>
          %dma_wait3A_141 = tpu.memref_squeeze %dma_wait3A_140 : memref<1x128x128xf32, #tpu.memory_space<vmem>> -> memref<128x128xf32, #tpu.memory_space<vmem>>
          %dma_wait3A_142 = arith.constant 0 : i32
          %dma_wait3A_143 = arith.constant 0 : i32
          %dma_wait3A_144 = tpu.memref_slice %arg13[%dma_wait3A_142, %dma_wait3A_143] : memref<10240x128xf32, #tpu.memory_space<vmem_shared>> -> memref<10240x128xf32, #tpu.memory_space<vmem_shared>>
          tpu.wait_indirect_dma semaphore(%arg16 : memref<!tpu.dma_semaphore, #tpu.memory_space<semaphore_mem>>) src(%dma_wait3A_141 : memref<128x128xf32, #tpu.memory_space<vmem>>) dst(%dma_wait3A_144 : memref<10240x128xf32, #tpu.memory_space<vmem_shared>>)
        } else {
        }
        %add3A_72 = arith.constant 1 : i32
        %add3A_73 = arith.addi %mul3A_67, %add3A_72 : i32
        %lt3A_74 = arith.cmpi slt, %add3A_73, %add3A_3 : i32
        %convert_element_type3A_75 = arith.extui %lt3A_74 : i1 to i32
        %cond3A_76 = arith.constant 0 : i32
        %cond3A_77 = arith.cmpi ne, %convert_element_type3A_75, %cond3A_76 : i32
        scf.if %cond3A_77 {
          %add3A_137 = arith.constant 1 : i32
          %add3A_138 = arith.addi %mul3A_67, %add3A_137 : i32
          %mul3A_139 = arith.constant 128 : i32
          %mul3A_140 = arith.muli %add3A_138, %mul3A_139 : i32
          %add3A_141 = arith.addi %add3A_29, %mul3A_140 : i32
          %dma_start3A_142 = tpu.memref_slice %arg5[%add3A_141] : memref<320000xi32, #tpu.memory_space<hbm>> -> memref<128xi32, #tpu.memory_space<hbm>>
          %dma_start3A_143 = tpu.memref_slice %arg5[%add3A_141] : memref<320000xi32, #tpu.memory_space<hbm>> -> memref<128xi32, #tpu.memory_space<hbm>>
          tpu.enqueue_dma source(%dma_start3A_143 : memref<128xi32, #tpu.memory_space<hbm>>) target(%arg11 : memref<128xi32, #tpu.memory_space<vmem>>) target_semaphore(%arg15 : memref<!tpu.dma_semaphore, #tpu.memory_space<semaphore_mem>>)
          %add3A_144 = arith.constant 1 : i32
          %add3A_145 = arith.addi %mul3A_67, %add3A_144 : i32
          %mul3A_146 = arith.constant 128 : i32
          %mul3A_147 = arith.muli %add3A_145, %mul3A_146 : i32
          %dma_start3A_148 = arith.constant 1 : i32
          %dma_start3A_149 = arith.constant 0 : i32
          %dma_start3A_150 = arith.constant 0 : i32
          %dma_start3A_151 = tpu.memref_slice %arg12[%dma_start3A_148, %dma_start3A_149, %dma_start3A_150] : memref<2x128x128xf32, #tpu.memory_space<vmem>> -> memref<1x128x128xf32, #tpu.memory_space<vmem>>
          %dma_start3A_152 = tpu.memref_squeeze %dma_start3A_151 : memref<1x128x128xf32, #tpu.memory_space<vmem>> -> memref<128x128xf32, #tpu.memory_space<vmem>>
          %dma_start3A_153 = tpu.memref_slice %arg9[%mul3A_147] : memref<10112xi32, #tpu.memory_space<vmem>> -> memref<128xi32, #tpu.memory_space<vmem>>
          %dma_start3A_154 = arith.constant 0 : i32
          %dma_start3A_155 = arith.constant 0 : i32
          %dma_start3A_156 = tpu.memref_slice %arg2[%dma_start3A_154, %dma_start3A_155] : memref<10240x128xf32, #tpu.memory_space<hbm>> -> memref<10240x128xf32, #tpu.memory_space<hbm>>
          tpu.enqueue_indirect_dma source(%dma_start3A_156 : memref<10240x128xf32, #tpu.memory_space<hbm>>) target(%dma_start3A_152 : memref<128x128xf32, #tpu.memory_space<vmem>>) offsets(%dma_start3A_153 : memref<128xi32, #tpu.memory_space<vmem>>) semaphore(%arg14 : memref<!tpu.dma_semaphore, #tpu.memory_space<semaphore_mem>>)
        } else {
        }
        %dma_wait3A_78 = arith.constant 0 : i32
        %dma_wait3A_79 = arith.constant 0 : i32
        %dma_wait3A_80 = arith.constant 0 : i32
        %dma_wait3A_81 = tpu.memref_slice %arg12[%dma_wait3A_78, %dma_wait3A_79, %dma_wait3A_80] : memref<2x128x128xf32, #tpu.memory_space<vmem>> -> memref<1x128x128xf32, #tpu.memory_space<vmem>>
        %dma_wait3A_82 = tpu.memref_squeeze %dma_wait3A_81 : memref<1x128x128xf32, #tpu.memory_space<vmem>> -> memref<128x128xf32, #tpu.memory_space<vmem>>
        %dma_wait3A_83 = arith.constant 0 : i32
        %dma_wait3A_84 = tpu.memref_slice %arg9[%dma_wait3A_83] : memref<10112xi32, #tpu.memory_space<vmem>> -> memref<128xi32, #tpu.memory_space<vmem>>
        %dma_wait3A_85 = arith.constant 0 : i32
        %dma_wait3A_86 = arith.constant 0 : i32
        %dma_wait3A_87 = tpu.memref_slice %arg2[%dma_wait3A_85, %dma_wait3A_86] : memref<10240x128xf32, #tpu.memory_space<hbm>> -> memref<10240x128xf32, #tpu.memory_space<hbm>>
        tpu.wait_indirect_dma semaphore(%arg14 : memref<!tpu.dma_semaphore, #tpu.memory_space<semaphore_mem>>) src(%dma_wait3A_87 : memref<10240x128xf32, #tpu.memory_space<hbm>>) dst(%dma_wait3A_82 : memref<128x128xf32, #tpu.memory_space<vmem>>)
        %dma_wait3A_88 = arith.constant 0 : i32
        %dma_wait3A_89 = tpu.memref_slice %arg5[%dma_wait3A_88] : memref<320000xi32, #tpu.memory_space<hbm>> -> memref<128xi32, #tpu.memory_space<hbm>>
        %dma_wait3A_90 = arith.constant 0 : i32
        %dma_wait3A_91 = tpu.memref_slice %arg5[%dma_wait3A_90] : memref<320000xi32, #tpu.memory_space<hbm>> -> memref<128xi32, #tpu.memory_space<hbm>>
        tpu.wait_dma2 semaphore(%arg15 : memref<!tpu.dma_semaphore, #tpu.memory_space<semaphore_mem>>) src(%dma_wait3A_91 : memref<128xi32, #tpu.memory_space<hbm>>) dst(%arg10 : memref<128xi32, #tpu.memory_space<vmem>>)
        %dma_start3A_92 = arith.constant 0 : i32
        %dma_start3A_93 = arith.constant 0 : i32
        %dma_start3A_94 = arith.constant 0 : i32
        %dma_start3A_95 = tpu.memref_slice %arg12[%dma_start3A_92, %dma_start3A_93, %dma_start3A_94] : memref<2x128x128xf32, #tpu.memory_space<vmem>> -> memref<1x128x128xf32, #tpu.memory_space<vmem>>
        %dma_start3A_96 = tpu.memref_squeeze %dma_start3A_95 : memref<1x128x128xf32, #tpu.memory_space<vmem>> -> memref<128x128xf32, #tpu.memory_space<vmem>>
        %dma_start3A_97 = arith.constant 0 : i32
        %dma_start3A_98 = arith.constant 0 : i32
        %dma_start3A_99 = tpu.memref_slice %arg13[%dma_start3A_97, %dma_start3A_98] : memref<10240x128xf32, #tpu.memory_space<vmem_shared>> -> memref<10240x128xf32, #tpu.memory_space<vmem_shared>>
        tpu.enqueue_indirect_dma source(%dma_start3A_96 : memref<128x128xf32, #tpu.memory_space<vmem>>) target(%dma_start3A_99 : memref<10240x128xf32, #tpu.memory_space<vmem_shared>>) offsets(%arg10 : memref<128xi32, #tpu.memory_space<vmem>>) semaphore(%arg16 : memref<!tpu.dma_semaphore, #tpu.memory_space<semaphore_mem>>) {add = true}
        %mul3A_100 = arith.constant 2 : i32
        %mul3A_101 = arith.muli %mul3A_100, %scan3A_65 : i32
        %add3A_102 = arith.constant 1 : i32
        %add3A_103 = arith.addi %mul3A_101, %add3A_102 : i32
        %gt3A_104 = arith.constant 0 : i32
        %gt3A_105 = arith.cmpi sgt, %add3A_103, %gt3A_104 : i32
        %convert_element_type3A_106 = arith.extui %gt3A_105 : i1 to i32
        %cond3A_107 = arith.constant 0 : i32
        %cond3A_108 = arith.cmpi ne, %convert_element_type3A_106, %cond3A_107 : i32
        scf.if %cond3A_108 {
          %dma_wait3A_137 = arith.constant 0 : i32
          %dma_wait3A_138 = arith.constant 0 : i32
          %dma_wait3A_139 = arith.constant 0 : i32
          %dma_wait3A_140 = tpu.memref_slice %arg12[%dma_wait3A_137, %dma_wait3A_138, %dma_wait3A_139] : memref<2x128x128xf32, #tpu.memory_space<vmem>> -> memref<1x128x128xf32, #tpu.memory_space<vmem>>
          %dma_wait3A_141 = tpu.memref_squeeze %dma_wait3A_140 : memref<1x128x128xf32, #tpu.memory_space<vmem>> -> memref<128x128xf32, #tpu.memory_space<vmem>>
          %dma_wait3A_142 = arith.constant 0 : i32
          %dma_wait3A_143 = arith.constant 0 : i32
          %dma_wait3A_144 = tpu.memref_slice %arg13[%dma_wait3A_142, %dma_wait3A_143] : memref<10240x128xf32, #tpu.memory_space<vmem_shared>> -> memref<10240x128xf32, #tpu.memory_space<vmem_shared>>
          tpu.wait_indirect_dma semaphore(%arg16 : memref<!tpu.dma_semaphore, #tpu.memory_space<semaphore_mem>>) src(%dma_wait3A_141 : memref<128x128xf32, #tpu.memory_space<vmem>>) dst(%dma_wait3A_144 : memref<10240x128xf32, #tpu.memory_space<vmem_shared>>)
        } else {
        }
        %add3A_109 = arith.constant 1 : i32
        %add3A_110 = arith.addi %add3A_103, %add3A_109 : i32
        %lt3A_111 = arith.cmpi slt, %add3A_110, %add3A_3 : i32
        %convert_element_type3A_112 = arith.extui %lt3A_111 : i1 to i32
        %cond3A_113 = arith.constant 0 : i32
        %cond3A_114 = arith.cmpi ne, %convert_element_type3A_112, %cond3A_113 : i32
        scf.if %cond3A_114 {
          %add3A_137 = arith.constant 1 : i32
          %add3A_138 = arith.addi %add3A_103, %add3A_137 : i32
          %mul3A_139 = arith.constant 128 : i32
          %mul3A_140 = arith.muli %add3A_138, %mul3A_139 : i32
          %add3A_141 = arith.addi %add3A_29, %mul3A_140 : i32
          %dma_start3A_142 = tpu.memref_slice %arg5[%add3A_141] : memref<320000xi32, #tpu.memory_space<hbm>> -> memref<128xi32, #tpu.memory_space<hbm>>
          %dma_start3A_143 = tpu.memref_slice %arg5[%add3A_141] : memref<320000xi32, #tpu.memory_space<hbm>> -> memref<128xi32, #tpu.memory_space<hbm>>
          tpu.enqueue_dma source(%dma_start3A_143 : memref<128xi32, #tpu.memory_space<hbm>>) target(%arg10 : memref<128xi32, #tpu.memory_space<vmem>>) target_semaphore(%arg15 : memref<!tpu.dma_semaphore, #tpu.memory_space<semaphore_mem>>)
          %add3A_144 = arith.constant 1 : i32
          %add3A_145 = arith.addi %add3A_103, %add3A_144 : i32
          %mul3A_146 = arith.constant 128 : i32
          %mul3A_147 = arith.muli %add3A_145, %mul3A_146 : i32
          %dma_start3A_148 = arith.constant 0 : i32
          %dma_start3A_149 = arith.constant 0 : i32
          %dma_start3A_150 = arith.constant 0 : i32
          %dma_start3A_151 = tpu.memref_slice %arg12[%dma_start3A_148, %dma_start3A_149, %dma_start3A_150] : memref<2x128x128xf32, #tpu.memory_space<vmem>> -> memref<1x128x128xf32, #tpu.memory_space<vmem>>
          %dma_start3A_152 = tpu.memref_squeeze %dma_start3A_151 : memref<1x128x128xf32, #tpu.memory_space<vmem>> -> memref<128x128xf32, #tpu.memory_space<vmem>>
          %dma_start3A_153 = tpu.memref_slice %arg9[%mul3A_147] : memref<10112xi32, #tpu.memory_space<vmem>> -> memref<128xi32, #tpu.memory_space<vmem>>
          %dma_start3A_154 = arith.constant 0 : i32
          %dma_start3A_155 = arith.constant 0 : i32
          %dma_start3A_156 = tpu.memref_slice %arg2[%dma_start3A_154, %dma_start3A_155] : memref<10240x128xf32, #tpu.memory_space<hbm>> -> memref<10240x128xf32, #tpu.memory_space<hbm>>
          tpu.enqueue_indirect_dma source(%dma_start3A_156 : memref<10240x128xf32, #tpu.memory_space<hbm>>) target(%dma_start3A_152 : memref<128x128xf32, #tpu.memory_space<vmem>>) offsets(%dma_start3A_153 : memref<128xi32, #tpu.memory_space<vmem>>) semaphore(%arg14 : memref<!tpu.dma_semaphore, #tpu.memory_space<semaphore_mem>>)
        } else {
        }
        %dma_wait3A_115 = arith.constant 1 : i32
        %dma_wait3A_116 = arith.constant 0 : i32
        %dma_wait3A_117 = arith.constant 0 : i32
        %dma_wait3A_118 = tpu.memref_slice %arg12[%dma_wait3A_115, %dma_wait3A_116, %dma_wait3A_117] : memref<2x128x128xf32, #tpu.memory_space<vmem>> -> memref<1x128x128xf32, #tpu.memory_space<vmem>>
        %dma_wait3A_119 = tpu.memref_squeeze %dma_wait3A_118 : memref<1x128x128xf32, #tpu.memory_space<vmem>> -> memref<128x128xf32, #tpu.memory_space<vmem>>
        %dma_wait3A_120 = arith.constant 0 : i32
        %dma_wait3A_121 = tpu.memref_slice %arg9[%dma_wait3A_120] : memref<10112xi32, #tpu.memory_space<vmem>> -> memref<128xi32, #tpu.memory_space<vmem>>
        %dma_wait3A_122 = arith.constant 0 : i32
        %dma_wait3A_123 = arith.constant 0 : i32
        %dma_wait3A_124 = tpu.memref_slice %arg2[%dma_wait3A_122, %dma_wait3A_123] : memref<10240x128xf32, #tpu.memory_space<hbm>> -> memref<10240x128xf32, #tpu.memory_space<hbm>>
        tpu.wait_indirect_dma semaphore(%arg14 : memref<!tpu.dma_semaphore, #tpu.memory_space<semaphore_mem>>) src(%dma_wait3A_124 : memref<10240x128xf32, #tpu.memory_space<hbm>>) dst(%dma_wait3A_119 : memref<128x128xf32, #tpu.memory_space<vmem>>)
        %dma_wait3A_125 = arith.constant 0 : i32
        %dma_wait3A_126 = tpu.memref_slice %arg5[%dma_wait3A_125] : memref<320000xi32, #tpu.memory_space<hbm>> -> memref<128xi32, #tpu.memory_space<hbm>>
        %dma_wait3A_127 = arith.constant 0 : i32
        %dma_wait3A_128 = tpu.memref_slice %arg5[%dma_wait3A_127] : memref<320000xi32, #tpu.memory_space<hbm>> -> memref<128xi32, #tpu.memory_space<hbm>>
        tpu.wait_dma2 semaphore(%arg15 : memref<!tpu.dma_semaphore, #tpu.memory_space<semaphore_mem>>) src(%dma_wait3A_128 : memref<128xi32, #tpu.memory_space<hbm>>) dst(%arg11 : memref<128xi32, #tpu.memory_space<vmem>>)
        %dma_start3A_129 = arith.constant 1 : i32
        %dma_start3A_130 = arith.constant 0 : i32
        %dma_start3A_131 = arith.constant 0 : i32
        %dma_start3A_132 = tpu.memref_slice %arg12[%dma_start3A_129, %dma_start3A_130, %dma_start3A_131] : memref<2x128x128xf32, #tpu.memory_space<vmem>> -> memref<1x128x128xf32, #tpu.memory_space<vmem>>
        %dma_start3A_133 = tpu.memref_squeeze %dma_start3A_132 : memref<1x128x128xf32, #tpu.memory_space<vmem>> -> memref<128x128xf32, #tpu.memory_space<vmem>>
        %dma_start3A_134 = arith.constant 0 : i32
        %dma_start3A_135 = arith.constant 0 : i32
        %dma_start3A_136 = tpu.memref_slice %arg13[%dma_start3A_134, %dma_start3A_135] : memref<10240x128xf32, #tpu.memory_space<vmem_shared>> -> memref<10240x128xf32, #tpu.memory_space<vmem_shared>>
        tpu.enqueue_indirect_dma source(%dma_start3A_133 : memref<128x128xf32, #tpu.memory_space<vmem>>) target(%dma_start3A_136 : memref<10240x128xf32, #tpu.memory_space<vmem_shared>>) offsets(%arg11 : memref<128xi32, #tpu.memory_space<vmem>>) semaphore(%arg16 : memref<!tpu.dma_semaphore, #tpu.memory_space<semaphore_mem>>) {add = true}
      }
      %scan3A_52 = arith.constant 39 : i32
      %lt3A_53 = arith.constant 2 : i32
      %lt3A_54 = arith.cmpi slt, %arg1, %lt3A_53 : i32
      %convert_element_type3A_55 = arith.extui %lt3A_54 : i1 to i32
      %cond3A_56 = arith.constant 0 : i32
      %cond3A_57 = arith.cmpi ne, %convert_element_type3A_55, %cond3A_56 : i32
      scf.if %cond3A_57 {
        %dma_wait3A_65 = arith.constant 0 : i32
        %dma_wait3A_66 = arith.constant 0 : i32
        %dma_wait3A_67 = arith.constant 0 : i32
        %dma_wait3A_68 = tpu.memref_slice %arg12[%dma_wait3A_65, %dma_wait3A_66, %dma_wait3A_67] : memref<2x128x128xf32, #tpu.memory_space<vmem>> -> memref<1x128x128xf32, #tpu.memory_space<vmem>>
        %dma_wait3A_69 = tpu.memref_squeeze %dma_wait3A_68 : memref<1x128x128xf32, #tpu.memory_space<vmem>> -> memref<128x128xf32, #tpu.memory_space<vmem>>
        %dma_wait3A_70 = arith.constant 0 : i32
        %dma_wait3A_71 = arith.constant 0 : i32
        %dma_wait3A_72 = tpu.memref_slice %arg13[%dma_wait3A_70, %dma_wait3A_71] : memref<10240x128xf32, #tpu.memory_space<vmem_shared>> -> memref<10240x128xf32, #tpu.memory_space<vmem_shared>>
        tpu.wait_indirect_dma semaphore(%arg16 : memref<!tpu.dma_semaphore, #tpu.memory_space<semaphore_mem>>) src(%dma_wait3A_69 : memref<128x128xf32, #tpu.memory_space<vmem>>) dst(%dma_wait3A_72 : memref<10240x128xf32, #tpu.memory_space<vmem_shared>>)
        %dma_wait3A_73 = arith.constant 0 : i32
        %dma_wait3A_74 = arith.constant 0 : i32
        %dma_wait3A_75 = arith.constant 0 : i32
        %dma_wait3A_76 = tpu.memref_slice %arg12[%dma_wait3A_73, %dma_wait3A_74, %dma_wait3A_75] : memref<2x128x128xf32, #tpu.memory_space<vmem>> -> memref<1x128x128xf32, #tpu.memory_space<vmem>>
        %dma_wait3A_77 = tpu.memref_squeeze %dma_wait3A_76 : memref<1x128x128xf32, #tpu.memory_space<vmem>> -> memref<128x128xf32, #tpu.memory_space<vmem>>
        %dma_wait3A_78 = arith.constant 0 : i32
        %dma_wait3A_79 = tpu.memref_slice %arg9[%dma_wait3A_78] : memref<10112xi32, #tpu.memory_space<vmem>> -> memref<128xi32, #tpu.memory_space<vmem>>
        %dma_wait3A_80 = arith.constant 0 : i32
        %dma_wait3A_81 = arith.constant 0 : i32
        %dma_wait3A_82 = tpu.memref_slice %arg2[%dma_wait3A_80, %dma_wait3A_81] : memref<10240x128xf32, #tpu.memory_space<hbm>> -> memref<10240x128xf32, #tpu.memory_space<hbm>>
        tpu.wait_indirect_dma semaphore(%arg14 : memref<!tpu.dma_semaphore, #tpu.memory_space<semaphore_mem>>) src(%dma_wait3A_82 : memref<10240x128xf32, #tpu.memory_space<hbm>>) dst(%dma_wait3A_77 : memref<128x128xf32, #tpu.memory_space<vmem>>)
        %dma_wait3A_83 = arith.constant 0 : i32
        %dma_wait3A_84 = tpu.memref_slice %arg5[%dma_wait3A_83] : memref<320000xi32, #tpu.memory_space<hbm>> -> memref<128xi32, #tpu.memory_space<hbm>>
        %dma_wait3A_85 = arith.constant 0 : i32
        %dma_wait3A_86 = tpu.memref_slice %arg5[%dma_wait3A_85] : memref<320000xi32, #tpu.memory_space<hbm>> -> memref<128xi32, #tpu.memory_space<hbm>>
        tpu.wait_dma2 semaphore(%arg15 : memref<!tpu.dma_semaphore, #tpu.memory_space<semaphore_mem>>) src(%dma_wait3A_86 : memref<128xi32, #tpu.memory_space<hbm>>) dst(%arg10 : memref<128xi32, #tpu.memory_space<vmem>>)
        %dma_start3A_87 = arith.constant 0 : i32
        %dma_start3A_88 = arith.constant 0 : i32
        %dma_start3A_89 = arith.constant 0 : i32
        %dma_start3A_90 = tpu.memref_slice %arg12[%dma_start3A_87, %dma_start3A_88, %dma_start3A_89] : memref<2x128x128xf32, #tpu.memory_space<vmem>> -> memref<1x128x128xf32, #tpu.memory_space<vmem>>
        %dma_start3A_91 = tpu.memref_squeeze %dma_start3A_90 : memref<1x128x128xf32, #tpu.memory_space<vmem>> -> memref<128x128xf32, #tpu.memory_space<vmem>>
        %dma_start3A_92 = arith.constant 0 : i32
        %dma_start3A_93 = arith.constant 0 : i32
        %dma_start3A_94 = tpu.memref_slice %arg13[%dma_start3A_92, %dma_start3A_93] : memref<10240x128xf32, #tpu.memory_space<vmem_shared>> -> memref<10240x128xf32, #tpu.memory_space<vmem_shared>>
        tpu.enqueue_indirect_dma source(%dma_start3A_91 : memref<128x128xf32, #tpu.memory_space<vmem>>) target(%dma_start3A_94 : memref<10240x128xf32, #tpu.memory_space<vmem_shared>>) offsets(%arg10 : memref<128xi32, #tpu.memory_space<vmem>>) semaphore(%arg16 : memref<!tpu.dma_semaphore, #tpu.memory_space<semaphore_mem>>) {add = true}
      } else {
      }
      %dma_wait3A = arith.constant 0 : i32
      %dma_wait3A_58 = arith.constant 0 : i32
      %dma_wait3A_59 = arith.constant 0 : i32
      %dma_wait3A_60 = tpu.memref_slice %arg12[%dma_wait3A, %dma_wait3A_58, %dma_wait3A_59] : memref<2x128x128xf32, #tpu.memory_space<vmem>> -> memref<1x128x128xf32, #tpu.memory_space<vmem>>
      %dma_wait3A_61 = tpu.memref_squeeze %dma_wait3A_60 : memref<1x128x128xf32, #tpu.memory_space<vmem>> -> memref<128x128xf32, #tpu.memory_space<vmem>>
      %dma_wait3A_62 = arith.constant 0 : i32
      %dma_wait3A_63 = arith.constant 0 : i32
      %dma_wait3A_64 = tpu.memref_slice %arg13[%dma_wait3A_62, %dma_wait3A_63] : memref<10240x128xf32, #tpu.memory_space<vmem_shared>> -> memref<10240x128xf32, #tpu.memory_space<vmem_shared>>
      tpu.wait_indirect_dma semaphore(%arg16 : memref<!tpu.dma_semaphore, #tpu.memory_space<semaphore_mem>>) src(%dma_wait3A_61 : memref<128x128xf32, #tpu.memory_space<vmem>>) dst(%dma_wait3A_64 : memref<10240x128xf32, #tpu.memory_space<vmem_shared>>)
    } else {
    }
    %eq3A_6 = arith.constant 1 : i32
    %eq3A_7 = arith.cmpi eq, %arg0, %eq3A_6 : i32
    %convert_element_type3A_8 = arith.extui %eq3A_7 : i1 to i32
    %cond3A_9 = arith.constant 0 : i32
    %cond3A_10 = arith.cmpi ne, %convert_element_type3A_8, %cond3A_9 : i32
    scf.if %cond3A_10 {
      %mul3A_22 = arith.constant 78 : i32
      %mul3A_23 = arith.muli %mul3A_22, %arg1 : i32
      %min3A = arith.constant 2 : i32
      %min3A_24 = arith.minsi %arg1, %min3A : i32
      %add3A_25 = arith.addi %mul3A_23, %min3A_24 : i32
      %mul3A_26 = arith.constant 128 : i32
      %mul3A_27 = arith.muli %add3A_25, %mul3A_26 : i32
      %add3A_28 = arith.constant 160000 : i32
      %add3A_29 = arith.addi %add3A_28, %mul3A_27 : i32
      "tpu.region"() ({
        %run_scoped3A = tpu.sem_alloc : memref<!tpu.dma_semaphore, #tpu.memory_space<semaphore_mem>>
        %dma_start3A_65 = arith.constant 0 : i32
        %dma_start3A_66 = tpu.memref_slice %arg9[%dma_start3A_65] : memref<10112xi32, #tpu.memory_space<vmem>> -> memref<9984xi32, #tpu.memory_space<vmem>>
        %dma_start3A_67 = tpu.memref_slice %arg4[%add3A_29] : memref<320000xi32, #tpu.memory_space<hbm>> -> memref<9984xi32, #tpu.memory_space<hbm>>
        %dma_start3A_68 = arith.constant 0 : i32
        %dma_start3A_69 = tpu.memref_slice %arg9[%dma_start3A_68] : memref<10112xi32, #tpu.memory_space<vmem>> -> memref<9984xi32, #tpu.memory_space<vmem>>
        %dma_start3A_70 = tpu.memref_slice %arg4[%add3A_29] : memref<320000xi32, #tpu.memory_space<hbm>> -> memref<9984xi32, #tpu.memory_space<hbm>>
        tpu.enqueue_dma source(%dma_start3A_70 : memref<9984xi32, #tpu.memory_space<hbm>>) target(%dma_start3A_69 : memref<9984xi32, #tpu.memory_space<vmem>>) target_semaphore(%run_scoped3A : memref<!tpu.dma_semaphore, #tpu.memory_space<semaphore_mem>>)
        %dma_wait3A_71 = arith.constant 0 : i32
        %dma_wait3A_72 = tpu.memref_slice %arg9[%dma_wait3A_71] : memref<10112xi32, #tpu.memory_space<vmem>> -> memref<9984xi32, #tpu.memory_space<vmem>>
        %dma_wait3A_73 = tpu.memref_slice %arg4[%add3A_29] : memref<320000xi32, #tpu.memory_space<hbm>> -> memref<9984xi32, #tpu.memory_space<hbm>>
        %dma_wait3A_74 = arith.constant 0 : i32
        %dma_wait3A_75 = tpu.memref_slice %arg9[%dma_wait3A_74] : memref<10112xi32, #tpu.memory_space<vmem>> -> memref<9984xi32, #tpu.memory_space<vmem>>
        %dma_wait3A_76 = tpu.memref_slice %arg4[%add3A_29] : memref<320000xi32, #tpu.memory_space<hbm>> -> memref<9984xi32, #tpu.memory_space<hbm>>
        tpu.wait_dma2 semaphore(%run_scoped3A : memref<!tpu.dma_semaphore, #tpu.memory_space<semaphore_mem>>) src(%dma_wait3A_76 : memref<9984xi32, #tpu.memory_space<hbm>>) dst(%dma_wait3A_75 : memref<9984xi32, #tpu.memory_space<vmem>>)
        tpu.yield
      }) : () -> ()
      %lt3A_30 = arith.constant 2 : i32
      %lt3A_31 = arith.cmpi slt, %arg1, %lt3A_30 : i32
      %convert_element_type3A_32 = arith.extui %lt3A_31 : i1 to i32
      %cond3A_33 = arith.constant 0 : i32
      %cond3A_34 = arith.cmpi ne, %convert_element_type3A_32, %cond3A_33 : i32
      scf.if %cond3A_34 {
        %add3A_65 = arith.constant 9984 : i32
        %add3A_66 = arith.addi %add3A_29, %add3A_65 : i32
        "tpu.region"() ({
          %run_scoped3A = tpu.sem_alloc : memref<!tpu.dma_semaphore, #tpu.memory_space<semaphore_mem>>
          %dma_start3A_67 = arith.constant 9984 : i32
          %dma_start3A_68 = tpu.memref_slice %arg9[%dma_start3A_67] : memref<10112xi32, #tpu.memory_space<vmem>> -> memref<128xi32, #tpu.memory_space<vmem>>
          %dma_start3A_69 = tpu.memref_slice %arg4[%add3A_66] : memref<320000xi32, #tpu.memory_space<hbm>> -> memref<128xi32, #tpu.memory_space<hbm>>
          %dma_start3A_70 = arith.constant 9984 : i32
          %dma_start3A_71 = tpu.memref_slice %arg9[%dma_start3A_70] : memref<10112xi32, #tpu.memory_space<vmem>> -> memref<128xi32, #tpu.memory_space<vmem>>
          %dma_start3A_72 = tpu.memref_slice %arg4[%add3A_66] : memref<320000xi32, #tpu.memory_space<hbm>> -> memref<128xi32, #tpu.memory_space<hbm>>
          tpu.enqueue_dma source(%dma_start3A_72 : memref<128xi32, #tpu.memory_space<hbm>>) target(%dma_start3A_71 : memref<128xi32, #tpu.memory_space<vmem>>) target_semaphore(%run_scoped3A : memref<!tpu.dma_semaphore, #tpu.memory_space<semaphore_mem>>)
          %dma_wait3A_73 = arith.constant 9984 : i32
          %dma_wait3A_74 = tpu.memref_slice %arg9[%dma_wait3A_73] : memref<10112xi32, #tpu.memory_space<vmem>> -> memref<128xi32, #tpu.memory_space<vmem>>
          %dma_wait3A_75 = tpu.memref_slice %arg4[%add3A_66] : memref<320000xi32, #tpu.memory_space<hbm>> -> memref<128xi32, #tpu.memory_space<hbm>>
          %dma_wait3A_76 = arith.constant 9984 : i32
          %dma_wait3A_77 = tpu.memref_slice %arg9[%dma_wait3A_76] : memref<10112xi32, #tpu.memory_space<vmem>> -> memref<128xi32, #tpu.memory_space<vmem>>
          %dma_wait3A_78 = tpu.memref_slice %arg4[%add3A_66] : memref<320000xi32, #tpu.memory_space<hbm>> -> memref<128xi32, #tpu.memory_space<hbm>>
          tpu.wait_dma2 semaphore(%run_scoped3A : memref<!tpu.dma_semaphore, #tpu.memory_space<semaphore_mem>>) src(%dma_wait3A_78 : memref<128xi32, #tpu.memory_space<hbm>>) dst(%dma_wait3A_77 : memref<128xi32, #tpu.memory_space<vmem>>)
          tpu.yield
        }) : () -> ()
      } else {
      }
      %add3A_35 = arith.constant 0 : i32
      %add3A_36 = arith.addi %add3A_29, %add3A_35 : i32
      %dma_start3A = tpu.memref_slice %arg5[%add3A_36] : memref<320000xi32, #tpu.memory_space<hbm>> -> memref<128xi32, #tpu.memory_space<hbm>>
      %dma_start3A_37 = tpu.memref_slice %arg5[%add3A_36] : memref<320000xi32, #tpu.memory_space<hbm>> -> memref<128xi32, #tpu.memory_space<hbm>>
      tpu.enqueue_dma source(%dma_start3A_37 : memref<128xi32, #tpu.memory_space<hbm>>) target(%arg10 : memref<128xi32, #tpu.memory_space<vmem>>) target_semaphore(%arg15 : memref<!tpu.dma_semaphore, #tpu.memory_space<semaphore_mem>>)
      %dma_start3A_38 = arith.constant 0 : i32
      %dma_start3A_39 = arith.constant 0 : i32
      %dma_start3A_40 = arith.constant 0 : i32
      %dma_start3A_41 = tpu.memref_slice %arg12[%dma_start3A_38, %dma_start3A_39, %dma_start3A_40] : memref<2x128x128xf32, #tpu.memory_space<vmem>> -> memref<1x128x128xf32, #tpu.memory_space<vmem>>
      %dma_start3A_42 = tpu.memref_squeeze %dma_start3A_41 : memref<1x128x128xf32, #tpu.memory_space<vmem>> -> memref<128x128xf32, #tpu.memory_space<vmem>>
      %dma_start3A_43 = arith.constant 0 : i32
      %dma_start3A_44 = tpu.memref_slice %arg9[%dma_start3A_43] : memref<10112xi32, #tpu.memory_space<vmem>> -> memref<128xi32, #tpu.memory_space<vmem>>
      %dma_start3A_45 = arith.constant 0 : i32
      %dma_start3A_46 = arith.constant 0 : i32
      %dma_start3A_47 = tpu.memref_slice %arg3[%dma_start3A_45, %dma_start3A_46] : memref<10240x128xf32, #tpu.memory_space<hbm>> -> memref<10240x128xf32, #tpu.memory_space<hbm>>
      tpu.enqueue_indirect_dma source(%dma_start3A_47 : memref<10240x128xf32, #tpu.memory_space<hbm>>) target(%dma_start3A_42 : memref<128x128xf32, #tpu.memory_space<vmem>>) offsets(%dma_start3A_44 : memref<128xi32, #tpu.memory_space<vmem>>) semaphore(%arg14 : memref<!tpu.dma_semaphore, #tpu.memory_space<semaphore_mem>>)
      %scan3A = arith.constant 0 : i32
      %scan3A_48 = arith.constant 0 : i32
      %scan3A_49 = arith.constant 39 : i32
      %scan3A_50 = arith.addi %scan3A_48, %scan3A_49 : i32
      %scan3A_51 = arith.constant 1 : i32
      scf.for %scan3A_65 = %scan3A_48 to %scan3A_50 step %scan3A_51  : i32 {
        %mul3A_66 = arith.constant 2 : i32
        %mul3A_67 = arith.muli %mul3A_66, %scan3A_65 : i32
        %gt3A = arith.constant 0 : i32
        %gt3A_68 = arith.cmpi sgt, %mul3A_67, %gt3A : i32
        %convert_element_type3A_69 = arith.extui %gt3A_68 : i1 to i32
        %cond3A_70 = arith.constant 0 : i32
        %cond3A_71 = arith.cmpi ne, %convert_element_type3A_69, %cond3A_70 : i32
        scf.if %cond3A_71 {
          %dma_wait3A_137 = arith.constant 0 : i32
          %dma_wait3A_138 = arith.constant 0 : i32
          %dma_wait3A_139 = arith.constant 0 : i32
          %dma_wait3A_140 = tpu.memref_slice %arg12[%dma_wait3A_137, %dma_wait3A_138, %dma_wait3A_139] : memref<2x128x128xf32, #tpu.memory_space<vmem>> -> memref<1x128x128xf32, #tpu.memory_space<vmem>>
          %dma_wait3A_141 = tpu.memref_squeeze %dma_wait3A_140 : memref<1x128x128xf32, #tpu.memory_space<vmem>> -> memref<128x128xf32, #tpu.memory_space<vmem>>
          %dma_wait3A_142 = arith.constant 0 : i32
          %dma_wait3A_143 = arith.constant 0 : i32
          %dma_wait3A_144 = tpu.memref_slice %arg13[%dma_wait3A_142, %dma_wait3A_143] : memref<10240x128xf32, #tpu.memory_space<vmem_shared>> -> memref<10240x128xf32, #tpu.memory_space<vmem_shared>>
          tpu.wait_indirect_dma semaphore(%arg16 : memref<!tpu.dma_semaphore, #tpu.memory_space<semaphore_mem>>) src(%dma_wait3A_141 : memref<128x128xf32, #tpu.memory_space<vmem>>) dst(%dma_wait3A_144 : memref<10240x128xf32, #tpu.memory_space<vmem_shared>>)
        } else {
        }
        %add3A_72 = arith.constant 1 : i32
        %add3A_73 = arith.addi %mul3A_67, %add3A_72 : i32
        %lt3A_74 = arith.cmpi slt, %add3A_73, %add3A_3 : i32
        %convert_element_type3A_75 = arith.extui %lt3A_74 : i1 to i32
        %cond3A_76 = arith.constant 0 : i32
        %cond3A_77 = arith.cmpi ne, %convert_element_type3A_75, %cond3A_76 : i32
        scf.if %cond3A_77 {
          %add3A_137 = arith.constant 1 : i32
          %add3A_138 = arith.addi %mul3A_67, %add3A_137 : i32
          %mul3A_139 = arith.constant 128 : i32
          %mul3A_140 = arith.muli %add3A_138, %mul3A_139 : i32
          %add3A_141 = arith.addi %add3A_29, %mul3A_140 : i32
          %dma_start3A_142 = tpu.memref_slice %arg5[%add3A_141] : memref<320000xi32, #tpu.memory_space<hbm>> -> memref<128xi32, #tpu.memory_space<hbm>>
          %dma_start3A_143 = tpu.memref_slice %arg5[%add3A_141] : memref<320000xi32, #tpu.memory_space<hbm>> -> memref<128xi32, #tpu.memory_space<hbm>>
          tpu.enqueue_dma source(%dma_start3A_143 : memref<128xi32, #tpu.memory_space<hbm>>) target(%arg11 : memref<128xi32, #tpu.memory_space<vmem>>) target_semaphore(%arg15 : memref<!tpu.dma_semaphore, #tpu.memory_space<semaphore_mem>>)
          %add3A_144 = arith.constant 1 : i32
          %add3A_145 = arith.addi %mul3A_67, %add3A_144 : i32
          %mul3A_146 = arith.constant 128 : i32
          %mul3A_147 = arith.muli %add3A_145, %mul3A_146 : i32
          %dma_start3A_148 = arith.constant 1 : i32
          %dma_start3A_149 = arith.constant 0 : i32
          %dma_start3A_150 = arith.constant 0 : i32
          %dma_start3A_151 = tpu.memref_slice %arg12[%dma_start3A_148, %dma_start3A_149, %dma_start3A_150] : memref<2x128x128xf32, #tpu.memory_space<vmem>> -> memref<1x128x128xf32, #tpu.memory_space<vmem>>
          %dma_start3A_152 = tpu.memref_squeeze %dma_start3A_151 : memref<1x128x128xf32, #tpu.memory_space<vmem>> -> memref<128x128xf32, #tpu.memory_space<vmem>>
          %dma_start3A_153 = tpu.memref_slice %arg9[%mul3A_147] : memref<10112xi32, #tpu.memory_space<vmem>> -> memref<128xi32, #tpu.memory_space<vmem>>
          %dma_start3A_154 = arith.constant 0 : i32
          %dma_start3A_155 = arith.constant 0 : i32
          %dma_start3A_156 = tpu.memref_slice %arg3[%dma_start3A_154, %dma_start3A_155] : memref<10240x128xf32, #tpu.memory_space<hbm>> -> memref<10240x128xf32, #tpu.memory_space<hbm>>
          tpu.enqueue_indirect_dma source(%dma_start3A_156 : memref<10240x128xf32, #tpu.memory_space<hbm>>) target(%dma_start3A_152 : memref<128x128xf32, #tpu.memory_space<vmem>>) offsets(%dma_start3A_153 : memref<128xi32, #tpu.memory_space<vmem>>) semaphore(%arg14 : memref<!tpu.dma_semaphore, #tpu.memory_space<semaphore_mem>>)
        } else {
        }
        %dma_wait3A_78 = arith.constant 0 : i32
        %dma_wait3A_79 = arith.constant 0 : i32
        %dma_wait3A_80 = arith.constant 0 : i32
        %dma_wait3A_81 = tpu.memref_slice %arg12[%dma_wait3A_78, %dma_wait3A_79, %dma_wait3A_80] : memref<2x128x128xf32, #tpu.memory_space<vmem>> -> memref<1x128x128xf32, #tpu.memory_space<vmem>>
        %dma_wait3A_82 = tpu.memref_squeeze %dma_wait3A_81 : memref<1x128x128xf32, #tpu.memory_space<vmem>> -> memref<128x128xf32, #tpu.memory_space<vmem>>
        %dma_wait3A_83 = arith.constant 0 : i32
        %dma_wait3A_84 = tpu.memref_slice %arg9[%dma_wait3A_83] : memref<10112xi32, #tpu.memory_space<vmem>> -> memref<128xi32, #tpu.memory_space<vmem>>
        %dma_wait3A_85 = arith.constant 0 : i32
        %dma_wait3A_86 = arith.constant 0 : i32
        %dma_wait3A_87 = tpu.memref_slice %arg3[%dma_wait3A_85, %dma_wait3A_86] : memref<10240x128xf32, #tpu.memory_space<hbm>> -> memref<10240x128xf32, #tpu.memory_space<hbm>>
        tpu.wait_indirect_dma semaphore(%arg14 : memref<!tpu.dma_semaphore, #tpu.memory_space<semaphore_mem>>) src(%dma_wait3A_87 : memref<10240x128xf32, #tpu.memory_space<hbm>>) dst(%dma_wait3A_82 : memref<128x128xf32, #tpu.memory_space<vmem>>)
        %dma_wait3A_88 = arith.constant 0 : i32
        %dma_wait3A_89 = tpu.memref_slice %arg5[%dma_wait3A_88] : memref<320000xi32, #tpu.memory_space<hbm>> -> memref<128xi32, #tpu.memory_space<hbm>>
        %dma_wait3A_90 = arith.constant 0 : i32
        %dma_wait3A_91 = tpu.memref_slice %arg5[%dma_wait3A_90] : memref<320000xi32, #tpu.memory_space<hbm>> -> memref<128xi32, #tpu.memory_space<hbm>>
        tpu.wait_dma2 semaphore(%arg15 : memref<!tpu.dma_semaphore, #tpu.memory_space<semaphore_mem>>) src(%dma_wait3A_91 : memref<128xi32, #tpu.memory_space<hbm>>) dst(%arg10 : memref<128xi32, #tpu.memory_space<vmem>>)
        %dma_start3A_92 = arith.constant 0 : i32
        %dma_start3A_93 = arith.constant 0 : i32
        %dma_start3A_94 = arith.constant 0 : i32
        %dma_start3A_95 = tpu.memref_slice %arg12[%dma_start3A_92, %dma_start3A_93, %dma_start3A_94] : memref<2x128x128xf32, #tpu.memory_space<vmem>> -> memref<1x128x128xf32, #tpu.memory_space<vmem>>
        %dma_start3A_96 = tpu.memref_squeeze %dma_start3A_95 : memref<1x128x128xf32, #tpu.memory_space<vmem>> -> memref<128x128xf32, #tpu.memory_space<vmem>>
        %dma_start3A_97 = arith.constant 0 : i32
        %dma_start3A_98 = arith.constant 0 : i32
        %dma_start3A_99 = tpu.memref_slice %arg13[%dma_start3A_97, %dma_start3A_98] : memref<10240x128xf32, #tpu.memory_space<vmem_shared>> -> memref<10240x128xf32, #tpu.memory_space<vmem_shared>>
        tpu.enqueue_indirect_dma source(%dma_start3A_96 : memref<128x128xf32, #tpu.memory_space<vmem>>) target(%dma_start3A_99 : memref<10240x128xf32, #tpu.memory_space<vmem_shared>>) offsets(%arg10 : memref<128xi32, #tpu.memory_space<vmem>>) semaphore(%arg16 : memref<!tpu.dma_semaphore, #tpu.memory_space<semaphore_mem>>) {add = true}
        %mul3A_100 = arith.constant 2 : i32
        %mul3A_101 = arith.muli %mul3A_100, %scan3A_65 : i32
        %add3A_102 = arith.constant 1 : i32
        %add3A_103 = arith.addi %mul3A_101, %add3A_102 : i32
        %gt3A_104 = arith.constant 0 : i32
        %gt3A_105 = arith.cmpi sgt, %add3A_103, %gt3A_104 : i32
        %convert_element_type3A_106 = arith.extui %gt3A_105 : i1 to i32
        %cond3A_107 = arith.constant 0 : i32
        %cond3A_108 = arith.cmpi ne, %convert_element_type3A_106, %cond3A_107 : i32
        scf.if %cond3A_108 {
          %dma_wait3A_137 = arith.constant 0 : i32
          %dma_wait3A_138 = arith.constant 0 : i32
          %dma_wait3A_139 = arith.constant 0 : i32
          %dma_wait3A_140 = tpu.memref_slice %arg12[%dma_wait3A_137, %dma_wait3A_138, %dma_wait3A_139] : memref<2x128x128xf32, #tpu.memory_space<vmem>> -> memref<1x128x128xf32, #tpu.memory_space<vmem>>
          %dma_wait3A_141 = tpu.memref_squeeze %dma_wait3A_140 : memref<1x128x128xf32, #tpu.memory_space<vmem>> -> memref<128x128xf32, #tpu.memory_space<vmem>>
          %dma_wait3A_142 = arith.constant 0 : i32
          %dma_wait3A_143 = arith.constant 0 : i32
          %dma_wait3A_144 = tpu.memref_slice %arg13[%dma_wait3A_142, %dma_wait3A_143] : memref<10240x128xf32, #tpu.memory_space<vmem_shared>> -> memref<10240x128xf32, #tpu.memory_space<vmem_shared>>
          tpu.wait_indirect_dma semaphore(%arg16 : memref<!tpu.dma_semaphore, #tpu.memory_space<semaphore_mem>>) src(%dma_wait3A_141 : memref<128x128xf32, #tpu.memory_space<vmem>>) dst(%dma_wait3A_144 : memref<10240x128xf32, #tpu.memory_space<vmem_shared>>)
        } else {
        }
        %add3A_109 = arith.constant 1 : i32
        %add3A_110 = arith.addi %add3A_103, %add3A_109 : i32
        %lt3A_111 = arith.cmpi slt, %add3A_110, %add3A_3 : i32
        %convert_element_type3A_112 = arith.extui %lt3A_111 : i1 to i32
        %cond3A_113 = arith.constant 0 : i32
        %cond3A_114 = arith.cmpi ne, %convert_element_type3A_112, %cond3A_113 : i32
        scf.if %cond3A_114 {
          %add3A_137 = arith.constant 1 : i32
          %add3A_138 = arith.addi %add3A_103, %add3A_137 : i32
          %mul3A_139 = arith.constant 128 : i32
          %mul3A_140 = arith.muli %add3A_138, %mul3A_139 : i32
          %add3A_141 = arith.addi %add3A_29, %mul3A_140 : i32
          %dma_start3A_142 = tpu.memref_slice %arg5[%add3A_141] : memref<320000xi32, #tpu.memory_space<hbm>> -> memref<128xi32, #tpu.memory_space<hbm>>
          %dma_start3A_143 = tpu.memref_slice %arg5[%add3A_141] : memref<320000xi32, #tpu.memory_space<hbm>> -> memref<128xi32, #tpu.memory_space<hbm>>
          tpu.enqueue_dma source(%dma_start3A_143 : memref<128xi32, #tpu.memory_space<hbm>>) target(%arg10 : memref<128xi32, #tpu.memory_space<vmem>>) target_semaphore(%arg15 : memref<!tpu.dma_semaphore, #tpu.memory_space<semaphore_mem>>)
          %add3A_144 = arith.constant 1 : i32
          %add3A_145 = arith.addi %add3A_103, %add3A_144 : i32
          %mul3A_146 = arith.constant 128 : i32
          %mul3A_147 = arith.muli %add3A_145, %mul3A_146 : i32
          %dma_start3A_148 = arith.constant 0 : i32
          %dma_start3A_149 = arith.constant 0 : i32
          %dma_start3A_150 = arith.constant 0 : i32
          %dma_start3A_151 = tpu.memref_slice %arg12[%dma_start3A_148, %dma_start3A_149, %dma_start3A_150] : memref<2x128x128xf32, #tpu.memory_space<vmem>> -> memref<1x128x128xf32, #tpu.memory_space<vmem>>
          %dma_start3A_152 = tpu.memref_squeeze %dma_start3A_151 : memref<1x128x128xf32, #tpu.memory_space<vmem>> -> memref<128x128xf32, #tpu.memory_space<vmem>>
          %dma_start3A_153 = tpu.memref_slice %arg9[%mul3A_147] : memref<10112xi32, #tpu.memory_space<vmem>> -> memref<128xi32, #tpu.memory_space<vmem>>
          %dma_start3A_154 = arith.constant 0 : i32
          %dma_start3A_155 = arith.constant 0 : i32
          %dma_start3A_156 = tpu.memref_slice %arg3[%dma_start3A_154, %dma_start3A_155] : memref<10240x128xf32, #tpu.memory_space<hbm>> -> memref<10240x128xf32, #tpu.memory_space<hbm>>
          tpu.enqueue_indirect_dma source(%dma_start3A_156 : memref<10240x128xf32, #tpu.memory_space<hbm>>) target(%dma_start3A_152 : memref<128x128xf32, #tpu.memory_space<vmem>>) offsets(%dma_start3A_153 : memref<128xi32, #tpu.memory_space<vmem>>) semaphore(%arg14 : memref<!tpu.dma_semaphore, #tpu.memory_space<semaphore_mem>>)
        } else {
        }
        %dma_wait3A_115 = arith.constant 1 : i32
        %dma_wait3A_116 = arith.constant 0 : i32
        %dma_wait3A_117 = arith.constant 0 : i32
        %dma_wait3A_118 = tpu.memref_slice %arg12[%dma_wait3A_115, %dma_wait3A_116, %dma_wait3A_117] : memref<2x128x128xf32, #tpu.memory_space<vmem>> -> memref<1x128x128xf32, #tpu.memory_space<vmem>>
        %dma_wait3A_119 = tpu.memref_squeeze %dma_wait3A_118 : memref<1x128x128xf32, #tpu.memory_space<vmem>> -> memref<128x128xf32, #tpu.memory_space<vmem>>
        %dma_wait3A_120 = arith.constant 0 : i32
        %dma_wait3A_121 = tpu.memref_slice %arg9[%dma_wait3A_120] : memref<10112xi32, #tpu.memory_space<vmem>> -> memref<128xi32, #tpu.memory_space<vmem>>
        %dma_wait3A_122 = arith.constant 0 : i32
        %dma_wait3A_123 = arith.constant 0 : i32
        %dma_wait3A_124 = tpu.memref_slice %arg3[%dma_wait3A_122, %dma_wait3A_123] : memref<10240x128xf32, #tpu.memory_space<hbm>> -> memref<10240x128xf32, #tpu.memory_space<hbm>>
        tpu.wait_indirect_dma semaphore(%arg14 : memref<!tpu.dma_semaphore, #tpu.memory_space<semaphore_mem>>) src(%dma_wait3A_124 : memref<10240x128xf32, #tpu.memory_space<hbm>>) dst(%dma_wait3A_119 : memref<128x128xf32, #tpu.memory_space<vmem>>)
        %dma_wait3A_125 = arith.constant 0 : i32
        %dma_wait3A_126 = tpu.memref_slice %arg5[%dma_wait3A_125] : memref<320000xi32, #tpu.memory_space<hbm>> -> memref<128xi32, #tpu.memory_space<hbm>>
        %dma_wait3A_127 = arith.constant 0 : i32
        %dma_wait3A_128 = tpu.memref_slice %arg5[%dma_wait3A_127] : memref<320000xi32, #tpu.memory_space<hbm>> -> memref<128xi32, #tpu.memory_space<hbm>>
        tpu.wait_dma2 semaphore(%arg15 : memref<!tpu.dma_semaphore, #tpu.memory_space<semaphore_mem>>) src(%dma_wait3A_128 : memref<128xi32, #tpu.memory_space<hbm>>) dst(%arg11 : memref<128xi32, #tpu.memory_space<vmem>>)
        %dma_start3A_129 = arith.constant 1 : i32
        %dma_start3A_130 = arith.constant 0 : i32
        %dma_start3A_131 = arith.constant 0 : i32
        %dma_start3A_132 = tpu.memref_slice %arg12[%dma_start3A_129, %dma_start3A_130, %dma_start3A_131] : memref<2x128x128xf32, #tpu.memory_space<vmem>> -> memref<1x128x128xf32, #tpu.memory_space<vmem>>
        %dma_start3A_133 = tpu.memref_squeeze %dma_start3A_132 : memref<1x128x128xf32, #tpu.memory_space<vmem>> -> memref<128x128xf32, #tpu.memory_space<vmem>>
        %dma_start3A_134 = arith.constant 0 : i32
        %dma_start3A_135 = arith.constant 0 : i32
        %dma_start3A_136 = tpu.memref_slice %arg13[%dma_start3A_134, %dma_start3A_135] : memref<10240x128xf32, #tpu.memory_space<vmem_shared>> -> memref<10240x128xf32, #tpu.memory_space<vmem_shared>>
        tpu.enqueue_indirect_dma source(%dma_start3A_133 : memref<128x128xf32, #tpu.memory_space<vmem>>) target(%dma_start3A_136 : memref<10240x128xf32, #tpu.memory_space<vmem_shared>>) offsets(%arg11 : memref<128xi32, #tpu.memory_space<vmem>>) semaphore(%arg16 : memref<!tpu.dma_semaphore, #tpu.memory_space<semaphore_mem>>) {add = true}
      }
      %scan3A_52 = arith.constant 39 : i32
      %lt3A_53 = arith.constant 2 : i32
      %lt3A_54 = arith.cmpi slt, %arg1, %lt3A_53 : i32
      %convert_element_type3A_55 = arith.extui %lt3A_54 : i1 to i32
      %cond3A_56 = arith.constant 0 : i32
      %cond3A_57 = arith.cmpi ne, %convert_element_type3A_55, %cond3A_56 : i32
      scf.if %cond3A_57 {
        %dma_wait3A_65 = arith.constant 0 : i32
        %dma_wait3A_66 = arith.constant 0 : i32
        %dma_wait3A_67 = arith.constant 0 : i32
        %dma_wait3A_68 = tpu.memref_slice %arg12[%dma_wait3A_65, %dma_wait3A_66, %dma_wait3A_67] : memref<2x128x128xf32, #tpu.memory_space<vmem>> -> memref<1x128x128xf32, #tpu.memory_space<vmem>>
        %dma_wait3A_69 = tpu.memref_squeeze %dma_wait3A_68 : memref<1x128x128xf32, #tpu.memory_space<vmem>> -> memref<128x128xf32, #tpu.memory_space<vmem>>
        %dma_wait3A_70 = arith.constant 0 : i32
        %dma_wait3A_71 = arith.constant 0 : i32
        %dma_wait3A_72 = tpu.memref_slice %arg13[%dma_wait3A_70, %dma_wait3A_71] : memref<10240x128xf32, #tpu.memory_space<vmem_shared>> -> memref<10240x128xf32, #tpu.memory_space<vmem_shared>>
        tpu.wait_indirect_dma semaphore(%arg16 : memref<!tpu.dma_semaphore, #tpu.memory_space<semaphore_mem>>) src(%dma_wait3A_69 : memref<128x128xf32, #tpu.memory_space<vmem>>) dst(%dma_wait3A_72 : memref<10240x128xf32, #tpu.memory_space<vmem_shared>>)
        %dma_wait3A_73 = arith.constant 0 : i32
        %dma_wait3A_74 = arith.constant 0 : i32
        %dma_wait3A_75 = arith.constant 0 : i32
        %dma_wait3A_76 = tpu.memref_slice %arg12[%dma_wait3A_73, %dma_wait3A_74, %dma_wait3A_75] : memref<2x128x128xf32, #tpu.memory_space<vmem>> -> memref<1x128x128xf32, #tpu.memory_space<vmem>>
        %dma_wait3A_77 = tpu.memref_squeeze %dma_wait3A_76 : memref<1x128x128xf32, #tpu.memory_space<vmem>> -> memref<128x128xf32, #tpu.memory_space<vmem>>
        %dma_wait3A_78 = arith.constant 0 : i32
        %dma_wait3A_79 = tpu.memref_slice %arg9[%dma_wait3A_78] : memref<10112xi32, #tpu.memory_space<vmem>> -> memref<128xi32, #tpu.memory_space<vmem>>
        %dma_wait3A_80 = arith.constant 0 : i32
        %dma_wait3A_81 = arith.constant 0 : i32
        %dma_wait3A_82 = tpu.memref_slice %arg3[%dma_wait3A_80, %dma_wait3A_81] : memref<10240x128xf32, #tpu.memory_space<hbm>> -> memref<10240x128xf32, #tpu.memory_space<hbm>>
        tpu.wait_indirect_dma semaphore(%arg14 : memref<!tpu.dma_semaphore, #tpu.memory_space<semaphore_mem>>) src(%dma_wait3A_82 : memref<10240x128xf32, #tpu.memory_space<hbm>>) dst(%dma_wait3A_77 : memref<128x128xf32, #tpu.memory_space<vmem>>)
        %dma_wait3A_83 = arith.constant 0 : i32
        %dma_wait3A_84 = tpu.memref_slice %arg5[%dma_wait3A_83] : memref<320000xi32, #tpu.memory_space<hbm>> -> memref<128xi32, #tpu.memory_space<hbm>>
        %dma_wait3A_85 = arith.constant 0 : i32
        %dma_wait3A_86 = tpu.memref_slice %arg5[%dma_wait3A_85] : memref<320000xi32, #tpu.memory_space<hbm>> -> memref<128xi32, #tpu.memory_space<hbm>>
        tpu.wait_dma2 semaphore(%arg15 : memref<!tpu.dma_semaphore, #tpu.memory_space<semaphore_mem>>) src(%dma_wait3A_86 : memref<128xi32, #tpu.memory_space<hbm>>) dst(%arg10 : memref<128xi32, #tpu.memory_space<vmem>>)
        %dma_start3A_87 = arith.constant 0 : i32
        %dma_start3A_88 = arith.constant 0 : i32
        %dma_start3A_89 = arith.constant 0 : i32
        %dma_start3A_90 = tpu.memref_slice %arg12[%dma_start3A_87, %dma_start3A_88, %dma_start3A_89] : memref<2x128x128xf32, #tpu.memory_space<vmem>> -> memref<1x128x128xf32, #tpu.memory_space<vmem>>
        %dma_start3A_91 = tpu.memref_squeeze %dma_start3A_90 : memref<1x128x128xf32, #tpu.memory_space<vmem>> -> memref<128x128xf32, #tpu.memory_space<vmem>>
        %dma_start3A_92 = arith.constant 0 : i32
        %dma_start3A_93 = arith.constant 0 : i32
        %dma_start3A_94 = tpu.memref_slice %arg13[%dma_start3A_92, %dma_start3A_93] : memref<10240x128xf32, #tpu.memory_space<vmem_shared>> -> memref<10240x128xf32, #tpu.memory_space<vmem_shared>>
        tpu.enqueue_indirect_dma source(%dma_start3A_91 : memref<128x128xf32, #tpu.memory_space<vmem>>) target(%dma_start3A_94 : memref<10240x128xf32, #tpu.memory_space<vmem_shared>>) offsets(%arg10 : memref<128xi32, #tpu.memory_space<vmem>>) semaphore(%arg16 : memref<!tpu.dma_semaphore, #tpu.memory_space<semaphore_mem>>) {add = true}
      } else {
      }
      %dma_wait3A = arith.constant 0 : i32
      %dma_wait3A_58 = arith.constant 0 : i32
      %dma_wait3A_59 = arith.constant 0 : i32
      %dma_wait3A_60 = tpu.memref_slice %arg12[%dma_wait3A, %dma_wait3A_58, %dma_wait3A_59] : memref<2x128x128xf32, #tpu.memory_space<vmem>> -> memref<1x128x128xf32, #tpu.memory_space<vmem>>
      %dma_wait3A_61 = tpu.memref_squeeze %dma_wait3A_60 : memref<1x128x128xf32, #tpu.memory_space<vmem>> -> memref<128x128xf32, #tpu.memory_space<vmem>>
      %dma_wait3A_62 = arith.constant 0 : i32
      %dma_wait3A_63 = arith.constant 0 : i32
      %dma_wait3A_64 = tpu.memref_slice %arg13[%dma_wait3A_62, %dma_wait3A_63] : memref<10240x128xf32, #tpu.memory_space<vmem_shared>> -> memref<10240x128xf32, #tpu.memory_space<vmem_shared>>
      tpu.wait_indirect_dma semaphore(%arg16 : memref<!tpu.dma_semaphore, #tpu.memory_space<semaphore_mem>>) src(%dma_wait3A_61 : memref<128x128xf32, #tpu.memory_space<vmem>>) dst(%dma_wait3A_64 : memref<10240x128xf32, #tpu.memory_space<vmem_shared>>)
    } else {
    }
    %barrier3A_11 = arith.constant 0 : index
    tpu.barrier barrier_id(%barrier3A_11)
    %eq3A_12 = arith.constant 0 : i32
    %eq3A_13 = arith.cmpi eq, %arg0, %eq3A_12 : i32
    %convert_element_type3A_14 = arith.extui %eq3A_13 : i1 to i32
    %cond3A_15 = arith.constant 0 : i32
    %cond3A_16 = arith.cmpi ne, %convert_element_type3A_14, %cond3A_15 : i32
    scf.if %cond3A_16 {
      %mul3A_22 = arith.constant 640 : i32
      %mul3A_23 = arith.muli %arg1, %mul3A_22 : i32
      %mul3A_24 = arith.constant 640 : i32
      %mul3A_25 = arith.muli %arg1, %mul3A_24 : i32
      "tpu.region"() ({
        %run_scoped3A = tpu.sem_alloc : memref<!tpu.dma_semaphore, #tpu.memory_space<semaphore_mem>>
        %dma_start3A = arith.constant 0 : i32
        %dma_start3A_26 = tpu.memref_slice %arg7[%mul3A_25, %dma_start3A] : memref<10240x128xf32, #tpu.memory_space<hbm>> -> memref<640x128xf32, #tpu.memory_space<hbm>>
        %dma_start3A_27 = arith.constant 0 : i32
        %dma_start3A_28 = tpu.memref_slice %arg13[%mul3A_23, %dma_start3A_27] : memref<10240x128xf32, #tpu.memory_space<vmem_shared>> -> memref<640x128xf32, #tpu.memory_space<vmem_shared>>
        tpu.enqueue_dma source(%dma_start3A_28 : memref<640x128xf32, #tpu.memory_space<vmem_shared>>) target(%dma_start3A_26 : memref<640x128xf32, #tpu.memory_space<hbm>>) target_semaphore(%run_scoped3A : memref<!tpu.dma_semaphore, #tpu.memory_space<semaphore_mem>>)
        %dma_wait3A = arith.constant 0 : i32
        %dma_wait3A_29 = tpu.memref_slice %arg7[%mul3A_25, %dma_wait3A] : memref<10240x128xf32, #tpu.memory_space<hbm>> -> memref<640x128xf32, #tpu.memory_space<hbm>>
        %dma_wait3A_30 = arith.constant 0 : i32
        %dma_wait3A_31 = tpu.memref_slice %arg13[%mul3A_23, %dma_wait3A_30] : memref<10240x128xf32, #tpu.memory_space<vmem_shared>> -> memref<640x128xf32, #tpu.memory_space<vmem_shared>>
        tpu.wait_dma2 semaphore(%run_scoped3A : memref<!tpu.dma_semaphore, #tpu.memory_space<semaphore_mem>>) src(%dma_wait3A_31 : memref<640x128xf32, #tpu.memory_space<vmem_shared>>) dst(%dma_wait3A_29 : memref<640x128xf32, #tpu.memory_space<hbm>>)
        tpu.yield
      }) : () -> ()
    } else {
    }
    %eq3A_17 = arith.constant 1 : i32
    %eq3A_18 = arith.cmpi eq, %arg0, %eq3A_17 : i32
    %convert_element_type3A_19 = arith.extui %eq3A_18 : i1 to i32
    %cond3A_20 = arith.constant 0 : i32
    %cond3A_21 = arith.cmpi ne, %convert_element_type3A_19, %cond3A_20 : i32
    scf.if %cond3A_21 {
      %mul3A_22 = arith.constant 640 : i32
      %mul3A_23 = arith.muli %arg1, %mul3A_22 : i32
      %mul3A_24 = arith.constant 640 : i32
      %mul3A_25 = arith.muli %arg1, %mul3A_24 : i32
      "tpu.region"() ({
        %run_scoped3A = tpu.sem_alloc : memref<!tpu.dma_semaphore, #tpu.memory_space<semaphore_mem>>
        %dma_start3A = arith.constant 0 : i32
        %dma_start3A_26 = tpu.memref_slice %arg8[%mul3A_25, %dma_start3A] : memref<10240x128xf32, #tpu.memory_space<hbm>> -> memref<640x128xf32, #tpu.memory_space<hbm>>
        %dma_start3A_27 = arith.constant 0 : i32
        %dma_start3A_28 = tpu.memref_slice %arg13[%mul3A_23, %dma_start3A_27] : memref<10240x128xf32, #tpu.memory_space<vmem_shared>> -> memref<640x128xf32, #tpu.memory_space<vmem_shared>>
        tpu.enqueue_dma source(%dma_start3A_28 : memref<640x128xf32, #tpu.memory_space<vmem_shared>>) target(%dma_start3A_26 : memref<640x128xf32, #tpu.memory_space<hbm>>) target_semaphore(%run_scoped3A : memref<!tpu.dma_semaphore, #tpu.memory_space<semaphore_mem>>)
        %dma_wait3A = arith.constant 0 : i32
        %dma_wait3A_29 = tpu.memref_slice %arg8[%mul3A_25, %dma_wait3A] : memref<10240x128xf32, #tpu.memory_space<hbm>> -> memref<640x128xf32, #tpu.memory_space<hbm>>
        %dma_wait3A_30 = arith.constant 0 : i32
        %dma_wait3A_31 = tpu.memref_slice %arg13[%mul3A_23, %dma_wait3A_30] : memref<10240x128xf32, #tpu.memory_space<vmem_shared>> -> memref<640x128xf32, #tpu.memory_space<vmem_shared>>
        tpu.wait_dma2 semaphore(%run_scoped3A : memref<!tpu.dma_semaphore, #tpu.memory_space<semaphore_mem>>) src(%dma_wait3A_31 : memref<640x128xf32, #tpu.memory_space<vmem_shared>>) dst(%dma_wait3A_29 : memref<640x128xf32, #tpu.memory_space<hbm>>)
        tpu.yield
      }) : () -> ()
    } else {
    }
    return
  }
}

#map = affine_map<(d0, d1) -> (0)>
#map1 = affine_map<(d0, d1) -> (0, 0)>
module attributes {stable_mosaic.version = 14 : i64} {
  func.func @_deg_body(%arg0: i32, %arg1: i32, %arg2: memref<320000xi32, #tpu.memory_space<hbm>>, %arg3: memref<320000xi32, #tpu.memory_space<hbm>>, %arg4: memref<128x128xf32, #tpu.memory_space<hbm>>, %arg5: memref<640x128xf32, #tpu.memory_space<hbm>>, %arg6: memref<10240x128xf32, #tpu.memory_space<hbm>>, %arg7: memref<10240x128xf32, #tpu.memory_space<hbm>>, %arg8: memref<128xi32, #tpu.memory_space<vmem>>, %arg9: memref<128xi32, #tpu.memory_space<vmem>>, %arg10: memref<128x128xf32, #tpu.memory_space<vmem>>, %arg11: memref<10240x128xf32, #tpu.memory_space<vmem_shared>>, %arg12: memref<!tpu.dma_semaphore, #tpu.memory_space<semaphore_mem>>, %arg13: memref<!tpu.dma_semaphore, #tpu.memory_space<semaphore_mem>>) attributes {dimension_semantics = [#tpu.dimension_semantics<core_parallel>, #tpu.dimension_semantics<subcore_parallel>], iteration_bounds = array<i64: 2, 16>, scalar_prefetch = 0 : i64, scratch_operands = 6 : i64, tpu.core_type = #tpu.core_type<sc_vector_subcore>, window_params = [{transform_indices = #map}, {transform_indices = #map}, {transform_indices = #map1}, {transform_indices = #map1}, {transform_indices = #map1}, {transform_indices = #map1}]} {
    %mul3A = arith.constant 640 : i32
    %mul3A_0 = arith.muli %arg1, %mul3A : i32
    "tpu.region"() ({
      %run_scoped3A = tpu.sem_alloc : memref<!tpu.dma_semaphore, #tpu.memory_space<semaphore_mem>>
      %dma_start3A = arith.constant 0 : i32
      %dma_start3A_28 = tpu.memref_slice %arg11[%mul3A_0, %dma_start3A] : memref<10240x128xf32, #tpu.memory_space<vmem_shared>> -> memref<640x128xf32, #tpu.memory_space<vmem_shared>>
      tpu.enqueue_dma source(%arg5 : memref<640x128xf32, #tpu.memory_space<hbm>>) target(%dma_start3A_28 : memref<640x128xf32, #tpu.memory_space<vmem_shared>>) target_semaphore(%run_scoped3A : memref<!tpu.dma_semaphore, #tpu.memory_space<semaphore_mem>>)
      %dma_wait3A = arith.constant 0 : i32
      %dma_wait3A_29 = tpu.memref_slice %arg11[%mul3A_0, %dma_wait3A] : memref<10240x128xf32, #tpu.memory_space<vmem_shared>> -> memref<640x128xf32, #tpu.memory_space<vmem_shared>>
      tpu.wait_dma2 semaphore(%run_scoped3A : memref<!tpu.dma_semaphore, #tpu.memory_space<semaphore_mem>>) src(%arg5 : memref<640x128xf32, #tpu.memory_space<hbm>>) dst(%dma_wait3A_29 : memref<640x128xf32, #tpu.memory_space<vmem_shared>>)
      tpu.yield
    }) : () -> ()
    "tpu.region"() ({
      %run_scoped3A = tpu.sem_alloc : memref<!tpu.dma_semaphore, #tpu.memory_space<semaphore_mem>>
      tpu.enqueue_dma source(%arg4 : memref<128x128xf32, #tpu.memory_space<hbm>>) target(%arg10 : memref<128x128xf32, #tpu.memory_space<vmem>>) target_semaphore(%run_scoped3A : memref<!tpu.dma_semaphore, #tpu.memory_space<semaphore_mem>>)
      tpu.wait_dma2 semaphore(%run_scoped3A : memref<!tpu.dma_semaphore, #tpu.memory_space<semaphore_mem>>) src(%arg4 : memref<128x128xf32, #tpu.memory_space<hbm>>) dst(%arg10 : memref<128x128xf32, #tpu.memory_space<vmem>>)
      tpu.yield
    }) : () -> ()
    %barrier3A = arith.constant 0 : index
    tpu.barrier barrier_id(%barrier3A)
    %lt3A = arith.constant 4 : i32
    %lt3A_1 = arith.cmpi slt, %arg1, %lt3A : i32
    %jit3A = arith.constant 1 : i32
    %jit3A_2 = arith.constant 0 : i32
    %select_n3A = arith.select %lt3A_1, %jit3A, %jit3A_2 : i32
    %add3A = arith.constant 156 : i32
    %add3A_3 = arith.addi %add3A, %select_n3A : i32
    %mul3A_4 = arith.constant 156 : i32
    %mul3A_5 = arith.muli %mul3A_4, %arg1 : i32
    %min3A = arith.constant 4 : i32
    %min3A_6 = arith.minsi %arg1, %min3A : i32
    %add3A_7 = arith.addi %mul3A_5, %min3A_6 : i32
    %mul3A_8 = arith.constant 128 : i32
    %mul3A_9 = arith.muli %add3A_7, %mul3A_8 : i32
    %eq3A = arith.constant 0 : i32
    %eq3A_10 = arith.cmpi eq, %arg0, %eq3A : i32
    %convert_element_type3A = arith.extui %eq3A_10 : i1 to i32
    %cond3A = arith.constant 0 : i32
    %cond3A_11 = arith.cmpi ne, %convert_element_type3A, %cond3A : i32
    scf.if %cond3A_11 {
      %add3A_28 = arith.constant 0 : i32
      %add3A_29 = arith.addi %mul3A_9, %add3A_28 : i32
      %dma_start3A = tpu.memref_slice %arg3[%add3A_29] : memref<320000xi32, #tpu.memory_space<hbm>> -> memref<128xi32, #tpu.memory_space<hbm>>
      %dma_start3A_30 = tpu.memref_slice %arg3[%add3A_29] : memref<320000xi32, #tpu.memory_space<hbm>> -> memref<128xi32, #tpu.memory_space<hbm>>
      tpu.enqueue_dma source(%dma_start3A_30 : memref<128xi32, #tpu.memory_space<hbm>>) target(%arg8 : memref<128xi32, #tpu.memory_space<vmem>>) target_semaphore(%arg12 : memref<!tpu.dma_semaphore, #tpu.memory_space<semaphore_mem>>)
      %scan3A = arith.constant 0 : i32
      %scan3A_31 = arith.constant 0 : i32
      %scan3A_32 = arith.constant 78 : i32
      %scan3A_33 = arith.addi %scan3A_31, %scan3A_32 : i32
      %scan3A_34 = arith.constant 1 : i32
      scf.for %scan3A_43 = %scan3A_31 to %scan3A_33 step %scan3A_34  : i32 {
        %mul3A_44 = arith.constant 2 : i32
        %mul3A_45 = arith.muli %mul3A_44, %scan3A_43 : i32
        %gt3A = arith.constant 0 : i32
        %gt3A_46 = arith.cmpi sgt, %mul3A_45, %gt3A : i32
        %convert_element_type3A_47 = arith.extui %gt3A_46 : i1 to i32
        %cond3A_48 = arith.constant 0 : i32
        %cond3A_49 = arith.cmpi ne, %convert_element_type3A_47, %cond3A_48 : i32
        scf.if %cond3A_49 {
          %dma_wait3A_85 = arith.constant 0 : i32
          %dma_wait3A_86 = arith.constant 0 : i32
          %dma_wait3A_87 = tpu.memref_slice %arg11[%dma_wait3A_85, %dma_wait3A_86] : memref<10240x128xf32, #tpu.memory_space<vmem_shared>> -> memref<10240x128xf32, #tpu.memory_space<vmem_shared>>
          tpu.wait_indirect_dma semaphore(%arg13 : memref<!tpu.dma_semaphore, #tpu.memory_space<semaphore_mem>>) src(%arg10 : memref<128x128xf32, #tpu.memory_space<vmem>>) dst(%dma_wait3A_87 : memref<10240x128xf32, #tpu.memory_space<vmem_shared>>)
        } else {
        }
        %add3A_50 = arith.constant 1 : i32
        %add3A_51 = arith.addi %mul3A_45, %add3A_50 : i32
        %lt3A_52 = arith.cmpi slt, %add3A_51, %add3A_3 : i32
        %convert_element_type3A_53 = arith.extui %lt3A_52 : i1 to i32
        %cond3A_54 = arith.constant 0 : i32
        %cond3A_55 = arith.cmpi ne, %convert_element_type3A_53, %cond3A_54 : i32
        scf.if %cond3A_55 {
          %add3A_85 = arith.constant 1 : i32
          %add3A_86 = arith.addi %mul3A_45, %add3A_85 : i32
          %mul3A_87 = arith.constant 128 : i32
          %mul3A_88 = arith.muli %add3A_86, %mul3A_87 : i32
          %add3A_89 = arith.addi %mul3A_9, %mul3A_88 : i32
          %dma_start3A_90 = tpu.memref_slice %arg3[%add3A_89] : memref<320000xi32, #tpu.memory_space<hbm>> -> memref<128xi32, #tpu.memory_space<hbm>>
          %dma_start3A_91 = tpu.memref_slice %arg3[%add3A_89] : memref<320000xi32, #tpu.memory_space<hbm>> -> memref<128xi32, #tpu.memory_space<hbm>>
          tpu.enqueue_dma source(%dma_start3A_91 : memref<128xi32, #tpu.memory_space<hbm>>) target(%arg9 : memref<128xi32, #tpu.memory_space<vmem>>) target_semaphore(%arg12 : memref<!tpu.dma_semaphore, #tpu.memory_space<semaphore_mem>>)
        } else {
        }
        %dma_wait3A_56 = arith.constant 0 : i32
        %dma_wait3A_57 = tpu.memref_slice %arg3[%dma_wait3A_56] : memref<320000xi32, #tpu.memory_space<hbm>> -> memref<128xi32, #tpu.memory_space<hbm>>
        %dma_wait3A_58 = arith.constant 0 : i32
        %dma_wait3A_59 = tpu.memref_slice %arg3[%dma_wait3A_58] : memref<320000xi32, #tpu.memory_space<hbm>> -> memref<128xi32, #tpu.memory_space<hbm>>
        tpu.wait_dma2 semaphore(%arg12 : memref<!tpu.dma_semaphore, #tpu.memory_space<semaphore_mem>>) src(%dma_wait3A_59 : memref<128xi32, #tpu.memory_space<hbm>>) dst(%arg8 : memref<128xi32, #tpu.memory_space<vmem>>)
        %dma_start3A_60 = arith.constant 0 : i32
        %dma_start3A_61 = arith.constant 0 : i32
        %dma_start3A_62 = tpu.memref_slice %arg11[%dma_start3A_60, %dma_start3A_61] : memref<10240x128xf32, #tpu.memory_space<vmem_shared>> -> memref<10240x128xf32, #tpu.memory_space<vmem_shared>>
        tpu.enqueue_indirect_dma source(%arg10 : memref<128x128xf32, #tpu.memory_space<vmem>>) target(%dma_start3A_62 : memref<10240x128xf32, #tpu.memory_space<vmem_shared>>) offsets(%arg8 : memref<128xi32, #tpu.memory_space<vmem>>) semaphore(%arg13 : memref<!tpu.dma_semaphore, #tpu.memory_space<semaphore_mem>>) {add = true}
        %mul3A_63 = arith.constant 2 : i32
        %mul3A_64 = arith.muli %mul3A_63, %scan3A_43 : i32
        %add3A_65 = arith.constant 1 : i32
        %add3A_66 = arith.addi %mul3A_64, %add3A_65 : i32
        %gt3A_67 = arith.constant 0 : i32
        %gt3A_68 = arith.cmpi sgt, %add3A_66, %gt3A_67 : i32
        %convert_element_type3A_69 = arith.extui %gt3A_68 : i1 to i32
        %cond3A_70 = arith.constant 0 : i32
        %cond3A_71 = arith.cmpi ne, %convert_element_type3A_69, %cond3A_70 : i32
        scf.if %cond3A_71 {
          %dma_wait3A_85 = arith.constant 0 : i32
          %dma_wait3A_86 = arith.constant 0 : i32
          %dma_wait3A_87 = tpu.memref_slice %arg11[%dma_wait3A_85, %dma_wait3A_86] : memref<10240x128xf32, #tpu.memory_space<vmem_shared>> -> memref<10240x128xf32, #tpu.memory_space<vmem_shared>>
          tpu.wait_indirect_dma semaphore(%arg13 : memref<!tpu.dma_semaphore, #tpu.memory_space<semaphore_mem>>) src(%arg10 : memref<128x128xf32, #tpu.memory_space<vmem>>) dst(%dma_wait3A_87 : memref<10240x128xf32, #tpu.memory_space<vmem_shared>>)
        } else {
        }
        %add3A_72 = arith.constant 1 : i32
        %add3A_73 = arith.addi %add3A_66, %add3A_72 : i32
        %lt3A_74 = arith.cmpi slt, %add3A_73, %add3A_3 : i32
        %convert_element_type3A_75 = arith.extui %lt3A_74 : i1 to i32
        %cond3A_76 = arith.constant 0 : i32
        %cond3A_77 = arith.cmpi ne, %convert_element_type3A_75, %cond3A_76 : i32
        scf.if %cond3A_77 {
          %add3A_85 = arith.constant 1 : i32
          %add3A_86 = arith.addi %add3A_66, %add3A_85 : i32
          %mul3A_87 = arith.constant 128 : i32
          %mul3A_88 = arith.muli %add3A_86, %mul3A_87 : i32
          %add3A_89 = arith.addi %mul3A_9, %mul3A_88 : i32
          %dma_start3A_90 = tpu.memref_slice %arg3[%add3A_89] : memref<320000xi32, #tpu.memory_space<hbm>> -> memref<128xi32, #tpu.memory_space<hbm>>
          %dma_start3A_91 = tpu.memref_slice %arg3[%add3A_89] : memref<320000xi32, #tpu.memory_space<hbm>> -> memref<128xi32, #tpu.memory_space<hbm>>
          tpu.enqueue_dma source(%dma_start3A_91 : memref<128xi32, #tpu.memory_space<hbm>>) target(%arg8 : memref<128xi32, #tpu.memory_space<vmem>>) target_semaphore(%arg12 : memref<!tpu.dma_semaphore, #tpu.memory_space<semaphore_mem>>)
        } else {
        }
        %dma_wait3A_78 = arith.constant 0 : i32
        %dma_wait3A_79 = tpu.memref_slice %arg3[%dma_wait3A_78] : memref<320000xi32, #tpu.memory_space<hbm>> -> memref<128xi32, #tpu.memory_space<hbm>>
        %dma_wait3A_80 = arith.constant 0 : i32
        %dma_wait3A_81 = tpu.memref_slice %arg3[%dma_wait3A_80] : memref<320000xi32, #tpu.memory_space<hbm>> -> memref<128xi32, #tpu.memory_space<hbm>>
        tpu.wait_dma2 semaphore(%arg12 : memref<!tpu.dma_semaphore, #tpu.memory_space<semaphore_mem>>) src(%dma_wait3A_81 : memref<128xi32, #tpu.memory_space<hbm>>) dst(%arg9 : memref<128xi32, #tpu.memory_space<vmem>>)
        %dma_start3A_82 = arith.constant 0 : i32
        %dma_start3A_83 = arith.constant 0 : i32
        %dma_start3A_84 = tpu.memref_slice %arg11[%dma_start3A_82, %dma_start3A_83] : memref<10240x128xf32, #tpu.memory_space<vmem_shared>> -> memref<10240x128xf32, #tpu.memory_space<vmem_shared>>
        tpu.enqueue_indirect_dma source(%arg10 : memref<128x128xf32, #tpu.memory_space<vmem>>) target(%dma_start3A_84 : memref<10240x128xf32, #tpu.memory_space<vmem_shared>>) offsets(%arg9 : memref<128xi32, #tpu.memory_space<vmem>>) semaphore(%arg13 : memref<!tpu.dma_semaphore, #tpu.memory_space<semaphore_mem>>) {add = true}
      }
      %scan3A_35 = arith.constant 78 : i32
      %lt3A_36 = arith.constant 4 : i32
      %lt3A_37 = arith.cmpi slt, %arg1, %lt3A_36 : i32
      %convert_element_type3A_38 = arith.extui %lt3A_37 : i1 to i32
      %cond3A_39 = arith.constant 0 : i32
      %cond3A_40 = arith.cmpi ne, %convert_element_type3A_38, %cond3A_39 : i32
      scf.if %cond3A_40 {
        %dma_wait3A_43 = arith.constant 0 : i32
        %dma_wait3A_44 = arith.constant 0 : i32
        %dma_wait3A_45 = tpu.memref_slice %arg11[%dma_wait3A_43, %dma_wait3A_44] : memref<10240x128xf32, #tpu.memory_space<vmem_shared>> -> memref<10240x128xf32, #tpu.memory_space<vmem_shared>>
        tpu.wait_indirect_dma semaphore(%arg13 : memref<!tpu.dma_semaphore, #tpu.memory_space<semaphore_mem>>) src(%arg10 : memref<128x128xf32, #tpu.memory_space<vmem>>) dst(%dma_wait3A_45 : memref<10240x128xf32, #tpu.memory_space<vmem_shared>>)
        %dma_wait3A_46 = arith.constant 0 : i32
        %dma_wait3A_47 = tpu.memref_slice %arg3[%dma_wait3A_46] : memref<320000xi32, #tpu.memory_space<hbm>> -> memref<128xi32, #tpu.memory_space<hbm>>
        %dma_wait3A_48 = arith.constant 0 : i32
        %dma_wait3A_49 = tpu.memref_slice %arg3[%dma_wait3A_48] : memref<320000xi32, #tpu.memory_space<hbm>> -> memref<128xi32, #tpu.memory_space<hbm>>
        tpu.wait_dma2 semaphore(%arg12 : memref<!tpu.dma_semaphore, #tpu.memory_space<semaphore_mem>>) src(%dma_wait3A_49 : memref<128xi32, #tpu.memory_space<hbm>>) dst(%arg8 : memref<128xi32, #tpu.memory_space<vmem>>)
        %dma_start3A_50 = arith.constant 0 : i32
        %dma_start3A_51 = arith.constant 0 : i32
        %dma_start3A_52 = tpu.memref_slice %arg11[%dma_start3A_50, %dma_start3A_51] : memref<10240x128xf32, #tpu.memory_space<vmem_shared>> -> memref<10240x128xf32, #tpu.memory_space<vmem_shared>>
        tpu.enqueue_indirect_dma source(%arg10 : memref<128x128xf32, #tpu.memory_space<vmem>>) target(%dma_start3A_52 : memref<10240x128xf32, #tpu.memory_space<vmem_shared>>) offsets(%arg8 : memref<128xi32, #tpu.memory_space<vmem>>) semaphore(%arg13 : memref<!tpu.dma_semaphore, #tpu.memory_space<semaphore_mem>>) {add = true}
      } else {
      }
      %dma_wait3A = arith.constant 0 : i32
      %dma_wait3A_41 = arith.constant 0 : i32
      %dma_wait3A_42 = tpu.memref_slice %arg11[%dma_wait3A, %dma_wait3A_41] : memref<10240x128xf32, #tpu.memory_space<vmem_shared>> -> memref<10240x128xf32, #tpu.memory_space<vmem_shared>>
      tpu.wait_indirect_dma semaphore(%arg13 : memref<!tpu.dma_semaphore, #tpu.memory_space<semaphore_mem>>) src(%arg10 : memref<128x128xf32, #tpu.memory_space<vmem>>) dst(%dma_wait3A_42 : memref<10240x128xf32, #tpu.memory_space<vmem_shared>>)
    } else {
    }
    %eq3A_12 = arith.constant 1 : i32
    %eq3A_13 = arith.cmpi eq, %arg0, %eq3A_12 : i32
    %convert_element_type3A_14 = arith.extui %eq3A_13 : i1 to i32
    %cond3A_15 = arith.constant 0 : i32
    %cond3A_16 = arith.cmpi ne, %convert_element_type3A_14, %cond3A_15 : i32
    scf.if %cond3A_16 {
      %add3A_28 = arith.constant 0 : i32
      %add3A_29 = arith.addi %mul3A_9, %add3A_28 : i32
      %dma_start3A = tpu.memref_slice %arg2[%add3A_29] : memref<320000xi32, #tpu.memory_space<hbm>> -> memref<128xi32, #tpu.memory_space<hbm>>
      %dma_start3A_30 = tpu.memref_slice %arg2[%add3A_29] : memref<320000xi32, #tpu.memory_space<hbm>> -> memref<128xi32, #tpu.memory_space<hbm>>
      tpu.enqueue_dma source(%dma_start3A_30 : memref<128xi32, #tpu.memory_space<hbm>>) target(%arg8 : memref<128xi32, #tpu.memory_space<vmem>>) target_semaphore(%arg12 : memref<!tpu.dma_semaphore, #tpu.memory_space<semaphore_mem>>)
      %scan3A = arith.constant 0 : i32
      %scan3A_31 = arith.constant 0 : i32
      %scan3A_32 = arith.constant 78 : i32
      %scan3A_33 = arith.addi %scan3A_31, %scan3A_32 : i32
      %scan3A_34 = arith.constant 1 : i32
      scf.for %scan3A_43 = %scan3A_31 to %scan3A_33 step %scan3A_34  : i32 {
        %mul3A_44 = arith.constant 2 : i32
        %mul3A_45 = arith.muli %mul3A_44, %scan3A_43 : i32
        %gt3A = arith.constant 0 : i32
        %gt3A_46 = arith.cmpi sgt, %mul3A_45, %gt3A : i32
        %convert_element_type3A_47 = arith.extui %gt3A_46 : i1 to i32
        %cond3A_48 = arith.constant 0 : i32
        %cond3A_49 = arith.cmpi ne, %convert_element_type3A_47, %cond3A_48 : i32
        scf.if %cond3A_49 {
          %dma_wait3A_85 = arith.constant 0 : i32
          %dma_wait3A_86 = arith.constant 0 : i32
          %dma_wait3A_87 = tpu.memref_slice %arg11[%dma_wait3A_85, %dma_wait3A_86] : memref<10240x128xf32, #tpu.memory_space<vmem_shared>> -> memref<10240x128xf32, #tpu.memory_space<vmem_shared>>
          tpu.wait_indirect_dma semaphore(%arg13 : memref<!tpu.dma_semaphore, #tpu.memory_space<semaphore_mem>>) src(%arg10 : memref<128x128xf32, #tpu.memory_space<vmem>>) dst(%dma_wait3A_87 : memref<10240x128xf32, #tpu.memory_space<vmem_shared>>)
        } else {
        }
        %add3A_50 = arith.constant 1 : i32
        %add3A_51 = arith.addi %mul3A_45, %add3A_50 : i32
        %lt3A_52 = arith.cmpi slt, %add3A_51, %add3A_3 : i32
        %convert_element_type3A_53 = arith.extui %lt3A_52 : i1 to i32
        %cond3A_54 = arith.constant 0 : i32
        %cond3A_55 = arith.cmpi ne, %convert_element_type3A_53, %cond3A_54 : i32
        scf.if %cond3A_55 {
          %add3A_85 = arith.constant 1 : i32
          %add3A_86 = arith.addi %mul3A_45, %add3A_85 : i32
          %mul3A_87 = arith.constant 128 : i32
          %mul3A_88 = arith.muli %add3A_86, %mul3A_87 : i32
          %add3A_89 = arith.addi %mul3A_9, %mul3A_88 : i32
          %dma_start3A_90 = tpu.memref_slice %arg2[%add3A_89] : memref<320000xi32, #tpu.memory_space<hbm>> -> memref<128xi32, #tpu.memory_space<hbm>>
          %dma_start3A_91 = tpu.memref_slice %arg2[%add3A_89] : memref<320000xi32, #tpu.memory_space<hbm>> -> memref<128xi32, #tpu.memory_space<hbm>>
          tpu.enqueue_dma source(%dma_start3A_91 : memref<128xi32, #tpu.memory_space<hbm>>) target(%arg9 : memref<128xi32, #tpu.memory_space<vmem>>) target_semaphore(%arg12 : memref<!tpu.dma_semaphore, #tpu.memory_space<semaphore_mem>>)
        } else {
        }
        %dma_wait3A_56 = arith.constant 0 : i32
        %dma_wait3A_57 = tpu.memref_slice %arg2[%dma_wait3A_56] : memref<320000xi32, #tpu.memory_space<hbm>> -> memref<128xi32, #tpu.memory_space<hbm>>
        %dma_wait3A_58 = arith.constant 0 : i32
        %dma_wait3A_59 = tpu.memref_slice %arg2[%dma_wait3A_58] : memref<320000xi32, #tpu.memory_space<hbm>> -> memref<128xi32, #tpu.memory_space<hbm>>
        tpu.wait_dma2 semaphore(%arg12 : memref<!tpu.dma_semaphore, #tpu.memory_space<semaphore_mem>>) src(%dma_wait3A_59 : memref<128xi32, #tpu.memory_space<hbm>>) dst(%arg8 : memref<128xi32, #tpu.memory_space<vmem>>)
        %dma_start3A_60 = arith.constant 0 : i32
        %dma_start3A_61 = arith.constant 0 : i32
        %dma_start3A_62 = tpu.memref_slice %arg11[%dma_start3A_60, %dma_start3A_61] : memref<10240x128xf32, #tpu.memory_space<vmem_shared>> -> memref<10240x128xf32, #tpu.memory_space<vmem_shared>>
        tpu.enqueue_indirect_dma source(%arg10 : memref<128x128xf32, #tpu.memory_space<vmem>>) target(%dma_start3A_62 : memref<10240x128xf32, #tpu.memory_space<vmem_shared>>) offsets(%arg8 : memref<128xi32, #tpu.memory_space<vmem>>) semaphore(%arg13 : memref<!tpu.dma_semaphore, #tpu.memory_space<semaphore_mem>>) {add = true}
        %mul3A_63 = arith.constant 2 : i32
        %mul3A_64 = arith.muli %mul3A_63, %scan3A_43 : i32
        %add3A_65 = arith.constant 1 : i32
        %add3A_66 = arith.addi %mul3A_64, %add3A_65 : i32
        %gt3A_67 = arith.constant 0 : i32
        %gt3A_68 = arith.cmpi sgt, %add3A_66, %gt3A_67 : i32
        %convert_element_type3A_69 = arith.extui %gt3A_68 : i1 to i32
        %cond3A_70 = arith.constant 0 : i32
        %cond3A_71 = arith.cmpi ne, %convert_element_type3A_69, %cond3A_70 : i32
        scf.if %cond3A_71 {
          %dma_wait3A_85 = arith.constant 0 : i32
          %dma_wait3A_86 = arith.constant 0 : i32
          %dma_wait3A_87 = tpu.memref_slice %arg11[%dma_wait3A_85, %dma_wait3A_86] : memref<10240x128xf32, #tpu.memory_space<vmem_shared>> -> memref<10240x128xf32, #tpu.memory_space<vmem_shared>>
          tpu.wait_indirect_dma semaphore(%arg13 : memref<!tpu.dma_semaphore, #tpu.memory_space<semaphore_mem>>) src(%arg10 : memref<128x128xf32, #tpu.memory_space<vmem>>) dst(%dma_wait3A_87 : memref<10240x128xf32, #tpu.memory_space<vmem_shared>>)
        } else {
        }
        %add3A_72 = arith.constant 1 : i32
        %add3A_73 = arith.addi %add3A_66, %add3A_72 : i32
        %lt3A_74 = arith.cmpi slt, %add3A_73, %add3A_3 : i32
        %convert_element_type3A_75 = arith.extui %lt3A_74 : i1 to i32
        %cond3A_76 = arith.constant 0 : i32
        %cond3A_77 = arith.cmpi ne, %convert_element_type3A_75, %cond3A_76 : i32
        scf.if %cond3A_77 {
          %add3A_85 = arith.constant 1 : i32
          %add3A_86 = arith.addi %add3A_66, %add3A_85 : i32
          %mul3A_87 = arith.constant 128 : i32
          %mul3A_88 = arith.muli %add3A_86, %mul3A_87 : i32
          %add3A_89 = arith.addi %mul3A_9, %mul3A_88 : i32
          %dma_start3A_90 = tpu.memref_slice %arg2[%add3A_89] : memref<320000xi32, #tpu.memory_space<hbm>> -> memref<128xi32, #tpu.memory_space<hbm>>
          %dma_start3A_91 = tpu.memref_slice %arg2[%add3A_89] : memref<320000xi32, #tpu.memory_space<hbm>> -> memref<128xi32, #tpu.memory_space<hbm>>
          tpu.enqueue_dma source(%dma_start3A_91 : memref<128xi32, #tpu.memory_space<hbm>>) target(%arg8 : memref<128xi32, #tpu.memory_space<vmem>>) target_semaphore(%arg12 : memref<!tpu.dma_semaphore, #tpu.memory_space<semaphore_mem>>)
        } else {
        }
        %dma_wait3A_78 = arith.constant 0 : i32
        %dma_wait3A_79 = tpu.memref_slice %arg2[%dma_wait3A_78] : memref<320000xi32, #tpu.memory_space<hbm>> -> memref<128xi32, #tpu.memory_space<hbm>>
        %dma_wait3A_80 = arith.constant 0 : i32
        %dma_wait3A_81 = tpu.memref_slice %arg2[%dma_wait3A_80] : memref<320000xi32, #tpu.memory_space<hbm>> -> memref<128xi32, #tpu.memory_space<hbm>>
        tpu.wait_dma2 semaphore(%arg12 : memref<!tpu.dma_semaphore, #tpu.memory_space<semaphore_mem>>) src(%dma_wait3A_81 : memref<128xi32, #tpu.memory_space<hbm>>) dst(%arg9 : memref<128xi32, #tpu.memory_space<vmem>>)
        %dma_start3A_82 = arith.constant 0 : i32
        %dma_start3A_83 = arith.constant 0 : i32
        %dma_start3A_84 = tpu.memref_slice %arg11[%dma_start3A_82, %dma_start3A_83] : memref<10240x128xf32, #tpu.memory_space<vmem_shared>> -> memref<10240x128xf32, #tpu.memory_space<vmem_shared>>
        tpu.enqueue_indirect_dma source(%arg10 : memref<128x128xf32, #tpu.memory_space<vmem>>) target(%dma_start3A_84 : memref<10240x128xf32, #tpu.memory_space<vmem_shared>>) offsets(%arg9 : memref<128xi32, #tpu.memory_space<vmem>>) semaphore(%arg13 : memref<!tpu.dma_semaphore, #tpu.memory_space<semaphore_mem>>) {add = true}
      }
      %scan3A_35 = arith.constant 78 : i32
      %lt3A_36 = arith.constant 4 : i32
      %lt3A_37 = arith.cmpi slt, %arg1, %lt3A_36 : i32
      %convert_element_type3A_38 = arith.extui %lt3A_37 : i1 to i32
      %cond3A_39 = arith.constant 0 : i32
      %cond3A_40 = arith.cmpi ne, %convert_element_type3A_38, %cond3A_39 : i32
      scf.if %cond3A_40 {
        %dma_wait3A_43 = arith.constant 0 : i32
        %dma_wait3A_44 = arith.constant 0 : i32
        %dma_wait3A_45 = tpu.memref_slice %arg11[%dma_wait3A_43, %dma_wait3A_44] : memref<10240x128xf32, #tpu.memory_space<vmem_shared>> -> memref<10240x128xf32, #tpu.memory_space<vmem_shared>>
        tpu.wait_indirect_dma semaphore(%arg13 : memref<!tpu.dma_semaphore, #tpu.memory_space<semaphore_mem>>) src(%arg10 : memref<128x128xf32, #tpu.memory_space<vmem>>) dst(%dma_wait3A_45 : memref<10240x128xf32, #tpu.memory_space<vmem_shared>>)
        %dma_wait3A_46 = arith.constant 0 : i32
        %dma_wait3A_47 = tpu.memref_slice %arg2[%dma_wait3A_46] : memref<320000xi32, #tpu.memory_space<hbm>> -> memref<128xi32, #tpu.memory_space<hbm>>
        %dma_wait3A_48 = arith.constant 0 : i32
        %dma_wait3A_49 = tpu.memref_slice %arg2[%dma_wait3A_48] : memref<320000xi32, #tpu.memory_space<hbm>> -> memref<128xi32, #tpu.memory_space<hbm>>
        tpu.wait_dma2 semaphore(%arg12 : memref<!tpu.dma_semaphore, #tpu.memory_space<semaphore_mem>>) src(%dma_wait3A_49 : memref<128xi32, #tpu.memory_space<hbm>>) dst(%arg8 : memref<128xi32, #tpu.memory_space<vmem>>)
        %dma_start3A_50 = arith.constant 0 : i32
        %dma_start3A_51 = arith.constant 0 : i32
        %dma_start3A_52 = tpu.memref_slice %arg11[%dma_start3A_50, %dma_start3A_51] : memref<10240x128xf32, #tpu.memory_space<vmem_shared>> -> memref<10240x128xf32, #tpu.memory_space<vmem_shared>>
        tpu.enqueue_indirect_dma source(%arg10 : memref<128x128xf32, #tpu.memory_space<vmem>>) target(%dma_start3A_52 : memref<10240x128xf32, #tpu.memory_space<vmem_shared>>) offsets(%arg8 : memref<128xi32, #tpu.memory_space<vmem>>) semaphore(%arg13 : memref<!tpu.dma_semaphore, #tpu.memory_space<semaphore_mem>>) {add = true}
      } else {
      }
      %dma_wait3A = arith.constant 0 : i32
      %dma_wait3A_41 = arith.constant 0 : i32
      %dma_wait3A_42 = tpu.memref_slice %arg11[%dma_wait3A, %dma_wait3A_41] : memref<10240x128xf32, #tpu.memory_space<vmem_shared>> -> memref<10240x128xf32, #tpu.memory_space<vmem_shared>>
      tpu.wait_indirect_dma semaphore(%arg13 : memref<!tpu.dma_semaphore, #tpu.memory_space<semaphore_mem>>) src(%arg10 : memref<128x128xf32, #tpu.memory_space<vmem>>) dst(%dma_wait3A_42 : memref<10240x128xf32, #tpu.memory_space<vmem_shared>>)
    } else {
    }
    %barrier3A_17 = arith.constant 0 : index
    tpu.barrier barrier_id(%barrier3A_17)
    %eq3A_18 = arith.constant 0 : i32
    %eq3A_19 = arith.cmpi eq, %arg0, %eq3A_18 : i32
    %convert_element_type3A_20 = arith.extui %eq3A_19 : i1 to i32
    %cond3A_21 = arith.constant 0 : i32
    %cond3A_22 = arith.cmpi ne, %convert_element_type3A_20, %cond3A_21 : i32
    scf.if %cond3A_22 {
      %mul3A_28 = arith.constant 640 : i32
      %mul3A_29 = arith.muli %arg1, %mul3A_28 : i32
      %mul3A_30 = arith.constant 640 : i32
      %mul3A_31 = arith.muli %arg1, %mul3A_30 : i32
      "tpu.region"() ({
        %run_scoped3A = tpu.sem_alloc : memref<!tpu.dma_semaphore, #tpu.memory_space<semaphore_mem>>
        %dma_start3A = arith.constant 0 : i32
        %dma_start3A_32 = tpu.memref_slice %arg6[%mul3A_31, %dma_start3A] : memref<10240x128xf32, #tpu.memory_space<hbm>> -> memref<640x128xf32, #tpu.memory_space<hbm>>
        %dma_start3A_33 = arith.constant 0 : i32
        %dma_start3A_34 = tpu.memref_slice %arg11[%mul3A_29, %dma_start3A_33] : memref<10240x128xf32, #tpu.memory_space<vmem_shared>> -> memref<640x128xf32, #tpu.memory_space<vmem_shared>>
        tpu.enqueue_dma source(%dma_start3A_34 : memref<640x128xf32, #tpu.memory_space<vmem_shared>>) target(%dma_start3A_32 : memref<640x128xf32, #tpu.memory_space<hbm>>) target_semaphore(%run_scoped3A : memref<!tpu.dma_semaphore, #tpu.memory_space<semaphore_mem>>)
        %dma_wait3A = arith.constant 0 : i32
        %dma_wait3A_35 = tpu.memref_slice %arg6[%mul3A_31, %dma_wait3A] : memref<10240x128xf32, #tpu.memory_space<hbm>> -> memref<640x128xf32, #tpu.memory_space<hbm>>
        %dma_wait3A_36 = arith.constant 0 : i32
        %dma_wait3A_37 = tpu.memref_slice %arg11[%mul3A_29, %dma_wait3A_36] : memref<10240x128xf32, #tpu.memory_space<vmem_shared>> -> memref<640x128xf32, #tpu.memory_space<vmem_shared>>
        tpu.wait_dma2 semaphore(%run_scoped3A : memref<!tpu.dma_semaphore, #tpu.memory_space<semaphore_mem>>) src(%dma_wait3A_37 : memref<640x128xf32, #tpu.memory_space<vmem_shared>>) dst(%dma_wait3A_35 : memref<640x128xf32, #tpu.memory_space<hbm>>)
        tpu.yield
      }) : () -> ()
    } else {
    }
    %eq3A_23 = arith.constant 1 : i32
    %eq3A_24 = arith.cmpi eq, %arg0, %eq3A_23 : i32
    %convert_element_type3A_25 = arith.extui %eq3A_24 : i1 to i32
    %cond3A_26 = arith.constant 0 : i32
    %cond3A_27 = arith.cmpi ne, %convert_element_type3A_25, %cond3A_26 : i32
    scf.if %cond3A_27 {
      %mul3A_28 = arith.constant 640 : i32
      %mul3A_29 = arith.muli %arg1, %mul3A_28 : i32
      %mul3A_30 = arith.constant 640 : i32
      %mul3A_31 = arith.muli %arg1, %mul3A_30 : i32
      "tpu.region"() ({
        %run_scoped3A = tpu.sem_alloc : memref<!tpu.dma_semaphore, #tpu.memory_space<semaphore_mem>>
        %dma_start3A = arith.constant 0 : i32
        %dma_start3A_32 = tpu.memref_slice %arg7[%mul3A_31, %dma_start3A] : memref<10240x128xf32, #tpu.memory_space<hbm>> -> memref<640x128xf32, #tpu.memory_space<hbm>>
        %dma_start3A_33 = arith.constant 0 : i32
        %dma_start3A_34 = tpu.memref_slice %arg11[%mul3A_29, %dma_start3A_33] : memref<10240x128xf32, #tpu.memory_space<vmem_shared>> -> memref<640x128xf32, #tpu.memory_space<vmem_shared>>
        tpu.enqueue_dma source(%dma_start3A_34 : memref<640x128xf32, #tpu.memory_space<vmem_shared>>) target(%dma_start3A_32 : memref<640x128xf32, #tpu.memory_space<hbm>>) target_semaphore(%run_scoped3A : memref<!tpu.dma_semaphore, #tpu.memory_space<semaphore_mem>>)
        %dma_wait3A = arith.constant 0 : i32
        %dma_wait3A_35 = tpu.memref_slice %arg7[%mul3A_31, %dma_wait3A] : memref<10240x128xf32, #tpu.memory_space<hbm>> -> memref<640x128xf32, #tpu.memory_space<hbm>>
        %dma_wait3A_36 = arith.constant 0 : i32
        %dma_wait3A_37 = tpu.memref_slice %arg11[%mul3A_29, %dma_wait3A_36] : memref<10240x128xf32, #tpu.memory_space<vmem_shared>> -> memref<640x128xf32, #tpu.memory_space<vmem_shared>>
        tpu.wait_dma2 semaphore(%run_scoped3A : memref<!tpu.dma_semaphore, #tpu.memory_space<semaphore_mem>>) src(%dma_wait3A_37 : memref<640x128xf32, #tpu.memory_space<vmem_shared>>) dst(%dma_wait3A_35 : memref<640x128xf32, #tpu.memory_space<hbm>>)
        tpu.yield
      }) : () -> ()
    } else {
    }
    return
  }
}

#map = affine_map<(d0, d1) -> (0, 0)>
#map1 = affine_map<(d0, d1) -> (0)>
module attributes {stable_mosaic.version = 14 : i64} {
  func.func @_agg_body(%arg0: i32, %arg1: i32, %arg2: memref<10240x128xf32, #tpu.memory_space<hbm>>, %arg3: memref<10240x128xf32, #tpu.memory_space<hbm>>, %arg4: memref<320000xi32, #tpu.memory_space<hbm>>, %arg5: memref<320000xi32, #tpu.memory_space<hbm>>, %arg6: memref<640x128xf32, #tpu.memory_space<hbm>>, %arg7: memref<10240x128xf32, #tpu.memory_space<hbm>>, %arg8: memref<10240x128xf32, #tpu.memory_space<hbm>>, %arg9: memref<10112xi32, #tpu.memory_space<vmem>>, %arg10: memref<128xi32, #tpu.memory_space<vmem>>, %arg11: memref<128xi32, #tpu.memory_space<vmem>>, %arg12: memref<2x128x128xf32, #tpu.memory_space<vmem>>, %arg13: memref<10240x128xf32, #tpu.memory_space<vmem_shared>>, %arg14: memref<!tpu.dma_semaphore, #tpu.memory_space<semaphore_mem>>, %arg15: memref<!tpu.dma_semaphore, #tpu.memory_space<semaphore_mem>>, %arg16: memref<!tpu.dma_semaphore, #tpu.memory_space<semaphore_mem>>) attributes {dimension_semantics = [#tpu.dimension_semantics<core_parallel>, #tpu.dimension_semantics<subcore_parallel>], iteration_bounds = array<i64: 2, 16>, scalar_prefetch = 0 : i64, scratch_operands = 8 : i64, tpu.core_type = #tpu.core_type<sc_vector_subcore>, window_params = [{transform_indices = #map}, {transform_indices = #map}, {transform_indices = #map1}, {transform_indices = #map1}, {transform_indices = #map}, {transform_indices = #map}, {transform_indices = #map}]} {
    %mul3A = arith.constant 640 : i32
    %mul3A_0 = arith.muli %arg1, %mul3A : i32
    "tpu.region"() ({
      %run_scoped3A = tpu.sem_alloc : memref<!tpu.dma_semaphore, #tpu.memory_space<semaphore_mem>>
      %dma_start3A = arith.constant 0 : i32
      %dma_start3A_22 = tpu.memref_slice %arg13[%mul3A_0, %dma_start3A] : memref<10240x128xf32, #tpu.memory_space<vmem_shared>> -> memref<640x128xf32, #tpu.memory_space<vmem_shared>>
      tpu.enqueue_dma source(%arg6 : memref<640x128xf32, #tpu.memory_space<hbm>>) target(%dma_start3A_22 : memref<640x128xf32, #tpu.memory_space<vmem_shared>>) target_semaphore(%run_scoped3A : memref<!tpu.dma_semaphore, #tpu.memory_space<semaphore_mem>>)
      %dma_wait3A = arith.constant 0 : i32
      %dma_wait3A_23 = tpu.memref_slice %arg13[%mul3A_0, %dma_wait3A] : memref<10240x128xf32, #tpu.memory_space<vmem_shared>> -> memref<640x128xf32, #tpu.memory_space<vmem_shared>>
      tpu.wait_dma2 semaphore(%run_scoped3A : memref<!tpu.dma_semaphore, #tpu.memory_space<semaphore_mem>>) src(%arg6 : memref<640x128xf32, #tpu.memory_space<hbm>>) dst(%dma_wait3A_23 : memref<640x128xf32, #tpu.memory_space<vmem_shared>>)
      tpu.yield
    }) : () -> ()
    %barrier3A = arith.constant 0 : index
    tpu.barrier barrier_id(%barrier3A)
    %lt3A = arith.constant 2 : i32
    %lt3A_1 = arith.cmpi slt, %arg1, %lt3A : i32
    %jit3A = arith.constant 1 : i32
    %jit3A_2 = arith.constant 0 : i32
    %select_n3A = arith.select %lt3A_1, %jit3A, %jit3A_2 : i32
    %add3A = arith.constant 78 : i32
    %add3A_3 = arith.addi %add3A, %select_n3A : i32
    %eq3A = arith.constant 0 : i32
    %eq3A_4 = arith.cmpi eq, %arg0, %eq3A : i32
    %convert_element_type3A = arith.extui %eq3A_4 : i1 to i32
    %cond3A = arith.constant 0 : i32
    %cond3A_5 = arith.cmpi ne, %convert_element_type3A, %cond3A : i32
    scf.if %cond3A_5 {
      %mul3A_22 = arith.constant 78 : i32
      %mul3A_23 = arith.muli %mul3A_22, %arg1 : i32
      %min3A = arith.constant 2 : i32
      %min3A_24 = arith.minsi %arg1, %min3A : i32
      %add3A_25 = arith.addi %mul3A_23, %min3A_24 : i32
      %mul3A_26 = arith.constant 128 : i32
      %mul3A_27 = arith.muli %add3A_25, %mul3A_26 : i32
      %add3A_28 = arith.constant 0 : i32
      %add3A_29 = arith.addi %add3A_28, %mul3A_27 : i32
      "tpu.region"() ({
        %run_scoped3A = tpu.sem_alloc : memref<!tpu.dma_semaphore, #tpu.memory_space<semaphore_mem>>
        %dma_start3A_65 = arith.constant 0 : i32
        %dma_start3A_66 = tpu.memref_slice %arg9[%dma_start3A_65] : memref<10112xi32, #tpu.memory_space<vmem>> -> memref<9984xi32, #tpu.memory_space<vmem>>
        %dma_start3A_67 = tpu.memref_slice %arg4[%add3A_29] : memref<320000xi32, #tpu.memory_space<hbm>> -> memref<9984xi32, #tpu.memory_space<hbm>>
        %dma_start3A_68 = arith.constant 0 : i32
        %dma_start3A_69 = tpu.memref_slice %arg9[%dma_start3A_68] : memref<10112xi32, #tpu.memory_space<vmem>> -> memref<9984xi32, #tpu.memory_space<vmem>>
        %dma_start3A_70 = tpu.memref_slice %arg4[%add3A_29] : memref<320000xi32, #tpu.memory_space<hbm>> -> memref<9984xi32, #tpu.memory_space<hbm>>
        tpu.enqueue_dma source(%dma_start3A_70 : memref<9984xi32, #tpu.memory_space<hbm>>) target(%dma_start3A_69 : memref<9984xi32, #tpu.memory_space<vmem>>) target_semaphore(%run_scoped3A : memref<!tpu.dma_semaphore, #tpu.memory_space<semaphore_mem>>)
        %dma_wait3A_71 = arith.constant 0 : i32
        %dma_wait3A_72 = tpu.memref_slice %arg9[%dma_wait3A_71] : memref<10112xi32, #tpu.memory_space<vmem>> -> memref<9984xi32, #tpu.memory_space<vmem>>
        %dma_wait3A_73 = tpu.memref_slice %arg4[%add3A_29] : memref<320000xi32, #tpu.memory_space<hbm>> -> memref<9984xi32, #tpu.memory_space<hbm>>
        %dma_wait3A_74 = arith.constant 0 : i32
        %dma_wait3A_75 = tpu.memref_slice %arg9[%dma_wait3A_74] : memref<10112xi32, #tpu.memory_space<vmem>> -> memref<9984xi32, #tpu.memory_space<vmem>>
        %dma_wait3A_76 = tpu.memref_slice %arg4[%add3A_29] : memref<320000xi32, #tpu.memory_space<hbm>> -> memref<9984xi32, #tpu.memory_space<hbm>>
        tpu.wait_dma2 semaphore(%run_scoped3A : memref<!tpu.dma_semaphore, #tpu.memory_space<semaphore_mem>>) src(%dma_wait3A_76 : memref<9984xi32, #tpu.memory_space<hbm>>) dst(%dma_wait3A_75 : memref<9984xi32, #tpu.memory_space<vmem>>)
        tpu.yield
      }) : () -> ()
      %lt3A_30 = arith.constant 2 : i32
      %lt3A_31 = arith.cmpi slt, %arg1, %lt3A_30 : i32
      %convert_element_type3A_32 = arith.extui %lt3A_31 : i1 to i32
      %cond3A_33 = arith.constant 0 : i32
      %cond3A_34 = arith.cmpi ne, %convert_element_type3A_32, %cond3A_33 : i32
      scf.if %cond3A_34 {
        %add3A_65 = arith.constant 9984 : i32
        %add3A_66 = arith.addi %add3A_29, %add3A_65 : i32
        "tpu.region"() ({
          %run_scoped3A = tpu.sem_alloc : memref<!tpu.dma_semaphore, #tpu.memory_space<semaphore_mem>>
          %dma_start3A_67 = arith.constant 9984 : i32
          %dma_start3A_68 = tpu.memref_slice %arg9[%dma_start3A_67] : memref<10112xi32, #tpu.memory_space<vmem>> -> memref<128xi32, #tpu.memory_space<vmem>>
          %dma_start3A_69 = tpu.memref_slice %arg4[%add3A_66] : memref<320000xi32, #tpu.memory_space<hbm>> -> memref<128xi32, #tpu.memory_space<hbm>>
          %dma_start3A_70 = arith.constant 9984 : i32
          %dma_start3A_71 = tpu.memref_slice %arg9[%dma_start3A_70] : memref<10112xi32, #tpu.memory_space<vmem>> -> memref<128xi32, #tpu.memory_space<vmem>>
          %dma_start3A_72 = tpu.memref_slice %arg4[%add3A_66] : memref<320000xi32, #tpu.memory_space<hbm>> -> memref<128xi32, #tpu.memory_space<hbm>>
          tpu.enqueue_dma source(%dma_start3A_72 : memref<128xi32, #tpu.memory_space<hbm>>) target(%dma_start3A_71 : memref<128xi32, #tpu.memory_space<vmem>>) target_semaphore(%run_scoped3A : memref<!tpu.dma_semaphore, #tpu.memory_space<semaphore_mem>>)
          %dma_wait3A_73 = arith.constant 9984 : i32
          %dma_wait3A_74 = tpu.memref_slice %arg9[%dma_wait3A_73] : memref<10112xi32, #tpu.memory_space<vmem>> -> memref<128xi32, #tpu.memory_space<vmem>>
          %dma_wait3A_75 = tpu.memref_slice %arg4[%add3A_66] : memref<320000xi32, #tpu.memory_space<hbm>> -> memref<128xi32, #tpu.memory_space<hbm>>
          %dma_wait3A_76 = arith.constant 9984 : i32
          %dma_wait3A_77 = tpu.memref_slice %arg9[%dma_wait3A_76] : memref<10112xi32, #tpu.memory_space<vmem>> -> memref<128xi32, #tpu.memory_space<vmem>>
          %dma_wait3A_78 = tpu.memref_slice %arg4[%add3A_66] : memref<320000xi32, #tpu.memory_space<hbm>> -> memref<128xi32, #tpu.memory_space<hbm>>
          tpu.wait_dma2 semaphore(%run_scoped3A : memref<!tpu.dma_semaphore, #tpu.memory_space<semaphore_mem>>) src(%dma_wait3A_78 : memref<128xi32, #tpu.memory_space<hbm>>) dst(%dma_wait3A_77 : memref<128xi32, #tpu.memory_space<vmem>>)
          tpu.yield
        }) : () -> ()
      } else {
      }
      %add3A_35 = arith.constant 0 : i32
      %add3A_36 = arith.addi %add3A_29, %add3A_35 : i32
      %dma_start3A = tpu.memref_slice %arg5[%add3A_36] : memref<320000xi32, #tpu.memory_space<hbm>> -> memref<128xi32, #tpu.memory_space<hbm>>
      %dma_start3A_37 = tpu.memref_slice %arg5[%add3A_36] : memref<320000xi32, #tpu.memory_space<hbm>> -> memref<128xi32, #tpu.memory_space<hbm>>
      tpu.enqueue_dma source(%dma_start3A_37 : memref<128xi32, #tpu.memory_space<hbm>>) target(%arg10 : memref<128xi32, #tpu.memory_space<vmem>>) target_semaphore(%arg15 : memref<!tpu.dma_semaphore, #tpu.memory_space<semaphore_mem>>)
      %dma_start3A_38 = arith.constant 0 : i32
      %dma_start3A_39 = arith.constant 0 : i32
      %dma_start3A_40 = arith.constant 0 : i32
      %dma_start3A_41 = tpu.memref_slice %arg12[%dma_start3A_38, %dma_start3A_39, %dma_start3A_40] : memref<2x128x128xf32, #tpu.memory_space<vmem>> -> memref<1x128x128xf32, #tpu.memory_space<vmem>>
      %dma_start3A_42 = tpu.memref_squeeze %dma_start3A_41 : memref<1x128x128xf32, #tpu.memory_space<vmem>> -> memref<128x128xf32, #tpu.memory_space<vmem>>
      %dma_start3A_43 = arith.constant 0 : i32
      %dma_start3A_44 = tpu.memref_slice %arg9[%dma_start3A_43] : memref<10112xi32, #tpu.memory_space<vmem>> -> memref<128xi32, #tpu.memory_space<vmem>>
      %dma_start3A_45 = arith.constant 0 : i32
      %dma_start3A_46 = arith.constant 0 : i32
      %dma_start3A_47 = tpu.memref_slice %arg2[%dma_start3A_45, %dma_start3A_46] : memref<10240x128xf32, #tpu.memory_space<hbm>> -> memref<10240x128xf32, #tpu.memory_space<hbm>>
      tpu.enqueue_indirect_dma source(%dma_start3A_47 : memref<10240x128xf32, #tpu.memory_space<hbm>>) target(%dma_start3A_42 : memref<128x128xf32, #tpu.memory_space<vmem>>) offsets(%dma_start3A_44 : memref<128xi32, #tpu.memory_space<vmem>>) semaphore(%arg14 : memref<!tpu.dma_semaphore, #tpu.memory_space<semaphore_mem>>)
      %scan3A = arith.constant 0 : i32
      %scan3A_48 = arith.constant 0 : i32
      %scan3A_49 = arith.constant 39 : i32
      %scan3A_50 = arith.addi %scan3A_48, %scan3A_49 : i32
      %scan3A_51 = arith.constant 1 : i32
      scf.for %scan3A_65 = %scan3A_48 to %scan3A_50 step %scan3A_51  : i32 {
        %mul3A_66 = arith.constant 2 : i32
        %mul3A_67 = arith.muli %mul3A_66, %scan3A_65 : i32
        %gt3A = arith.constant 0 : i32
        %gt3A_68 = arith.cmpi sgt, %mul3A_67, %gt3A : i32
        %convert_element_type3A_69 = arith.extui %gt3A_68 : i1 to i32
        %cond3A_70 = arith.constant 0 : i32
        %cond3A_71 = arith.cmpi ne, %convert_element_type3A_69, %cond3A_70 : i32
        scf.if %cond3A_71 {
          %dma_wait3A_137 = arith.constant 0 : i32
          %dma_wait3A_138 = arith.constant 0 : i32
          %dma_wait3A_139 = arith.constant 0 : i32
          %dma_wait3A_140 = tpu.memref_slice %arg12[%dma_wait3A_137, %dma_wait3A_138, %dma_wait3A_139] : memref<2x128x128xf32, #tpu.memory_space<vmem>> -> memref<1x128x128xf32, #tpu.memory_space<vmem>>
          %dma_wait3A_141 = tpu.memref_squeeze %dma_wait3A_140 : memref<1x128x128xf32, #tpu.memory_space<vmem>> -> memref<128x128xf32, #tpu.memory_space<vmem>>
          %dma_wait3A_142 = arith.constant 0 : i32
          %dma_wait3A_143 = arith.constant 0 : i32
          %dma_wait3A_144 = tpu.memref_slice %arg13[%dma_wait3A_142, %dma_wait3A_143] : memref<10240x128xf32, #tpu.memory_space<vmem_shared>> -> memref<10240x128xf32, #tpu.memory_space<vmem_shared>>
          tpu.wait_indirect_dma semaphore(%arg16 : memref<!tpu.dma_semaphore, #tpu.memory_space<semaphore_mem>>) src(%dma_wait3A_141 : memref<128x128xf32, #tpu.memory_space<vmem>>) dst(%dma_wait3A_144 : memref<10240x128xf32, #tpu.memory_space<vmem_shared>>)
        } else {
        }
        %add3A_72 = arith.constant 1 : i32
        %add3A_73 = arith.addi %mul3A_67, %add3A_72 : i32
        %lt3A_74 = arith.cmpi slt, %add3A_73, %add3A_3 : i32
        %convert_element_type3A_75 = arith.extui %lt3A_74 : i1 to i32
        %cond3A_76 = arith.constant 0 : i32
        %cond3A_77 = arith.cmpi ne, %convert_element_type3A_75, %cond3A_76 : i32
        scf.if %cond3A_77 {
          %add3A_137 = arith.constant 1 : i32
          %add3A_138 = arith.addi %mul3A_67, %add3A_137 : i32
          %mul3A_139 = arith.constant 128 : i32
          %mul3A_140 = arith.muli %add3A_138, %mul3A_139 : i32
          %add3A_141 = arith.addi %add3A_29, %mul3A_140 : i32
          %dma_start3A_142 = tpu.memref_slice %arg5[%add3A_141] : memref<320000xi32, #tpu.memory_space<hbm>> -> memref<128xi32, #tpu.memory_space<hbm>>
          %dma_start3A_143 = tpu.memref_slice %arg5[%add3A_141] : memref<320000xi32, #tpu.memory_space<hbm>> -> memref<128xi32, #tpu.memory_space<hbm>>
          tpu.enqueue_dma source(%dma_start3A_143 : memref<128xi32, #tpu.memory_space<hbm>>) target(%arg11 : memref<128xi32, #tpu.memory_space<vmem>>) target_semaphore(%arg15 : memref<!tpu.dma_semaphore, #tpu.memory_space<semaphore_mem>>)
          %add3A_144 = arith.constant 1 : i32
          %add3A_145 = arith.addi %mul3A_67, %add3A_144 : i32
          %mul3A_146 = arith.constant 128 : i32
          %mul3A_147 = arith.muli %add3A_145, %mul3A_146 : i32
          %dma_start3A_148 = arith.constant 1 : i32
          %dma_start3A_149 = arith.constant 0 : i32
          %dma_start3A_150 = arith.constant 0 : i32
          %dma_start3A_151 = tpu.memref_slice %arg12[%dma_start3A_148, %dma_start3A_149, %dma_start3A_150] : memref<2x128x128xf32, #tpu.memory_space<vmem>> -> memref<1x128x128xf32, #tpu.memory_space<vmem>>
          %dma_start3A_152 = tpu.memref_squeeze %dma_start3A_151 : memref<1x128x128xf32, #tpu.memory_space<vmem>> -> memref<128x128xf32, #tpu.memory_space<vmem>>
          %dma_start3A_153 = tpu.memref_slice %arg9[%mul3A_147] : memref<10112xi32, #tpu.memory_space<vmem>> -> memref<128xi32, #tpu.memory_space<vmem>>
          %dma_start3A_154 = arith.constant 0 : i32
          %dma_start3A_155 = arith.constant 0 : i32
          %dma_start3A_156 = tpu.memref_slice %arg2[%dma_start3A_154, %dma_start3A_155] : memref<10240x128xf32, #tpu.memory_space<hbm>> -> memref<10240x128xf32, #tpu.memory_space<hbm>>
          tpu.enqueue_indirect_dma source(%dma_start3A_156 : memref<10240x128xf32, #tpu.memory_space<hbm>>) target(%dma_start3A_152 : memref<128x128xf32, #tpu.memory_space<vmem>>) offsets(%dma_start3A_153 : memref<128xi32, #tpu.memory_space<vmem>>) semaphore(%arg14 : memref<!tpu.dma_semaphore, #tpu.memory_space<semaphore_mem>>)
        } else {
        }
        %dma_wait3A_78 = arith.constant 0 : i32
        %dma_wait3A_79 = arith.constant 0 : i32
        %dma_wait3A_80 = arith.constant 0 : i32
        %dma_wait3A_81 = tpu.memref_slice %arg12[%dma_wait3A_78, %dma_wait3A_79, %dma_wait3A_80] : memref<2x128x128xf32, #tpu.memory_space<vmem>> -> memref<1x128x128xf32, #tpu.memory_space<vmem>>
        %dma_wait3A_82 = tpu.memref_squeeze %dma_wait3A_81 : memref<1x128x128xf32, #tpu.memory_space<vmem>> -> memref<128x128xf32, #tpu.memory_space<vmem>>
        %dma_wait3A_83 = arith.constant 0 : i32
        %dma_wait3A_84 = tpu.memref_slice %arg9[%dma_wait3A_83] : memref<10112xi32, #tpu.memory_space<vmem>> -> memref<128xi32, #tpu.memory_space<vmem>>
        %dma_wait3A_85 = arith.constant 0 : i32
        %dma_wait3A_86 = arith.constant 0 : i32
        %dma_wait3A_87 = tpu.memref_slice %arg2[%dma_wait3A_85, %dma_wait3A_86] : memref<10240x128xf32, #tpu.memory_space<hbm>> -> memref<10240x128xf32, #tpu.memory_space<hbm>>
        tpu.wait_indirect_dma semaphore(%arg14 : memref<!tpu.dma_semaphore, #tpu.memory_space<semaphore_mem>>) src(%dma_wait3A_87 : memref<10240x128xf32, #tpu.memory_space<hbm>>) dst(%dma_wait3A_82 : memref<128x128xf32, #tpu.memory_space<vmem>>)
        %dma_wait3A_88 = arith.constant 0 : i32
        %dma_wait3A_89 = tpu.memref_slice %arg5[%dma_wait3A_88] : memref<320000xi32, #tpu.memory_space<hbm>> -> memref<128xi32, #tpu.memory_space<hbm>>
        %dma_wait3A_90 = arith.constant 0 : i32
        %dma_wait3A_91 = tpu.memref_slice %arg5[%dma_wait3A_90] : memref<320000xi32, #tpu.memory_space<hbm>> -> memref<128xi32, #tpu.memory_space<hbm>>
        tpu.wait_dma2 semaphore(%arg15 : memref<!tpu.dma_semaphore, #tpu.memory_space<semaphore_mem>>) src(%dma_wait3A_91 : memref<128xi32, #tpu.memory_space<hbm>>) dst(%arg10 : memref<128xi32, #tpu.memory_space<vmem>>)
        %dma_start3A_92 = arith.constant 0 : i32
        %dma_start3A_93 = arith.constant 0 : i32
        %dma_start3A_94 = arith.constant 0 : i32
        %dma_start3A_95 = tpu.memref_slice %arg12[%dma_start3A_92, %dma_start3A_93, %dma_start3A_94] : memref<2x128x128xf32, #tpu.memory_space<vmem>> -> memref<1x128x128xf32, #tpu.memory_space<vmem>>
        %dma_start3A_96 = tpu.memref_squeeze %dma_start3A_95 : memref<1x128x128xf32, #tpu.memory_space<vmem>> -> memref<128x128xf32, #tpu.memory_space<vmem>>
        %dma_start3A_97 = arith.constant 0 : i32
        %dma_start3A_98 = arith.constant 0 : i32
        %dma_start3A_99 = tpu.memref_slice %arg13[%dma_start3A_97, %dma_start3A_98] : memref<10240x128xf32, #tpu.memory_space<vmem_shared>> -> memref<10240x128xf32, #tpu.memory_space<vmem_shared>>
        tpu.enqueue_indirect_dma source(%dma_start3A_96 : memref<128x128xf32, #tpu.memory_space<vmem>>) target(%dma_start3A_99 : memref<10240x128xf32, #tpu.memory_space<vmem_shared>>) offsets(%arg10 : memref<128xi32, #tpu.memory_space<vmem>>) semaphore(%arg16 : memref<!tpu.dma_semaphore, #tpu.memory_space<semaphore_mem>>) {add = true}
        %mul3A_100 = arith.constant 2 : i32
        %mul3A_101 = arith.muli %mul3A_100, %scan3A_65 : i32
        %add3A_102 = arith.constant 1 : i32
        %add3A_103 = arith.addi %mul3A_101, %add3A_102 : i32
        %gt3A_104 = arith.constant 0 : i32
        %gt3A_105 = arith.cmpi sgt, %add3A_103, %gt3A_104 : i32
        %convert_element_type3A_106 = arith.extui %gt3A_105 : i1 to i32
        %cond3A_107 = arith.constant 0 : i32
        %cond3A_108 = arith.cmpi ne, %convert_element_type3A_106, %cond3A_107 : i32
        scf.if %cond3A_108 {
          %dma_wait3A_137 = arith.constant 0 : i32
          %dma_wait3A_138 = arith.constant 0 : i32
          %dma_wait3A_139 = arith.constant 0 : i32
          %dma_wait3A_140 = tpu.memref_slice %arg12[%dma_wait3A_137, %dma_wait3A_138, %dma_wait3A_139] : memref<2x128x128xf32, #tpu.memory_space<vmem>> -> memref<1x128x128xf32, #tpu.memory_space<vmem>>
          %dma_wait3A_141 = tpu.memref_squeeze %dma_wait3A_140 : memref<1x128x128xf32, #tpu.memory_space<vmem>> -> memref<128x128xf32, #tpu.memory_space<vmem>>
          %dma_wait3A_142 = arith.constant 0 : i32
          %dma_wait3A_143 = arith.constant 0 : i32
          %dma_wait3A_144 = tpu.memref_slice %arg13[%dma_wait3A_142, %dma_wait3A_143] : memref<10240x128xf32, #tpu.memory_space<vmem_shared>> -> memref<10240x128xf32, #tpu.memory_space<vmem_shared>>
          tpu.wait_indirect_dma semaphore(%arg16 : memref<!tpu.dma_semaphore, #tpu.memory_space<semaphore_mem>>) src(%dma_wait3A_141 : memref<128x128xf32, #tpu.memory_space<vmem>>) dst(%dma_wait3A_144 : memref<10240x128xf32, #tpu.memory_space<vmem_shared>>)
        } else {
        }
        %add3A_109 = arith.constant 1 : i32
        %add3A_110 = arith.addi %add3A_103, %add3A_109 : i32
        %lt3A_111 = arith.cmpi slt, %add3A_110, %add3A_3 : i32
        %convert_element_type3A_112 = arith.extui %lt3A_111 : i1 to i32
        %cond3A_113 = arith.constant 0 : i32
        %cond3A_114 = arith.cmpi ne, %convert_element_type3A_112, %cond3A_113 : i32
        scf.if %cond3A_114 {
          %add3A_137 = arith.constant 1 : i32
          %add3A_138 = arith.addi %add3A_103, %add3A_137 : i32
          %mul3A_139 = arith.constant 128 : i32
          %mul3A_140 = arith.muli %add3A_138, %mul3A_139 : i32
          %add3A_141 = arith.addi %add3A_29, %mul3A_140 : i32
          %dma_start3A_142 = tpu.memref_slice %arg5[%add3A_141] : memref<320000xi32, #tpu.memory_space<hbm>> -> memref<128xi32, #tpu.memory_space<hbm>>
          %dma_start3A_143 = tpu.memref_slice %arg5[%add3A_141] : memref<320000xi32, #tpu.memory_space<hbm>> -> memref<128xi32, #tpu.memory_space<hbm>>
          tpu.enqueue_dma source(%dma_start3A_143 : memref<128xi32, #tpu.memory_space<hbm>>) target(%arg10 : memref<128xi32, #tpu.memory_space<vmem>>) target_semaphore(%arg15 : memref<!tpu.dma_semaphore, #tpu.memory_space<semaphore_mem>>)
          %add3A_144 = arith.constant 1 : i32
          %add3A_145 = arith.addi %add3A_103, %add3A_144 : i32
          %mul3A_146 = arith.constant 128 : i32
          %mul3A_147 = arith.muli %add3A_145, %mul3A_146 : i32
          %dma_start3A_148 = arith.constant 0 : i32
          %dma_start3A_149 = arith.constant 0 : i32
          %dma_start3A_150 = arith.constant 0 : i32
          %dma_start3A_151 = tpu.memref_slice %arg12[%dma_start3A_148, %dma_start3A_149, %dma_start3A_150] : memref<2x128x128xf32, #tpu.memory_space<vmem>> -> memref<1x128x128xf32, #tpu.memory_space<vmem>>
          %dma_start3A_152 = tpu.memref_squeeze %dma_start3A_151 : memref<1x128x128xf32, #tpu.memory_space<vmem>> -> memref<128x128xf32, #tpu.memory_space<vmem>>
          %dma_start3A_153 = tpu.memref_slice %arg9[%mul3A_147] : memref<10112xi32, #tpu.memory_space<vmem>> -> memref<128xi32, #tpu.memory_space<vmem>>
          %dma_start3A_154 = arith.constant 0 : i32
          %dma_start3A_155 = arith.constant 0 : i32
          %dma_start3A_156 = tpu.memref_slice %arg2[%dma_start3A_154, %dma_start3A_155] : memref<10240x128xf32, #tpu.memory_space<hbm>> -> memref<10240x128xf32, #tpu.memory_space<hbm>>
          tpu.enqueue_indirect_dma source(%dma_start3A_156 : memref<10240x128xf32, #tpu.memory_space<hbm>>) target(%dma_start3A_152 : memref<128x128xf32, #tpu.memory_space<vmem>>) offsets(%dma_start3A_153 : memref<128xi32, #tpu.memory_space<vmem>>) semaphore(%arg14 : memref<!tpu.dma_semaphore, #tpu.memory_space<semaphore_mem>>)
        } else {
        }
        %dma_wait3A_115 = arith.constant 1 : i32
        %dma_wait3A_116 = arith.constant 0 : i32
        %dma_wait3A_117 = arith.constant 0 : i32
        %dma_wait3A_118 = tpu.memref_slice %arg12[%dma_wait3A_115, %dma_wait3A_116, %dma_wait3A_117] : memref<2x128x128xf32, #tpu.memory_space<vmem>> -> memref<1x128x128xf32, #tpu.memory_space<vmem>>
        %dma_wait3A_119 = tpu.memref_squeeze %dma_wait3A_118 : memref<1x128x128xf32, #tpu.memory_space<vmem>> -> memref<128x128xf32, #tpu.memory_space<vmem>>
        %dma_wait3A_120 = arith.constant 0 : i32
        %dma_wait3A_121 = tpu.memref_slice %arg9[%dma_wait3A_120] : memref<10112xi32, #tpu.memory_space<vmem>> -> memref<128xi32, #tpu.memory_space<vmem>>
        %dma_wait3A_122 = arith.constant 0 : i32
        %dma_wait3A_123 = arith.constant 0 : i32
        %dma_wait3A_124 = tpu.memref_slice %arg2[%dma_wait3A_122, %dma_wait3A_123] : memref<10240x128xf32, #tpu.memory_space<hbm>> -> memref<10240x128xf32, #tpu.memory_space<hbm>>
        tpu.wait_indirect_dma semaphore(%arg14 : memref<!tpu.dma_semaphore, #tpu.memory_space<semaphore_mem>>) src(%dma_wait3A_124 : memref<10240x128xf32, #tpu.memory_space<hbm>>) dst(%dma_wait3A_119 : memref<128x128xf32, #tpu.memory_space<vmem>>)
        %dma_wait3A_125 = arith.constant 0 : i32
        %dma_wait3A_126 = tpu.memref_slice %arg5[%dma_wait3A_125] : memref<320000xi32, #tpu.memory_space<hbm>> -> memref<128xi32, #tpu.memory_space<hbm>>
        %dma_wait3A_127 = arith.constant 0 : i32
        %dma_wait3A_128 = tpu.memref_slice %arg5[%dma_wait3A_127] : memref<320000xi32, #tpu.memory_space<hbm>> -> memref<128xi32, #tpu.memory_space<hbm>>
        tpu.wait_dma2 semaphore(%arg15 : memref<!tpu.dma_semaphore, #tpu.memory_space<semaphore_mem>>) src(%dma_wait3A_128 : memref<128xi32, #tpu.memory_space<hbm>>) dst(%arg11 : memref<128xi32, #tpu.memory_space<vmem>>)
        %dma_start3A_129 = arith.constant 1 : i32
        %dma_start3A_130 = arith.constant 0 : i32
        %dma_start3A_131 = arith.constant 0 : i32
        %dma_start3A_132 = tpu.memref_slice %arg12[%dma_start3A_129, %dma_start3A_130, %dma_start3A_131] : memref<2x128x128xf32, #tpu.memory_space<vmem>> -> memref<1x128x128xf32, #tpu.memory_space<vmem>>
        %dma_start3A_133 = tpu.memref_squeeze %dma_start3A_132 : memref<1x128x128xf32, #tpu.memory_space<vmem>> -> memref<128x128xf32, #tpu.memory_space<vmem>>
        %dma_start3A_134 = arith.constant 0 : i32
        %dma_start3A_135 = arith.constant 0 : i32
        %dma_start3A_136 = tpu.memref_slice %arg13[%dma_start3A_134, %dma_start3A_135] : memref<10240x128xf32, #tpu.memory_space<vmem_shared>> -> memref<10240x128xf32, #tpu.memory_space<vmem_shared>>
        tpu.enqueue_indirect_dma source(%dma_start3A_133 : memref<128x128xf32, #tpu.memory_space<vmem>>) target(%dma_start3A_136 : memref<10240x128xf32, #tpu.memory_space<vmem_shared>>) offsets(%arg11 : memref<128xi32, #tpu.memory_space<vmem>>) semaphore(%arg16 : memref<!tpu.dma_semaphore, #tpu.memory_space<semaphore_mem>>) {add = true}
      }
      %scan3A_52 = arith.constant 39 : i32
      %lt3A_53 = arith.constant 2 : i32
      %lt3A_54 = arith.cmpi slt, %arg1, %lt3A_53 : i32
      %convert_element_type3A_55 = arith.extui %lt3A_54 : i1 to i32
      %cond3A_56 = arith.constant 0 : i32
      %cond3A_57 = arith.cmpi ne, %convert_element_type3A_55, %cond3A_56 : i32
      scf.if %cond3A_57 {
        %dma_wait3A_65 = arith.constant 0 : i32
        %dma_wait3A_66 = arith.constant 0 : i32
        %dma_wait3A_67 = arith.constant 0 : i32
        %dma_wait3A_68 = tpu.memref_slice %arg12[%dma_wait3A_65, %dma_wait3A_66, %dma_wait3A_67] : memref<2x128x128xf32, #tpu.memory_space<vmem>> -> memref<1x128x128xf32, #tpu.memory_space<vmem>>
        %dma_wait3A_69 = tpu.memref_squeeze %dma_wait3A_68 : memref<1x128x128xf32, #tpu.memory_space<vmem>> -> memref<128x128xf32, #tpu.memory_space<vmem>>
        %dma_wait3A_70 = arith.constant 0 : i32
        %dma_wait3A_71 = arith.constant 0 : i32
        %dma_wait3A_72 = tpu.memref_slice %arg13[%dma_wait3A_70, %dma_wait3A_71] : memref<10240x128xf32, #tpu.memory_space<vmem_shared>> -> memref<10240x128xf32, #tpu.memory_space<vmem_shared>>
        tpu.wait_indirect_dma semaphore(%arg16 : memref<!tpu.dma_semaphore, #tpu.memory_space<semaphore_mem>>) src(%dma_wait3A_69 : memref<128x128xf32, #tpu.memory_space<vmem>>) dst(%dma_wait3A_72 : memref<10240x128xf32, #tpu.memory_space<vmem_shared>>)
        %dma_wait3A_73 = arith.constant 0 : i32
        %dma_wait3A_74 = arith.constant 0 : i32
        %dma_wait3A_75 = arith.constant 0 : i32
        %dma_wait3A_76 = tpu.memref_slice %arg12[%dma_wait3A_73, %dma_wait3A_74, %dma_wait3A_75] : memref<2x128x128xf32, #tpu.memory_space<vmem>> -> memref<1x128x128xf32, #tpu.memory_space<vmem>>
        %dma_wait3A_77 = tpu.memref_squeeze %dma_wait3A_76 : memref<1x128x128xf32, #tpu.memory_space<vmem>> -> memref<128x128xf32, #tpu.memory_space<vmem>>
        %dma_wait3A_78 = arith.constant 0 : i32
        %dma_wait3A_79 = tpu.memref_slice %arg9[%dma_wait3A_78] : memref<10112xi32, #tpu.memory_space<vmem>> -> memref<128xi32, #tpu.memory_space<vmem>>
        %dma_wait3A_80 = arith.constant 0 : i32
        %dma_wait3A_81 = arith.constant 0 : i32
        %dma_wait3A_82 = tpu.memref_slice %arg2[%dma_wait3A_80, %dma_wait3A_81] : memref<10240x128xf32, #tpu.memory_space<hbm>> -> memref<10240x128xf32, #tpu.memory_space<hbm>>
        tpu.wait_indirect_dma semaphore(%arg14 : memref<!tpu.dma_semaphore, #tpu.memory_space<semaphore_mem>>) src(%dma_wait3A_82 : memref<10240x128xf32, #tpu.memory_space<hbm>>) dst(%dma_wait3A_77 : memref<128x128xf32, #tpu.memory_space<vmem>>)
        %dma_wait3A_83 = arith.constant 0 : i32
        %dma_wait3A_84 = tpu.memref_slice %arg5[%dma_wait3A_83] : memref<320000xi32, #tpu.memory_space<hbm>> -> memref<128xi32, #tpu.memory_space<hbm>>
        %dma_wait3A_85 = arith.constant 0 : i32
        %dma_wait3A_86 = tpu.memref_slice %arg5[%dma_wait3A_85] : memref<320000xi32, #tpu.memory_space<hbm>> -> memref<128xi32, #tpu.memory_space<hbm>>
        tpu.wait_dma2 semaphore(%arg15 : memref<!tpu.dma_semaphore, #tpu.memory_space<semaphore_mem>>) src(%dma_wait3A_86 : memref<128xi32, #tpu.memory_space<hbm>>) dst(%arg10 : memref<128xi32, #tpu.memory_space<vmem>>)
        %dma_start3A_87 = arith.constant 0 : i32
        %dma_start3A_88 = arith.constant 0 : i32
        %dma_start3A_89 = arith.constant 0 : i32
        %dma_start3A_90 = tpu.memref_slice %arg12[%dma_start3A_87, %dma_start3A_88, %dma_start3A_89] : memref<2x128x128xf32, #tpu.memory_space<vmem>> -> memref<1x128x128xf32, #tpu.memory_space<vmem>>
        %dma_start3A_91 = tpu.memref_squeeze %dma_start3A_90 : memref<1x128x128xf32, #tpu.memory_space<vmem>> -> memref<128x128xf32, #tpu.memory_space<vmem>>
        %dma_start3A_92 = arith.constant 0 : i32
        %dma_start3A_93 = arith.constant 0 : i32
        %dma_start3A_94 = tpu.memref_slice %arg13[%dma_start3A_92, %dma_start3A_93] : memref<10240x128xf32, #tpu.memory_space<vmem_shared>> -> memref<10240x128xf32, #tpu.memory_space<vmem_shared>>
        tpu.enqueue_indirect_dma source(%dma_start3A_91 : memref<128x128xf32, #tpu.memory_space<vmem>>) target(%dma_start3A_94 : memref<10240x128xf32, #tpu.memory_space<vmem_shared>>) offsets(%arg10 : memref<128xi32, #tpu.memory_space<vmem>>) semaphore(%arg16 : memref<!tpu.dma_semaphore, #tpu.memory_space<semaphore_mem>>) {add = true}
      } else {
      }
      %dma_wait3A = arith.constant 0 : i32
      %dma_wait3A_58 = arith.constant 0 : i32
      %dma_wait3A_59 = arith.constant 0 : i32
      %dma_wait3A_60 = tpu.memref_slice %arg12[%dma_wait3A, %dma_wait3A_58, %dma_wait3A_59] : memref<2x128x128xf32, #tpu.memory_space<vmem>> -> memref<1x128x128xf32, #tpu.memory_space<vmem>>
      %dma_wait3A_61 = tpu.memref_squeeze %dma_wait3A_60 : memref<1x128x128xf32, #tpu.memory_space<vmem>> -> memref<128x128xf32, #tpu.memory_space<vmem>>
      %dma_wait3A_62 = arith.constant 0 : i32
      %dma_wait3A_63 = arith.constant 0 : i32
      %dma_wait3A_64 = tpu.memref_slice %arg13[%dma_wait3A_62, %dma_wait3A_63] : memref<10240x128xf32, #tpu.memory_space<vmem_shared>> -> memref<10240x128xf32, #tpu.memory_space<vmem_shared>>
      tpu.wait_indirect_dma semaphore(%arg16 : memref<!tpu.dma_semaphore, #tpu.memory_space<semaphore_mem>>) src(%dma_wait3A_61 : memref<128x128xf32, #tpu.memory_space<vmem>>) dst(%dma_wait3A_64 : memref<10240x128xf32, #tpu.memory_space<vmem_shared>>)
    } else {
    }
    %eq3A_6 = arith.constant 1 : i32
    %eq3A_7 = arith.cmpi eq, %arg0, %eq3A_6 : i32
    %convert_element_type3A_8 = arith.extui %eq3A_7 : i1 to i32
    %cond3A_9 = arith.constant 0 : i32
    %cond3A_10 = arith.cmpi ne, %convert_element_type3A_8, %cond3A_9 : i32
    scf.if %cond3A_10 {
      %mul3A_22 = arith.constant 78 : i32
      %mul3A_23 = arith.muli %mul3A_22, %arg1 : i32
      %min3A = arith.constant 2 : i32
      %min3A_24 = arith.minsi %arg1, %min3A : i32
      %add3A_25 = arith.addi %mul3A_23, %min3A_24 : i32
      %mul3A_26 = arith.constant 128 : i32
      %mul3A_27 = arith.muli %add3A_25, %mul3A_26 : i32
      %add3A_28 = arith.constant 160000 : i32
      %add3A_29 = arith.addi %add3A_28, %mul3A_27 : i32
      "tpu.region"() ({
        %run_scoped3A = tpu.sem_alloc : memref<!tpu.dma_semaphore, #tpu.memory_space<semaphore_mem>>
        %dma_start3A_65 = arith.constant 0 : i32
        %dma_start3A_66 = tpu.memref_slice %arg9[%dma_start3A_65] : memref<10112xi32, #tpu.memory_space<vmem>> -> memref<9984xi32, #tpu.memory_space<vmem>>
        %dma_start3A_67 = tpu.memref_slice %arg4[%add3A_29] : memref<320000xi32, #tpu.memory_space<hbm>> -> memref<9984xi32, #tpu.memory_space<hbm>>
        %dma_start3A_68 = arith.constant 0 : i32
        %dma_start3A_69 = tpu.memref_slice %arg9[%dma_start3A_68] : memref<10112xi32, #tpu.memory_space<vmem>> -> memref<9984xi32, #tpu.memory_space<vmem>>
        %dma_start3A_70 = tpu.memref_slice %arg4[%add3A_29] : memref<320000xi32, #tpu.memory_space<hbm>> -> memref<9984xi32, #tpu.memory_space<hbm>>
        tpu.enqueue_dma source(%dma_start3A_70 : memref<9984xi32, #tpu.memory_space<hbm>>) target(%dma_start3A_69 : memref<9984xi32, #tpu.memory_space<vmem>>) target_semaphore(%run_scoped3A : memref<!tpu.dma_semaphore, #tpu.memory_space<semaphore_mem>>)
        %dma_wait3A_71 = arith.constant 0 : i32
        %dma_wait3A_72 = tpu.memref_slice %arg9[%dma_wait3A_71] : memref<10112xi32, #tpu.memory_space<vmem>> -> memref<9984xi32, #tpu.memory_space<vmem>>
        %dma_wait3A_73 = tpu.memref_slice %arg4[%add3A_29] : memref<320000xi32, #tpu.memory_space<hbm>> -> memref<9984xi32, #tpu.memory_space<hbm>>
        %dma_wait3A_74 = arith.constant 0 : i32
        %dma_wait3A_75 = tpu.memref_slice %arg9[%dma_wait3A_74] : memref<10112xi32, #tpu.memory_space<vmem>> -> memref<9984xi32, #tpu.memory_space<vmem>>
        %dma_wait3A_76 = tpu.memref_slice %arg4[%add3A_29] : memref<320000xi32, #tpu.memory_space<hbm>> -> memref<9984xi32, #tpu.memory_space<hbm>>
        tpu.wait_dma2 semaphore(%run_scoped3A : memref<!tpu.dma_semaphore, #tpu.memory_space<semaphore_mem>>) src(%dma_wait3A_76 : memref<9984xi32, #tpu.memory_space<hbm>>) dst(%dma_wait3A_75 : memref<9984xi32, #tpu.memory_space<vmem>>)
        tpu.yield
      }) : () -> ()
      %lt3A_30 = arith.constant 2 : i32
      %lt3A_31 = arith.cmpi slt, %arg1, %lt3A_30 : i32
      %convert_element_type3A_32 = arith.extui %lt3A_31 : i1 to i32
      %cond3A_33 = arith.constant 0 : i32
      %cond3A_34 = arith.cmpi ne, %convert_element_type3A_32, %cond3A_33 : i32
      scf.if %cond3A_34 {
        %add3A_65 = arith.constant 9984 : i32
        %add3A_66 = arith.addi %add3A_29, %add3A_65 : i32
        "tpu.region"() ({
          %run_scoped3A = tpu.sem_alloc : memref<!tpu.dma_semaphore, #tpu.memory_space<semaphore_mem>>
          %dma_start3A_67 = arith.constant 9984 : i32
          %dma_start3A_68 = tpu.memref_slice %arg9[%dma_start3A_67] : memref<10112xi32, #tpu.memory_space<vmem>> -> memref<128xi32, #tpu.memory_space<vmem>>
          %dma_start3A_69 = tpu.memref_slice %arg4[%add3A_66] : memref<320000xi32, #tpu.memory_space<hbm>> -> memref<128xi32, #tpu.memory_space<hbm>>
          %dma_start3A_70 = arith.constant 9984 : i32
          %dma_start3A_71 = tpu.memref_slice %arg9[%dma_start3A_70] : memref<10112xi32, #tpu.memory_space<vmem>> -> memref<128xi32, #tpu.memory_space<vmem>>
          %dma_start3A_72 = tpu.memref_slice %arg4[%add3A_66] : memref<320000xi32, #tpu.memory_space<hbm>> -> memref<128xi32, #tpu.memory_space<hbm>>
          tpu.enqueue_dma source(%dma_start3A_72 : memref<128xi32, #tpu.memory_space<hbm>>) target(%dma_start3A_71 : memref<128xi32, #tpu.memory_space<vmem>>) target_semaphore(%run_scoped3A : memref<!tpu.dma_semaphore, #tpu.memory_space<semaphore_mem>>)
          %dma_wait3A_73 = arith.constant 9984 : i32
          %dma_wait3A_74 = tpu.memref_slice %arg9[%dma_wait3A_73] : memref<10112xi32, #tpu.memory_space<vmem>> -> memref<128xi32, #tpu.memory_space<vmem>>
          %dma_wait3A_75 = tpu.memref_slice %arg4[%add3A_66] : memref<320000xi32, #tpu.memory_space<hbm>> -> memref<128xi32, #tpu.memory_space<hbm>>
          %dma_wait3A_76 = arith.constant 9984 : i32
          %dma_wait3A_77 = tpu.memref_slice %arg9[%dma_wait3A_76] : memref<10112xi32, #tpu.memory_space<vmem>> -> memref<128xi32, #tpu.memory_space<vmem>>
          %dma_wait3A_78 = tpu.memref_slice %arg4[%add3A_66] : memref<320000xi32, #tpu.memory_space<hbm>> -> memref<128xi32, #tpu.memory_space<hbm>>
          tpu.wait_dma2 semaphore(%run_scoped3A : memref<!tpu.dma_semaphore, #tpu.memory_space<semaphore_mem>>) src(%dma_wait3A_78 : memref<128xi32, #tpu.memory_space<hbm>>) dst(%dma_wait3A_77 : memref<128xi32, #tpu.memory_space<vmem>>)
          tpu.yield
        }) : () -> ()
      } else {
      }
      %add3A_35 = arith.constant 0 : i32
      %add3A_36 = arith.addi %add3A_29, %add3A_35 : i32
      %dma_start3A = tpu.memref_slice %arg5[%add3A_36] : memref<320000xi32, #tpu.memory_space<hbm>> -> memref<128xi32, #tpu.memory_space<hbm>>
      %dma_start3A_37 = tpu.memref_slice %arg5[%add3A_36] : memref<320000xi32, #tpu.memory_space<hbm>> -> memref<128xi32, #tpu.memory_space<hbm>>
      tpu.enqueue_dma source(%dma_start3A_37 : memref<128xi32, #tpu.memory_space<hbm>>) target(%arg10 : memref<128xi32, #tpu.memory_space<vmem>>) target_semaphore(%arg15 : memref<!tpu.dma_semaphore, #tpu.memory_space<semaphore_mem>>)
      %dma_start3A_38 = arith.constant 0 : i32
      %dma_start3A_39 = arith.constant 0 : i32
      %dma_start3A_40 = arith.constant 0 : i32
      %dma_start3A_41 = tpu.memref_slice %arg12[%dma_start3A_38, %dma_start3A_39, %dma_start3A_40] : memref<2x128x128xf32, #tpu.memory_space<vmem>> -> memref<1x128x128xf32, #tpu.memory_space<vmem>>
      %dma_start3A_42 = tpu.memref_squeeze %dma_start3A_41 : memref<1x128x128xf32, #tpu.memory_space<vmem>> -> memref<128x128xf32, #tpu.memory_space<vmem>>
      %dma_start3A_43 = arith.constant 0 : i32
      %dma_start3A_44 = tpu.memref_slice %arg9[%dma_start3A_43] : memref<10112xi32, #tpu.memory_space<vmem>> -> memref<128xi32, #tpu.memory_space<vmem>>
      %dma_start3A_45 = arith.constant 0 : i32
      %dma_start3A_46 = arith.constant 0 : i32
      %dma_start3A_47 = tpu.memref_slice %arg3[%dma_start3A_45, %dma_start3A_46] : memref<10240x128xf32, #tpu.memory_space<hbm>> -> memref<10240x128xf32, #tpu.memory_space<hbm>>
      tpu.enqueue_indirect_dma source(%dma_start3A_47 : memref<10240x128xf32, #tpu.memory_space<hbm>>) target(%dma_start3A_42 : memref<128x128xf32, #tpu.memory_space<vmem>>) offsets(%dma_start3A_44 : memref<128xi32, #tpu.memory_space<vmem>>) semaphore(%arg14 : memref<!tpu.dma_semaphore, #tpu.memory_space<semaphore_mem>>)
      %scan3A = arith.constant 0 : i32
      %scan3A_48 = arith.constant 0 : i32
      %scan3A_49 = arith.constant 39 : i32
      %scan3A_50 = arith.addi %scan3A_48, %scan3A_49 : i32
      %scan3A_51 = arith.constant 1 : i32
      scf.for %scan3A_65 = %scan3A_48 to %scan3A_50 step %scan3A_51  : i32 {
        %mul3A_66 = arith.constant 2 : i32
        %mul3A_67 = arith.muli %mul3A_66, %scan3A_65 : i32
        %gt3A = arith.constant 0 : i32
        %gt3A_68 = arith.cmpi sgt, %mul3A_67, %gt3A : i32
        %convert_element_type3A_69 = arith.extui %gt3A_68 : i1 to i32
        %cond3A_70 = arith.constant 0 : i32
        %cond3A_71 = arith.cmpi ne, %convert_element_type3A_69, %cond3A_70 : i32
        scf.if %cond3A_71 {
          %dma_wait3A_137 = arith.constant 0 : i32
          %dma_wait3A_138 = arith.constant 0 : i32
          %dma_wait3A_139 = arith.constant 0 : i32
          %dma_wait3A_140 = tpu.memref_slice %arg12[%dma_wait3A_137, %dma_wait3A_138, %dma_wait3A_139] : memref<2x128x128xf32, #tpu.memory_space<vmem>> -> memref<1x128x128xf32, #tpu.memory_space<vmem>>
          %dma_wait3A_141 = tpu.memref_squeeze %dma_wait3A_140 : memref<1x128x128xf32, #tpu.memory_space<vmem>> -> memref<128x128xf32, #tpu.memory_space<vmem>>
          %dma_wait3A_142 = arith.constant 0 : i32
          %dma_wait3A_143 = arith.constant 0 : i32
          %dma_wait3A_144 = tpu.memref_slice %arg13[%dma_wait3A_142, %dma_wait3A_143] : memref<10240x128xf32, #tpu.memory_space<vmem_shared>> -> memref<10240x128xf32, #tpu.memory_space<vmem_shared>>
          tpu.wait_indirect_dma semaphore(%arg16 : memref<!tpu.dma_semaphore, #tpu.memory_space<semaphore_mem>>) src(%dma_wait3A_141 : memref<128x128xf32, #tpu.memory_space<vmem>>) dst(%dma_wait3A_144 : memref<10240x128xf32, #tpu.memory_space<vmem_shared>>)
        } else {
        }
        %add3A_72 = arith.constant 1 : i32
        %add3A_73 = arith.addi %mul3A_67, %add3A_72 : i32
        %lt3A_74 = arith.cmpi slt, %add3A_73, %add3A_3 : i32
        %convert_element_type3A_75 = arith.extui %lt3A_74 : i1 to i32
        %cond3A_76 = arith.constant 0 : i32
        %cond3A_77 = arith.cmpi ne, %convert_element_type3A_75, %cond3A_76 : i32
        scf.if %cond3A_77 {
          %add3A_137 = arith.constant 1 : i32
          %add3A_138 = arith.addi %mul3A_67, %add3A_137 : i32
          %mul3A_139 = arith.constant 128 : i32
          %mul3A_140 = arith.muli %add3A_138, %mul3A_139 : i32
          %add3A_141 = arith.addi %add3A_29, %mul3A_140 : i32
          %dma_start3A_142 = tpu.memref_slice %arg5[%add3A_141] : memref<320000xi32, #tpu.memory_space<hbm>> -> memref<128xi32, #tpu.memory_space<hbm>>
          %dma_start3A_143 = tpu.memref_slice %arg5[%add3A_141] : memref<320000xi32, #tpu.memory_space<hbm>> -> memref<128xi32, #tpu.memory_space<hbm>>
          tpu.enqueue_dma source(%dma_start3A_143 : memref<128xi32, #tpu.memory_space<hbm>>) target(%arg11 : memref<128xi32, #tpu.memory_space<vmem>>) target_semaphore(%arg15 : memref<!tpu.dma_semaphore, #tpu.memory_space<semaphore_mem>>)
          %add3A_144 = arith.constant 1 : i32
          %add3A_145 = arith.addi %mul3A_67, %add3A_144 : i32
          %mul3A_146 = arith.constant 128 : i32
          %mul3A_147 = arith.muli %add3A_145, %mul3A_146 : i32
          %dma_start3A_148 = arith.constant 1 : i32
          %dma_start3A_149 = arith.constant 0 : i32
          %dma_start3A_150 = arith.constant 0 : i32
          %dma_start3A_151 = tpu.memref_slice %arg12[%dma_start3A_148, %dma_start3A_149, %dma_start3A_150] : memref<2x128x128xf32, #tpu.memory_space<vmem>> -> memref<1x128x128xf32, #tpu.memory_space<vmem>>
          %dma_start3A_152 = tpu.memref_squeeze %dma_start3A_151 : memref<1x128x128xf32, #tpu.memory_space<vmem>> -> memref<128x128xf32, #tpu.memory_space<vmem>>
          %dma_start3A_153 = tpu.memref_slice %arg9[%mul3A_147] : memref<10112xi32, #tpu.memory_space<vmem>> -> memref<128xi32, #tpu.memory_space<vmem>>
          %dma_start3A_154 = arith.constant 0 : i32
          %dma_start3A_155 = arith.constant 0 : i32
          %dma_start3A_156 = tpu.memref_slice %arg3[%dma_start3A_154, %dma_start3A_155] : memref<10240x128xf32, #tpu.memory_space<hbm>> -> memref<10240x128xf32, #tpu.memory_space<hbm>>
          tpu.enqueue_indirect_dma source(%dma_start3A_156 : memref<10240x128xf32, #tpu.memory_space<hbm>>) target(%dma_start3A_152 : memref<128x128xf32, #tpu.memory_space<vmem>>) offsets(%dma_start3A_153 : memref<128xi32, #tpu.memory_space<vmem>>) semaphore(%arg14 : memref<!tpu.dma_semaphore, #tpu.memory_space<semaphore_mem>>)
        } else {
        }
        %dma_wait3A_78 = arith.constant 0 : i32
        %dma_wait3A_79 = arith.constant 0 : i32
        %dma_wait3A_80 = arith.constant 0 : i32
        %dma_wait3A_81 = tpu.memref_slice %arg12[%dma_wait3A_78, %dma_wait3A_79, %dma_wait3A_80] : memref<2x128x128xf32, #tpu.memory_space<vmem>> -> memref<1x128x128xf32, #tpu.memory_space<vmem>>
        %dma_wait3A_82 = tpu.memref_squeeze %dma_wait3A_81 : memref<1x128x128xf32, #tpu.memory_space<vmem>> -> memref<128x128xf32, #tpu.memory_space<vmem>>
        %dma_wait3A_83 = arith.constant 0 : i32
        %dma_wait3A_84 = tpu.memref_slice %arg9[%dma_wait3A_83] : memref<10112xi32, #tpu.memory_space<vmem>> -> memref<128xi32, #tpu.memory_space<vmem>>
        %dma_wait3A_85 = arith.constant 0 : i32
        %dma_wait3A_86 = arith.constant 0 : i32
        %dma_wait3A_87 = tpu.memref_slice %arg3[%dma_wait3A_85, %dma_wait3A_86] : memref<10240x128xf32, #tpu.memory_space<hbm>> -> memref<10240x128xf32, #tpu.memory_space<hbm>>
        tpu.wait_indirect_dma semaphore(%arg14 : memref<!tpu.dma_semaphore, #tpu.memory_space<semaphore_mem>>) src(%dma_wait3A_87 : memref<10240x128xf32, #tpu.memory_space<hbm>>) dst(%dma_wait3A_82 : memref<128x128xf32, #tpu.memory_space<vmem>>)
        %dma_wait3A_88 = arith.constant 0 : i32
        %dma_wait3A_89 = tpu.memref_slice %arg5[%dma_wait3A_88] : memref<320000xi32, #tpu.memory_space<hbm>> -> memref<128xi32, #tpu.memory_space<hbm>>
        %dma_wait3A_90 = arith.constant 0 : i32
        %dma_wait3A_91 = tpu.memref_slice %arg5[%dma_wait3A_90] : memref<320000xi32, #tpu.memory_space<hbm>> -> memref<128xi32, #tpu.memory_space<hbm>>
        tpu.wait_dma2 semaphore(%arg15 : memref<!tpu.dma_semaphore, #tpu.memory_space<semaphore_mem>>) src(%dma_wait3A_91 : memref<128xi32, #tpu.memory_space<hbm>>) dst(%arg10 : memref<128xi32, #tpu.memory_space<vmem>>)
        %dma_start3A_92 = arith.constant 0 : i32
        %dma_start3A_93 = arith.constant 0 : i32
        %dma_start3A_94 = arith.constant 0 : i32
        %dma_start3A_95 = tpu.memref_slice %arg12[%dma_start3A_92, %dma_start3A_93, %dma_start3A_94] : memref<2x128x128xf32, #tpu.memory_space<vmem>> -> memref<1x128x128xf32, #tpu.memory_space<vmem>>
        %dma_start3A_96 = tpu.memref_squeeze %dma_start3A_95 : memref<1x128x128xf32, #tpu.memory_space<vmem>> -> memref<128x128xf32, #tpu.memory_space<vmem>>
        %dma_start3A_97 = arith.constant 0 : i32
        %dma_start3A_98 = arith.constant 0 : i32
        %dma_start3A_99 = tpu.memref_slice %arg13[%dma_start3A_97, %dma_start3A_98] : memref<10240x128xf32, #tpu.memory_space<vmem_shared>> -> memref<10240x128xf32, #tpu.memory_space<vmem_shared>>
        tpu.enqueue_indirect_dma source(%dma_start3A_96 : memref<128x128xf32, #tpu.memory_space<vmem>>) target(%dma_start3A_99 : memref<10240x128xf32, #tpu.memory_space<vmem_shared>>) offsets(%arg10 : memref<128xi32, #tpu.memory_space<vmem>>) semaphore(%arg16 : memref<!tpu.dma_semaphore, #tpu.memory_space<semaphore_mem>>) {add = true}
        %mul3A_100 = arith.constant 2 : i32
        %mul3A_101 = arith.muli %mul3A_100, %scan3A_65 : i32
        %add3A_102 = arith.constant 1 : i32
        %add3A_103 = arith.addi %mul3A_101, %add3A_102 : i32
        %gt3A_104 = arith.constant 0 : i32
        %gt3A_105 = arith.cmpi sgt, %add3A_103, %gt3A_104 : i32
        %convert_element_type3A_106 = arith.extui %gt3A_105 : i1 to i32
        %cond3A_107 = arith.constant 0 : i32
        %cond3A_108 = arith.cmpi ne, %convert_element_type3A_106, %cond3A_107 : i32
        scf.if %cond3A_108 {
          %dma_wait3A_137 = arith.constant 0 : i32
          %dma_wait3A_138 = arith.constant 0 : i32
          %dma_wait3A_139 = arith.constant 0 : i32
          %dma_wait3A_140 = tpu.memref_slice %arg12[%dma_wait3A_137, %dma_wait3A_138, %dma_wait3A_139] : memref<2x128x128xf32, #tpu.memory_space<vmem>> -> memref<1x128x128xf32, #tpu.memory_space<vmem>>
          %dma_wait3A_141 = tpu.memref_squeeze %dma_wait3A_140 : memref<1x128x128xf32, #tpu.memory_space<vmem>> -> memref<128x128xf32, #tpu.memory_space<vmem>>
          %dma_wait3A_142 = arith.constant 0 : i32
          %dma_wait3A_143 = arith.constant 0 : i32
          %dma_wait3A_144 = tpu.memref_slice %arg13[%dma_wait3A_142, %dma_wait3A_143] : memref<10240x128xf32, #tpu.memory_space<vmem_shared>> -> memref<10240x128xf32, #tpu.memory_space<vmem_shared>>
          tpu.wait_indirect_dma semaphore(%arg16 : memref<!tpu.dma_semaphore, #tpu.memory_space<semaphore_mem>>) src(%dma_wait3A_141 : memref<128x128xf32, #tpu.memory_space<vmem>>) dst(%dma_wait3A_144 : memref<10240x128xf32, #tpu.memory_space<vmem_shared>>)
        } else {
        }
        %add3A_109 = arith.constant 1 : i32
        %add3A_110 = arith.addi %add3A_103, %add3A_109 : i32
        %lt3A_111 = arith.cmpi slt, %add3A_110, %add3A_3 : i32
        %convert_element_type3A_112 = arith.extui %lt3A_111 : i1 to i32
        %cond3A_113 = arith.constant 0 : i32
        %cond3A_114 = arith.cmpi ne, %convert_element_type3A_112, %cond3A_113 : i32
        scf.if %cond3A_114 {
          %add3A_137 = arith.constant 1 : i32
          %add3A_138 = arith.addi %add3A_103, %add3A_137 : i32
          %mul3A_139 = arith.constant 128 : i32
          %mul3A_140 = arith.muli %add3A_138, %mul3A_139 : i32
          %add3A_141 = arith.addi %add3A_29, %mul3A_140 : i32
          %dma_start3A_142 = tpu.memref_slice %arg5[%add3A_141] : memref<320000xi32, #tpu.memory_space<hbm>> -> memref<128xi32, #tpu.memory_space<hbm>>
          %dma_start3A_143 = tpu.memref_slice %arg5[%add3A_141] : memref<320000xi32, #tpu.memory_space<hbm>> -> memref<128xi32, #tpu.memory_space<hbm>>
          tpu.enqueue_dma source(%dma_start3A_143 : memref<128xi32, #tpu.memory_space<hbm>>) target(%arg10 : memref<128xi32, #tpu.memory_space<vmem>>) target_semaphore(%arg15 : memref<!tpu.dma_semaphore, #tpu.memory_space<semaphore_mem>>)
          %add3A_144 = arith.constant 1 : i32
          %add3A_145 = arith.addi %add3A_103, %add3A_144 : i32
          %mul3A_146 = arith.constant 128 : i32
          %mul3A_147 = arith.muli %add3A_145, %mul3A_146 : i32
          %dma_start3A_148 = arith.constant 0 : i32
          %dma_start3A_149 = arith.constant 0 : i32
          %dma_start3A_150 = arith.constant 0 : i32
          %dma_start3A_151 = tpu.memref_slice %arg12[%dma_start3A_148, %dma_start3A_149, %dma_start3A_150] : memref<2x128x128xf32, #tpu.memory_space<vmem>> -> memref<1x128x128xf32, #tpu.memory_space<vmem>>
          %dma_start3A_152 = tpu.memref_squeeze %dma_start3A_151 : memref<1x128x128xf32, #tpu.memory_space<vmem>> -> memref<128x128xf32, #tpu.memory_space<vmem>>
          %dma_start3A_153 = tpu.memref_slice %arg9[%mul3A_147] : memref<10112xi32, #tpu.memory_space<vmem>> -> memref<128xi32, #tpu.memory_space<vmem>>
          %dma_start3A_154 = arith.constant 0 : i32
          %dma_start3A_155 = arith.constant 0 : i32
          %dma_start3A_156 = tpu.memref_slice %arg3[%dma_start3A_154, %dma_start3A_155] : memref<10240x128xf32, #tpu.memory_space<hbm>> -> memref<10240x128xf32, #tpu.memory_space<hbm>>
          tpu.enqueue_indirect_dma source(%dma_start3A_156 : memref<10240x128xf32, #tpu.memory_space<hbm>>) target(%dma_start3A_152 : memref<128x128xf32, #tpu.memory_space<vmem>>) offsets(%dma_start3A_153 : memref<128xi32, #tpu.memory_space<vmem>>) semaphore(%arg14 : memref<!tpu.dma_semaphore, #tpu.memory_space<semaphore_mem>>)
        } else {
        }
        %dma_wait3A_115 = arith.constant 1 : i32
        %dma_wait3A_116 = arith.constant 0 : i32
        %dma_wait3A_117 = arith.constant 0 : i32
        %dma_wait3A_118 = tpu.memref_slice %arg12[%dma_wait3A_115, %dma_wait3A_116, %dma_wait3A_117] : memref<2x128x128xf32, #tpu.memory_space<vmem>> -> memref<1x128x128xf32, #tpu.memory_space<vmem>>
        %dma_wait3A_119 = tpu.memref_squeeze %dma_wait3A_118 : memref<1x128x128xf32, #tpu.memory_space<vmem>> -> memref<128x128xf32, #tpu.memory_space<vmem>>
        %dma_wait3A_120 = arith.constant 0 : i32
        %dma_wait3A_121 = tpu.memref_slice %arg9[%dma_wait3A_120] : memref<10112xi32, #tpu.memory_space<vmem>> -> memref<128xi32, #tpu.memory_space<vmem>>
        %dma_wait3A_122 = arith.constant 0 : i32
        %dma_wait3A_123 = arith.constant 0 : i32
        %dma_wait3A_124 = tpu.memref_slice %arg3[%dma_wait3A_122, %dma_wait3A_123] : memref<10240x128xf32, #tpu.memory_space<hbm>> -> memref<10240x128xf32, #tpu.memory_space<hbm>>
        tpu.wait_indirect_dma semaphore(%arg14 : memref<!tpu.dma_semaphore, #tpu.memory_space<semaphore_mem>>) src(%dma_wait3A_124 : memref<10240x128xf32, #tpu.memory_space<hbm>>) dst(%dma_wait3A_119 : memref<128x128xf32, #tpu.memory_space<vmem>>)
        %dma_wait3A_125 = arith.constant 0 : i32
        %dma_wait3A_126 = tpu.memref_slice %arg5[%dma_wait3A_125] : memref<320000xi32, #tpu.memory_space<hbm>> -> memref<128xi32, #tpu.memory_space<hbm>>
        %dma_wait3A_127 = arith.constant 0 : i32
        %dma_wait3A_128 = tpu.memref_slice %arg5[%dma_wait3A_127] : memref<320000xi32, #tpu.memory_space<hbm>> -> memref<128xi32, #tpu.memory_space<hbm>>
        tpu.wait_dma2 semaphore(%arg15 : memref<!tpu.dma_semaphore, #tpu.memory_space<semaphore_mem>>) src(%dma_wait3A_128 : memref<128xi32, #tpu.memory_space<hbm>>) dst(%arg11 : memref<128xi32, #tpu.memory_space<vmem>>)
        %dma_start3A_129 = arith.constant 1 : i32
        %dma_start3A_130 = arith.constant 0 : i32
        %dma_start3A_131 = arith.constant 0 : i32
        %dma_start3A_132 = tpu.memref_slice %arg12[%dma_start3A_129, %dma_start3A_130, %dma_start3A_131] : memref<2x128x128xf32, #tpu.memory_space<vmem>> -> memref<1x128x128xf32, #tpu.memory_space<vmem>>
        %dma_start3A_133 = tpu.memref_squeeze %dma_start3A_132 : memref<1x128x128xf32, #tpu.memory_space<vmem>> -> memref<128x128xf32, #tpu.memory_space<vmem>>
        %dma_start3A_134 = arith.constant 0 : i32
        %dma_start3A_135 = arith.constant 0 : i32
        %dma_start3A_136 = tpu.memref_slice %arg13[%dma_start3A_134, %dma_start3A_135] : memref<10240x128xf32, #tpu.memory_space<vmem_shared>> -> memref<10240x128xf32, #tpu.memory_space<vmem_shared>>
        tpu.enqueue_indirect_dma source(%dma_start3A_133 : memref<128x128xf32, #tpu.memory_space<vmem>>) target(%dma_start3A_136 : memref<10240x128xf32, #tpu.memory_space<vmem_shared>>) offsets(%arg11 : memref<128xi32, #tpu.memory_space<vmem>>) semaphore(%arg16 : memref<!tpu.dma_semaphore, #tpu.memory_space<semaphore_mem>>) {add = true}
      }
      %scan3A_52 = arith.constant 39 : i32
      %lt3A_53 = arith.constant 2 : i32
      %lt3A_54 = arith.cmpi slt, %arg1, %lt3A_53 : i32
      %convert_element_type3A_55 = arith.extui %lt3A_54 : i1 to i32
      %cond3A_56 = arith.constant 0 : i32
      %cond3A_57 = arith.cmpi ne, %convert_element_type3A_55, %cond3A_56 : i32
      scf.if %cond3A_57 {
        %dma_wait3A_65 = arith.constant 0 : i32
        %dma_wait3A_66 = arith.constant 0 : i32
        %dma_wait3A_67 = arith.constant 0 : i32
        %dma_wait3A_68 = tpu.memref_slice %arg12[%dma_wait3A_65, %dma_wait3A_66, %dma_wait3A_67] : memref<2x128x128xf32, #tpu.memory_space<vmem>> -> memref<1x128x128xf32, #tpu.memory_space<vmem>>
        %dma_wait3A_69 = tpu.memref_squeeze %dma_wait3A_68 : memref<1x128x128xf32, #tpu.memory_space<vmem>> -> memref<128x128xf32, #tpu.memory_space<vmem>>
        %dma_wait3A_70 = arith.constant 0 : i32
        %dma_wait3A_71 = arith.constant 0 : i32
        %dma_wait3A_72 = tpu.memref_slice %arg13[%dma_wait3A_70, %dma_wait3A_71] : memref<10240x128xf32, #tpu.memory_space<vmem_shared>> -> memref<10240x128xf32, #tpu.memory_space<vmem_shared>>
        tpu.wait_indirect_dma semaphore(%arg16 : memref<!tpu.dma_semaphore, #tpu.memory_space<semaphore_mem>>) src(%dma_wait3A_69 : memref<128x128xf32, #tpu.memory_space<vmem>>) dst(%dma_wait3A_72 : memref<10240x128xf32, #tpu.memory_space<vmem_shared>>)
        %dma_wait3A_73 = arith.constant 0 : i32
        %dma_wait3A_74 = arith.constant 0 : i32
        %dma_wait3A_75 = arith.constant 0 : i32
        %dma_wait3A_76 = tpu.memref_slice %arg12[%dma_wait3A_73, %dma_wait3A_74, %dma_wait3A_75] : memref<2x128x128xf32, #tpu.memory_space<vmem>> -> memref<1x128x128xf32, #tpu.memory_space<vmem>>
        %dma_wait3A_77 = tpu.memref_squeeze %dma_wait3A_76 : memref<1x128x128xf32, #tpu.memory_space<vmem>> -> memref<128x128xf32, #tpu.memory_space<vmem>>
        %dma_wait3A_78 = arith.constant 0 : i32
        %dma_wait3A_79 = tpu.memref_slice %arg9[%dma_wait3A_78] : memref<10112xi32, #tpu.memory_space<vmem>> -> memref<128xi32, #tpu.memory_space<vmem>>
        %dma_wait3A_80 = arith.constant 0 : i32
        %dma_wait3A_81 = arith.constant 0 : i32
        %dma_wait3A_82 = tpu.memref_slice %arg3[%dma_wait3A_80, %dma_wait3A_81] : memref<10240x128xf32, #tpu.memory_space<hbm>> -> memref<10240x128xf32, #tpu.memory_space<hbm>>
        tpu.wait_indirect_dma semaphore(%arg14 : memref<!tpu.dma_semaphore, #tpu.memory_space<semaphore_mem>>) src(%dma_wait3A_82 : memref<10240x128xf32, #tpu.memory_space<hbm>>) dst(%dma_wait3A_77 : memref<128x128xf32, #tpu.memory_space<vmem>>)
        %dma_wait3A_83 = arith.constant 0 : i32
        %dma_wait3A_84 = tpu.memref_slice %arg5[%dma_wait3A_83] : memref<320000xi32, #tpu.memory_space<hbm>> -> memref<128xi32, #tpu.memory_space<hbm>>
        %dma_wait3A_85 = arith.constant 0 : i32
        %dma_wait3A_86 = tpu.memref_slice %arg5[%dma_wait3A_85] : memref<320000xi32, #tpu.memory_space<hbm>> -> memref<128xi32, #tpu.memory_space<hbm>>
        tpu.wait_dma2 semaphore(%arg15 : memref<!tpu.dma_semaphore, #tpu.memory_space<semaphore_mem>>) src(%dma_wait3A_86 : memref<128xi32, #tpu.memory_space<hbm>>) dst(%arg10 : memref<128xi32, #tpu.memory_space<vmem>>)
        %dma_start3A_87 = arith.constant 0 : i32
        %dma_start3A_88 = arith.constant 0 : i32
        %dma_start3A_89 = arith.constant 0 : i32
        %dma_start3A_90 = tpu.memref_slice %arg12[%dma_start3A_87, %dma_start3A_88, %dma_start3A_89] : memref<2x128x128xf32, #tpu.memory_space<vmem>> -> memref<1x128x128xf32, #tpu.memory_space<vmem>>
        %dma_start3A_91 = tpu.memref_squeeze %dma_start3A_90 : memref<1x128x128xf32, #tpu.memory_space<vmem>> -> memref<128x128xf32, #tpu.memory_space<vmem>>
        %dma_start3A_92 = arith.constant 0 : i32
        %dma_start3A_93 = arith.constant 0 : i32
        %dma_start3A_94 = tpu.memref_slice %arg13[%dma_start3A_92, %dma_start3A_93] : memref<10240x128xf32, #tpu.memory_space<vmem_shared>> -> memref<10240x128xf32, #tpu.memory_space<vmem_shared>>
        tpu.enqueue_indirect_dma source(%dma_start3A_91 : memref<128x128xf32, #tpu.memory_space<vmem>>) target(%dma_start3A_94 : memref<10240x128xf32, #tpu.memory_space<vmem_shared>>) offsets(%arg10 : memref<128xi32, #tpu.memory_space<vmem>>) semaphore(%arg16 : memref<!tpu.dma_semaphore, #tpu.memory_space<semaphore_mem>>) {add = true}
      } else {
      }
      %dma_wait3A = arith.constant 0 : i32
      %dma_wait3A_58 = arith.constant 0 : i32
      %dma_wait3A_59 = arith.constant 0 : i32
      %dma_wait3A_60 = tpu.memref_slice %arg12[%dma_wait3A, %dma_wait3A_58, %dma_wait3A_59] : memref<2x128x128xf32, #tpu.memory_space<vmem>> -> memref<1x128x128xf32, #tpu.memory_space<vmem>>
      %dma_wait3A_61 = tpu.memref_squeeze %dma_wait3A_60 : memref<1x128x128xf32, #tpu.memory_space<vmem>> -> memref<128x128xf32, #tpu.memory_space<vmem>>
      %dma_wait3A_62 = arith.constant 0 : i32
      %dma_wait3A_63 = arith.constant 0 : i32
      %dma_wait3A_64 = tpu.memref_slice %arg13[%dma_wait3A_62, %dma_wait3A_63] : memref<10240x128xf32, #tpu.memory_space<vmem_shared>> -> memref<10240x128xf32, #tpu.memory_space<vmem_shared>>
      tpu.wait_indirect_dma semaphore(%arg16 : memref<!tpu.dma_semaphore, #tpu.memory_space<semaphore_mem>>) src(%dma_wait3A_61 : memref<128x128xf32, #tpu.memory_space<vmem>>) dst(%dma_wait3A_64 : memref<10240x128xf32, #tpu.memory_space<vmem_shared>>)
    } else {
    }
    %barrier3A_11 = arith.constant 0 : index
    tpu.barrier barrier_id(%barrier3A_11)
    %eq3A_12 = arith.constant 0 : i32
    %eq3A_13 = arith.cmpi eq, %arg0, %eq3A_12 : i32
    %convert_element_type3A_14 = arith.extui %eq3A_13 : i1 to i32
    %cond3A_15 = arith.constant 0 : i32
    %cond3A_16 = arith.cmpi ne, %convert_element_type3A_14, %cond3A_15 : i32
    scf.if %cond3A_16 {
      %mul3A_22 = arith.constant 640 : i32
      %mul3A_23 = arith.muli %arg1, %mul3A_22 : i32
      %mul3A_24 = arith.constant 640 : i32
      %mul3A_25 = arith.muli %arg1, %mul3A_24 : i32
      "tpu.region"() ({
        %run_scoped3A = tpu.sem_alloc : memref<!tpu.dma_semaphore, #tpu.memory_space<semaphore_mem>>
        %dma_start3A = arith.constant 0 : i32
        %dma_start3A_26 = tpu.memref_slice %arg7[%mul3A_25, %dma_start3A] : memref<10240x128xf32, #tpu.memory_space<hbm>> -> memref<640x128xf32, #tpu.memory_space<hbm>>
        %dma_start3A_27 = arith.constant 0 : i32
        %dma_start3A_28 = tpu.memref_slice %arg13[%mul3A_23, %dma_start3A_27] : memref<10240x128xf32, #tpu.memory_space<vmem_shared>> -> memref<640x128xf32, #tpu.memory_space<vmem_shared>>
        tpu.enqueue_dma source(%dma_start3A_28 : memref<640x128xf32, #tpu.memory_space<vmem_shared>>) target(%dma_start3A_26 : memref<640x128xf32, #tpu.memory_space<hbm>>) target_semaphore(%run_scoped3A : memref<!tpu.dma_semaphore, #tpu.memory_space<semaphore_mem>>)
        %dma_wait3A = arith.constant 0 : i32
        %dma_wait3A_29 = tpu.memref_slice %arg7[%mul3A_25, %dma_wait3A] : memref<10240x128xf32, #tpu.memory_space<hbm>> -> memref<640x128xf32, #tpu.memory_space<hbm>>
        %dma_wait3A_30 = arith.constant 0 : i32
        %dma_wait3A_31 = tpu.memref_slice %arg13[%mul3A_23, %dma_wait3A_30] : memref<10240x128xf32, #tpu.memory_space<vmem_shared>> -> memref<640x128xf32, #tpu.memory_space<vmem_shared>>
        tpu.wait_dma2 semaphore(%run_scoped3A : memref<!tpu.dma_semaphore, #tpu.memory_space<semaphore_mem>>) src(%dma_wait3A_31 : memref<640x128xf32, #tpu.memory_space<vmem_shared>>) dst(%dma_wait3A_29 : memref<640x128xf32, #tpu.memory_space<hbm>>)
        tpu.yield
      }) : () -> ()
    } else {
    }
    %eq3A_17 = arith.constant 1 : i32
    %eq3A_18 = arith.cmpi eq, %arg0, %eq3A_17 : i32
    %convert_element_type3A_19 = arith.extui %eq3A_18 : i1 to i32
    %cond3A_20 = arith.constant 0 : i32
    %cond3A_21 = arith.cmpi ne, %convert_element_type3A_19, %cond3A_20 : i32
    scf.if %cond3A_21 {
      %mul3A_22 = arith.constant 640 : i32
      %mul3A_23 = arith.muli %arg1, %mul3A_22 : i32
      %mul3A_24 = arith.constant 640 : i32
      %mul3A_25 = arith.muli %arg1, %mul3A_24 : i32
      "tpu.region"() ({
        %run_scoped3A = tpu.sem_alloc : memref<!tpu.dma_semaphore, #tpu.memory_space<semaphore_mem>>
        %dma_start3A = arith.constant 0 : i32
        %dma_start3A_26 = tpu.memref_slice %arg8[%mul3A_25, %dma_start3A] : memref<10240x128xf32, #tpu.memory_space<hbm>> -> memref<640x128xf32, #tpu.memory_space<hbm>>
        %dma_start3A_27 = arith.constant 0 : i32
        %dma_start3A_28 = tpu.memref_slice %arg13[%mul3A_23, %dma_start3A_27] : memref<10240x128xf32, #tpu.memory_space<vmem_shared>> -> memref<640x128xf32, #tpu.memory_space<vmem_shared>>
        tpu.enqueue_dma source(%dma_start3A_28 : memref<640x128xf32, #tpu.memory_space<vmem_shared>>) target(%dma_start3A_26 : memref<640x128xf32, #tpu.memory_space<hbm>>) target_semaphore(%run_scoped3A : memref<!tpu.dma_semaphore, #tpu.memory_space<semaphore_mem>>)
        %dma_wait3A = arith.constant 0 : i32
        %dma_wait3A_29 = tpu.memref_slice %arg8[%mul3A_25, %dma_wait3A] : memref<10240x128xf32, #tpu.memory_space<hbm>> -> memref<640x128xf32, #tpu.memory_space<hbm>>
        %dma_wait3A_30 = arith.constant 0 : i32
        %dma_wait3A_31 = tpu.memref_slice %arg13[%mul3A_23, %dma_wait3A_30] : memref<10240x128xf32, #tpu.memory_space<vmem_shared>> -> memref<640x128xf32, #tpu.memory_space<vmem_shared>>
        tpu.wait_dma2 semaphore(%run_scoped3A : memref<!tpu.dma_semaphore, #tpu.memory_space<semaphore_mem>>) src(%dma_wait3A_31 : memref<640x128xf32, #tpu.memory_space<vmem_shared>>) dst(%dma_wait3A_29 : memref<640x128xf32, #tpu.memory_space<hbm>>)
        tpu.yield
      }) : () -> ()
    } else {
    }
    return
  }
}

module attributes {stable_mosaic.version = 14 : i64} {
  func.func @_tc1_body(%arg0: i32, %arg1: memref<1024x128xf32, #tpu.memory_space<vmem>>, %arg2: memref<1024x128xf32, #tpu.memory_space<vmem>>, %arg3: memref<10240x1xf32, #tpu.memory_space<vmem>>, %arg4: memref<10240x1xf32, #tpu.memory_space<vmem>>, %arg5: memref<128x256xf32, #tpu.memory_space<vmem>>, %arg6: memref<1x256xf32, #tpu.memory_space<vmem>>, %arg7: memref<1024x128xf32, #tpu.memory_space<vmem>>, %arg8: memref<1024x128xf32, #tpu.memory_space<vmem>>) attributes {dimension_semantics = [#tpu.dimension_semantics<arbitrary>], iteration_bounds = array<i64: 10>, scalar_prefetch = 0 : i64, scratch_operands = 0 : i64, tpu.core_type = #tpu.core_type<tc>, window_params = [{transform_indices = @transform_0, window_bounds = array<i64: 1024, 128>}, {transform_indices = @transform_1, window_bounds = array<i64: 1024, 128>}, {pipeline_mode = #tpu.pipeline_mode<synchronous>, transform_indices = @transform_2, window_bounds = array<i64: 10240, 1>}, {pipeline_mode = #tpu.pipeline_mode<synchronous>, transform_indices = @transform_3, window_bounds = array<i64: 10240, 1>}, {pipeline_mode = #tpu.pipeline_mode<synchronous>, transform_indices = @transform_4, window_bounds = array<i64: 128, 256>}, {pipeline_mode = #tpu.pipeline_mode<synchronous>, transform_indices = @transform_5, window_bounds = array<i64: 1, 256>}, {transform_indices = @transform_6, window_bounds = array<i64: 1024, 128>}, {transform_indices = @transform_7, window_bounds = array<i64: 1024, 128>}]} {
    %mul3A = arith.constant 1024 : i32
    %mul3A_0 = arith.muli %arg0, %mul3A : i32
    %get3A = arith.index_cast %mul3A_0 : i32 to index
    %get3A_1 = arith.constant 0 : index
    %get3A_2 = vector.load %arg3[%get3A, %get3A_1] : memref<10240x1xf32, #tpu.memory_space<vmem>>, vector<1024x1xf32>
    %get3A_3 = arith.constant 0 : index
    %get3A_4 = arith.constant 0 : index
    %get3A_5 = vector.load %arg1[%get3A_3, %get3A_4] : memref<1024x128xf32, #tpu.memory_space<vmem>>, vector<1024x128xf32>
    %get3A_6 = arith.constant 0 : index
    %get3A_7 = arith.constant 0 : index
    %get3A_8 = vector.load %arg2[%get3A_6, %get3A_7] : memref<1024x128xf32, #tpu.memory_space<vmem>>, vector<1024x128xf32>
    %add3A = arith.addf %get3A_5, %get3A_8 : vector<1024x128xf32>
    %mul3A_9 = vector.broadcast %get3A_2 : vector<1024x1xf32> to vector<1024x128xf32>
    %mul3A_10 = arith.mulf %add3A, %mul3A_9 : vector<1024x128xf32>
    %get3A_11 = arith.constant 0 : index
    %get3A_12 = arith.constant 0 : index
    %get3A_13 = vector.load %arg5[%get3A_11, %get3A_12] : memref<128x256xf32, #tpu.memory_space<vmem>>, vector<128x256xf32>
    %dot_general3A = arith.constant dense<0.000000e+00> : vector<1024x256xf32>
    %dot_general3A_14 = tpu.matmul %mul3A_10, %get3A_13, %dot_general3A {dimension_numbers = #tpu.dot_dimension_numbers<[1], [0], [0], [1], [0, 0, 1, 1], [], []>, transpose_lhs_hint = false} : vector<1024x128xf32>, vector<128x256xf32>, vector<1024x256xf32> -> vector<1024x256xf32>
    %get3A_15 = arith.constant 0 : index
    %get3A_16 = arith.constant 0 : index
    %get3A_17 = vector.load %arg6[%get3A_15, %get3A_16] : memref<1x256xf32, #tpu.memory_space<vmem>>, vector<1x256xf32>
    %add3A_18 = vector.broadcast %get3A_17 : vector<1x256xf32> to vector<1024x256xf32>
    %add3A_19 = arith.addf %dot_general3A_14, %add3A_18 : vector<1024x256xf32>
    %tanh3A = math.tanh %add3A_19 : vector<1024x256xf32>
    %mul3A_20 = arith.constant 1024 : i32
    %mul3A_21 = arith.muli %arg0, %mul3A_20 : i32
    %get3A_22 = arith.index_cast %mul3A_21 : i32 to index
    %get3A_23 = arith.constant 0 : index
    %get3A_24 = vector.load %arg4[%get3A_22, %get3A_23] : memref<10240x1xf32, #tpu.memory_space<vmem>>, vector<1024x1xf32>
    %mul3A_25 = vector.broadcast %get3A_24 : vector<1024x1xf32> to vector<1024x256xf32>
    %mul3A_26 = arith.mulf %tanh3A, %mul3A_25 : vector<1024x256xf32>
    %slice3A = vector.extract_strided_slice %mul3A_26 {offsets = [0, 0], sizes = [1024, 128], strides = [1, 1]} : vector<1024x256xf32> to vector<1024x128xf32>
    %swap3A = arith.constant 0 : index
    %swap3A_27 = arith.constant 0 : index
    %swap3A_28 = vector.load %arg7[%swap3A, %swap3A_27] : memref<1024x128xf32, #tpu.memory_space<vmem>>, vector<1024x128xf32>
    tpu.vector_store %arg7[%swap3A, %swap3A_27], %slice3A {strides = array<i32>} : memref<1024x128xf32, #tpu.memory_space<vmem>>, vector<1024x128xf32>,
    %slice3A_29 = vector.extract_strided_slice %mul3A_26 {offsets = [0, 128], sizes = [1024, 128], strides = [1, 1]} : vector<1024x256xf32> to vector<1024x128xf32>
    %swap3A_30 = arith.constant 0 : index
    %swap3A_31 = arith.constant 0 : index
    %swap3A_32 = vector.load %arg8[%swap3A_30, %swap3A_31] : memref<1024x128xf32, #tpu.memory_space<vmem>>, vector<1024x128xf32>
    tpu.vector_store %arg8[%swap3A_30, %swap3A_31], %slice3A_29 {strides = array<i32>} : memref<1024x128xf32, #tpu.memory_space<vmem>>, vector<1024x128xf32>,
    return
  }
  func.func @transform_0(%arg0: i32) -> (i32, i32) {
    %c0_i32 = arith.constant 0 : i32
    %c0_i32_0 = arith.constant 0 : i32
    return %arg0, %c0_i32 : i32, i32
  }
  func.func @transform_1(%arg0: i32) -> (i32, i32) {
    %c0_i32 = arith.constant 0 : i32
    %c0_i32_0 = arith.constant 0 : i32
    return %arg0, %c0_i32 : i32, i32
  }
  func.func @transform_2(%arg0: i32) -> (i32, i32) {
    %c0_i32 = arith.constant 0 : i32
    %c0_i32_0 = arith.constant 0 : i32
    %c0_i32_1 = arith.constant 0 : i32
    return %c0_i32, %c0_i32_0 : i32, i32
  }
  func.func @transform_3(%arg0: i32) -> (i32, i32) {
    %c0_i32 = arith.constant 0 : i32
    %c0_i32_0 = arith.constant 0 : i32
    %c0_i32_1 = arith.constant 0 : i32
    return %c0_i32, %c0_i32_0 : i32, i32
  }
  func.func @transform_4(%arg0: i32) -> (i32, i32) {
    %c0_i32 = arith.constant 0 : i32
    %c0_i32_0 = arith.constant 0 : i32
    %c0_i32_1 = arith.constant 0 : i32
    return %c0_i32, %c0_i32_0 : i32, i32
  }
  func.func @transform_5(%arg0: i32) -> (i32, i32) {
    %c0_i32 = arith.constant 0 : i32
    %c0_i32_0 = arith.constant 0 : i32
    %c0_i32_1 = arith.constant 0 : i32
    return %c0_i32, %c0_i32_0 : i32, i32
  }
  func.func @transform_6(%arg0: i32) -> (i32, i32) {
    %c0_i32 = arith.constant 0 : i32
    %c0_i32_0 = arith.constant 0 : i32
    return %arg0, %c0_i32 : i32, i32
  }
  func.func @transform_7(%arg0: i32) -> (i32, i32) {
    %c0_i32 = arith.constant 0 : i32
    %c0_i32_0 = arith.constant 0 : i32
    return %arg0, %c0_i32 : i32, i32
  }
}

module attributes {stable_mosaic.version = 14 : i64} {
  func.func @_tc2_body(%arg0: i32, %arg1: memref<1024x128xf32, #tpu.memory_space<vmem>>, %arg2: memref<1024x128xf32, #tpu.memory_space<vmem>>, %arg3: memref<1024x128xf32, #tpu.memory_space<vmem>>, %arg4: memref<1024x128xf32, #tpu.memory_space<vmem>>, %arg5: memref<10240x1xf32, #tpu.memory_space<vmem>>, %arg6: memref<10240x1xf32, #tpu.memory_space<vmem>>, %arg7: memref<256x256xf32, #tpu.memory_space<vmem>>, %arg8: memref<1x256xf32, #tpu.memory_space<vmem>>, %arg9: memref<256x128xf32, #tpu.memory_space<vmem>>, %arg10: memref<1024x128xf32, #tpu.memory_space<vmem>>) attributes {dimension_semantics = [#tpu.dimension_semantics<arbitrary>], iteration_bounds = array<i64: 10>, scalar_prefetch = 0 : i64, scratch_operands = 0 : i64, tpu.core_type = #tpu.core_type<tc>, window_params = [{transform_indices = @transform_0, window_bounds = array<i64: 1024, 128>}, {transform_indices = @transform_1, window_bounds = array<i64: 1024, 128>}, {transform_indices = @transform_2, window_bounds = array<i64: 1024, 128>}, {transform_indices = @transform_3, window_bounds = array<i64: 1024, 128>}, {pipeline_mode = #tpu.pipeline_mode<synchronous>, transform_indices = @transform_4, window_bounds = array<i64: 10240, 1>}, {pipeline_mode = #tpu.pipeline_mode<synchronous>, transform_indices = @transform_5, window_bounds = array<i64: 10240, 1>}, {pipeline_mode = #tpu.pipeline_mode<synchronous>, transform_indices = @transform_6, window_bounds = array<i64: 256, 256>}, {pipeline_mode = #tpu.pipeline_mode<synchronous>, transform_indices = @transform_7, window_bounds = array<i64: 1, 256>}, {pipeline_mode = #tpu.pipeline_mode<synchronous>, transform_indices = @transform_8, window_bounds = array<i64: 256, 128>}, {transform_indices = @transform_9, window_bounds = array<i64: 1024, 128>}]} {
    %mul3A = arith.constant 1024 : i32
    %mul3A_0 = arith.muli %arg0, %mul3A : i32
    %get3A = arith.index_cast %mul3A_0 : i32 to index
    %get3A_1 = arith.constant 0 : index
    %get3A_2 = vector.load %arg5[%get3A, %get3A_1] : memref<10240x1xf32, #tpu.memory_space<vmem>>, vector<1024x1xf32>
    %get3A_3 = arith.constant 0 : index
    %get3A_4 = arith.constant 0 : index
    %get3A_5 = vector.load %arg1[%get3A_3, %get3A_4] : memref<1024x128xf32, #tpu.memory_space<vmem>>, vector<1024x128xf32>
    %get3A_6 = arith.constant 0 : index
    %get3A_7 = arith.constant 0 : index
    %get3A_8 = vector.load %arg2[%get3A_6, %get3A_7] : memref<1024x128xf32, #tpu.memory_space<vmem>>, vector<1024x128xf32>
    %add3A = arith.addf %get3A_5, %get3A_8 : vector<1024x128xf32>
    %get3A_9 = arith.constant 0 : index
    %get3A_10 = arith.constant 0 : index
    %get3A_11 = vector.load %arg3[%get3A_9, %get3A_10] : memref<1024x128xf32, #tpu.memory_space<vmem>>, vector<1024x128xf32>
    %get3A_12 = arith.constant 0 : index
    %get3A_13 = arith.constant 0 : index
    %get3A_14 = vector.load %arg4[%get3A_12, %get3A_13] : memref<1024x128xf32, #tpu.memory_space<vmem>>, vector<1024x128xf32>
    %add3A_15 = arith.addf %get3A_11, %get3A_14 : vector<1024x128xf32>
    %concatenate3A = tpu.concatenate %add3A, %add3A_15 in 1 : vector<1024x128xf32>, vector<1024x128xf32> -> vector<1024x256xf32>
    %mul3A_16 = vector.broadcast %get3A_2 : vector<1024x1xf32> to vector<1024x256xf32>
    %mul3A_17 = arith.mulf %concatenate3A, %mul3A_16 : vector<1024x256xf32>
    %get3A_18 = arith.constant 0 : index
    %get3A_19 = arith.constant 0 : index
    %get3A_20 = vector.load %arg7[%get3A_18, %get3A_19] : memref<256x256xf32, #tpu.memory_space<vmem>>, vector<256x256xf32>
    %dot_general3A = arith.constant dense<0.000000e+00> : vector<1024x256xf32>
    %dot_general3A_21 = tpu.matmul %mul3A_17, %get3A_20, %dot_general3A {dimension_numbers = #tpu.dot_dimension_numbers<[1], [0], [0], [1], [0, 0, 1, 1], [], []>, transpose_lhs_hint = false} : vector<1024x256xf32>, vector<256x256xf32>, vector<1024x256xf32> -> vector<1024x256xf32>
    %get3A_22 = arith.constant 0 : index
    %get3A_23 = arith.constant 0 : index
    %get3A_24 = vector.load %arg8[%get3A_22, %get3A_23] : memref<1x256xf32, #tpu.memory_space<vmem>>, vector<1x256xf32>
    %add3A_25 = vector.broadcast %get3A_24 : vector<1x256xf32> to vector<1024x256xf32>
    %add3A_26 = arith.addf %dot_general3A_21, %add3A_25 : vector<1024x256xf32>
    %max3A = arith.constant 0.000000e+00 : f32
    %max3A_27 = vector.broadcast %max3A : f32 to vector<1024x256xf32>
    %max3A_28 = arith.maximumf %add3A_26, %max3A_27 : vector<1024x256xf32>
    %mul3A_29 = arith.constant 1024 : i32
    %mul3A_30 = arith.muli %arg0, %mul3A_29 : i32
    %get3A_31 = arith.index_cast %mul3A_30 : i32 to index
    %get3A_32 = arith.constant 0 : index
    %get3A_33 = vector.load %arg6[%get3A_31, %get3A_32] : memref<10240x1xf32, #tpu.memory_space<vmem>>, vector<1024x1xf32>
    %mul3A_34 = vector.broadcast %get3A_33 : vector<1024x1xf32> to vector<1024x256xf32>
    %mul3A_35 = arith.mulf %max3A_28, %mul3A_34 : vector<1024x256xf32>
    %get3A_36 = arith.constant 0 : index
    %get3A_37 = arith.constant 0 : index
    %get3A_38 = vector.load %arg9[%get3A_36, %get3A_37] : memref<256x128xf32, #tpu.memory_space<vmem>>, vector<256x128xf32>
    %dot_general3A_39 = arith.constant dense<0.000000e+00> : vector<1024x128xf32>
    %dot_general3A_40 = tpu.matmul %mul3A_35, %get3A_38, %dot_general3A_39 {dimension_numbers = #tpu.dot_dimension_numbers<[1], [0], [0], [1], [0, 0, 1, 1], [], []>, transpose_lhs_hint = false} : vector<1024x256xf32>, vector<256x128xf32>, vector<1024x128xf32> -> vector<1024x128xf32>
    %swap3A = arith.constant 0 : index
    %swap3A_41 = arith.constant 0 : index
    %swap3A_42 = vector.load %arg10[%swap3A, %swap3A_41] : memref<1024x128xf32, #tpu.memory_space<vmem>>, vector<1024x128xf32>
    tpu.vector_store %arg10[%swap3A, %swap3A_41], %dot_general3A_40 {strides = array<i32>} : memref<1024x128xf32, #tpu.memory_space<vmem>>, vector<1024x128xf32>,
    return
  }
  func.func @transform_0(%arg0: i32) -> (i32, i32) {
    %c0_i32 = arith.constant 0 : i32
    %c0_i32_0 = arith.constant 0 : i32
    return %arg0, %c0_i32 : i32, i32
  }
  func.func @transform_1(%arg0: i32) -> (i32, i32) {
    %c0_i32 = arith.constant 0 : i32
    %c0_i32_0 = arith.constant 0 : i32
    return %arg0, %c0_i32 : i32, i32
  }
  func.func @transform_2(%arg0: i32) -> (i32, i32) {
    %c0_i32 = arith.constant 0 : i32
    %c0_i32_0 = arith.constant 0 : i32
    return %arg0, %c0_i32 : i32, i32
  }
  func.func @transform_3(%arg0: i32) -> (i32, i32) {
    %c0_i32 = arith.constant 0 : i32
    %c0_i32_0 = arith.constant 0 : i32
    return %arg0, %c0_i32 : i32, i32
  }
  func.func @transform_4(%arg0: i32) -> (i32, i32) {
    %c0_i32 = arith.constant 0 : i32
    %c0_i32_0 = arith.constant 0 : i32
    %c0_i32_1 = arith.constant 0 : i32
    return %c0_i32, %c0_i32_0 : i32, i32
  }
  func.func @transform_5(%arg0: i32) -> (i32, i32) {
    %c0_i32 = arith.constant 0 : i32
    %c0_i32_0 = arith.constant 0 : i32
    %c0_i32_1 = arith.constant 0 : i32
    return %c0_i32, %c0_i32_0 : i32, i32
  }
  func.func @transform_6(%arg0: i32) -> (i32, i32) {
    %c0_i32 = arith.constant 0 : i32
    %c0_i32_0 = arith.constant 0 : i32
    %c0_i32_1 = arith.constant 0 : i32
    return %c0_i32, %c0_i32_0 : i32, i32
  }
  func.func @transform_7(%arg0: i32) -> (i32, i32) {
    %c0_i32 = arith.constant 0 : i32
    %c0_i32_0 = arith.constant 0 : i32
    %c0_i32_1 = arith.constant 0 : i32
    return %c0_i32, %c0_i32_0 : i32, i32
  }
  func.func @transform_8(%arg0: i32) -> (i32, i32) {
    %c0_i32 = arith.constant 0 : i32
    %c0_i32_0 = arith.constant 0 : i32
    %c0_i32_1 = arith.constant 0 : i32
    return %c0_i32, %c0_i32_0 : i32, i32
  }
  func.func @transform_9(%arg0: i32) -> (i32, i32) {
    %c0_i32 = arith.constant 0 : i32
    %c0_i32_0 = arith.constant 0 : i32
    return %arg0, %c0_i32 : i32, i32
  }
}

module attributes {stable_mosaic.version = 14 : i64} {
  func.func @_tc3_body(%arg0: i32, %arg1: memref<1000x128xf32, #tpu.memory_space<vmem>>, %arg2: memref<1000x128xf32, #tpu.memory_space<vmem>>, %arg3: memref<10240x1xf32, #tpu.memory_space<vmem>>, %arg4: memref<1x128xf32, #tpu.memory_space<vmem>>, %arg5: memref<1000x128xf32, #tpu.memory_space<vmem>>, %arg6: memref<1000x128xf32, #tpu.memory_space<vmem>>, %arg7: memref<1000x128xf32, #tpu.memory_space<vmem>>) attributes {dimension_semantics = [#tpu.dimension_semantics<arbitrary>], iteration_bounds = array<i64: 10>, scalar_prefetch = 0 : i64, scratch_operands = 0 : i64, tpu.core_type = #tpu.core_type<tc>, window_params = [{transform_indices = @transform_0, window_bounds = array<i64: 1000, 128>}, {transform_indices = @transform_1, window_bounds = array<i64: 1000, 128>}, {pipeline_mode = #tpu.pipeline_mode<synchronous>, transform_indices = @transform_2, window_bounds = array<i64: 10240, 1>}, {pipeline_mode = #tpu.pipeline_mode<synchronous>, transform_indices = @transform_3, window_bounds = array<i64: 1, 128>}, {transform_indices = @transform_4, window_bounds = array<i64: 1000, 128>}, {transform_indices = @transform_5, window_bounds = array<i64: 1000, 128>}, {transform_indices = @transform_6, window_bounds = array<i64: 1000, 128>}]} {
    %mul3A = arith.constant 1000 : i32
    %mul3A_0 = arith.muli %arg0, %mul3A : i32
    %get3A = arith.index_cast %mul3A_0 : i32 to index
    %get3A_1 = arith.constant 0 : index
    %get3A_2 = vector.load %arg3[%get3A, %get3A_1] : memref<10240x1xf32, #tpu.memory_space<vmem>>, vector<1000x1xf32>
    %get3A_3 = arith.constant 0 : index
    %get3A_4 = arith.constant 0 : index
    %get3A_5 = vector.load %arg1[%get3A_3, %get3A_4] : memref<1000x128xf32, #tpu.memory_space<vmem>>, vector<1000x128xf32>
    %get3A_6 = arith.constant 0 : index
    %get3A_7 = arith.constant 0 : index
    %get3A_8 = vector.load %arg2[%get3A_6, %get3A_7] : memref<1000x128xf32, #tpu.memory_space<vmem>>, vector<1000x128xf32>
    %add3A = arith.addf %get3A_5, %get3A_8 : vector<1000x128xf32>
    %mul3A_9 = vector.broadcast %get3A_2 : vector<1000x1xf32> to vector<1000x128xf32>
    %mul3A_10 = arith.mulf %add3A, %mul3A_9 : vector<1000x128xf32>
    %get3A_11 = arith.constant 0 : index
    %get3A_12 = arith.constant 0 : index
    %get3A_13 = vector.load %arg4[%get3A_11, %get3A_12] : memref<1x128xf32, #tpu.memory_space<vmem>>, vector<1x128xf32>
    %add3A_14 = vector.broadcast %get3A_13 : vector<1x128xf32> to vector<1000x128xf32>
    %add3A_15 = arith.addf %mul3A_10, %add3A_14 : vector<1000x128xf32>
    %swap3A = arith.constant 0 : index
    %swap3A_16 = arith.constant 0 : index
    %swap3A_17 = vector.load %arg7[%swap3A, %swap3A_16] : memref<1000x128xf32, #tpu.memory_space<vmem>>, vector<1000x128xf32>
    tpu.vector_store %arg7[%swap3A, %swap3A_16], %add3A_15 {strides = array<i32>} : memref<1000x128xf32, #tpu.memory_space<vmem>>, vector<1000x128xf32>,
    %exp3A = math.exp %add3A_15 : vector<1000x128xf32>
    %get3A_18 = arith.constant 0 : index
    %get3A_19 = arith.constant 0 : index
    %get3A_20 = vector.load %arg5[%get3A_18, %get3A_19] : memref<1000x128xf32, #tpu.memory_space<vmem>>, vector<1000x128xf32>
    %mul3A_21 = arith.mulf %exp3A, %get3A_20 : vector<1000x128xf32>
    %add3A_22 = arith.addf %add3A_15, %mul3A_21 : vector<1000x128xf32>
    %swap3A_23 = arith.constant 0 : index
    %swap3A_24 = arith.constant 0 : index
    %swap3A_25 = vector.load %arg6[%swap3A_23, %swap3A_24] : memref<1000x128xf32, #tpu.memory_space<vmem>>, vector<1000x128xf32>
    tpu.vector_store %arg6[%swap3A_23, %swap3A_24], %add3A_22 {strides = array<i32>} : memref<1000x128xf32, #tpu.memory_space<vmem>>, vector<1000x128xf32>,
    return
  }
  func.func @transform_0(%arg0: i32) -> (i32, i32) {
    %c0_i32 = arith.constant 0 : i32
    %c0_i32_0 = arith.constant 0 : i32
    return %arg0, %c0_i32 : i32, i32
  }
  func.func @transform_1(%arg0: i32) -> (i32, i32) {
    %c0_i32 = arith.constant 0 : i32
    %c0_i32_0 = arith.constant 0 : i32
    return %arg0, %c0_i32 : i32, i32
  }
  func.func @transform_2(%arg0: i32) -> (i32, i32) {
    %c0_i32 = arith.constant 0 : i32
    %c0_i32_0 = arith.constant 0 : i32
    %c0_i32_1 = arith.constant 0 : i32
    return %c0_i32, %c0_i32_0 : i32, i32
  }
  func.func @transform_3(%arg0: i32) -> (i32, i32) {
    %c0_i32 = arith.constant 0 : i32
    %c0_i32_0 = arith.constant 0 : i32
    %c0_i32_1 = arith.constant 0 : i32
    return %c0_i32, %c0_i32_0 : i32, i32
  }
  func.func @transform_4(%arg0: i32) -> (i32, i32) {
    %c0_i32 = arith.constant 0 : i32
    %c0_i32_0 = arith.constant 0 : i32
    return %arg0, %c0_i32 : i32, i32
  }
  func.func @transform_5(%arg0: i32) -> (i32, i32) {
    %c0_i32 = arith.constant 0 : i32
    %c0_i32_0 = arith.constant 0 : i32
    return %arg0, %c0_i32 : i32, i32
  }
  func.func @transform_6(%arg0: i32) -> (i32, i32) {
    %c0_i32 = arith.constant 0 : i32
    %c0_i32_0 = arith.constant 0 : i32
    return %arg0, %c0_i32 : i32, i32
  }
}

</mosaic_0001>

<sc_bundles>
// kernel: kernel.10.cloned.1.call-start
scs
__scs_entry_jumppad:
0x0: {  	(pc) =	sbr.rel $0x88, $3  }
0x1: {  	(tag) =	ssettag $0x0;
	lr =	simm.s32 $0x1  }
0x2: {  	[smem:$0x3F99] =	sst lr;
	_ =	strace $0xD0000000  }
0x3: {  	_ = 	snop  }
0x4: {  	_ = 	snop  }
0x5: {  	_ = 	snop  }
0x6: {  	_ = 	snop  }
0x7: {  	_ = 	snop  }
__scs_overlays_trampoline_lowered:
0x8: {  	[smem:$0x3FA8] =	sst s0  }
0x9: {  	[smem:$0x3FA9] =	sst s1  }
0xa: {  	[smem:$0x3FAA] =	sst s2  }
0xb: {  	[smem:$0x3FAB] =	sst s3  }
0xc: {  	[smem:$0x3FAC] =	sst s4  }
0xd: {  	[smem:$0x3FAD] =	sst s5  }
0xe: {  	[smem:$0x3FAE] =	sst s6  }
0xf: {  	[smem:$0x3FAF] =	sst s7  }
0x10: {  	[smem:$0x3FB0] =	sst s8  }
0x11: {  	[smem:$0x3FB1] =	sst s9;
	s0 =	simm.s32 @!p0 $0x0  }
0x12: {  	s1 =	sld [smem:$0x3F97];
	s0 =	simm.s32 @p0 $0x1  }
0x13: {  	[smem:$0x3FB2] =	sst s0;
	s0 =	simm.s32 @!p1 $0x0  }
0x14: {  	s2 =	sld [smem:$0x3F96];
	s0 =	simm.s32 @p1 $0x1  }
0x15: {  	[smem:$0x3FB3] =	sst s0;
	s0 =	simm.s32 @!p2 $0x0  }
0x16: {  	s3 =	sld [smem:$0x3FDB];
	s0 =	simm.s32 @p2 $0x1  }
0x17: {  	s4 =	simm.s32 $0x1BF5;
	[smem:$0x3FB5] =	sst s0  }
0x18: {  	s0 =	sld [smem:$0x3F98];
	_ =	swait.ge [sflag:s4], $0x0  }
0x19: {  	s7 =	sld [smem:$0x3F99]  }
0x1a: {  	s8 =	sadd.s32 $0xFFFFE003, lr  }
0x1b: {  	s9 =	sadd.s32 $0xFFFFFEF7, lr;
	s5 =	simm.s32 $0xFFFFFFFF;
	p2 =	slt.u32 s8, $0xFFFFF086  }
0x1c: {  	p1 =	slt.u32 s9, $0xF7A;
	s5 =	simm.s32 @!p2 $0x0  }
0x1d: {  	s5 =	simm.s32 @p1 $0x1;
	p0 =	seq.s32 s7, s2  }
0x1e: {  	s7 =	smul.u32 @!p0 $0xF7A, s2;
	p2 =	seq.s32 @!p0 s5, $0x0  }
0x1f: {  	s9 =	smul.u32 $0xF7A, s1;
	s8 =	simm.s32 @!p0 $0x1BF5;
	p2 =	por !p2, p0  }
0x20: {  	[sflag:s8] =	ssyncset.s32 @!p0 $0xFFFFF086;
	s6 =	sadd.s32 @!p0 s3, s7;
	s7 =	simm.s32 @!p0 $0x108  }
0x21: {  	s3 =	sadd.s32 s3, s9;
	s6 =	sadd.s32 @!p0 $0x88, s6;
	s7 =	simm.s32 @p2 $0x1082  }
0x22: {  	[simem:s7], [sflag:s8] =	dma.local @!p0 [hbm:s6], $0xF7A  }
0x23: {  	s9 =	sor.u32 $0xD0000000, s2;
	s6 =	simm.s32 $0x108;
	_ =	swait.ge @!p0 [sflag:s8], $0x0  }
0x24: {  	s3 =	sadd.s32 $0x88, s3;
	s6 =	simm.s32 @!p1 $0x1082;
	[sflag:s4] =	ssyncset.s32 $0xFFFFF086  }
0x25: {  	[simem:s6], [sflag:s4] =	dma.local [hbm:s3], $0xF7A  }
0x26: {  	[smem:$0x3F99] =	sst s1;
	(tag) =	ssettag s2;
	_ =	strace s9  }
0x27: {  	s1 =	sld [smem:$0x3FA9]  }
0x28: {  	s2 =	sld [smem:$0x3FAA]  }
0x29: {  	s4 =	sld [smem:$0x3FAC]  }
0x2a: {  	p0 =	seq.s32 s5, $0x0;
	s5 =	sld [smem:$0x3FAD]  }
0x2b: {  	s6 =	sld [smem:$0x3FAE]  }
0x2c: {  	s7 =	sld [smem:$0x3FAF]  }
0x2d: {  	s3 =	simm.s32 $0x108;
	s8 =	sld [smem:$0x3FB0]  }
0x2e: {  	s3 =	simm.s32 @!p0 $0x1082;
	s9 =	sld [smem:$0x3FB1]  }
0x2f: {  	lr =	sadd.s32 s0, s3;
	s0 =	sld [smem:$0x3FA8]  }
0x30: {  	s3 =	sld [smem:$0x3FAB]  }
0x31: {  	[smem:$0x3FB4] =	sst s10  }
0x32: {  	s10 =	sld [smem:$0x3FB2];
	_ =	sdelay $0x3  }
0x33: {  	p0 =	seq.s32 s10, $0x1;
	s10 =	sld [smem:$0x3FB4];
	_ =	sdelay $0x3  }
0x34: {  	[smem:$0x3FB4] =	sst s10  }
0x35: {  	s10 =	sld [smem:$0x3FB3];
	_ =	sdelay $0x3  }
0x36: {  	p1 =	seq.s32 s10, $0x1;
	s10 =	sld [smem:$0x3FB4];
	_ =	sdelay $0x3  }
0x37: {  	[smem:$0x3FB4] =	sst s10  }
0x38: {  	s10 =	sld [smem:$0x3FB5]  }
0x39: {  	_ = 	snop;
	(pc) =	sbr.ind lr, $3  }
0x3a: {  	_ = 	snop  }
0x3b: {  	_ = 	snop  }
0x3c: {  	p2 =	seq.s32 s10, $0x1;
	s10 =	sld [smem:$0x3FB4]  }
0x3d: {  	_ =	shalt  }
0x3e: {  	_ =	shalt  }
0x3f: {  	_ =	shalt  }
0x40: {  	_ =	shalt  }
0x41: {  	_ =	shalt  }
0x42: {  	_ =	shalt  }
0x43: {  	_ =	shalt  }
0x44: {  	_ =	shalt  }
0x45: {  	_ =	shalt  }
0x46: {  	_ =	shalt  }
0x47: {  	_ =	shalt  }
0x48: {  	_ =	shalt  }
0x49: {  	_ =	shalt  }
0x4a: {  	_ =	shalt  }
0x4b: {  	_ =	shalt  }
0x4c: {  	_ =	shalt  }
0x4d: {  	_ =	shalt  }
0x4e: {  	_ =	shalt  }
0x4f: {  	_ =	shalt  }
0x50: {  	_ =	shalt  }
0x51: {  	_ =	shalt  }
0x52: {  	_ =	shalt  }
0x53: {  	_ =	shalt  }
0x54: {  	_ =	shalt  }
0x55: {  	_ =	shalt  }
0x56: {  	_ =	shalt  }
0x57: {  	_ =	shalt  }
0x58: {  	_ =	shalt  }
0x59: {  	_ =	shalt  }
0x5a: {  	_ =	shalt  }
0x5b: {  	_ =	shalt  }
0x5c: {  	_ =	shalt  }
0x5d: {  	_ =	shalt  }
0x5e: {  	_ =	shalt  }
0x5f: {  	_ =	shalt  }
0x60: {  	_ =	shalt  }
0x61: {  	_ =	shalt  }
0x62: {  	_ =	shalt  }
0x63: {  	_ =	shalt  }
0x64: {  	_ =	shalt  }
0x65: {  	_ =	shalt  }
0x66: {  	_ =	shalt  }
0x67: {  	_ =	shalt  }
0x68: {  	_ =	shalt  }
0x69: {  	_ =	shalt  }
0x6a: {  	_ =	shalt  }
0x6b: {  	_ =	shalt  }
0x6c: {  	_ =	shalt  }
0x6d: {  	_ =	shalt  }
0x6e: {  	_ =	shalt  }
0x6f: {  	_ =	shalt  }
0x70: {  	_ =	shalt  }
0x71: {  	_ =	shalt  }
0x72: {  	_ =	shalt  }
0x73: {  	_ =	shalt  }
0x74: {  	_ =	shalt  }
0x75: {  	_ =	shalt  }
0x76: {  	_ =	shalt  }
0x77: {  	_ =	shalt  }
0x78: {  	_ =	shalt  }
0x79: {  	_ =	shalt  }
0x7a: {  	_ =	shalt  }
0x7b: {  	_ =	shalt  }
0x7c: {  	_ =	shalt  }
0x7d: {  	_ =	shalt  }
0x7e: {  	_ =	shalt  }
0x7f: {  	_ =	shalt  }
0x80: {  	_ =	shalt  }
0x81: {  	_ =	shalt  }
0x82: {  	_ =	shalt  }
0x83: {  	_ =	shalt  }
0x84: {  	_ =	shalt  }
0x85: {  	_ =	shalt  }
0x86: {  	_ =	shalt  }
0x87: {  	_ =	shalt  }
.Lfunc_end0:
.L_simem_size_0:
called_computation_lowered:
.L_overlay_start_0:
0x88: {  	s2 =	sld [smem:$0x3FD9]  }
0x89: {  	s3 =	sld [smem:$0x3FFE];
	_ =	sdelay $0x1  }
0x8a: {  	s1 =	srdreg.scid  }
0x8b: {  	s0 =	sand.u32 $0x1, s1  }
0x8c: {  	s14 =	sshll.u32 s0, $0xA;
	s2 =	sadd.s32 s3, s2  }
0x8d: {  	s2 =	sadd.s32 s2, s14  }
0x8e: {  	[smem:$0x3FC0] =	sst s2  }
0x8f: {  	_ = 	snop  }
0x90: {  	s2 =	sld [smem:$0x3FD0];
	_ =	sdelay $0x2  }
0x91: {  	s15 =	simm.s32 $0xB;
	s4 =	simm.s32 $0x10  }
0x92: {  	[smem:s4], [sflag:s15] =	dma.local [hbm:s2], $0x1  }
0x93: {  	_ =	swait.eq [sflag:s15], $0x1  }
0x94: {  	s16 =	sld [smem:$0x10];
	[sflag:s15] =	ssyncset.done $0x0  }
0x95: {  	s17 =	sld [smem:$0x11];
	[sflag:s15] =	ssyncadd.s32 $0xFFFFFFFF  }
0x96: {  	s18 =	sld [smem:$0x12];
	(tm) =	ssettm $0x1  }
0x97: {  	s5 =	sld [smem:$0x3FFB];
	_ =	sdelay $0x3  }
0x98: {  	_ =	strace s5  }
0x99: {  	s5 =	sld [smem:$0x3FFC];
	_ =	sdelay $0x3  }
0x9a: {  	_ =	strace s5  }
0x9b: {  	s5 =	sld [smem:$0x3FFD];
	_ =	sdelay $0x3  }
0x9c: {  	_ =	strace s5  }
0x9d: {  	_ =	strace $0x8FFFFFFF  }
0x9e: {  	s19 =	sld [smem:$0x3FDB];
	_ =	sdelay $0x1  }
0x9f: {  	s6 =	simm.s32 $_scs_section_size  }
0xa0: {  	s7 =	simm.s32 $_size__tile_overlayer_lowered;
	s8 =	simm.s32 $_tile_overlayer_lowered  }
0xa1: {  	s22 =	simm.s32 $0x1BFF;
	s21 =	sshll.u32 s8, $0x1;
	s5 =	sadd.s32 s6, s19  }
0xa2: {  	s9 =	simm.s32 $0x0;
	s20 =	sshll.u32 s7, $0x1;
	s7 =	sadd.s32 s21, s5  }
0xa3: {  	[timem:s9], [sflag:s22] =	dma.local [hbm:s7], s20  }
0xa4: {  	_ =	swait.ge [sflag:s22], s20  }
0xa5: {  	s6 =	ssub.s32 $0x0, s20;
	[sflag:s22] =	ssyncset.done $0x0  }
0xa6: {  	[sflag:s22] =	ssyncadd.s32 s6;
	_ =	sdelay $0x1  }
0xa7: {  	s23 =	simm.s32 $0x1B8B  }
0xa8: {  	_ =	swait.ge [sflag:s23], $0x1  }
0xa9: {  	[sflag:s23] =	ssyncset.done $0x0  }
0xaa: {  	s25 =	simm.s32 $0x1B8E;
	s24 =	sld [smem:$0x3FFE];
	[sflag:s23] =	ssyncadd.s32 $0xFFFFFFFF  }
0xab: {  	s26 =	simm.s32 $execute0_lowered;
	[smem:$0x3FD2] =	sst s25  }
0xac: {  	s7 =	sshll.u32 s26, $0x1;
	_ =	strace $0x80000046;
	[dreg:$0x1] =	wrdreg $0xFFFFFFFF  }
0xad: {  	s28 =	simm.s32 $_size_execute0_lowered;
	s5 =	sadd.s32 s5, s7;
	[dreg:$0x0] =	wrdreg $0x0  }
0xae: {  	s7 =	sshll.u32 s28, $0x1;
	[dreg:$0x2] =	wrdreg s5  }
0xaf: {  	[dreg:$0x3] =	wrdreg s7  }
0xb0: {  	[dreg:$0x4] =	wrdreg $0xC0  }
0xb1: {  	_ =	task [dreg:s9], $0x5FFFF  }
0xb2: {  	[dreg:$0x1] =	wrdreg $0xFFFFFFFF  }
0xb3: {  	[dreg:$0x0] =	wrdreg $0x60  }
0xb4: {  	[dreg:$0x2] =	wrdreg s17  }
0xb5: {  	[dreg:$0x3] =	wrdreg s18  }
0xb6: {  	[dreg:$0x4] =	wrdreg s24  }
0xb7: {  	[dreg:$0x5] =	wrdreg s16  }
0xb8: {  	[dreg:$0x6] =	wrdreg $0x41000  }
0xb9: {  	[dreg:$0x7] =	wrdreg $0x9  }
0xba: {  	_ =	task.clear_ibuf [dreg:s9], $0x8FFFF;
	_ =	strace $0x90000046  }
0xbb: {  	s29 =	simm.s32 $0x9;
	_ =	strace $0x80000048  }
0xbc: {  	_ =	swait.ge [sflag:s29], $0x1  }
0xbd: {  	[sflag:s29] =	ssyncadd.s32 $0xFFFFFFFF  }
0xbe: {  	_ =	strace $0x90000048  }
0xbf: {  	_ =	sfence  }
0xc0: {  	s30 =	sld [smem:$0x0];
	_ =	sdelay $0x2  }
0xc1: {  	s31 =	sshll.u32 s1, $0xD;
	s1 =	sshrl.u32 s1, $0x2  }
0xc2: {  	s3 =	sand.u32 $0x4000, s31;
	s1 =	sadd.s32 s1, s30  }
0xc3: {  	s0 =	sor.u32 s3, s0;
	s1 =	sshll.u32 s1, $0x11  }
0xc4: {  	s0 =	sor.u32 s1, s0  }
0xc5: {  	s0 =	sadd.s32 $0x8F2B, s0  }
0xc6: {  	[sflag:s0] =	ssyncadd.remote.s32 $0x1  }
0xc7: {  	_ =	sfence.sel $0xFFFF  }
0xc8: {  	[dreg:$0x0] =	wrdreg $0xFFFFFFFF;
	(pc) =	sbr.abs _section_cstart, $3  }
0xc9: {  	[dreg:$0x1] =	wrdreg $0xFFFFFFFF  }
0xca: {  	_ =	task.clear_ibuf [dreg:s9], $0x2FFFF;
	_ =	strace $0x9FFFFFFF  }
0xcb: {  	(tm) =	ssettm $0x7FFFFFFF  }
tec
execute0_lowered:
.L_overlay_start_1:
0x0: {  	(tag) =	ssettag $0x1  }
0x1: {  	s16 =	rddreg [dreg:$0x0]  }
0x2: {  	s17 =	rddreg [dreg:$0x1]  }
0x3: {  	s6 =	rddreg [dreg:$0x2]  }
0x4: {  	s2 =	rddreg [dreg:$0x3]  }
0x5: {  	s3 =	rddreg [dreg:$0x4]  }
0x6: {  	s0 =	rddreg [dreg:$0x5];
	s1 =	stileid.u32  }
0x7: {  	s4 =	simm.s32 $0x0;
	s5 =	srdreg.scid;
	s7 =	smul.u32 $0x2800, s1  }
0x8: {  	s25 =	simm.s32 $0x0;
	[smem:$0x7FF] =	sst s4;
	s9 =	smul.u32 $0x50000, s1  }
0x9: {  	s20 =	sand.u32 $0x1, s5;
	s5 =	sadd.s32 $0x5400, s6;
	s29 =	smul.u32 $0x9C, s1  }
0xa: {  	s30 =	sshll.u32 s1, $0x6;
	s18 =	smin.u32 s1, $0x4;
	p0 =	slt.u32 s1, $0x4  }
0xb: {  	s21 =	smul.u32 $0x9C0, s1;
	p2 =	sgt.u32 s1, $0x3;
	_ =	strace $0x80000047  }
0xc: {  	s8 =	ssub.s32 $0x2, s20;
	s24 =	sshll.u32 s18, $0x4;
	p1 =	sne.s32 s20, $0x0  }
0xd: {  	s20 =	simm.s32 $0x3;
	s12 =	sadd.s32 s7, s6;
	s26 =	sshrl.u32 s8, $0x1  }
0xe: {  	s28 =	sshrl.u32 s9, $0x2;
	s7 =	simm.s32 $0x9D;
	s10 =	sadd.s32 s18, s29  }
0xf: {  	s23 =	sadd.s32 s21, s16;
	s31 =	sadd.s32 s21, s17;
	s21 =	simm.s32 $0x100  }
0x10: {  	s13 =	ssub.s32 s8, s26;
	s6 =	sadd.s32 s28, s3;
	s8 =	sor.u32 $0x1C03, s30  }
0x11: {  	s7 =	simm.s32 @!p0 $0x9C;
	s15 =	sshll.u32 s10, $0x4;
	s10 =	sadd.s32 $0x2DC00, s12  }
0x12: {  	s12 =	sadd.s32 $0x5C00, s12;
	s18 =	sadd.s32 s24, s23;
	s23 =	simm.s32 $0x1  }
.Ltmp0:
0x13: {  	s9 =	sadd.s32 s16, s15;
	s11 =	sadd.s32 s17, s15;
	(pc) =	sbr.rel .LBB2_1-.Ltmp0, $4  }
0x14: {  	s19 =	sadd.s32 $0x10, s15;
	s13 =	smax.u32 s13, $0x1;
	s22 =	sadd.s32 $0x20, s15  }
0x15: {  	s18 =	sadd.s32 $0x30, s18;
	s14 =	sadd.s32 s16, s19;
	s15 =	sadd.s32 s16, s22  }
0x16: {  	s16 =	sadd.s32 s17, s19;
	s17 =	sadd.s32 s17, s22;
	s19 =	sadd.s32 s24, s31  }
0x17: {  	s22 =	simm.s32 $0x80;
	s24 =	simm.s32 $0x2;
	s19 =	sadd.s32 $0x30, s19  }
.LBB2_8:
0x18: {  	_ =	swait.ge [sflag:s24], $0x4000  }
0x19: {  	[sflag:s24] =	ssyncset.done $0x0  }
0x1a: {  	[sflag:s24] =	ssyncadd.s32 $0xFFFFC000  }
0x1b: {  	_ =	swait.ge [sflag:s23], $0x80  }
0x1c: {  	[sflag:s23] =	ssyncset.done $0x0  }
0x1d: {  	[sflag:s23] =	ssyncadd.s32 $0xFFFFFF80  }
0x1e: {  	[spmem:s3] =	stream.indirect.scatter.add.f32 [tilespmem:s21], [sflag:$0x2], $0x80, s4, s22, $0xb8;
	[tilespmem:$0x18100] =	vst v63  }
.LBB2_9:
0x1f: {  	_ =	swait.ge [sflag:s24], $0x4000  }
0x20: {  	s25 =	sadd.s32 $0x1, s25;
	[sflag:s24] =	ssyncset.done $0x0  }
0x21: {  	p3 =	sne.s32 s25, s13;
	[sflag:s24] =	ssyncadd.s32 $0xFFFFC000  }
.Ltmp1:
0x22: {  	[bflag:$0x0] =	sbarrier.arrive $0xFFFF;
	(pc) =	sbr.rel @!p3 .LBB2_10-.Ltmp1, $4  }
0x23: {  	[hbm:s28], [sflag:s8] =	dma.local [spmem:s26], $0x2800  }
0x24: {  	_ =	swait.ge [sflag:s20], $0x2800  }
0x25: {  	[sflag:s20] =	ssyncset.done $0x0  }
0x26: {  	[sflag:s20] =	ssyncadd.s32 $0xFFFFD800  }
.LBB2_1:
0x27: {  	s26 =	sshrl.u32 s6, $0x3  }
0x28: {  	[spmem:s26], [sflag:s8] =	dma.local [hbm:s2], $0x2800  }
0x29: {  	_ =	swait.ge [sflag:s20], $0x2800  }
0x2a: {  	[sflag:s20] =	ssyncset.done $0x0  }
0x2b: {  	[sflag:s20] =	ssyncadd.s32 $0xFFFFD800  }
0x2c: {  	[tilespmem:s21], [sflag:$0x3] =	stream.linear.gather [hbm4b:s5+s4], $0x4000, $0x38;
	[tilespmem:$0x18100] =	vst v63  }
.Ltmp2:
0x2d: {  	_ =	swait.ge [sflag:s20], $0x4000;
	(pc) =	sbr.rel @p1 .LBB2_5-.Ltmp2, $3  }
0x2e: {  	[sflag:s20] =	ssyncset.done $0x0  }
0x2f: {  	[sflag:s20] =	ssyncadd.s32 $0xFFFFC000  }
0x30: {  	[bflag:$0x0] =	sbarrier.arrive $0xFFFF;
	_ =	sdelay $0x1  }
0x31: {  	[tilespmem:s4], [sflag:$0x1] =	stream.linear.gather [hbm4b:s11+s4], $0x80, $0x38;
	[tilespmem:$0x18100] =	vst v63  }
0x32: {  	_ = 	snop  }
0x33: {  	[tilespmem:s22], [sflag:$0x1] =	stream.linear.gather [hbm4b:s16+s4], $0x80, $0x38;
	[tilespmem:$0x18100] =	vst v63  }
0x34: {  	_ =	swait.ge [sflag:s23], $0x80  }
0x35: {  	[sflag:s23] =	ssyncset.done $0x0  }
0x36: {  	[sflag:s23] =	ssyncadd.s32 $0xFFFFFF80  }
0x37: {  	[spmem:s3] =	stream.indirect.scatter.add.f32 [tilespmem:s21], [sflag:$0x2], $0x80, s4, s22, $0xb8;
	[tilespmem:$0x18100] =	vst v63  }
0x38: {  	_ =	swait.ge [sflag:s24], $0x4000  }
0x39: {  	[sflag:s24] =	ssyncset.done $0x0  }
0x3a: {  	[sflag:s24] =	ssyncadd.s32 $0xFFFFC000  }
0x3b: {  	[tilespmem:s4], [sflag:$0x1] =	stream.linear.gather [hbm4b:s17+s4], $0x80, $0x38;
	[tilespmem:$0x18100] =	vst v63  }
0x3c: {  	_ =	swait.ge [sflag:s23], $0x80  }
0x3d: {  	[sflag:s23] =	ssyncset.done $0x0  }
0x3e: {  	[sflag:s23] =	ssyncadd.s32 $0xFFFFFF80  }
0x3f: {  	[spmem:s3] =	stream.indirect.scatter.add.f32 [tilespmem:s21], [sflag:$0x2], $0x80, s22, s22, $0xb8;
	[tilespmem:$0x18100] =	vst v63  }
0x40: {  	_ =	swait.ge [sflag:s24], $0x4000  }
0x41: {  	[sflag:s24] =	ssyncset.done $0x0  }
0x42: {  	[sflag:s24] =	ssyncadd.s32 $0xFFFFC000  }
0x43: {  	[tilespmem:s22], [sflag:$0x1] =	stream.linear.gather [hbm4b:s19+s4], $0x80, $0x38;
	[tilespmem:$0x18100] =	vst v63  }
0x44: {  	_ =	swait.ge [sflag:s23], $0x80  }
0x45: {  	[sflag:s23] =	ssyncset.done $0x0  }
0x46: {  	[sflag:s23] =	ssyncadd.s32 $0xFFFFFF80  }
0x47: {  	[spmem:s3] =	stream.indirect.scatter.add.f32 [tilespmem:s21], [sflag:$0x2], $0x80, s4, s22, $0xb8;
	[tilespmem:$0x18100] =	vst v63  }
0x48: {  	_ =	swait.ge [sflag:s24], $0x4000  }
0x49: {  	p3 =	sle.u32 s7, $0x4;
	[sflag:s24] =	ssyncset.done $0x0  }
0x4a: {  	s28 =	sadd.s32 @!p3 $0x10, s19;
	s29 =	simm.s32 @!p3 $0x0;
	[sflag:s24] =	ssyncadd.s32 $0xFFFFC000  }
0x4b: {  	[tilespmem:s29], [sflag:$0x1] =	stream.linear.gather @!p3 [hbm4b:s28+s29], $0x80, $0x38;
	[tilespmem:$0x18100] =	vst v63  }
0x4c: {  	_ =	swait.ge [sflag:s23], $0x80  }
0x4d: {  	[sflag:s23] =	ssyncset.done $0x0  }
0x4e: {  	s28 =	simm.s32 $0x6;
	s29 =	sadd.s32 $0x20, s19;
	[sflag:s23] =	ssyncadd.s32 $0xFFFFFF80  }
.LBB2_3:
0x4f: {  	[spmem:s3] =	stream.indirect.scatter.add.f32 [tilespmem:s21], [sflag:$0x2], $0x80, s22, s22, $0xb8;
	[tilespmem:$0x18100] =	vst v63  }
0x50: {  	s30 =	smov.u32 s28;
	s28 =	sadd.s32 $0x2, s28  }
0x51: {  	p3 =	sne.s32 s28, $0x9E;
	_ =	swait.ge [sflag:s24], $0x4000  }
0x52: {  	[sflag:s24] =	ssyncset.done $0x0  }
0x53: {  	[sflag:s24] =	ssyncadd.s32 $0xFFFFC000  }
0x54: {  	[tilespmem:s22], [sflag:$0x1] =	stream.linear.gather [hbm4b:s29+s4], $0x80, $0x38;
	[tilespmem:$0x18100] =	vst v63  }
0x55: {  	_ =	swait.ge [sflag:s23], $0x80  }
0x56: {  	[sflag:s23] =	ssyncset.done $0x0  }
0x57: {  	[sflag:s23] =	ssyncadd.s32 $0xFFFFFF80  }
0x58: {  	[spmem:s3] =	stream.indirect.scatter.add.f32 [tilespmem:s21], [sflag:$0x2], $0x80, s4, s22, $0xb8;
	[tilespmem:$0x18100] =	vst v63  }
0x59: {  	p4 =	sge.u32 s30, s7;
	_ =	swait.ge [sflag:s24], $0x4000  }
0x5a: {  	s30 =	sadd.s32 @!p4 $0x10, s29;
	[sflag:s24] =	ssyncset.done $0x0  }
.Ltmp3:
0x5b: {  	s31 =	simm.s32 @!p4 $0x0;
	[sflag:s24] =	ssyncadd.s32 $0xFFFFC000;
	(pc) =	sbr.rel @p3 .LBB2_3-.Ltmp3, $4  }
0x5c: {  	[tilespmem:s31], [sflag:$0x1] =	stream.linear.gather @!p4 [hbm4b:s30+s31], $0x80, $0x38;
	[tilespmem:$0x18100] =	vst v63  }
0x5d: {  	_ =	swait.ge [sflag:s23], $0x80  }
0x5e: {  	[sflag:s23] =	ssyncset.done $0x0  }
0x5f: {  	s29 =	sadd.s32 $0x20, s29;
	[sflag:s23] =	ssyncadd.s32 $0xFFFFFF80  }
.Ltmp4:
0x60: {  	(pc) =	sbr.rel @p0 .LBB2_8-.Ltmp4, $4  }
.Ltmp5:
0x61: {  	(pc) =	sbr.rel @!p0 .LBB2_9-.Ltmp5, $4  }
0x62: {  	_ = 	snop  }
0x63: {  	[spmem:s3] =	stream.indirect.scatter.add.f32 [tilespmem:s21], [sflag:$0x2], $0x80, s22, s22, $0xb8;
	[tilespmem:$0x18100] =	vst v63  }
0x64: {  	s28 =	smov.u32 s12  }
0x65: {  	_ = 	snop  }
.LBB2_5:
0x66: {  	[tilespmem:s4], [sflag:$0x1] =	stream.linear.gather [hbm4b:s9+s4], $0x80, $0x38;
	[tilespmem:$0x18100] =	vst v63  }
0x67: {  	_ = 	snop  }
0x68: {  	[tilespmem:s22], [sflag:$0x1] =	stream.linear.gather [hbm4b:s14+s4], $0x80, $0x38;
	[tilespmem:$0x18100] =	vst v63  }
0x69: {  	_ =	swait.ge [sflag:s23], $0x80  }
0x6a: {  	[sflag:s23] =	ssyncset.done $0x0  }
0x6b: {  	[sflag:s23] =	ssyncadd.s32 $0xFFFFFF80  }
0x6c: {  	[spmem:s3] =	stream.indirect.scatter.add.f32 [tilespmem:s21], [sflag:$0x2], $0x80, s4, s22, $0xb8;
	[tilespmem:$0x18100] =	vst v63  }
0x6d: {  	_ =	swait.ge [sflag:s24], $0x4000  }
0x6e: {  	[sflag:s24] =	ssyncset.done $0x0  }
0x6f: {  	[sflag:s24] =	ssyncadd.s32 $0xFFFFC000  }
0x70: {  	[tilespmem:s4], [sflag:$0x1] =	stream.linear.gather [hbm4b:s15+s4], $0x80, $0x38;
	[tilespmem:$0x18100] =	vst v63  }
0x71: {  	_ =	swait.ge [sflag:s23], $0x80  }
0x72: {  	[sflag:s23] =	ssyncset.done $0x0  }
0x73: {  	[sflag:s23] =	ssyncadd.s32 $0xFFFFFF80  }
0x74: {  	[spmem:s3] =	stream.indirect.scatter.add.f32 [tilespmem:s21], [sflag:$0x2], $0x80, s22, s22, $0xb8;
	[tilespmem:$0x18100] =	vst v63  }
0x75: {  	_ =	swait.ge [sflag:s24], $0x4000  }
0x76: {  	[sflag:s24] =	ssyncset.done $0x0  }
0x77: {  	[sflag:s24] =	ssyncadd.s32 $0xFFFFC000  }
0x78: {  	[tilespmem:s22], [sflag:$0x1] =	stream.linear.gather [hbm4b:s18+s4], $0x80, $0x38;
	[tilespmem:$0x18100] =	vst v63  }
0x79: {  	_ =	swait.ge [sflag:s23], $0x80  }
0x7a: {  	[sflag:s23] =	ssyncset.done $0x0  }
0x7b: {  	[sflag:s23] =	ssyncadd.s32 $0xFFFFFF80  }
0x7c: {  	[spmem:s3] =	stream.indirect.scatter.add.f32 [tilespmem:s21], [sflag:$0x2], $0x80, s4, s22, $0xb8;
	[tilespmem:$0x18100] =	vst v63  }
0x7d: {  	_ =	swait.ge [sflag:s24], $0x4000  }
0x7e: {  	p3 =	sle.u32 s7, $0x4;
	[sflag:s24] =	ssyncset.done $0x0  }
0x7f: {  	s28 =	sadd.s32 @!p3 $0x10, s18;
	s29 =	simm.s32 @!p3 $0x0;
	[sflag:s24] =	ssyncadd.s32 $0xFFFFC000  }
0x80: {  	[tilespmem:s29], [sflag:$0x1] =	stream.linear.gather @!p3 [hbm4b:s28+s29], $0x80, $0x38;
	[tilespmem:$0x18100] =	vst v63  }
0x81: {  	_ =	swait.ge [sflag:s23], $0x80  }
0x82: {  	[sflag:s23] =	ssyncset.done $0x0  }
0x83: {  	s28 =	simm.s32 $0x6;
	s29 =	sadd.s32 $0x20, s18;
	[sflag:s23] =	ssyncadd.s32 $0xFFFFFF80  }
.LBB2_6:
0x84: {  	[spmem:s3] =	stream.indirect.scatter.add.f32 [tilespmem:s21], [sflag:$0x2], $0x80, s22, s22, $0xb8;
	[tilespmem:$0x18100] =	vst v63  }
0x85: {  	s30 =	smov.u32 s28;
	s28 =	sadd.s32 $0x2, s28  }
0x86: {  	p3 =	sne.s32 s28, $0x9E;
	_ =	swait.ge [sflag:s24], $0x4000  }
0x87: {  	[sflag:s24] =	ssyncset.done $0x0  }
0x88: {  	[sflag:s24] =	ssyncadd.s32 $0xFFFFC000  }
0x89: {  	[tilespmem:s22], [sflag:$0x1] =	stream.linear.gather [hbm4b:s29+s4], $0x80, $0x38;
	[tilespmem:$0x18100] =	vst v63  }
0x8a: {  	_ =	swait.ge [sflag:s23], $0x80  }
0x8b: {  	[sflag:s23] =	ssyncset.done $0x0  }
0x8c: {  	[sflag:s23] =	ssyncadd.s32 $0xFFFFFF80  }
0x8d: {  	[spmem:s3] =	stream.indirect.scatter.add.f32 [tilespmem:s21], [sflag:$0x2], $0x80, s4, s22, $0xb8;
	[tilespmem:$0x18100] =	vst v63  }
0x8e: {  	p4 =	sge.u32 s30, s7;
	_ =	swait.ge [sflag:s24], $0x4000  }
0x8f: {  	s30 =	sadd.s32 @!p4 $0x10, s29;
	[sflag:s24] =	ssyncset.done $0x0  }
.Ltmp6:
0x90: {  	s31 =	simm.s32 @!p4 $0x0;
	[sflag:s24] =	ssyncadd.s32 $0xFFFFC000;
	(pc) =	sbr.rel @p3 .LBB2_6-.Ltmp6, $4  }
0x91: {  	[tilespmem:s31], [sflag:$0x1] =	stream.linear.gather @!p4 [hbm4b:s30+s31], $0x80, $0x38;
	[tilespmem:$0x18100] =	vst v63  }
0x92: {  	_ =	swait.ge [sflag:s23], $0x80  }
0x93: {  	[sflag:s23] =	ssyncset.done $0x0  }
0x94: {  	s29 =	sadd.s32 $0x20, s29;
	[sflag:s23] =	ssyncadd.s32 $0xFFFFFF80  }
.Ltmp7:
0x95: {  	(pc) =	sbr.rel @p2 .LBB2_9-.Ltmp7, $4  }
.Ltmp8:
0x96: {  	(pc) =	sbr.rel @!p2 .LBB2_8-.Ltmp8, $4  }
0x97: {  	_ = 	snop  }
0x98: {  	[spmem:s3] =	stream.indirect.scatter.add.f32 [tilespmem:s21], [sflag:$0x2], $0x80, s22, s22, $0xb8;
	[tilespmem:$0x18100] =	vst v63  }
0x99: {  	s28 =	smov.u32 s10  }
0x9a: {  	_ = 	snop  }
.LBB2_10:
0x9b: {  	_ =	sfence.sel $0x180000  }
0x9c: {  	[bflag:$0x0] =	sbarrier.arrive $0xFFFF  }
0x9d: {  	p0 =	sne.s32 s1, $0x0;
	_ =	strace $0x90000047  }
0x9e: {  	s0 =	sadd.s32 @!p0 $0x100000, s0;
	[bflag:$0x2] =	sbarrier.arrive $0xFFFF  }
0x9f: {  	[sflag:s0] =	ssyncadd.tile.s32 @!p0 $0x1;
	_ =	shalt  }
.Lfunc_end2:
_tile_overlayer_lowered:
.L_overlay_start_2:
0xa0: {  	(tag) =	ssettag $0x2  }
0xa1: {  	s0 =	rddreg [dreg:$0x0];
	s2 =	stileid.u32  }
0xa2: {  	s1 =	rddreg [dreg:$0x1];
	p0 =	sne.s32 s2, $0x0  }
0xa3: {  	s3 =	rddreg [dreg:$0x2];
	[bflag:$0x3] =	sbarrier.arrive $0xFFFF;
	s2 =	simm.s32 @!p0 $0x1C03  }
0xa4: {  	[timem:s3], [sflag:s2] =	dma.local @!p0 [hbm:s0], s1  }
0xa5: {  	s0 =	simm.s32 @!p0 $0x3  }
0xa6: {  	_ =	swait.ge @!p0 [sflag:s0], s1  }
0xa7: {  	s1 =	ssub.s32 @!p0 $0x0, s1;
	[sflag:s0] =	ssyncset.done @!p0 $0x0  }
0xa8: {  	[sflag:s0] =	ssyncadd.s32 @!p0 s1  }
0xa9: {  	[bflag:$0x3] =	sbarrier.arrive $0xFFFF  }
0xaa: {  	_ =	shalt  }

// kernel: kernel.13.cloned.1.call-start
scs
__scs_entry_jumppad:
0x0: {  	(pc) =	sbr.rel $0x88, $3  }
0x1: {  	(tag) =	ssettag $0x0;
	lr =	simm.s32 $0x1  }
0x2: {  	[smem:$0x3F99] =	sst lr;
	_ =	strace $0xD0000000  }
0x3: {  	_ = 	snop  }
0x4: {  	_ = 	snop  }
0x5: {  	_ = 	snop  }
0x6: {  	_ = 	snop  }
0x7: {  	_ = 	snop  }
__scs_overlays_trampoline_lowered:
0x8: {  	[smem:$0x3FA8] =	sst s0  }
0x9: {  	[smem:$0x3FA9] =	sst s1  }
0xa: {  	[smem:$0x3FAA] =	sst s2  }
0xb: {  	[smem:$0x3FAB] =	sst s3  }
0xc: {  	[smem:$0x3FAC] =	sst s4  }
0xd: {  	[smem:$0x3FAD] =	sst s5  }
0xe: {  	[smem:$0x3FAE] =	sst s6  }
0xf: {  	[smem:$0x3FAF] =	sst s7  }
0x10: {  	[smem:$0x3FB0] =	sst s8  }
0x11: {  	[smem:$0x3FB1] =	sst s9;
	s0 =	simm.s32 @!p0 $0x0  }
0x12: {  	s1 =	sld [smem:$0x3F97];
	s0 =	simm.s32 @p0 $0x1  }
0x13: {  	[smem:$0x3FB2] =	sst s0;
	s0 =	simm.s32 @!p1 $0x0  }
0x14: {  	s2 =	sld [smem:$0x3F96];
	s0 =	simm.s32 @p1 $0x1  }
0x15: {  	[smem:$0x3FB3] =	sst s0;
	s0 =	simm.s32 @!p2 $0x0  }
0x16: {  	s3 =	sld [smem:$0x3FDB];
	s0 =	simm.s32 @p2 $0x1  }
0x17: {  	s4 =	simm.s32 $0x1BF5;
	[smem:$0x3FB5] =	sst s0  }
0x18: {  	s0 =	sld [smem:$0x3F98];
	_ =	swait.ge [sflag:s4], $0x0  }
0x19: {  	s7 =	sld [smem:$0x3F99]  }
0x1a: {  	s8 =	sadd.s32 $0xFFFFE003, lr  }
0x1b: {  	s9 =	sadd.s32 $0xFFFFFEF7, lr;
	s5 =	simm.s32 $0xFFFFFFFF;
	p2 =	slt.u32 s8, $0xFFFFF086  }
0x1c: {  	p1 =	slt.u32 s9, $0xF7A;
	s5 =	simm.s32 @!p2 $0x0  }
0x1d: {  	s5 =	simm.s32 @p1 $0x1;
	p0 =	seq.s32 s7, s2  }
0x1e: {  	s7 =	smul.u32 @!p0 $0xF7A, s2;
	p2 =	seq.s32 @!p0 s5, $0x0  }
0x1f: {  	s9 =	smul.u32 $0xF7A, s1;
	s8 =	simm.s32 @!p0 $0x1BF5;
	p2 =	por !p2, p0  }
0x20: {  	[sflag:s8] =	ssyncset.s32 @!p0 $0xFFFFF086;
	s6 =	sadd.s32 @!p0 s3, s7;
	s7 =	simm.s32 @!p0 $0x108  }
0x21: {  	s3 =	sadd.s32 s3, s9;
	s6 =	sadd.s32 @!p0 $0x88, s6;
	s7 =	simm.s32 @p2 $0x1082  }
0x22: {  	[simem:s7], [sflag:s8] =	dma.local @!p0 [hbm:s6], $0xF7A  }
0x23: {  	s9 =	sor.u32 $0xD0000000, s2;
	s6 =	simm.s32 $0x108;
	_ =	swait.ge @!p0 [sflag:s8], $0x0  }
0x24: {  	s3 =	sadd.s32 $0x88, s3;
	s6 =	simm.s32 @!p1 $0x1082;
	[sflag:s4] =	ssyncset.s32 $0xFFFFF086  }
0x25: {  	[simem:s6], [sflag:s4] =	dma.local [hbm:s3], $0xF7A  }
0x26: {  	[smem:$0x3F99] =	sst s1;
	(tag) =	ssettag s2;
	_ =	strace s9  }
0x27: {  	s1 =	sld [smem:$0x3FA9]  }
0x28: {  	s2 =	sld [smem:$0x3FAA]  }
0x29: {  	s4 =	sld [smem:$0x3FAC]  }
0x2a: {  	p0 =	seq.s32 s5, $0x0;
	s5 =	sld [smem:$0x3FAD]  }
0x2b: {  	s6 =	sld [smem:$0x3FAE]  }
0x2c: {  	s7 =	sld [smem:$0x3FAF]  }
0x2d: {  	s3 =	simm.s32 $0x108;
	s8 =	sld [smem:$0x3FB0]  }
0x2e: {  	s3 =	simm.s32 @!p0 $0x1082;
	s9 =	sld [smem:$0x3FB1]  }
0x2f: {  	lr =	sadd.s32 s0, s3;
	s0 =	sld [smem:$0x3FA8]  }
0x30: {  	s3 =	sld [smem:$0x3FAB]  }
0x31: {  	[smem:$0x3FB4] =	sst s10  }
0x32: {  	s10 =	sld [smem:$0x3FB2];
	_ =	sdelay $0x3  }
0x33: {  	p0 =	seq.s32 s10, $0x1;
	s10 =	sld [smem:$0x3FB4];
	_ =	sdelay $0x3  }
0x34: {  	[smem:$0x3FB4] =	sst s10  }
0x35: {  	s10 =	sld [smem:$0x3FB3];
	_ =	sdelay $0x3  }
0x36: {  	p1 =	seq.s32 s10, $0x1;
	s10 =	sld [smem:$0x3FB4];
	_ =	sdelay $0x3  }
0x37: {  	[smem:$0x3FB4] =	sst s10  }
0x38: {  	s10 =	sld [smem:$0x3FB5]  }
0x39: {  	_ = 	snop;
	(pc) =	sbr.ind lr, $3  }
0x3a: {  	_ = 	snop  }
0x3b: {  	_ = 	snop  }
0x3c: {  	p2 =	seq.s32 s10, $0x1;
	s10 =	sld [smem:$0x3FB4]  }
0x3d: {  	_ =	shalt  }
0x3e: {  	_ =	shalt  }
0x3f: {  	_ =	shalt  }
0x40: {  	_ =	shalt  }
0x41: {  	_ =	shalt  }
0x42: {  	_ =	shalt  }
0x43: {  	_ =	shalt  }
0x44: {  	_ =	shalt  }
0x45: {  	_ =	shalt  }
0x46: {  	_ =	shalt  }
0x47: {  	_ =	shalt  }
0x48: {  	_ =	shalt  }
0x49: {  	_ =	shalt  }
0x4a: {  	_ =	shalt  }
0x4b: {  	_ =	shalt  }
0x4c: {  	_ =	shalt  }
0x4d: {  	_ =	shalt  }
0x4e: {  	_ =	shalt  }
0x4f: {  	_ =	shalt  }
0x50: {  	_ =	shalt  }
0x51: {  	_ =	shalt  }
0x52: {  	_ =	shalt  }
0x53: {  	_ =	shalt  }
0x54: {  	_ =	shalt  }
0x55: {  	_ =	shalt  }
0x56: {  	_ =	shalt  }
0x57: {  	_ =	shalt  }
0x58: {  	_ =	shalt  }
0x59: {  	_ =	shalt  }
0x5a: {  	_ =	shalt  }
0x5b: {  	_ =	shalt  }
0x5c: {  	_ =	shalt  }
0x5d: {  	_ =	shalt  }
0x5e: {  	_ =	shalt  }
0x5f: {  	_ =	shalt  }
0x60: {  	_ =	shalt  }
0x61: {  	_ =	shalt  }
0x62: {  	_ =	shalt  }
0x63: {  	_ =	shalt  }
0x64: {  	_ =	shalt  }
0x65: {  	_ =	shalt  }
0x66: {  	_ =	shalt  }
0x67: {  	_ =	shalt  }
0x68: {  	_ =	shalt  }
0x69: {  	_ =	shalt  }
0x6a: {  	_ =	shalt  }
0x6b: {  	_ =	shalt  }
0x6c: {  	_ =	shalt  }
0x6d: {  	_ =	shalt  }
0x6e: {  	_ =	shalt  }
0x6f: {  	_ =	shalt  }
0x70: {  	_ =	shalt  }
0x71: {  	_ =	shalt  }
0x72: {  	_ =	shalt  }
0x73: {  	_ =	shalt  }
0x74: {  	_ =	shalt  }
0x75: {  	_ =	shalt  }
0x76: {  	_ =	shalt  }
0x77: {  	_ =	shalt  }
0x78: {  	_ =	shalt  }
0x79: {  	_ =	shalt  }
0x7a: {  	_ =	shalt  }
0x7b: {  	_ =	shalt  }
0x7c: {  	_ =	shalt  }
0x7d: {  	_ =	shalt  }
0x7e: {  	_ =	shalt  }
0x7f: {  	_ =	shalt  }
0x80: {  	_ =	shalt  }
0x81: {  	_ =	shalt  }
0x82: {  	_ =	shalt  }
0x83: {  	_ =	shalt  }
0x84: {  	_ =	shalt  }
0x85: {  	_ =	shalt  }
0x86: {  	_ =	shalt  }
0x87: {  	_ =	shalt  }
.Lfunc_end0:
.L_simem_size_0:
called_computation.1_lowered:
.L_overlay_start_0:
0x88: {  	s2 =	sld [smem:$0x3FD9]  }
0x89: {  	s3 =	sld [smem:$0x3FFE];
	_ =	sdelay $0x1  }
0x8a: {  	s1 =	srdreg.scid  }
0x8b: {  	s0 =	sand.u32 $0x1, s1  }
0x8c: {  	s14 =	sshll.u32 s0, $0xA;
	s2 =	sadd.s32 s3, s2  }
0x8d: {  	s2 =	sadd.s32 s2, s14  }
0x8e: {  	[smem:$0x3FC0] =	sst s2  }
0x8f: {  	_ = 	snop  }
0x90: {  	s2 =	sld [smem:$0x3FD0];
	_ =	sdelay $0x2  }
0x91: {  	s15 =	simm.s32 $0xB;
	s4 =	simm.s32 $0x10  }
0x92: {  	[smem:s4], [sflag:s15] =	dma.local [hbm:s2], $0x1  }
0x93: {  	_ =	swait.eq [sflag:s15], $0x1  }
0x94: {  	s16 =	sld [smem:$0x10];
	[sflag:s15] =	ssyncset.done $0x0  }
0x95: {  	s17 =	sld [smem:$0x11];
	[sflag:s15] =	ssyncadd.s32 $0xFFFFFFFF  }
0x96: {  	s18 =	sld [smem:$0x12];
	(tm) =	ssettm $0x1  }
0x97: {  	s5 =	sld [smem:$0x3FFB];
	_ =	sdelay $0x3  }
0x98: {  	_ =	strace s5  }
0x99: {  	s5 =	sld [smem:$0x3FFC];
	_ =	sdelay $0x3  }
0x9a: {  	_ =	strace s5  }
0x9b: {  	s5 =	sld [smem:$0x3FFD];
	_ =	sdelay $0x3  }
0x9c: {  	_ =	strace s5  }
0x9d: {  	_ =	strace $0x8FFFFFFF  }
0x9e: {  	s19 =	sld [smem:$0x3FDB];
	_ =	sdelay $0x1  }
0x9f: {  	s6 =	simm.s32 $_scs_section_size  }
0xa0: {  	s7 =	simm.s32 $_size__tile_overlayer_lowered;
	s8 =	simm.s32 $_tile_overlayer_lowered  }
0xa1: {  	s22 =	simm.s32 $0x1BFF;
	s21 =	sshll.u32 s8, $0x1;
	s5 =	sadd.s32 s6, s19  }
0xa2: {  	s9 =	simm.s32 $0x0;
	s20 =	sshll.u32 s7, $0x1;
	s7 =	sadd.s32 s21, s5  }
0xa3: {  	[timem:s9], [sflag:s22] =	dma.local [hbm:s7], s20  }
0xa4: {  	_ =	swait.ge [sflag:s22], s20  }
0xa5: {  	s6 =	ssub.s32 $0x0, s20;
	[sflag:s22] =	ssyncset.done $0x0  }
0xa6: {  	[sflag:s22] =	ssyncadd.s32 s6;
	_ =	sdelay $0x1  }
0xa7: {  	s23 =	simm.s32 $0x1B8B  }
0xa8: {  	_ =	swait.ge [sflag:s23], $0x1  }
0xa9: {  	[sflag:s23] =	ssyncset.done $0x0  }
0xaa: {  	s25 =	simm.s32 $0x1B8E;
	s24 =	sld [smem:$0x3FFE];
	[sflag:s23] =	ssyncadd.s32 $0xFFFFFFFF  }
0xab: {  	s26 =	simm.s32 $execute0_lowered;
	[smem:$0x3FD2] =	sst s25  }
0xac: {  	s7 =	sshll.u32 s26, $0x1;
	_ =	strace $0x80000049;
	[dreg:$0x1] =	wrdreg $0xFFFFFFFF  }
0xad: {  	s28 =	simm.s32 $_size_execute0_lowered;
	s5 =	sadd.s32 s5, s7;
	[dreg:$0x0] =	wrdreg $0x0  }
0xae: {  	s7 =	sshll.u32 s28, $0x1;
	[dreg:$0x2] =	wrdreg s5  }
0xaf: {  	[dreg:$0x3] =	wrdreg s7  }
0xb0: {  	[dreg:$0x4] =	wrdreg $0xC0  }
0xb1: {  	_ =	task [dreg:s9], $0x5FFFF  }
0xb2: {  	[dreg:$0x1] =	wrdreg $0xFFFFFFFF  }
0xb3: {  	[dreg:$0x0] =	wrdreg $0x60  }
0xb4: {  	[dreg:$0x2] =	wrdreg s24  }
0xb5: {  	[dreg:$0x3] =	wrdreg s17  }
0xb6: {  	[dreg:$0x4] =	wrdreg s18  }
0xb7: {  	[dreg:$0x5] =	wrdreg s16  }
0xb8: {  	[dreg:$0x6] =	wrdreg $0xA8800  }
0xb9: {  	[dreg:$0x7] =	wrdreg $0x9  }
0xba: {  	_ =	task.clear_ibuf [dreg:s9], $0x8FFFF;
	_ =	strace $0x90000049  }
0xbb: {  	s29 =	simm.s32 $0x9;
	_ =	strace $0x8000004B  }
0xbc: {  	_ =	swait.ge [sflag:s29], $0x1  }
0xbd: {  	[sflag:s29] =	ssyncadd.s32 $0xFFFFFFFF  }
0xbe: {  	_ =	strace $0x9000004B  }
0xbf: {  	_ =	sfence  }
0xc0: {  	s30 =	sld [smem:$0x0];
	_ =	sdelay $0x2  }
0xc1: {  	s31 =	sshll.u32 s1, $0xD;
	s1 =	sshrl.u32 s1, $0x2  }
0xc2: {  	s3 =	sand.u32 $0x4000, s31;
	s1 =	sadd.s32 s1, s30  }
0xc3: {  	s0 =	sor.u32 s3, s0;
	s1 =	sshll.u32 s1, $0x11  }
0xc4: {  	s0 =	sor.u32 s1, s0  }
0xc5: {  	s0 =	sadd.s32 $0x8F2B, s0  }
0xc6: {  	[sflag:s0] =	ssyncadd.remote.s32 $0x1  }
0xc7: {  	_ =	sfence.sel $0xFFFF  }
0xc8: {  	[dreg:$0x0] =	wrdreg $0xFFFFFFFF;
	(pc) =	sbr.abs _section_cstart, $3  }
0xc9: {  	[dreg:$0x1] =	wrdreg $0xFFFFFFFF  }
0xca: {  	_ =	task.clear_ibuf [dreg:s9], $0x2FFFF;
	_ =	strace $0x9FFFFFFF  }
0xcb: {  	(tm) =	ssettm $0x7FFFFFFF  }
tec
execute0_lowered:
.L_overlay_start_1:
0x0: {  	(tag) =	ssettag $0x1  }
0x1: {  	s0 =	rddreg [dreg:$0x0]  }
0x2: {  	s1 =	rddreg [dreg:$0x1]  }
0x3: {  	s2 =	rddreg [dreg:$0x2]  }
0x4: {  	s24 =	rddreg [dreg:$0x3]  }
0x5: {  	s3 =	rddreg [dreg:$0x4];
	s4 =	simm.s32 $0x0;
	s16 =	stileid.u32  }
0x6: {  	s5 =	srdreg.scid;
	s28 =	simm.s32 $0x80;
	s29 =	simm.s32 $0x2880  }
0x7: {  	s30 =	simm.s32 $0x2800;
	s31 =	simm.s32 $0x6880;
	s6 =	smul.u32 $0x2800, s16  }
0x8: {  	[smem:$0x7FF] =	sst s4;
	s10 =	sand.u32 $0x1, s5;
	s8 =	smul.u32 $0x50000, s16  }
0x9: {  	s5 =	sadd.s32 $0x2D400, s0;
	s9 =	smul.u32 $0x4E, s16;
	s12 =	smin.u32 s16, $0x2  }
0xa: {  	s18 =	sshll.u32 s16, $0x6;
	p0 =	slt.u32 s16, $0x2;
	s23 =	smul.u32 $0x2700, s16  }
0xb: {  	p2 =	sgt.u32 s16, $0x1;
	_ =	strace $0x8000004A;
	s7 =	ssub.s32 $0x2, s10  }
0xc: {  	s26 =	sshll.u32 s12, $0x7;
	p1 =	sne.s32 s10, $0x0;
	s0 =	sadd.s32 s6, s0  }
0xd: {  	s15 =	sshrl.u32 s7, $0x1;
	s17 =	sshrl.u32 s8, $0x2;
	s19 =	sadd.s32 s12, s9  }
0xe: {  	s8 =	simm.s32 $0x4F;
	s11 =	ssub.s32 s7, s15;
	s6 =	sadd.s32 s17, s3  }
0xf: {  	s7 =	sor.u32 $0x1C04, s18;
	s13 =	sshll.u32 s19, $0x4;
	s8 =	simm.s32 @!p0 $0x4E  }
0x10: {  	s22 =	sadd.s32 $0xA5C00, s0;
	s0 =	sadd.s32 $0x7DC00, s0;
	s19 =	smul.u32 $0x4E0, s16  }
0x11: {  	s14 =	sadd.s32 $0x4E20, s13;
	s9 =	sadd.s32 s1, s13;
	[dreg:$0x9] =	wrdreg s22  }
0x12: {  	s15 =	sadd.s32 s2, s13;
	[dreg:$0xb] =	wrdreg s0;
	s17 =	smax.u32 s11, $0x1  }
0x13: {  	s13 =	sadd.s32 s26, s23;
	s11 =	simm.s32 $0x0;
	s1 =	sadd.s32 s1, s14  }
0x14: {  	s20 =	sadd.s32 $0x5300, s9;
	s21 =	sadd.s32 s2, s14;
	[dreg:$0x6] =	wrdreg s1  }
0x15: {  	s25 =	sadd.s32 $0x4E0, s9;
	s14 =	sadd.s32 $0x4E30, s15;
	[dreg:$0x7] =	wrdreg s20  }
0x16: {  	s18 =	sadd.s32 $0x27280, s13;
	s0 =	sadd.s32 $0x27300, s13;
	[dreg:$0x8] =	wrdreg s21  }
0x17: {  	s22 =	sadd.s32 s19, s2;
	s23 =	sadd.s32 $0x10, s15;
	[dreg:$0xa] =	wrdreg s25  }
0x18: {  	s26 =	sadd.s32 $0x20, s15;
	[dreg:$0xc] =	wrdreg s14;
	s1 =	sshrl.u32 s18, $0x3  }
.Ltmp0:
0x19: {  	s0 =	sshrl.u32 s0, $0x3;
	[dreg:$0xe] =	wrdreg s23;
	(pc) =	sbr.rel .LBB2_1-.Ltmp0, $4  }
0x1a: {  	s21 =	sadd.s32 $0x4E40, s15;
	s25 =	sshll.u32 s12, $0x4;
	[dreg:$0xf] =	wrdreg s26  }
0x1b: {  	s26 =	simm.s32 $0x2780;
	[dreg:$0xd] =	wrdreg s21;
	s20 =	sadd.s32 s1, s2  }
0x1c: {  	s21 =	sadd.s32 s0, s2;
	s23 =	sadd.s32 s25, s22;
	s25 =	simm.s32 $0x4  }
0x1d: {  	s0 =	simm.s32 $0x1;
	s2 =	simm.s32 $0x2;
	s1 =	simm.s32 $0x3  }
.LBB2_8:
0x1e: {  	_ =	swait.ge [sflag:s1], $0x4000  }
0x1f: {  	[sflag:s1] =	ssyncset.done $0x0  }
0x20: {  	[sflag:s1] =	ssyncadd.s32 $0xFFFFC000  }
0x21: {  	_ =	swait.ge [sflag:s0], $0x4000  }
0x22: {  	[sflag:s0] =	ssyncset.done $0x0  }
0x23: {  	[sflag:s0] =	ssyncadd.s32 $0xFFFFC000  }
0x24: {  	_ =	swait.ge [sflag:s2], $0x80  }
0x25: {  	[sflag:s2] =	ssyncset.done $0x0  }
0x26: {  	[sflag:s2] =	ssyncadd.s32 $0xFFFFFF80  }
0x27: {  	[spmem:s3] =	stream.indirect.scatter.add.f32 [tilespmem:s29], [sflag:$0x3], $0x80, s26, s28, $0xb8;
	[tilespmem:$0x1E880] =	vst v63  }
.LBB2_9:
0x28: {  	_ =	swait.ge [sflag:s1], $0x4000  }
0x29: {  	s11 =	sadd.s32 $0x1, s11;
	[sflag:s1] =	ssyncset.done $0x0  }
0x2a: {  	p3 =	sne.s32 s11, s17;
	[sflag:s1] =	ssyncadd.s32 $0xFFFFC000  }
.Ltmp1:
0x2b: {  	[bflag:$0x0] =	sbarrier.arrive $0xFFFF;
	(pc) =	sbr.rel @!p3 .LBB2_10-.Ltmp1, $4  }
0x2c: {  	[hbm:s13], [sflag:s7] =	dma.local [spmem:s12], $0x2800  }
0x2d: {  	_ =	swait.ge [sflag:s25], $0x2800  }
0x2e: {  	[sflag:s25] =	ssyncset.done $0x0  }
0x2f: {  	[sflag:s25] =	ssyncadd.s32 $0xFFFFD800  }
.LBB2_1:
0x30: {  	s12 =	sshrl.u32 s6, $0x3  }
0x31: {  	[spmem:s12], [sflag:s7] =	dma.local [hbm:s24], $0x2800  }
.Ltmp2:
0x32: {  	_ =	swait.ge [sflag:s25], $0x2800;
	(pc) =	sbr.rel @p1 .LBB2_5-.Ltmp2, $3  }
0x33: {  	[sflag:s25] =	ssyncset.done $0x0  }
0x34: {  	[sflag:s25] =	ssyncadd.s32 $0xFFFFD800  }
0x35: {  	[bflag:$0x0] =	sbarrier.arrive $0xFFFF;
	_ =	sdelay $0x1  }
0x36: {  	[tilespmem:s4], [sflag:$0x4] =	stream.linear.gather [hbm4b:s9+s4], $0x2700, $0x38;
	[tilespmem:$0x1E880] =	vst v63  }
0x37: {  	_ =	swait.ge [sflag:s25], $0x2700  }
0x38: {  	s13 =	simm.s32 @!p2 $0x0;
	[sflag:s25] =	ssyncset.done $0x0  }
0x39: {  	s14 =	simm.s32 @!p2 $0x2700;
	s10 =	rddreg [dreg:$0xa];
	[sflag:s25] =	ssyncadd.s32 $0xFFFFD900  }
0x3a: {  	[tilespmem:s14], [sflag:$0x4] =	stream.linear.gather @!p2 [hbm4b:s10+s13], $0x80, $0x38;
	[tilespmem:$0x1E880] =	vst v63  }
0x3b: {  	s13 =	simm.s32 @!p2 $0x4  }
0x3c: {  	_ =	swait.ge @!p2 [sflag:s13], $0x80  }
0x3d: {  	[sflag:s13] =	ssyncset.done @!p2 $0x0  }
0x3e: {  	s22 =	simm.s32 $0x0;
	[sflag:s13] =	ssyncadd.s32 @!p2 $0xFFFFFF80  }
0x3f: {  	[tilespmem:s26], [sflag:$0x2] =	stream.linear.gather [hbm4b:s15+s22], $0x80, $0x38;
	[tilespmem:$0x1E880] =	vst v63  }
0x40: {  	_ = 	snop  }
0x41: {  	[tilespmem:s29], [sflag:$0x1] =	stream.indirect.gather [hbm4b:s5+s28], $0x80, s22, s28, $0xb8;
	[tilespmem:$0x1E880] =	vst v63  }
0x42: {  	s14 =	rddreg [dreg:$0xe]  }
0x43: {  	[tilespmem:s30], [sflag:$0x2] =	stream.linear.gather [hbm4b:s14+s22], $0x80, $0x38;
	[tilespmem:$0x1E880] =	vst v63  }
0x44: {  	_ = 	snop  }
0x45: {  	[tilespmem:s31], [sflag:$0x1] =	stream.indirect.gather [hbm4b:s5+s28], $0x80, s28, s28, $0xb8;
	[tilespmem:$0x1E880] =	vst v63  }
0x46: {  	_ =	swait.ge [sflag:s0], $0x4000  }
0x47: {  	[sflag:s0] =	ssyncset.done $0x0  }
0x48: {  	[sflag:s0] =	ssyncadd.s32 $0xFFFFC000  }
0x49: {  	_ =	swait.ge [sflag:s2], $0x80  }
0x4a: {  	[sflag:s2] =	ssyncset.done $0x0  }
0x4b: {  	[sflag:s2] =	ssyncadd.s32 $0xFFFFFF80  }
0x4c: {  	[spmem:s3] =	stream.indirect.scatter.add.f32 [tilespmem:s29], [sflag:$0x3], $0x80, s26, s28, $0xb8;
	[tilespmem:$0x1E880] =	vst v63  }
0x4d: {  	_ =	swait.ge [sflag:s1], $0x4000  }
0x4e: {  	[sflag:s1] =	ssyncset.done $0x0  }
0x4f: {  	s16 =	rddreg [dreg:$0xf];
	[sflag:s1] =	ssyncadd.s32 $0xFFFFC000  }
0x50: {  	[tilespmem:s26], [sflag:$0x2] =	stream.linear.gather [hbm4b:s16+s22], $0x80, $0x38;
	[tilespmem:$0x1E880] =	vst v63  }
0x51: {  	s18 =	simm.s32 $0x100  }
0x52: {  	[tilespmem:s29], [sflag:$0x1] =	stream.indirect.gather [hbm4b:s5+s28], $0x80, s18, s28, $0xb8;
	[tilespmem:$0x1E880] =	vst v63  }
0x53: {  	_ =	swait.ge [sflag:s0], $0x4000  }
0x54: {  	[sflag:s0] =	ssyncset.done $0x0  }
0x55: {  	[sflag:s0] =	ssyncadd.s32 $0xFFFFC000  }
0x56: {  	_ =	swait.ge [sflag:s2], $0x80  }
0x57: {  	[sflag:s2] =	ssyncset.done $0x0  }
0x58: {  	[sflag:s2] =	ssyncadd.s32 $0xFFFFFF80  }
0x59: {  	[spmem:s3] =	stream.indirect.scatter.add.f32 [tilespmem:s31], [sflag:$0x3], $0x80, s30, s28, $0xb8;
	[tilespmem:$0x1E880] =	vst v63  }
0x5a: {  	_ =	swait.ge [sflag:s1], $0x4000  }
0x5b: {  	s19 =	sadd.s32 $0x0, s23;
	[sflag:s1] =	ssyncset.done $0x0  }
0x5c: {  	s13 =	sadd.s32 $0x30, s19;
	[sflag:s1] =	ssyncadd.s32 $0xFFFFC000  }
0x5d: {  	[tilespmem:s30], [sflag:$0x2] =	stream.linear.gather [hbm4b:s13+s4], $0x80, $0x38;
	[tilespmem:$0x1E880] =	vst v63  }
0x5e: {  	s22 =	simm.s32 $0x180  }
0x5f: {  	[tilespmem:s31], [sflag:$0x1] =	stream.indirect.gather [hbm4b:s5+s28], $0x80, s22, s28, $0xb8;
	[tilespmem:$0x1E880] =	vst v63  }
0x60: {  	_ =	swait.ge [sflag:s0], $0x4000  }
0x61: {  	[sflag:s0] =	ssyncset.done $0x0  }
0x62: {  	[sflag:s0] =	ssyncadd.s32 $0xFFFFC000  }
0x63: {  	_ =	swait.ge [sflag:s2], $0x80  }
0x64: {  	[sflag:s2] =	ssyncset.done $0x0  }
0x65: {  	[sflag:s2] =	ssyncadd.s32 $0xFFFFFF80  }
0x66: {  	[spmem:s3] =	stream.indirect.scatter.add.f32 [tilespmem:s29], [sflag:$0x3], $0x80, s26, s28, $0xb8;
	[tilespmem:$0x1E880] =	vst v63  }
0x67: {  	p3 =	sle.u32 s8, $0x4;
	_ =	swait.ge [sflag:s1], $0x4000  }
0x68: {  	s14 =	simm.s32 @!p3 $0x2780;
	s13 =	sadd.s32 @!p3 $0x0, s23;
	[sflag:s1] =	ssyncset.done $0x0  }
0x69: {  	s16 =	simm.s32 @!p3 $0x0;
	s13 =	sadd.s32 @!p3 $0x40, s13;
	[sflag:s1] =	ssyncadd.s32 $0xFFFFC000  }
0x6a: {  	[tilespmem:s14], [sflag:$0x2] =	stream.linear.gather @!p3 [hbm4b:s13+s16], $0x80, $0x38;
	[tilespmem:$0x1E880] =	vst v63  }
0x6b: {  	s13 =	simm.s32 @!p3 $0x200;
	s14 =	simm.s32 @!p3 $0x80;
	s16 =	simm.s32 @!p3 $0x2880  }
0x6c: {  	[tilespmem:s16], [sflag:$0x1] =	stream.indirect.gather @!p3 [hbm4b:s5+s14], $0x80, s13, s14, $0xb8;
	[tilespmem:$0x1E880] =	vst v63  }
0x6d: {  	_ =	swait.ge [sflag:s0], $0x4000  }
0x6e: {  	[sflag:s0] =	ssyncset.done $0x0  }
0x6f: {  	[sflag:s0] =	ssyncadd.s32 $0xFFFFC000  }
0x70: {  	_ =	swait.ge [sflag:s2], $0x80  }
0x71: {  	s18 =	simm.s32 $0x6;
	[sflag:s2] =	ssyncset.done $0x0  }
0x72: {  	s14 =	simm.s32 $0x20;
	s13 =	simm.s32 $0x280;
	[sflag:s2] =	ssyncadd.s32 $0xFFFFFF80  }
.LBB2_3:
0x73: {  	[spmem:s3] =	stream.indirect.scatter.add.f32 [tilespmem:s31], [sflag:$0x3], $0x80, s30, s28, $0xb8;
	[tilespmem:$0x1E880] =	vst v63  }
0x74: {  	s16 =	smov.u32 s14;
	s14 =	sadd.s32 $0x20, s14;
	_ =	swait.ge [sflag:s1], $0x4000  }
0x75: {  	s19 =	sadd.s32 s16, s23;
	p3 =	sne.s32 s14, $0x4C0;
	[sflag:s1] =	ssyncset.done $0x0  }
0x76: {  	s19 =	sadd.s32 $0x30, s19;
	[sflag:s1] =	ssyncadd.s32 $0xFFFFC000  }
0x77: {  	[tilespmem:s30], [sflag:$0x2] =	stream.linear.gather [hbm4b:s19+s4], $0x80, $0x38;
	[tilespmem:$0x1E880] =	vst v63  }
0x78: {  	_ = 	snop  }
0x79: {  	[tilespmem:s31], [sflag:$0x1] =	stream.indirect.gather [hbm4b:s5+s28], $0x80, s13, s28, $0xb8;
	[tilespmem:$0x1E880] =	vst v63  }
0x7a: {  	_ =	swait.ge [sflag:s0], $0x4000  }
0x7b: {  	[sflag:s0] =	ssyncset.done $0x0  }
0x7c: {  	[sflag:s0] =	ssyncadd.s32 $0xFFFFC000  }
0x7d: {  	_ =	swait.ge [sflag:s2], $0x80  }
0x7e: {  	[sflag:s2] =	ssyncset.done $0x0  }
0x7f: {  	[sflag:s2] =	ssyncadd.s32 $0xFFFFFF80  }
0x80: {  	[spmem:s3] =	stream.indirect.scatter.add.f32 [tilespmem:s29], [sflag:$0x3], $0x80, s26, s28, $0xb8;
	[tilespmem:$0x1E880] =	vst v63  }
0x81: {  	p4 =	sge.u32 s18, s8;
	_ =	swait.ge [sflag:s1], $0x4000  }
0x82: {  	s16 =	sadd.s32 @!p4 s16, s23;
	s19 =	simm.s32 @!p4 $0x2780;
	[sflag:s1] =	ssyncset.done $0x0  }
0x83: {  	s22 =	simm.s32 @!p4 $0x0;
	s16 =	sadd.s32 @!p4 $0x40, s16;
	[sflag:s1] =	ssyncadd.s32 $0xFFFFC000  }
0x84: {  	[tilespmem:s19], [sflag:$0x2] =	stream.linear.gather @!p4 [hbm4b:s16+s22], $0x80, $0x38;
	[tilespmem:$0x1E880] =	vst v63  }
0x85: {  	s16 =	sadd.s32 @!p4 $0x80, s13;
	s19 =	simm.s32 @!p4 $0x80;
	s22 =	simm.s32 @!p4 $0x2880  }
0x86: {  	[tilespmem:s22], [sflag:$0x1] =	stream.indirect.gather @!p4 [hbm4b:s5+s19], $0x80, s16, s19, $0xb8;
	[tilespmem:$0x1E880] =	vst v63  }
0x87: {  	_ =	swait.ge [sflag:s0], $0x4000  }
.Ltmp3:
0x88: {  	[sflag:s0] =	ssyncset.done $0x0;
	(pc) =	sbr.rel @p3 .LBB2_3-.Ltmp3, $4  }
0x89: {  	[sflag:s0] =	ssyncadd.s32 $0xFFFFC000  }
0x8a: {  	_ =	swait.ge [sflag:s2], $0x80  }
0x8b: {  	[sflag:s2] =	ssyncset.done $0x0  }
0x8c: {  	s18 =	sadd.s32 $0x2, s18;
	s13 =	sadd.s32 $0x100, s13;
	[sflag:s2] =	ssyncadd.s32 $0xFFFFFF80  }
.Ltmp4:
0x8d: {  	(pc) =	sbr.rel @p0 .LBB2_8-.Ltmp4, $4  }
.Ltmp5:
0x8e: {  	(pc) =	sbr.rel @!p0 .LBB2_9-.Ltmp5, $4  }
0x8f: {  	_ = 	snop  }
0x90: {  	[spmem:s3] =	stream.indirect.scatter.add.f32 [tilespmem:s31], [sflag:$0x3], $0x80, s30, s28, $0xb8;
	[tilespmem:$0x1E880] =	vst v63  }
0x91: {  	s13 =	rddreg [dreg:$0xb]  }
0x92: {  	_ = 	snop  }
.LBB2_5:
0x93: {  	s13 =	rddreg [dreg:$0x6]  }
0x94: {  	[tilespmem:s4], [sflag:$0x4] =	stream.linear.gather [hbm4b:s13+s4], $0x2700, $0x38;
	[tilespmem:$0x1E880] =	vst v63  }
0x95: {  	_ =	swait.ge [sflag:s25], $0x2700  }
0x96: {  	s14 =	simm.s32 @!p2 $0x2700;
	[sflag:s25] =	ssyncset.done $0x0  }
0x97: {  	s13 =	simm.s32 @!p2 $0x0;
	s16 =	rddreg [dreg:$0x7];
	[sflag:s25] =	ssyncadd.s32 $0xFFFFD900  }
0x98: {  	[tilespmem:s14], [sflag:$0x4] =	stream.linear.gather @!p2 [hbm4b:s16+s13], $0x80, $0x38;
	[tilespmem:$0x1E880] =	vst v63  }
0x99: {  	s13 =	simm.s32 @!p2 $0x4  }
0x9a: {  	_ =	swait.ge @!p2 [sflag:s13], $0x80  }
0x9b: {  	[sflag:s13] =	ssyncset.done @!p2 $0x0  }
0x9c: {  	s16 =	rddreg [dreg:$0x8];
	[sflag:s13] =	ssyncadd.s32 @!p2 $0xFFFFFF80  }
0x9d: {  	[tilespmem:s26], [sflag:$0x2] =	stream.linear.gather [hbm4b:s16+s4], $0x80, $0x38;
	[tilespmem:$0x1E880] =	vst v63  }
0x9e: {  	_ = 	snop  }
0x9f: {  	[tilespmem:s29], [sflag:$0x1] =	stream.indirect.gather [hbm4b:s5+s28], $0x80, s4, s28, $0xb8;
	[tilespmem:$0x1E880] =	vst v63  }
0xa0: {  	s18 =	rddreg [dreg:$0xc]  }
0xa1: {  	[tilespmem:s30], [sflag:$0x2] =	stream.linear.gather [hbm4b:s18+s4], $0x80, $0x38;
	[tilespmem:$0x1E880] =	vst v63  }
0xa2: {  	_ = 	snop  }
0xa3: {  	[tilespmem:s31], [sflag:$0x1] =	stream.indirect.gather [hbm4b:s5+s28], $0x80, s28, s28, $0xb8;
	[tilespmem:$0x1E880] =	vst v63  }
0xa4: {  	_ =	swait.ge [sflag:s0], $0x4000  }
0xa5: {  	[sflag:s0] =	ssyncset.done $0x0  }
0xa6: {  	[sflag:s0] =	ssyncadd.s32 $0xFFFFC000  }
0xa7: {  	_ =	swait.ge [sflag:s2], $0x80  }
0xa8: {  	[sflag:s2] =	ssyncset.done $0x0  }
0xa9: {  	[sflag:s2] =	ssyncadd.s32 $0xFFFFFF80  }
0xaa: {  	[spmem:s3] =	stream.indirect.scatter.add.f32 [tilespmem:s29], [sflag:$0x3], $0x80, s26, s28, $0xb8;
	[tilespmem:$0x1E880] =	vst v63  }
0xab: {  	_ =	swait.ge [sflag:s1], $0x4000  }
0xac: {  	[sflag:s1] =	ssyncset.done $0x0  }
0xad: {  	s19 =	rddreg [dreg:$0xd];
	[sflag:s1] =	ssyncadd.s32 $0xFFFFC000  }
0xae: {  	[tilespmem:s26], [sflag:$0x2] =	stream.linear.gather [hbm4b:s19+s4], $0x80, $0x38;
	[tilespmem:$0x1E880] =	vst v63  }
0xaf: {  	s22 =	simm.s32 $0x100  }
0xb0: {  	[tilespmem:s29], [sflag:$0x1] =	stream.indirect.gather [hbm4b:s5+s28], $0x80, s22, s28, $0xb8;
	[tilespmem:$0x1E880] =	vst v63  }
0xb1: {  	_ =	swait.ge [sflag:s0], $0x4000  }
0xb2: {  	[sflag:s0] =	ssyncset.done $0x0  }
0xb3: {  	[sflag:s0] =	ssyncadd.s32 $0xFFFFC000  }
0xb4: {  	_ =	swait.ge [sflag:s2], $0x80  }
0xb5: {  	[sflag:s2] =	ssyncset.done $0x0  }
0xb6: {  	[sflag:s2] =	ssyncadd.s32 $0xFFFFFF80  }
0xb7: {  	[spmem:s3] =	stream.indirect.scatter.add.f32 [tilespmem:s31], [sflag:$0x3], $0x80, s30, s28, $0xb8;
	[tilespmem:$0x1E880] =	vst v63  }
0xb8: {  	_ =	swait.ge [sflag:s1], $0x4000  }
0xb9: {  	[sflag:s1] =	ssyncset.done $0x0  }
0xba: {  	[sflag:s1] =	ssyncadd.s32 $0xFFFFC000  }
0xbb: {  	[tilespmem:s30], [sflag:$0x2] =	stream.linear.gather [hbm4b:s20+s4], $0x80, $0x38;
	[tilespmem:$0x1E880] =	vst v63  }
0xbc: {  	s10 =	smov.u32 s24;
	s24 =	simm.s32 $0x180  }
0xbd: {  	[tilespmem:s31], [sflag:$0x1] =	stream.indirect.gather [hbm4b:s5+s28], $0x80, s24, s28, $0xb8;
	[tilespmem:$0x1E880] =	vst v63  }
0xbe: {  	_ =	swait.ge [sflag:s0], $0x4000  }
0xbf: {  	[sflag:s0] =	ssyncset.done $0x0  }
0xc0: {  	[sflag:s0] =	ssyncadd.s32 $0xFFFFC000  }
0xc1: {  	_ =	swait.ge [sflag:s2], $0x80  }
0xc2: {  	[sflag:s2] =	ssyncset.done $0x0  }
0xc3: {  	[sflag:s2] =	ssyncadd.s32 $0xFFFFFF80  }
0xc4: {  	[spmem:s3] =	stream.indirect.scatter.add.f32 [tilespmem:s29], [sflag:$0x3], $0x80, s26, s28, $0xb8;
	[tilespmem:$0x1E880] =	vst v63  }
0xc5: {  	_ =	swait.ge [sflag:s1], $0x4000  }
0xc6: {  	p3 =	sle.u32 s8, $0x4;
	[sflag:s1] =	ssyncset.done $0x0  }
0xc7: {  	s14 =	simm.s32 @!p3 $0x2780;
	s13 =	simm.s32 @!p3 $0x0;
	[sflag:s1] =	ssyncadd.s32 $0xFFFFC000  }
0xc8: {  	[tilespmem:s14], [sflag:$0x2] =	stream.linear.gather @!p3 [hbm4b:s21+s13], $0x80, $0x38;
	[tilespmem:$0x1E880] =	vst v63  }
0xc9: {  	s16 =	simm.s32 @!p3 $0x2880;
	s13 =	simm.s32 @!p3 $0x200;
	s14 =	simm.s32 @!p3 $0x80  }
0xca: {  	[tilespmem:s16], [sflag:$0x1] =	stream.indirect.gather @!p3 [hbm4b:s5+s14], $0x80, s13, s14, $0xb8;
	[tilespmem:$0x1E880] =	vst v63  }
0xcb: {  	_ =	swait.ge [sflag:s0], $0x4000  }
0xcc: {  	[sflag:s0] =	ssyncset.done $0x0  }
0xcd: {  	[sflag:s0] =	ssyncadd.s32 $0xFFFFC000  }
0xce: {  	_ =	swait.ge [sflag:s2], $0x80  }
0xcf: {  	s18 =	sadd.s32 $0x20, s20;
	s14 =	simm.s32 $0x6;
	[sflag:s2] =	ssyncset.done $0x0  }
0xd0: {  	s13 =	sadd.s32 $0x20, s21;
	s16 =	simm.s32 $0x280;
	[sflag:s2] =	ssyncadd.s32 $0xFFFFFF80  }
.LBB2_6:
0xd1: {  	[spmem:s3] =	stream.indirect.scatter.add.f32 [tilespmem:s31], [sflag:$0x3], $0x80, s30, s28, $0xb8;
	[tilespmem:$0x1E880] =	vst v63  }
0xd2: {  	s19 =	smov.u32 s14;
	s14 =	sadd.s32 $0x2, s14;
	_ =	swait.ge [sflag:s1], $0x4000  }
0xd3: {  	p3 =	sne.s32 s14, $0x50;
	[sflag:s1] =	ssyncset.done $0x0  }
0xd4: {  	[sflag:s1] =	ssyncadd.s32 $0xFFFFC000  }
0xd5: {  	[tilespmem:s30], [sflag:$0x2] =	stream.linear.gather [hbm4b:s18+s4], $0x80, $0x38;
	[tilespmem:$0x1E880] =	vst v63  }
0xd6: {  	_ = 	snop  }
0xd7: {  	[tilespmem:s31], [sflag:$0x1] =	stream.indirect.gather [hbm4b:s5+s28], $0x80, s16, s28, $0xb8;
	[tilespmem:$0x1E880] =	vst v63  }
0xd8: {  	_ =	swait.ge [sflag:s0], $0x4000  }
0xd9: {  	[sflag:s0] =	ssyncset.done $0x0  }
0xda: {  	[sflag:s0] =	ssyncadd.s32 $0xFFFFC000  }
0xdb: {  	_ =	swait.ge [sflag:s2], $0x80  }
0xdc: {  	[sflag:s2] =	ssyncset.done $0x0  }
0xdd: {  	[sflag:s2] =	ssyncadd.s32 $0xFFFFFF80  }
0xde: {  	[spmem:s3] =	stream.indirect.scatter.add.f32 [tilespmem:s29], [sflag:$0x3], $0x80, s26, s28, $0xb8;
	[tilespmem:$0x1E880] =	vst v63  }
0xdf: {  	_ =	swait.ge [sflag:s1], $0x4000  }
0xe0: {  	p4 =	sge.u32 s19, s8;
	[sflag:s1] =	ssyncset.done $0x0  }
0xe1: {  	s19 =	simm.s32 @!p4 $0x0;
	s22 =	simm.s32 @!p4 $0x2780;
	[sflag:s1] =	ssyncadd.s32 $0xFFFFC000  }
0xe2: {  	[tilespmem:s22], [sflag:$0x2] =	stream.linear.gather @!p4 [hbm4b:s13+s19], $0x80, $0x38;
	[tilespmem:$0x1E880] =	vst v63  }
0xe3: {  	s24 =	simm.s32 @!p4 $0x2880;
	s19 =	sadd.s32 @!p4 $0x80, s16;
	s22 =	simm.s32 @!p4 $0x80  }
0xe4: {  	[tilespmem:s24], [sflag:$0x1] =	stream.indirect.gather @!p4 [hbm4b:s5+s22], $0x80, s19, s22, $0xb8;
	[tilespmem:$0x1E880] =	vst v63  }
0xe5: {  	_ =	swait.ge [sflag:s0], $0x4000  }
.Ltmp6:
0xe6: {  	[sflag:s0] =	ssyncset.done $0x0;
	(pc) =	sbr.rel @p3 .LBB2_6-.Ltmp6, $4  }
0xe7: {  	[sflag:s0] =	ssyncadd.s32 $0xFFFFC000  }
0xe8: {  	_ =	swait.ge [sflag:s2], $0x80  }
0xe9: {  	s13 =	sadd.s32 $0x20, s13;
	[sflag:s2] =	ssyncset.done $0x0  }
0xea: {  	s18 =	sadd.s32 $0x20, s18;
	s16 =	sadd.s32 $0x100, s16;
	[sflag:s2] =	ssyncadd.s32 $0xFFFFFF80  }
.Ltmp7:
0xeb: {  	(pc) =	sbr.rel @p2 .LBB2_9-.Ltmp7, $4  }
.Ltmp8:
0xec: {  	(pc) =	sbr.rel @!p2 .LBB2_8-.Ltmp8, $4  }
0xed: {  	_ = 	snop  }
0xee: {  	[spmem:s3] =	stream.indirect.scatter.add.f32 [tilespmem:s31], [sflag:$0x3], $0x80, s30, s28, $0xb8;
	[tilespmem:$0x1E880] =	vst v63  }
0xef: {  	s13 =	rddreg [dreg:$0x9];
	s24 =	smov.u32 s10  }
0xf0: {  	_ = 	snop  }
.LBB2_10:
0xf1: {  	_ =	sfence.sel $0x180000  }
0xf2: {  	[bflag:$0x0] =	sbarrier.arrive $0xFFFF  }
0xf3: {  	_ =	strace $0x9000004A  }
0xf4: {  	s0 =	stileid.u32;
	[bflag:$0x2] =	sbarrier.arrive $0xFFFF  }
0xf5: {  	p0 =	sne.s32 s0, $0x0;
	s0 =	rddreg [dreg:$0x5]  }
0xf6: {  	s0 =	sadd.s32 @!p0 $0x100000, s0  }
0xf7: {  	[sflag:s0] =	ssyncadd.tile.s32 @!p0 $0x1;
	_ =	shalt  }
.Lfunc_end2:
_tile_overlayer_lowered:
.L_overlay_start_2:
0xf8: {  	(tag) =	ssettag $0x2  }
0xf9: {  	s0 =	rddreg [dreg:$0x0];
	s2 =	stileid.u32  }
0xfa: {  	s1 =	rddreg [dreg:$0x1];
	p0 =	sne.s32 s2, $0x0  }
0xfb: {  	s3 =	rddreg [dreg:$0x2];
	[bflag:$0x3] =	sbarrier.arrive $0xFFFF;
	s2 =	simm.s32 @!p0 $0x1C04  }
0xfc: {  	[timem:s3], [sflag:s2] =	dma.local @!p0 [hbm:s0], s1  }
0xfd: {  	s0 =	simm.s32 @!p0 $0x4  }
0xfe: {  	_ =	swait.ge @!p0 [sflag:s0], s1  }
0xff: {  	s1 =	ssub.s32 @!p0 $0x0, s1;
	[sflag:s0] =	ssyncset.done @!p0 $0x0  }
0x100: {  	[sflag:s0] =	ssyncadd.s32 @!p0 s1  }
0x101: {  	[bflag:$0x3] =	sbarrier.arrive $0xFFFF  }
0x102: {  	_ =	shalt  }

// kernel: kernel.16.cloned.1.call-start
scs
__scs_entry_jumppad:
0x0: {  	(pc) =	sbr.rel $0x88, $3  }
0x1: {  	(tag) =	ssettag $0x0;
	lr =	simm.s32 $0x1  }
0x2: {  	[smem:$0x3F99] =	sst lr;
	_ =	strace $0xD0000000  }
0x3: {  	_ = 	snop  }
0x4: {  	_ = 	snop  }
0x5: {  	_ = 	snop  }
0x6: {  	_ = 	snop  }
0x7: {  	_ = 	snop  }
__scs_overlays_trampoline_lowered:
0x8: {  	[smem:$0x3FA8] =	sst s0  }
0x9: {  	[smem:$0x3FA9] =	sst s1  }
0xa: {  	[smem:$0x3FAA] =	sst s2  }
0xb: {  	[smem:$0x3FAB] =	sst s3  }
0xc: {  	[smem:$0x3FAC] =	sst s4  }
0xd: {  	[smem:$0x3FAD] =	sst s5  }
0xe: {  	[smem:$0x3FAE] =	sst s6  }
0xf: {  	[smem:$0x3FAF] =	sst s7  }
0x10: {  	[smem:$0x3FB0] =	sst s8  }
0x11: {  	[smem:$0x3FB1] =	sst s9;
	s0 =	simm.s32 @!p0 $0x0  }
0x12: {  	s1 =	sld [smem:$0x3F97];
	s0 =	simm.s32 @p0 $0x1  }
0x13: {  	[smem:$0x3FB2] =	sst s0;
	s0 =	simm.s32 @!p1 $0x0  }
0x14: {  	s2 =	sld [smem:$0x3F96];
	s0 =	simm.s32 @p1 $0x1  }
0x15: {  	[smem:$0x3FB3] =	sst s0;
	s0 =	simm.s32 @!p2 $0x0  }
0x16: {  	s3 =	sld [smem:$0x3FDB];
	s0 =	simm.s32 @p2 $0x1  }
0x17: {  	s4 =	simm.s32 $0x1BF5;
	[smem:$0x3FB5] =	sst s0  }
0x18: {  	s0 =	sld [smem:$0x3F98];
	_ =	swait.ge [sflag:s4], $0x0  }
0x19: {  	s7 =	sld [smem:$0x3F99]  }
0x1a: {  	s8 =	sadd.s32 $0xFFFFE003, lr  }
0x1b: {  	s9 =	sadd.s32 $0xFFFFFEF7, lr;
	s5 =	simm.s32 $0xFFFFFFFF;
	p2 =	slt.u32 s8, $0xFFFFF086  }
0x1c: {  	p1 =	slt.u32 s9, $0xF7A;
	s5 =	simm.s32 @!p2 $0x0  }
0x1d: {  	s5 =	simm.s32 @p1 $0x1;
	p0 =	seq.s32 s7, s2  }
0x1e: {  	s7 =	smul.u32 @!p0 $0xF7A, s2;
	p2 =	seq.s32 @!p0 s5, $0x0  }
0x1f: {  	s9 =	smul.u32 $0xF7A, s1;
	s8 =	simm.s32 @!p0 $0x1BF5;
	p2 =	por !p2, p0  }
0x20: {  	[sflag:s8] =	ssyncset.s32 @!p0 $0xFFFFF086;
	s6 =	sadd.s32 @!p0 s3, s7;
	s7 =	simm.s32 @!p0 $0x108  }
0x21: {  	s3 =	sadd.s32 s3, s9;
	s6 =	sadd.s32 @!p0 $0x88, s6;
	s7 =	simm.s32 @p2 $0x1082  }
0x22: {  	[simem:s7], [sflag:s8] =	dma.local @!p0 [hbm:s6], $0xF7A  }
0x23: {  	s9 =	sor.u32 $0xD0000000, s2;
	s6 =	simm.s32 $0x108;
	_ =	swait.ge @!p0 [sflag:s8], $0x0  }
0x24: {  	s3 =	sadd.s32 $0x88, s3;
	s6 =	simm.s32 @!p1 $0x1082;
	[sflag:s4] =	ssyncset.s32 $0xFFFFF086  }
0x25: {  	[simem:s6], [sflag:s4] =	dma.local [hbm:s3], $0xF7A  }
0x26: {  	[smem:$0x3F99] =	sst s1;
	(tag) =	ssettag s2;
	_ =	strace s9  }
0x27: {  	s1 =	sld [smem:$0x3FA9]  }
0x28: {  	s2 =	sld [smem:$0x3FAA]  }
0x29: {  	s4 =	sld [smem:$0x3FAC]  }
0x2a: {  	p0 =	seq.s32 s5, $0x0;
	s5 =	sld [smem:$0x3FAD]  }
0x2b: {  	s6 =	sld [smem:$0x3FAE]  }
0x2c: {  	s7 =	sld [smem:$0x3FAF]  }
0x2d: {  	s3 =	simm.s32 $0x108;
	s8 =	sld [smem:$0x3FB0]  }
0x2e: {  	s3 =	simm.s32 @!p0 $0x1082;
	s9 =	sld [smem:$0x3FB1]  }
0x2f: {  	lr =	sadd.s32 s0, s3;
	s0 =	sld [smem:$0x3FA8]  }
0x30: {  	s3 =	sld [smem:$0x3FAB]  }
0x31: {  	[smem:$0x3FB4] =	sst s10  }
0x32: {  	s10 =	sld [smem:$0x3FB2];
	_ =	sdelay $0x3  }
0x33: {  	p0 =	seq.s32 s10, $0x1;
	s10 =	sld [smem:$0x3FB4];
	_ =	sdelay $0x3  }
0x34: {  	[smem:$0x3FB4] =	sst s10  }
0x35: {  	s10 =	sld [smem:$0x3FB3];
	_ =	sdelay $0x3  }
0x36: {  	p1 =	seq.s32 s10, $0x1;
	s10 =	sld [smem:$0x3FB4];
	_ =	sdelay $0x3  }
0x37: {  	[smem:$0x3FB4] =	sst s10  }
0x38: {  	s10 =	sld [smem:$0x3FB5]  }
0x39: {  	_ = 	snop;
	(pc) =	sbr.ind lr, $3  }
0x3a: {  	_ = 	snop  }
0x3b: {  	_ = 	snop  }
0x3c: {  	p2 =	seq.s32 s10, $0x1;
	s10 =	sld [smem:$0x3FB4]  }
0x3d: {  	_ =	shalt  }
0x3e: {  	_ =	shalt  }
0x3f: {  	_ =	shalt  }
0x40: {  	_ =	shalt  }
0x41: {  	_ =	shalt  }
0x42: {  	_ =	shalt  }
0x43: {  	_ =	shalt  }
0x44: {  	_ =	shalt  }
0x45: {  	_ =	shalt  }
0x46: {  	_ =	shalt  }
0x47: {  	_ =	shalt  }
0x48: {  	_ =	shalt  }
0x49: {  	_ =	shalt  }
0x4a: {  	_ =	shalt  }
0x4b: {  	_ =	shalt  }
0x4c: {  	_ =	shalt  }
0x4d: {  	_ =	shalt  }
0x4e: {  	_ =	shalt  }
0x4f: {  	_ =	shalt  }
0x50: {  	_ =	shalt  }
0x51: {  	_ =	shalt  }
0x52: {  	_ =	shalt  }
0x53: {  	_ =	shalt  }
0x54: {  	_ =	shalt  }
0x55: {  	_ =	shalt  }
0x56: {  	_ =	shalt  }
0x57: {  	_ =	shalt  }
0x58: {  	_ =	shalt  }
0x59: {  	_ =	shalt  }
0x5a: {  	_ =	shalt  }
0x5b: {  	_ =	shalt  }
0x5c: {  	_ =	shalt  }
0x5d: {  	_ =	shalt  }
0x5e: {  	_ =	shalt  }
0x5f: {  	_ =	shalt  }
0x60: {  	_ =	shalt  }
0x61: {  	_ =	shalt  }
0x62: {  	_ =	shalt  }
0x63: {  	_ =	shalt  }
0x64: {  	_ =	shalt  }
0x65: {  	_ =	shalt  }
0x66: {  	_ =	shalt  }
0x67: {  	_ =	shalt  }
0x68: {  	_ =	shalt  }
0x69: {  	_ =	shalt  }
0x6a: {  	_ =	shalt  }
0x6b: {  	_ =	shalt  }
0x6c: {  	_ =	shalt  }
0x6d: {  	_ =	shalt  }
0x6e: {  	_ =	shalt  }
0x6f: {  	_ =	shalt  }
0x70: {  	_ =	shalt  }
0x71: {  	_ =	shalt  }
0x72: {  	_ =	shalt  }
0x73: {  	_ =	shalt  }
0x74: {  	_ =	shalt  }
0x75: {  	_ =	shalt  }
0x76: {  	_ =	shalt  }
0x77: {  	_ =	shalt  }
0x78: {  	_ =	shalt  }
0x79: {  	_ =	shalt  }
0x7a: {  	_ =	shalt  }
0x7b: {  	_ =	shalt  }
0x7c: {  	_ =	shalt  }
0x7d: {  	_ =	shalt  }
0x7e: {  	_ =	shalt  }
0x7f: {  	_ =	shalt  }
0x80: {  	_ =	shalt  }
0x81: {  	_ =	shalt  }
0x82: {  	_ =	shalt  }
0x83: {  	_ =	shalt  }
0x84: {  	_ =	shalt  }
0x85: {  	_ =	shalt  }
0x86: {  	_ =	shalt  }
0x87: {  	_ =	shalt  }
.Lfunc_end0:
.L_simem_size_0:
called_computation.2_lowered:
.L_overlay_start_0:
0x88: {  	s2 =	sld [smem:$0x3FD9]  }
0x89: {  	s3 =	sld [smem:$0x3FFE];
	_ =	sdelay $0x1  }
0x8a: {  	s1 =	srdreg.scid  }
0x8b: {  	s0 =	sand.u32 $0x1, s1  }
0x8c: {  	s15 =	sshll.u32 s0, $0xA;
	s2 =	sadd.s32 s3, s2  }
0x8d: {  	s2 =	sadd.s32 s2, s15  }
0x8e: {  	[smem:$0x3FC0] =	sst s2  }
0x8f: {  	_ = 	snop  }
0x90: {  	s2 =	sld [smem:$0x3FD0];
	_ =	sdelay $0x2  }
0x91: {  	s5 =	simm.s32 $0xB;
	s16 =	simm.s32 $0x10  }
0x92: {  	[smem:s16], [sflag:s5] =	dma.local [hbm:s2], $0x1  }
0x93: {  	_ =	swait.eq [sflag:s5], $0x1  }
0x94: {  	s17 =	sld [smem:$0x10];
	[sflag:s5] =	ssyncset.done $0x0  }
0x95: {  	s4 =	sld [smem:$0x11];
	[sflag:s5] =	ssyncadd.s32 $0xFFFFFFFF  }
0x96: {  	s18 =	sld [smem:$0x12];
	(tm) =	ssettm $0x1  }
0x97: {  	s19 =	sld [smem:$0x3FFB];
	_ =	sdelay $0x3  }
0x98: {  	_ =	strace s19  }
0x99: {  	s2 =	sld [smem:$0x3FFC];
	_ =	sdelay $0x3  }
0x9a: {  	_ =	strace s2  }
0x9b: {  	s2 =	sld [smem:$0x3FFD];
	_ =	sdelay $0x3  }
0x9c: {  	_ =	strace s2  }
0x9d: {  	_ =	strace $0x8FFFFFFF  }
0x9e: {  	s20 =	sld [smem:$0x3FDB];
	_ =	sdelay $0x1  }
0x9f: {  	s6 =	simm.s32 $_scs_section_size  }
0xa0: {  	s7 =	simm.s32 $_size__tile_overlayer_lowered;
	s8 =	simm.s32 $_tile_overlayer_lowered  }
0xa1: {  	s9 =	simm.s32 $0x1BFF;
	s21 =	sshll.u32 s8, $0x1;
	s6 =	sadd.s32 s6, s20  }
0xa2: {  	s22 =	simm.s32 $0x0;
	s7 =	sshll.u32 s7, $0x1;
	s8 =	sadd.s32 s21, s6  }
0xa3: {  	[timem:s22], [sflag:s9] =	dma.local [hbm:s8], s7  }
0xa4: {  	_ =	swait.ge [sflag:s9], s7  }
0xa5: {  	s7 =	ssub.s32 $0x0, s7;
	[sflag:s9] =	ssyncset.done $0x0  }
0xa6: {  	[sflag:s9] =	ssyncadd.s32 s7;
	_ =	sdelay $0x1  }
0xa7: {  	s23 =	simm.s32 $0x1B8B  }
0xa8: {  	_ =	swait.ge [sflag:s23], $0x1  }
0xa9: {  	[sflag:s23] =	ssyncset.done $0x0  }
0xaa: {  	[sflag:s23] =	ssyncadd.s32 $0xFFFFFFFF  }
0xab: {  	s7 =	sld [smem:$0x0]  }
0xac: {  	s8 =	sand.u32 $0xFFFFFFFE, s1  }
0xad: {  	p0 =	sne.s32 s1, s8  }
0xae: {  	s8 =	sshll.u32 @p0 s8, $0xE  }
0xaf: {  	s8 =	sadd.s32 @p0 $0x11B8D, s8;
	s9 =	sshll.u32 @p0 s7, $0x11  }
0xb0: {  	s8 =	sor.u32 @p0 s9, s8  }
0xb1: {  	[sflag:s8] =	ssyncadd.remote.s32 @p0 $0x1;
	_ =	sdelay $0x1  }
0xb2: {  	s8 =	simm.s32 @p0 $0x1B8D  }
0xb3: {  	_ =	swait.eq @p0 [sflag:s8], $0x1  }
0xb4: {  	[sflag:s8] =	ssyncadd.s32 @p0 $0xFFFFFFFF  }
0xb5: {  	s9 =	sshll.u32 @!p0 s1, $0xE  }
0xb6: {  	s9 =	sor.u32 @!p0 $0x4000, s9;
	s8 =	simm.s32 @!p0 $0x1B8D  }
0xb7: {  	s7 =	sshll.u32 @!p0 s7, $0x11;
	s9 =	sadd.s32 @!p0 $0x11B8D, s9;
	_ =	swait.eq @!p0 [sflag:s8], $0x1  }
0xb8: {  	s7 =	sor.u32 @!p0 s7, s9;
	[sflag:s8] =	ssyncadd.s32 @!p0 $0xFFFFFFFF  }
0xb9: {  	s25 =	simm.s32 $0x1B8E;
	s24 =	sld [smem:$0x3FFE];
	[sflag:s7] =	ssyncadd.remote.s32 @!p0 $0x1  }
0xba: {  	s26 =	simm.s32 $execute0_lowered;
	[smem:$0x3FD2] =	sst s25  }
0xbb: {  	s8 =	sshll.u32 s26, $0x1;
	_ =	strace $0x8000004F;
	[dreg:$0x1] =	wrdreg $0xFFFFFFFF  }
0xbc: {  	s28 =	simm.s32 $_size_execute0_lowered;
	s6 =	sadd.s32 s6, s8;
	[dreg:$0x0] =	wrdreg $0x0  }
0xbd: {  	s8 =	sshll.u32 s28, $0x1;
	[dreg:$0x2] =	wrdreg s6  }
0xbe: {  	[dreg:$0x3] =	wrdreg s8  }
0xbf: {  	[dreg:$0x4] =	wrdreg $0xC0  }
0xc0: {  	_ =	task [dreg:s22], $0x5FFFF  }
0xc1: {  	[dreg:$0x1] =	wrdreg $0xFFFFFFFF  }
0xc2: {  	[dreg:$0x0] =	wrdreg $0x60  }
0xc3: {  	[dreg:$0x2] =	wrdreg s24  }
0xc4: {  	[dreg:$0x3] =	wrdreg s4  }
0xc5: {  	[dreg:$0x4] =	wrdreg s18  }
0xc6: {  	[dreg:$0x5] =	wrdreg s17  }
0xc7: {  	[dreg:$0x6] =	wrdreg $0xA8800  }
0xc8: {  	[dreg:$0x7] =	wrdreg $0x9  }
0xc9: {  	_ =	task.clear_ibuf [dreg:s22], $0x8FFFF;
	_ =	strace $0x9000004F  }
0xca: {  	s29 =	simm.s32 $0x9;
	_ =	strace $0x80000051  }
0xcb: {  	_ =	swait.ge [sflag:s29], $0x1  }
0xcc: {  	[sflag:s29] =	ssyncadd.s32 $0xFFFFFFFF  }
0xcd: {  	_ =	strace $0x90000051  }
0xce: {  	_ =	sfence  }
0xcf: {  	s30 =	sld [smem:$0x0];
	_ =	sdelay $0x2  }
0xd0: {  	s31 =	sshll.u32 s1, $0xD;
	s1 =	sshrl.u32 s1, $0x2  }
0xd1: {  	s4 =	sand.u32 $0x4000, s31;
	s1 =	sadd.s32 s1, s30  }
0xd2: {  	s0 =	sor.u32 s4, s0;
	s1 =	sshll.u32 s1, $0x11  }
0xd3: {  	s0 =	sor.u32 s1, s0  }
0xd4: {  	s0 =	sadd.s32 $0x8F2B, s0  }
0xd5: {  	[sflag:s0] =	ssyncadd.remote.s32 $0x1  }
0xd6: {  	_ =	sfence.sel $0xFFFF  }
0xd7: {  	[dreg:$0x0] =	wrdreg $0xFFFFFFFF;
	(pc) =	sbr.abs _section_cstart, $3  }
0xd8: {  	[dreg:$0x1] =	wrdreg $0xFFFFFFFF  }
0xd9: {  	_ =	task.clear_ibuf [dreg:s22], $0x2FFFF;
	_ =	strace $0x9FFFFFFF  }
0xda: {  	(tm) =	ssettm $0x7FFFFFFF  }
0xdb: {  	_ =	shalt  }
tec
execute0_lowered:
.L_overlay_start_1:
0x0: {  	(tag) =	ssettag $0x1  }
0x1: {  	s0 =	rddreg [dreg:$0x0]  }
0x2: {  	s1 =	rddreg [dreg:$0x1]  }
0x3: {  	s2 =	rddreg [dreg:$0x2]  }
0x4: {  	s24 =	rddreg [dreg:$0x3]  }
0x5: {  	s3 =	rddreg [dreg:$0x4];
	s4 =	simm.s32 $0x0;
	s16 =	stileid.u32  }
0x6: {  	s5 =	srdreg.scid;
	s28 =	simm.s32 $0x80;
	s29 =	simm.s32 $0x2880  }
0x7: {  	s30 =	simm.s32 $0x2800;
	s31 =	simm.s32 $0x6880;
	s6 =	smul.u32 $0x2800, s16  }
0x8: {  	[smem:$0x7FF] =	sst s4;
	s10 =	sand.u32 $0x1, s5;
	s8 =	smul.u32 $0x50000, s16  }
0x9: {  	s5 =	sadd.s32 $0x7DC00, s0;
	s9 =	smul.u32 $0x4E, s16;
	s12 =	smin.u32 s16, $0x2  }
0xa: {  	s18 =	sshll.u32 s16, $0x6;
	p0 =	slt.u32 s16, $0x2;
	s23 =	smul.u32 $0x2700, s16  }
0xb: {  	p2 =	sgt.u32 s16, $0x1;
	_ =	strace $0x80000050;
	s7 =	ssub.s32 $0x2, s10  }
0xc: {  	s26 =	sshll.u32 s12, $0x7;
	p1 =	sne.s32 s10, $0x0;
	s0 =	sadd.s32 s6, s0  }
0xd: {  	s15 =	sshrl.u32 s7, $0x1;
	s17 =	sshrl.u32 s8, $0x2;
	s19 =	sadd.s32 s12, s9  }
0xe: {  	s8 =	simm.s32 $0x4F;
	s11 =	ssub.s32 s7, s15;
	s6 =	sadd.s32 s17, s3  }
0xf: {  	s7 =	sor.u32 $0x1C04, s18;
	s13 =	sshll.u32 s19, $0x4;
	s8 =	simm.s32 @!p0 $0x4E  }
0x10: {  	s22 =	sadd.s32 $0x11DC00, s0;
	s0 =	sadd.s32 $0xF5C00, s0;
	s19 =	smul.u32 $0x4E0, s16  }
0x11: {  	s14 =	sadd.s32 $0x4E20, s13;
	s9 =	sadd.s32 s1, s13;
	[dreg:$0x9] =	wrdreg s22  }
0x12: {  	s15 =	sadd.s32 s2, s13;
	[dreg:$0xb] =	wrdreg s0;
	s17 =	smax.u32 s11, $0x1  }
0x13: {  	s13 =	sadd.s32 s26, s23;
	s11 =	simm.s32 $0x0;
	s1 =	sadd.s32 s1, s14  }
0x14: {  	s20 =	sadd.s32 $0x5300, s9;
	s21 =	sadd.s32 s2, s14;
	[dreg:$0x6] =	wrdreg s1  }
0x15: {  	s25 =	sadd.s32 $0x4E0, s9;
	s14 =	sadd.s32 $0x4E30, s15;
	[dreg:$0x7] =	wrdreg s20  }
0x16: {  	s18 =	sadd.s32 $0x27280, s13;
	s0 =	sadd.s32 $0x27300, s13;
	[dreg:$0x8] =	wrdreg s21  }
0x17: {  	s22 =	sadd.s32 s19, s2;
	s23 =	sadd.s32 $0x10, s15;
	[dreg:$0xa] =	wrdreg s25  }
0x18: {  	s26 =	sadd.s32 $0x20, s15;
	[dreg:$0xc] =	wrdreg s14;
	s1 =	sshrl.u32 s18, $0x3  }
.Ltmp0:
0x19: {  	s0 =	sshrl.u32 s0, $0x3;
	[dreg:$0xe] =	wrdreg s23;
	(pc) =	sbr.rel .LBB2_1-.Ltmp0, $4  }
0x1a: {  	s21 =	sadd.s32 $0x4E40, s15;
	s25 =	sshll.u32 s12, $0x4;
	[dreg:$0xf] =	wrdreg s26  }
0x1b: {  	s26 =	simm.s32 $0x2780;
	[dreg:$0xd] =	wrdreg s21;
	s20 =	sadd.s32 s1, s2  }
0x1c: {  	s21 =	sadd.s32 s0, s2;
	s23 =	sadd.s32 s25, s22;
	s25 =	simm.s32 $0x4  }
0x1d: {  	s0 =	simm.s32 $0x1;
	s2 =	simm.s32 $0x2;
	s1 =	simm.s32 $0x3  }
.LBB2_8:
0x1e: {  	_ =	swait.ge [sflag:s1], $0x4000  }
0x1f: {  	[sflag:s1] =	ssyncset.done $0x0  }
0x20: {  	[sflag:s1] =	ssyncadd.s32 $0xFFFFC000  }
0x21: {  	_ =	swait.ge [sflag:s0], $0x4000  }
0x22: {  	[sflag:s0] =	ssyncset.done $0x0  }
0x23: {  	[sflag:s0] =	ssyncadd.s32 $0xFFFFC000  }
0x24: {  	_ =	swait.ge [sflag:s2], $0x80  }
0x25: {  	[sflag:s2] =	ssyncset.done $0x0  }
0x26: {  	[sflag:s2] =	ssyncadd.s32 $0xFFFFFF80  }
0x27: {  	[spmem:s3] =	stream.indirect.scatter.add.f32 [tilespmem:s29], [sflag:$0x3], $0x80, s26, s28, $0xb8;
	[tilespmem:$0x1E880] =	vst v63  }
.LBB2_9:
0x28: {  	_ =	swait.ge [sflag:s1], $0x4000  }
0x29: {  	s11 =	sadd.s32 $0x1, s11;
	[sflag:s1] =	ssyncset.done $0x0  }
0x2a: {  	p3 =	sne.s32 s11, s17;
	[sflag:s1] =	ssyncadd.s32 $0xFFFFC000  }
.Ltmp1:
0x2b: {  	[bflag:$0x0] =	sbarrier.arrive $0xFFFF;
	(pc) =	sbr.rel @!p3 .LBB2_10-.Ltmp1, $4  }
0x2c: {  	[hbm:s13], [sflag:s7] =	dma.local [spmem:s12], $0x2800  }
0x2d: {  	_ =	swait.ge [sflag:s25], $0x2800  }
0x2e: {  	[sflag:s25] =	ssyncset.done $0x0  }
0x2f: {  	[sflag:s25] =	ssyncadd.s32 $0xFFFFD800  }
.LBB2_1:
0x30: {  	s12 =	sshrl.u32 s6, $0x3  }
0x31: {  	[spmem:s12], [sflag:s7] =	dma.local [hbm:s24], $0x2800  }
.Ltmp2:
0x32: {  	_ =	swait.ge [sflag:s25], $0x2800;
	(pc) =	sbr.rel @p1 .LBB2_5-.Ltmp2, $3  }
0x33: {  	[sflag:s25] =	ssyncset.done $0x0  }
0x34: {  	[sflag:s25] =	ssyncadd.s32 $0xFFFFD800  }
0x35: {  	[bflag:$0x0] =	sbarrier.arrive $0xFFFF;
	_ =	sdelay $0x1  }
0x36: {  	[tilespmem:s4], [sflag:$0x4] =	stream.linear.gather [hbm4b:s9+s4], $0x2700, $0x38;
	[tilespmem:$0x1E880] =	vst v63  }
0x37: {  	_ =	swait.ge [sflag:s25], $0x2700  }
0x38: {  	s13 =	simm.s32 @!p2 $0x0;
	[sflag:s25] =	ssyncset.done $0x0  }
0x39: {  	s14 =	simm.s32 @!p2 $0x2700;
	s10 =	rddreg [dreg:$0xa];
	[sflag:s25] =	ssyncadd.s32 $0xFFFFD900  }
0x3a: {  	[tilespmem:s14], [sflag:$0x4] =	stream.linear.gather @!p2 [hbm4b:s10+s13], $0x80, $0x38;
	[tilespmem:$0x1E880] =	vst v63  }
0x3b: {  	s13 =	simm.s32 @!p2 $0x4  }
0x3c: {  	_ =	swait.ge @!p2 [sflag:s13], $0x80  }
0x3d: {  	[sflag:s13] =	ssyncset.done @!p2 $0x0  }
0x3e: {  	s22 =	simm.s32 $0x0;
	[sflag:s13] =	ssyncadd.s32 @!p2 $0xFFFFFF80  }
0x3f: {  	[tilespmem:s26], [sflag:$0x2] =	stream.linear.gather [hbm4b:s15+s22], $0x80, $0x38;
	[tilespmem:$0x1E880] =	vst v63  }
0x40: {  	_ = 	snop  }
0x41: {  	[tilespmem:s29], [sflag:$0x1] =	stream.indirect.gather [hbm4b:s5+s28], $0x80, s22, s28, $0xb8;
	[tilespmem:$0x1E880] =	vst v63  }
0x42: {  	s14 =	rddreg [dreg:$0xe]  }
0x43: {  	[tilespmem:s30], [sflag:$0x2] =	stream.linear.gather [hbm4b:s14+s22], $0x80, $0x38;
	[tilespmem:$0x1E880] =	vst v63  }
0x44: {  	_ = 	snop  }
0x45: {  	[tilespmem:s31], [sflag:$0x1] =	stream.indirect.gather [hbm4b:s5+s28], $0x80, s28, s28, $0xb8;
	[tilespmem:$0x1E880] =	vst v63  }
0x46: {  	_ =	swait.ge [sflag:s0], $0x4000  }
0x47: {  	[sflag:s0] =	ssyncset.done $0x0  }
0x48: {  	[sflag:s0] =	ssyncadd.s32 $0xFFFFC000  }
0x49: {  	_ =	swait.ge [sflag:s2], $0x80  }
0x4a: {  	[sflag:s2] =	ssyncset.done $0x0  }
0x4b: {  	[sflag:s2] =	ssyncadd.s32 $0xFFFFFF80  }
0x4c: {  	[spmem:s3] =	stream.indirect.scatter.add.f32 [tilespmem:s29], [sflag:$0x3], $0x80, s26, s28, $0xb8;
	[tilespmem:$0x1E880] =	vst v63  }
0x4d: {  	_ =	swait.ge [sflag:s1], $0x4000  }
0x4e: {  	[sflag:s1] =	ssyncset.done $0x0  }
0x4f: {  	s16 =	rddreg [dreg:$0xf];
	[sflag:s1] =	ssyncadd.s32 $0xFFFFC000  }
0x50: {  	[tilespmem:s26], [sflag:$0x2] =	stream.linear.gather [hbm4b:s16+s22], $0x80, $0x38;
	[tilespmem:$0x1E880] =	vst v63  }
0x51: {  	s18 =	simm.s32 $0x100  }
0x52: {  	[tilespmem:s29], [sflag:$0x1] =	stream.indirect.gather [hbm4b:s5+s28], $0x80, s18, s28, $0xb8;
	[tilespmem:$0x1E880] =	vst v63  }
0x53: {  	_ =	swait.ge [sflag:s0], $0x4000  }
0x54: {  	[sflag:s0] =	ssyncset.done $0x0  }
0x55: {  	[sflag:s0] =	ssyncadd.s32 $0xFFFFC000  }
0x56: {  	_ =	swait.ge [sflag:s2], $0x80  }
0x57: {  	[sflag:s2] =	ssyncset.done $0x0  }
0x58: {  	[sflag:s2] =	ssyncadd.s32 $0xFFFFFF80  }
0x59: {  	[spmem:s3] =	stream.indirect.scatter.add.f32 [tilespmem:s31], [sflag:$0x3], $0x80, s30, s28, $0xb8;
	[tilespmem:$0x1E880] =	vst v63  }
0x5a: {  	_ =	swait.ge [sflag:s1], $0x4000  }
0x5b: {  	s19 =	sadd.s32 $0x0, s23;
	[sflag:s1] =	ssyncset.done $0x0  }
0x5c: {  	s13 =	sadd.s32 $0x30, s19;
	[sflag:s1] =	ssyncadd.s32 $0xFFFFC000  }
0x5d: {  	[tilespmem:s30], [sflag:$0x2] =	stream.linear.gather [hbm4b:s13+s4], $0x80, $0x38;
	[tilespmem:$0x1E880] =	vst v63  }
0x5e: {  	s22 =	simm.s32 $0x180  }
0x5f: {  	[tilespmem:s31], [sflag:$0x1] =	stream.indirect.gather [hbm4b:s5+s28], $0x80, s22, s28, $0xb8;
	[tilespmem:$0x1E880] =	vst v63  }
0x60: {  	_ =	swait.ge [sflag:s0], $0x4000  }
0x61: {  	[sflag:s0] =	ssyncset.done $0x0  }
0x62: {  	[sflag:s0] =	ssyncadd.s32 $0xFFFFC000  }
0x63: {  	_ =	swait.ge [sflag:s2], $0x80  }
0x64: {  	[sflag:s2] =	ssyncset.done $0x0  }
0x65: {  	[sflag:s2] =	ssyncadd.s32 $0xFFFFFF80  }
0x66: {  	[spmem:s3] =	stream.indirect.scatter.add.f32 [tilespmem:s29], [sflag:$0x3], $0x80, s26, s28, $0xb8;
	[tilespmem:$0x1E880] =	vst v63  }
0x67: {  	p3 =	sle.u32 s8, $0x4;
	_ =	swait.ge [sflag:s1], $0x4000  }
0x68: {  	s14 =	simm.s32 @!p3 $0x2780;
	s13 =	sadd.s32 @!p3 $0x0, s23;
	[sflag:s1] =	ssyncset.done $0x0  }
0x69: {  	s16 =	simm.s32 @!p3 $0x0;
	s13 =	sadd.s32 @!p3 $0x40, s13;
	[sflag:s1] =	ssyncadd.s32 $0xFFFFC000  }
0x6a: {  	[tilespmem:s14], [sflag:$0x2] =	stream.linear.gather @!p3 [hbm4b:s13+s16], $0x80, $0x38;
	[tilespmem:$0x1E880] =	vst v63  }
0x6b: {  	s13 =	simm.s32 @!p3 $0x200;
	s14 =	simm.s32 @!p3 $0x80;
	s16 =	simm.s32 @!p3 $0x2880  }
0x6c: {  	[tilespmem:s16], [sflag:$0x1] =	stream.indirect.gather @!p3 [hbm4b:s5+s14], $0x80, s13, s14, $0xb8;
	[tilespmem:$0x1E880] =	vst v63  }
0x6d: {  	_ =	swait.ge [sflag:s0], $0x4000  }
0x6e: {  	[sflag:s0] =	ssyncset.done $0x0  }
0x6f: {  	[sflag:s0] =	ssyncadd.s32 $0xFFFFC000  }
0x70: {  	_ =	swait.ge [sflag:s2], $0x80  }
0x71: {  	s18 =	simm.s32 $0x6;
	[sflag:s2] =	ssyncset.done $0x0  }
0x72: {  	s14 =	simm.s32 $0x20;
	s13 =	simm.s32 $0x280;
	[sflag:s2] =	ssyncadd.s32 $0xFFFFFF80  }
.LBB2_3:
0x73: {  	[spmem:s3] =	stream.indirect.scatter.add.f32 [tilespmem:s31], [sflag:$0x3], $0x80, s30, s28, $0xb8;
	[tilespmem:$0x1E880] =	vst v63  }
0x74: {  	s16 =	smov.u32 s14;
	s14 =	sadd.s32 $0x20, s14;
	_ =	swait.ge [sflag:s1], $0x4000  }
0x75: {  	s19 =	sadd.s32 s16, s23;
	p3 =	sne.s32 s14, $0x4C0;
	[sflag:s1] =	ssyncset.done $0x0  }
0x76: {  	s19 =	sadd.s32 $0x30, s19;
	[sflag:s1] =	ssyncadd.s32 $0xFFFFC000  }
0x77: {  	[tilespmem:s30], [sflag:$0x2] =	stream.linear.gather [hbm4b:s19+s4], $0x80, $0x38;
	[tilespmem:$0x1E880] =	vst v63  }
0x78: {  	_ = 	snop  }
0x79: {  	[tilespmem:s31], [sflag:$0x1] =	stream.indirect.gather [hbm4b:s5+s28], $0x80, s13, s28, $0xb8;
	[tilespmem:$0x1E880] =	vst v63  }
0x7a: {  	_ =	swait.ge [sflag:s0], $0x4000  }
0x7b: {  	[sflag:s0] =	ssyncset.done $0x0  }
0x7c: {  	[sflag:s0] =	ssyncadd.s32 $0xFFFFC000  }
0x7d: {  	_ =	swait.ge [sflag:s2], $0x80  }
0x7e: {  	[sflag:s2] =	ssyncset.done $0x0  }
0x7f: {  	[sflag:s2] =	ssyncadd.s32 $0xFFFFFF80  }
0x80: {  	[spmem:s3] =	stream.indirect.scatter.add.f32 [tilespmem:s29], [sflag:$0x3], $0x80, s26, s28, $0xb8;
	[tilespmem:$0x1E880] =	vst v63  }
0x81: {  	p4 =	sge.u32 s18, s8;
	_ =	swait.ge [sflag:s1], $0x4000  }
0x82: {  	s16 =	sadd.s32 @!p4 s16, s23;
	s19 =	simm.s32 @!p4 $0x2780;
	[sflag:s1] =	ssyncset.done $0x0  }
0x83: {  	s22 =	simm.s32 @!p4 $0x0;
	s16 =	sadd.s32 @!p4 $0x40, s16;
	[sflag:s1] =	ssyncadd.s32 $0xFFFFC000  }
0x84: {  	[tilespmem:s19], [sflag:$0x2] =	stream.linear.gather @!p4 [hbm4b:s16+s22], $0x80, $0x38;
	[tilespmem:$0x1E880] =	vst v63  }
0x85: {  	s16 =	sadd.s32 @!p4 $0x80, s13;
	s19 =	simm.s32 @!p4 $0x80;
	s22 =	simm.s32 @!p4 $0x2880  }
0x86: {  	[tilespmem:s22], [sflag:$0x1] =	stream.indirect.gather @!p4 [hbm4b:s5+s19], $0x80, s16, s19, $0xb8;
	[tilespmem:$0x1E880] =	vst v63  }
0x87: {  	_ =	swait.ge [sflag:s0], $0x4000  }
.Ltmp3:
0x88: {  	[sflag:s0] =	ssyncset.done $0x0;
	(pc) =	sbr.rel @p3 .LBB2_3-.Ltmp3, $4  }
0x89: {  	[sflag:s0] =	ssyncadd.s32 $0xFFFFC000  }
0x8a: {  	_ =	swait.ge [sflag:s2], $0x80  }
0x8b: {  	[sflag:s2] =	ssyncset.done $0x0  }
0x8c: {  	s18 =	sadd.s32 $0x2, s18;
	s13 =	sadd.s32 $0x100, s13;
	[sflag:s2] =	ssyncadd.s32 $0xFFFFFF80  }
.Ltmp4:
0x8d: {  	(pc) =	sbr.rel @p0 .LBB2_8-.Ltmp4, $4  }
.Ltmp5:
0x8e: {  	(pc) =	sbr.rel @!p0 .LBB2_9-.Ltmp5, $4  }
0x8f: {  	_ = 	snop  }
0x90: {  	[spmem:s3] =	stream.indirect.scatter.add.f32 [tilespmem:s31], [sflag:$0x3], $0x80, s30, s28, $0xb8;
	[tilespmem:$0x1E880] =	vst v63  }
0x91: {  	s13 =	rddreg [dreg:$0xb]  }
0x92: {  	_ = 	snop  }
.LBB2_5:
0x93: {  	s13 =	rddreg [dreg:$0x6]  }
0x94: {  	[tilespmem:s4], [sflag:$0x4] =	stream.linear.gather [hbm4b:s13+s4], $0x2700, $0x38;
	[tilespmem:$0x1E880] =	vst v63  }
0x95: {  	_ =	swait.ge [sflag:s25], $0x2700  }
0x96: {  	s14 =	simm.s32 @!p2 $0x2700;
	[sflag:s25] =	ssyncset.done $0x0  }
0x97: {  	s13 =	simm.s32 @!p2 $0x0;
	s16 =	rddreg [dreg:$0x7];
	[sflag:s25] =	ssyncadd.s32 $0xFFFFD900  }
0x98: {  	[tilespmem:s14], [sflag:$0x4] =	stream.linear.gather @!p2 [hbm4b:s16+s13], $0x80, $0x38;
	[tilespmem:$0x1E880] =	vst v63  }
0x99: {  	s13 =	simm.s32 @!p2 $0x4  }
0x9a: {  	_ =	swait.ge @!p2 [sflag:s13], $0x80  }
0x9b: {  	[sflag:s13] =	ssyncset.done @!p2 $0x0  }
0x9c: {  	s16 =	rddreg [dreg:$0x8];
	[sflag:s13] =	ssyncadd.s32 @!p2 $0xFFFFFF80  }
0x9d: {  	[tilespmem:s26], [sflag:$0x2] =	stream.linear.gather [hbm4b:s16+s4], $0x80, $0x38;
	[tilespmem:$0x1E880] =	vst v63  }
0x9e: {  	_ = 	snop  }
0x9f: {  	[tilespmem:s29], [sflag:$0x1] =	stream.indirect.gather [hbm4b:s5+s28], $0x80, s4, s28, $0xb8;
	[tilespmem:$0x1E880] =	vst v63  }
0xa0: {  	s18 =	rddreg [dreg:$0xc]  }
0xa1: {  	[tilespmem:s30], [sflag:$0x2] =	stream.linear.gather [hbm4b:s18+s4], $0x80, $0x38;
	[tilespmem:$0x1E880] =	vst v63  }
0xa2: {  	_ = 	snop  }
0xa3: {  	[tilespmem:s31], [sflag:$0x1] =	stream.indirect.gather [hbm4b:s5+s28], $0x80, s28, s28, $0xb8;
	[tilespmem:$0x1E880] =	vst v63  }
0xa4: {  	_ =	swait.ge [sflag:s0], $0x4000  }
0xa5: {  	[sflag:s0] =	ssyncset.done $0x0  }
0xa6: {  	[sflag:s0] =	ssyncadd.s32 $0xFFFFC000  }
0xa7: {  	_ =	swait.ge [sflag:s2], $0x80  }
0xa8: {  	[sflag:s2] =	ssyncset.done $0x0  }
0xa9: {  	[sflag:s2] =	ssyncadd.s32 $0xFFFFFF80  }
0xaa: {  	[spmem:s3] =	stream.indirect.scatter.add.f32 [tilespmem:s29], [sflag:$0x3], $0x80, s26, s28, $0xb8;
	[tilespmem:$0x1E880] =	vst v63  }
0xab: {  	_ =	swait.ge [sflag:s1], $0x4000  }
0xac: {  	[sflag:s1] =	ssyncset.done $0x0  }
0xad: {  	s19 =	rddreg [dreg:$0xd];
	[sflag:s1] =	ssyncadd.s32 $0xFFFFC000  }
0xae: {  	[tilespmem:s26], [sflag:$0x2] =	stream.linear.gather [hbm4b:s19+s4], $0x80, $0x38;
	[tilespmem:$0x1E880] =	vst v63  }
0xaf: {  	s22 =	simm.s32 $0x100  }
0xb0: {  	[tilespmem:s29], [sflag:$0x1] =	stream.indirect.gather [hbm4b:s5+s28], $0x80, s22, s28, $0xb8;
	[tilespmem:$0x1E880] =	vst v63  }
0xb1: {  	_ =	swait.ge [sflag:s0], $0x4000  }
0xb2: {  	[sflag:s0] =	ssyncset.done $0x0  }
0xb3: {  	[sflag:s0] =	ssyncadd.s32 $0xFFFFC000  }
0xb4: {  	_ =	swait.ge [sflag:s2], $0x80  }
0xb5: {  	[sflag:s2] =	ssyncset.done $0x0  }
0xb6: {  	[sflag:s2] =	ssyncadd.s32 $0xFFFFFF80  }
0xb7: {  	[spmem:s3] =	stream.indirect.scatter.add.f32 [tilespmem:s31], [sflag:$0x3], $0x80, s30, s28, $0xb8;
	[tilespmem:$0x1E880] =	vst v63  }
0xb8: {  	_ =	swait.ge [sflag:s1], $0x4000  }
0xb9: {  	[sflag:s1] =	ssyncset.done $0x0  }
0xba: {  	[sflag:s1] =	ssyncadd.s32 $0xFFFFC000  }
0xbb: {  	[tilespmem:s30], [sflag:$0x2] =	stream.linear.gather [hbm4b:s20+s4], $0x80, $0x38;
	[tilespmem:$0x1E880] =	vst v63  }
0xbc: {  	s10 =	smov.u32 s24;
	s24 =	simm.s32 $0x180  }
0xbd: {  	[tilespmem:s31], [sflag:$0x1] =	stream.indirect.gather [hbm4b:s5+s28], $0x80, s24, s28, $0xb8;
	[tilespmem:$0x1E880] =	vst v63  }
0xbe: {  	_ =	swait.ge [sflag:s0], $0x4000  }
0xbf: {  	[sflag:s0] =	ssyncset.done $0x0  }
0xc0: {  	[sflag:s0] =	ssyncadd.s32 $0xFFFFC000  }
0xc1: {  	_ =	swait.ge [sflag:s2], $0x80  }
0xc2: {  	[sflag:s2] =	ssyncset.done $0x0  }
0xc3: {  	[sflag:s2] =	ssyncadd.s32 $0xFFFFFF80  }
0xc4: {  	[spmem:s3] =	stream.indirect.scatter.add.f32 [tilespmem:s29], [sflag:$0x3], $0x80, s26, s28, $0xb8;
	[tilespmem:$0x1E880] =	vst v63  }
0xc5: {  	_ =	swait.ge [sflag:s1], $0x4000  }
0xc6: {  	p3 =	sle.u32 s8, $0x4;
	[sflag:s1] =	ssyncset.done $0x0  }
0xc7: {  	s14 =	simm.s32 @!p3 $0x2780;
	s13 =	simm.s32 @!p3 $0x0;
	[sflag:s1] =	ssyncadd.s32 $0xFFFFC000  }
0xc8: {  	[tilespmem:s14], [sflag:$0x2] =	stream.linear.gather @!p3 [hbm4b:s21+s13], $0x80, $0x38;
	[tilespmem:$0x1E880] =	vst v63  }
0xc9: {  	s16 =	simm.s32 @!p3 $0x2880;
	s13 =	simm.s32 @!p3 $0x200;
	s14 =	simm.s32 @!p3 $0x80  }
0xca: {  	[tilespmem:s16], [sflag:$0x1] =	stream.indirect.gather @!p3 [hbm4b:s5+s14], $0x80, s13, s14, $0xb8;
	[tilespmem:$0x1E880] =	vst v63  }
0xcb: {  	_ =	swait.ge [sflag:s0], $0x4000  }
0xcc: {  	[sflag:s0] =	ssyncset.done $0x0  }
0xcd: {  	[sflag:s0] =	ssyncadd.s32 $0xFFFFC000  }
0xce: {  	_ =	swait.ge [sflag:s2], $0x80  }
0xcf: {  	s18 =	sadd.s32 $0x20, s20;
	s14 =	simm.s32 $0x6;
	[sflag:s2] =	ssyncset.done $0x0  }
0xd0: {  	s13 =	sadd.s32 $0x20, s21;
	s16 =	simm.s32 $0x280;
	[sflag:s2] =	ssyncadd.s32 $0xFFFFFF80  }
.LBB2_6:
0xd1: {  	[spmem:s3] =	stream.indirect.scatter.add.f32 [tilespmem:s31], [sflag:$0x3], $0x80, s30, s28, $0xb8;
	[tilespmem:$0x1E880] =	vst v63  }
0xd2: {  	s19 =	smov.u32 s14;
	s14 =	sadd.s32 $0x2, s14;
	_ =	swait.ge [sflag:s1], $0x4000  }
0xd3: {  	p3 =	sne.s32 s14, $0x50;
	[sflag:s1] =	ssyncset.done $0x0  }
0xd4: {  	[sflag:s1] =	ssyncadd.s32 $0xFFFFC000  }
0xd5: {  	[tilespmem:s30], [sflag:$0x2] =	stream.linear.gather [hbm4b:s18+s4], $0x80, $0x38;
	[tilespmem:$0x1E880] =	vst v63  }
0xd6: {  	_ = 	snop  }
0xd7: {  	[tilespmem:s31], [sflag:$0x1] =	stream.indirect.gather [hbm4b:s5+s28], $0x80, s16, s28, $0xb8;
	[tilespmem:$0x1E880] =	vst v63  }
0xd8: {  	_ =	swait.ge [sflag:s0], $0x4000  }
0xd9: {  	[sflag:s0] =	ssyncset.done $0x0  }
0xda: {  	[sflag:s0] =	ssyncadd.s32 $0xFFFFC000  }
0xdb: {  	_ =	swait.ge [sflag:s2], $0x80  }
0xdc: {  	[sflag:s2] =	ssyncset.done $0x0  }
0xdd: {  	[sflag:s2] =	ssyncadd.s32 $0xFFFFFF80  }
0xde: {  	[spmem:s3] =	stream.indirect.scatter.add.f32 [tilespmem:s29], [sflag:$0x3], $0x80, s26, s28, $0xb8;
	[tilespmem:$0x1E880] =	vst v63  }
0xdf: {  	_ =	swait.ge [sflag:s1], $0x4000  }
0xe0: {  	p4 =	sge.u32 s19, s8;
	[sflag:s1] =	ssyncset.done $0x0  }
0xe1: {  	s19 =	simm.s32 @!p4 $0x0;
	s22 =	simm.s32 @!p4 $0x2780;
	[sflag:s1] =	ssyncadd.s32 $0xFFFFC000  }
0xe2: {  	[tilespmem:s22], [sflag:$0x2] =	stream.linear.gather @!p4 [hbm4b:s13+s19], $0x80, $0x38;
	[tilespmem:$0x1E880] =	vst v63  }
0xe3: {  	s24 =	simm.s32 @!p4 $0x2880;
	s19 =	sadd.s32 @!p4 $0x80, s16;
	s22 =	simm.s32 @!p4 $0x80  }
0xe4: {  	[tilespmem:s24], [sflag:$0x1] =	stream.indirect.gather @!p4 [hbm4b:s5+s22], $0x80, s19, s22, $0xb8;
	[tilespmem:$0x1E880] =	vst v63  }
0xe5: {  	_ =	swait.ge [sflag:s0], $0x4000  }
.Ltmp6:
0xe6: {  	[sflag:s0] =	ssyncset.done $0x0;
	(pc) =	sbr.rel @p3 .LBB2_6-.Ltmp6, $4  }
0xe7: {  	[sflag:s0] =	ssyncadd.s32 $0xFFFFC000  }
0xe8: {  	_ =	swait.ge [sflag:s2], $0x80  }
0xe9: {  	s13 =	sadd.s32 $0x20, s13;
	[sflag:s2] =	ssyncset.done $0x0  }
0xea: {  	s18 =	sadd.s32 $0x20, s18;
	s16 =	sadd.s32 $0x100, s16;
	[sflag:s2] =	ssyncadd.s32 $0xFFFFFF80  }
.Ltmp7:
0xeb: {  	(pc) =	sbr.rel @p2 .LBB2_9-.Ltmp7, $4  }
.Ltmp8:
0xec: {  	(pc) =	sbr.rel @!p2 .LBB2_8-.Ltmp8, $4  }
0xed: {  	_ = 	snop  }
0xee: {  	[spmem:s3] =	stream.indirect.scatter.add.f32 [tilespmem:s31], [sflag:$0x3], $0x80, s30, s28, $0xb8;
	[tilespmem:$0x1E880] =	vst v63  }
0xef: {  	s13 =	rddreg [dreg:$0x9];
	s24 =	smov.u32 s10  }
0xf0: {  	_ = 	snop  }
.LBB2_10:
0xf1: {  	_ =	sfence.sel $0x180000  }
0xf2: {  	[bflag:$0x0] =	sbarrier.arrive $0xFFFF  }
0xf3: {  	_ =	strace $0x90000050  }
0xf4: {  	s0 =	stileid.u32;
	[bflag:$0x2] =	sbarrier.arrive $0xFFFF  }
0xf5: {  	p0 =	sne.s32 s0, $0x0;
	s0 =	rddreg [dreg:$0x5]  }
0xf6: {  	s0 =	sadd.s32 @!p0 $0x100000, s0  }
0xf7: {  	[sflag:s0] =	ssyncadd.tile.s32 @!p0 $0x1;
	_ =	shalt  }
.Lfunc_end2:
_tile_overlayer_lowered:
.L_overlay_start_2:
0xf8: {  	(tag) =	ssettag $0x2  }
0xf9: {  	s0 =	rddreg [dreg:$0x0];
	s2 =	stileid.u32  }
0xfa: {  	s1 =	rddreg [dreg:$0x1];
	p0 =	sne.s32 s2, $0x0  }
0xfb: {  	s3 =	rddreg [dreg:$0x2];
	[bflag:$0x3] =	sbarrier.arrive $0xFFFF;
	s2 =	simm.s32 @!p0 $0x1C04  }
0xfc: {  	[timem:s3], [sflag:s2] =	dma.local @!p0 [hbm:s0], s1  }
0xfd: {  	s0 =	simm.s32 @!p0 $0x4  }
0xfe: {  	_ =	swait.ge @!p0 [sflag:s0], s1  }
0xff: {  	s1 =	ssub.s32 @!p0 $0x0, s1;
	[sflag:s0] =	ssyncset.done @!p0 $0x0  }
0x100: {  	[sflag:s0] =	ssyncadd.s32 @!p0 s1  }
0x101: {  	[bflag:$0x3] =	sbarrier.arrive $0xFFFF  }
0x102: {  	_ =	shalt  }

// kernel: kernel.19.cloned.1.call-start
scs
__scs_entry_jumppad:
0x0: {  	(pc) =	sbr.rel $0x88, $3  }
0x1: {  	(tag) =	ssettag $0x0;
	lr =	simm.s32 $0x1  }
0x2: {  	[smem:$0x3F99] =	sst lr;
	_ =	strace $0xD0000000  }
0x3: {  	_ = 	snop  }
0x4: {  	_ = 	snop  }
0x5: {  	_ = 	snop  }
0x6: {  	_ = 	snop  }
0x7: {  	_ = 	snop  }
__scs_overlays_trampoline_lowered:
0x8: {  	[smem:$0x3FA8] =	sst s0  }
0x9: {  	[smem:$0x3FA9] =	sst s1  }
0xa: {  	[smem:$0x3FAA] =	sst s2  }
0xb: {  	[smem:$0x3FAB] =	sst s3  }
0xc: {  	[smem:$0x3FAC] =	sst s4  }
0xd: {  	[smem:$0x3FAD] =	sst s5  }
0xe: {  	[smem:$0x3FAE] =	sst s6  }
0xf: {  	[smem:$0x3FAF] =	sst s7  }
0x10: {  	[smem:$0x3FB0] =	sst s8  }
0x11: {  	[smem:$0x3FB1] =	sst s9;
	s0 =	simm.s32 @!p0 $0x0  }
0x12: {  	s1 =	sld [smem:$0x3F97];
	s0 =	simm.s32 @p0 $0x1  }
0x13: {  	[smem:$0x3FB2] =	sst s0;
	s0 =	simm.s32 @!p1 $0x0  }
0x14: {  	s2 =	sld [smem:$0x3F96];
	s0 =	simm.s32 @p1 $0x1  }
0x15: {  	[smem:$0x3FB3] =	sst s0;
	s0 =	simm.s32 @!p2 $0x0  }
0x16: {  	s3 =	sld [smem:$0x3FDB];
	s0 =	simm.s32 @p2 $0x1  }
0x17: {  	s4 =	simm.s32 $0x1BF5;
	[smem:$0x3FB5] =	sst s0  }
0x18: {  	s0 =	sld [smem:$0x3F98];
	_ =	swait.ge [sflag:s4], $0x0  }
0x19: {  	s7 =	sld [smem:$0x3F99]  }
0x1a: {  	s8 =	sadd.s32 $0xFFFFE003, lr  }
0x1b: {  	s9 =	sadd.s32 $0xFFFFFEF7, lr;
	s5 =	simm.s32 $0xFFFFFFFF;
	p2 =	slt.u32 s8, $0xFFFFF086  }
0x1c: {  	p1 =	slt.u32 s9, $0xF7A;
	s5 =	simm.s32 @!p2 $0x0  }
0x1d: {  	s5 =	simm.s32 @p1 $0x1;
	p0 =	seq.s32 s7, s2  }
0x1e: {  	s7 =	smul.u32 @!p0 $0xF7A, s2;
	p2 =	seq.s32 @!p0 s5, $0x0  }
0x1f: {  	s9 =	smul.u32 $0xF7A, s1;
	s8 =	simm.s32 @!p0 $0x1BF5;
	p2 =	por !p2, p0  }
0x20: {  	[sflag:s8] =	ssyncset.s32 @!p0 $0xFFFFF086;
	s6 =	sadd.s32 @!p0 s3, s7;
	s7 =	simm.s32 @!p0 $0x108  }
0x21: {  	s3 =	sadd.s32 s3, s9;
	s6 =	sadd.s32 @!p0 $0x88, s6;
	s7 =	simm.s32 @p2 $0x1082  }
0x22: {  	[simem:s7], [sflag:s8] =	dma.local @!p0 [hbm:s6], $0xF7A  }
0x23: {  	s9 =	sor.u32 $0xD0000000, s2;
	s6 =	simm.s32 $0x108;
	_ =	swait.ge @!p0 [sflag:s8], $0x0  }
0x24: {  	s3 =	sadd.s32 $0x88, s3;
	s6 =	simm.s32 @!p1 $0x1082;
	[sflag:s4] =	ssyncset.s32 $0xFFFFF086  }
0x25: {  	[simem:s6], [sflag:s4] =	dma.local [hbm:s3], $0xF7A  }
0x26: {  	[smem:$0x3F99] =	sst s1;
	(tag) =	ssettag s2;
	_ =	strace s9  }
0x27: {  	s1 =	sld [smem:$0x3FA9]  }
0x28: {  	s2 =	sld [smem:$0x3FAA]  }
0x29: {  	s4 =	sld [smem:$0x3FAC]  }
0x2a: {  	p0 =	seq.s32 s5, $0x0;
	s5 =	sld [smem:$0x3FAD]  }
0x2b: {  	s6 =	sld [smem:$0x3FAE]  }
0x2c: {  	s7 =	sld [smem:$0x3FAF]  }
0x2d: {  	s3 =	simm.s32 $0x108;
	s8 =	sld [smem:$0x3FB0]  }
0x2e: {  	s3 =	simm.s32 @!p0 $0x1082;
	s9 =	sld [smem:$0x3FB1]  }
0x2f: {  	lr =	sadd.s32 s0, s3;
	s0 =	sld [smem:$0x3FA8]  }
0x30: {  	s3 =	sld [smem:$0x3FAB]  }
0x31: {  	[smem:$0x3FB4] =	sst s10  }
0x32: {  	s10 =	sld [smem:$0x3FB2];
	_ =	sdelay $0x3  }
0x33: {  	p0 =	seq.s32 s10, $0x1;
	s10 =	sld [smem:$0x3FB4];
	_ =	sdelay $0x3  }
0x34: {  	[smem:$0x3FB4] =	sst s10  }
0x35: {  	s10 =	sld [smem:$0x3FB3];
	_ =	sdelay $0x3  }
0x36: {  	p1 =	seq.s32 s10, $0x1;
	s10 =	sld [smem:$0x3FB4];
	_ =	sdelay $0x3  }
0x37: {  	[smem:$0x3FB4] =	sst s10  }
0x38: {  	s10 =	sld [smem:$0x3FB5]  }
0x39: {  	_ = 	snop;
	(pc) =	sbr.ind lr, $3  }
0x3a: {  	_ = 	snop  }
0x3b: {  	_ = 	snop  }
0x3c: {  	p2 =	seq.s32 s10, $0x1;
	s10 =	sld [smem:$0x3FB4]  }
0x3d: {  	_ =	shalt  }
0x3e: {  	_ =	shalt  }
0x3f: {  	_ =	shalt  }
0x40: {  	_ =	shalt  }
0x41: {  	_ =	shalt  }
0x42: {  	_ =	shalt  }
0x43: {  	_ =	shalt  }
0x44: {  	_ =	shalt  }
0x45: {  	_ =	shalt  }
0x46: {  	_ =	shalt  }
0x47: {  	_ =	shalt  }
0x48: {  	_ =	shalt  }
0x49: {  	_ =	shalt  }
0x4a: {  	_ =	shalt  }
0x4b: {  	_ =	shalt  }
0x4c: {  	_ =	shalt  }
0x4d: {  	_ =	shalt  }
0x4e: {  	_ =	shalt  }
0x4f: {  	_ =	shalt  }
0x50: {  	_ =	shalt  }
0x51: {  	_ =	shalt  }
0x52: {  	_ =	shalt  }
0x53: {  	_ =	shalt  }
0x54: {  	_ =	shalt  }
0x55: {  	_ =	shalt  }
0x56: {  	_ =	shalt  }
0x57: {  	_ =	shalt  }
0x58: {  	_ =	shalt  }
0x59: {  	_ =	shalt  }
0x5a: {  	_ =	shalt  }
0x5b: {  	_ =	shalt  }
0x5c: {  	_ =	shalt  }
0x5d: {  	_ =	shalt  }
0x5e: {  	_ =	shalt  }
0x5f: {  	_ =	shalt  }
0x60: {  	_ =	shalt  }
0x61: {  	_ =	shalt  }
0x62: {  	_ =	shalt  }
0x63: {  	_ =	shalt  }
0x64: {  	_ =	shalt  }
0x65: {  	_ =	shalt  }
0x66: {  	_ =	shalt  }
0x67: {  	_ =	shalt  }
0x68: {  	_ =	shalt  }
0x69: {  	_ =	shalt  }
0x6a: {  	_ =	shalt  }
0x6b: {  	_ =	shalt  }
0x6c: {  	_ =	shalt  }
0x6d: {  	_ =	shalt  }
0x6e: {  	_ =	shalt  }
0x6f: {  	_ =	shalt  }
0x70: {  	_ =	shalt  }
0x71: {  	_ =	shalt  }
0x72: {  	_ =	shalt  }
0x73: {  	_ =	shalt  }
0x74: {  	_ =	shalt  }
0x75: {  	_ =	shalt  }
0x76: {  	_ =	shalt  }
0x77: {  	_ =	shalt  }
0x78: {  	_ =	shalt  }
0x79: {  	_ =	shalt  }
0x7a: {  	_ =	shalt  }
0x7b: {  	_ =	shalt  }
0x7c: {  	_ =	shalt  }
0x7d: {  	_ =	shalt  }
0x7e: {  	_ =	shalt  }
0x7f: {  	_ =	shalt  }
0x80: {  	_ =	shalt  }
0x81: {  	_ =	shalt  }
0x82: {  	_ =	shalt  }
0x83: {  	_ =	shalt  }
0x84: {  	_ =	shalt  }
0x85: {  	_ =	shalt  }
0x86: {  	_ =	shalt  }
0x87: {  	_ =	shalt  }
.Lfunc_end0:
.L_simem_size_0:
called_computation.3_lowered:
.L_overlay_start_0:
0x88: {  	s2 =	sld [smem:$0x3FD9]  }
0x89: {  	s3 =	sld [smem:$0x3FFE];
	_ =	sdelay $0x1  }
0x8a: {  	s1 =	srdreg.scid  }
0x8b: {  	s0 =	sand.u32 $0x1, s1  }
0x8c: {  	s14 =	sshll.u32 s0, $0xA;
	s2 =	sadd.s32 s3, s2  }
0x8d: {  	s2 =	sadd.s32 s2, s14  }
0x8e: {  	[smem:$0x3FC0] =	sst s2  }
0x8f: {  	_ = 	snop  }
0x90: {  	s2 =	sld [smem:$0x3FD0];
	_ =	sdelay $0x2  }
0x91: {  	s15 =	simm.s32 $0xB;
	s4 =	simm.s32 $0x10  }
0x92: {  	[smem:s4], [sflag:s15] =	dma.local [hbm:s2], $0x1  }
0x93: {  	_ =	swait.eq [sflag:s15], $0x1  }
0x94: {  	s16 =	sld [smem:$0x10];
	[sflag:s15] =	ssyncset.done $0x0  }
0x95: {  	s17 =	sld [smem:$0x11];
	[sflag:s15] =	ssyncadd.s32 $0xFFFFFFFF  }
0x96: {  	s18 =	sld [smem:$0x12];
	(tm) =	ssettm $0x1  }
0x97: {  	s5 =	sld [smem:$0x3FFB];
	_ =	sdelay $0x3  }
0x98: {  	_ =	strace s5  }
0x99: {  	s5 =	sld [smem:$0x3FFC];
	_ =	sdelay $0x3  }
0x9a: {  	_ =	strace s5  }
0x9b: {  	s5 =	sld [smem:$0x3FFD];
	_ =	sdelay $0x3  }
0x9c: {  	_ =	strace s5  }
0x9d: {  	_ =	strace $0x8FFFFFFF  }
0x9e: {  	s19 =	sld [smem:$0x3FDB];
	_ =	sdelay $0x1  }
0x9f: {  	s6 =	simm.s32 $_scs_section_size  }
0xa0: {  	s7 =	simm.s32 $_size__tile_overlayer_lowered;
	s8 =	simm.s32 $_tile_overlayer_lowered  }
0xa1: {  	s22 =	simm.s32 $0x1BFF;
	s21 =	sshll.u32 s8, $0x1;
	s5 =	sadd.s32 s6, s19  }
0xa2: {  	s9 =	simm.s32 $0x0;
	s20 =	sshll.u32 s7, $0x1;
	s7 =	sadd.s32 s21, s5  }
0xa3: {  	[timem:s9], [sflag:s22] =	dma.local [hbm:s7], s20  }
0xa4: {  	_ =	swait.ge [sflag:s22], s20  }
0xa5: {  	s6 =	ssub.s32 $0x0, s20;
	[sflag:s22] =	ssyncset.done $0x0  }
0xa6: {  	[sflag:s22] =	ssyncadd.s32 s6;
	_ =	sdelay $0x1  }
0xa7: {  	s23 =	simm.s32 $0x1B8B  }
0xa8: {  	_ =	swait.ge [sflag:s23], $0x1  }
0xa9: {  	[sflag:s23] =	ssyncset.done $0x0  }
0xaa: {  	s25 =	simm.s32 $0x1B8E;
	s24 =	sld [smem:$0x3FFE];
	[sflag:s23] =	ssyncadd.s32 $0xFFFFFFFF  }
0xab: {  	s26 =	simm.s32 $execute0_lowered;
	[smem:$0x3FD2] =	sst s25  }
0xac: {  	s7 =	sshll.u32 s26, $0x1;
	_ =	strace $0x8000004C;
	[dreg:$0x1] =	wrdreg $0xFFFFFFFF  }
0xad: {  	s28 =	simm.s32 $_size_execute0_lowered;
	s5 =	sadd.s32 s5, s7;
	[dreg:$0x0] =	wrdreg $0x0  }
0xae: {  	s7 =	sshll.u32 s28, $0x1;
	[dreg:$0x2] =	wrdreg s5  }
0xaf: {  	[dreg:$0x3] =	wrdreg s7  }
0xb0: {  	[dreg:$0x4] =	wrdreg $0xC0  }
0xb1: {  	_ =	task [dreg:s9], $0x5FFFF  }
0xb2: {  	[dreg:$0x1] =	wrdreg $0xFFFFFFFF  }
0xb3: {  	[dreg:$0x0] =	wrdreg $0x60  }
0xb4: {  	[dreg:$0x2] =	wrdreg s24  }
0xb5: {  	[dreg:$0x3] =	wrdreg s17  }
0xb6: {  	[dreg:$0x4] =	wrdreg s18  }
0xb7: {  	[dreg:$0x5] =	wrdreg s16  }
0xb8: {  	[dreg:$0x6] =	wrdreg $0xA8800  }
0xb9: {  	[dreg:$0x7] =	wrdreg $0xA  }
0xba: {  	_ =	task.clear_ibuf [dreg:s9], $0x8FFFF;
	_ =	strace $0x9000004C  }
0xbb: {  	s29 =	simm.s32 $0xA;
	_ =	strace $0x8000004E  }
0xbc: {  	_ =	swait.ge [sflag:s29], $0x1  }
0xbd: {  	[sflag:s29] =	ssyncadd.s32 $0xFFFFFFFF  }
0xbe: {  	_ =	strace $0x9000004E  }
0xbf: {  	_ =	sfence  }
0xc0: {  	s30 =	sld [smem:$0x0];
	_ =	sdelay $0x2  }
0xc1: {  	s31 =	sshll.u32 s1, $0xD;
	s1 =	sshrl.u32 s1, $0x2  }
0xc2: {  	s3 =	sand.u32 $0x4000, s31;
	s1 =	sadd.s32 s1, s30  }
0xc3: {  	s0 =	sor.u32 s3, s0;
	s1 =	sshll.u32 s1, $0x11  }
0xc4: {  	s0 =	sor.u32 s1, s0  }
0xc5: {  	s0 =	sadd.s32 $0x8F2B, s0  }
0xc6: {  	[sflag:s0] =	ssyncadd.remote.s32 $0x1  }
0xc7: {  	_ =	sfence.sel $0xFFFF  }
0xc8: {  	[dreg:$0x0] =	wrdreg $0xFFFFFFFF;
	(pc) =	sbr.abs _section_cstart, $3  }
0xc9: {  	[dreg:$0x1] =	wrdreg $0xFFFFFFFF  }
0xca: {  	_ =	task.clear_ibuf [dreg:s9], $0x2FFFF;
	_ =	strace $0x9FFFFFFF  }
0xcb: {  	(tm) =	ssettm $0x7FFFFFFF  }
tec
execute0_lowered:
.L_overlay_start_1:
0x0: {  	(tag) =	ssettag $0x1  }
0x1: {  	s0 =	rddreg [dreg:$0x0]  }
0x2: {  	s1 =	rddreg [dreg:$0x1]  }
0x3: {  	s2 =	rddreg [dreg:$0x2]  }
0x4: {  	s24 =	rddreg [dreg:$0x3]  }
0x5: {  	s3 =	rddreg [dreg:$0x4];
	s4 =	simm.s32 $0x0;
	s16 =	stileid.u32  }
0x6: {  	s5 =	srdreg.scid;
	s28 =	simm.s32 $0x80;
	s29 =	simm.s32 $0x2880  }
0x7: {  	s30 =	simm.s32 $0x2800;
	s31 =	simm.s32 $0x6880;
	s6 =	smul.u32 $0x2800, s16  }
0x8: {  	[smem:$0x7FF] =	sst s4;
	s10 =	sand.u32 $0x1, s5;
	s8 =	smul.u32 $0x50000, s16  }
0x9: {  	s5 =	sadd.s32 $0x2D400, s0;
	s9 =	smul.u32 $0x4E, s16;
	s12 =	smin.u32 s16, $0x2  }
0xa: {  	s18 =	sshll.u32 s16, $0x6;
	p0 =	slt.u32 s16, $0x2;
	s23 =	smul.u32 $0x2700, s16  }
0xb: {  	p2 =	sgt.u32 s16, $0x1;
	_ =	strace $0x8000004D;
	s7 =	ssub.s32 $0x2, s10  }
0xc: {  	s26 =	sshll.u32 s12, $0x7;
	p1 =	sne.s32 s10, $0x0;
	s0 =	sadd.s32 s6, s0  }
0xd: {  	s15 =	sshrl.u32 s7, $0x1;
	s17 =	sshrl.u32 s8, $0x2;
	s19 =	sadd.s32 s12, s9  }
0xe: {  	s8 =	simm.s32 $0x4F;
	s11 =	ssub.s32 s7, s15;
	s6 =	sadd.s32 s17, s3  }
0xf: {  	s7 =	sor.u32 $0x1C04, s18;
	s13 =	sshll.u32 s19, $0x4;
	s8 =	simm.s32 @!p0 $0x4E  }
0x10: {  	s22 =	sadd.s32 $0xCDC00, s0;
	s0 =	sadd.s32 $0xA5C00, s0;
	s19 =	smul.u32 $0x4E0, s16  }
0x11: {  	s14 =	sadd.s32 $0x4E20, s13;
	s9 =	sadd.s32 s1, s13;
	[dreg:$0x9] =	wrdreg s22  }
0x12: {  	s15 =	sadd.s32 s2, s13;
	[dreg:$0xb] =	wrdreg s0;
	s17 =	smax.u32 s11, $0x1  }
0x13: {  	s13 =	sadd.s32 s26, s23;
	s11 =	simm.s32 $0x0;
	s1 =	sadd.s32 s1, s14  }
0x14: {  	s20 =	sadd.s32 $0x5300, s9;
	s21 =	sadd.s32 s2, s14;
	[dreg:$0x6] =	wrdreg s1  }
0x15: {  	s25 =	sadd.s32 $0x4E0, s9;
	s14 =	sadd.s32 $0x4E30, s15;
	[dreg:$0x7] =	wrdreg s20  }
0x16: {  	s18 =	sadd.s32 $0x27280, s13;
	s0 =	sadd.s32 $0x27300, s13;
	[dreg:$0x8] =	wrdreg s21  }
0x17: {  	s22 =	sadd.s32 s19, s2;
	s23 =	sadd.s32 $0x10, s15;
	[dreg:$0xa] =	wrdreg s25  }
0x18: {  	s26 =	sadd.s32 $0x20, s15;
	[dreg:$0xc] =	wrdreg s14;
	s1 =	sshrl.u32 s18, $0x3  }
.Ltmp0:
0x19: {  	s0 =	sshrl.u32 s0, $0x3;
	[dreg:$0xe] =	wrdreg s23;
	(pc) =	sbr.rel .LBB2_1-.Ltmp0, $4  }
0x1a: {  	s21 =	sadd.s32 $0x4E40, s15;
	s25 =	sshll.u32 s12, $0x4;
	[dreg:$0xf] =	wrdreg s26  }
0x1b: {  	s26 =	simm.s32 $0x2780;
	[dreg:$0xd] =	wrdreg s21;
	s20 =	sadd.s32 s1, s2  }
0x1c: {  	s21 =	sadd.s32 s0, s2;
	s23 =	sadd.s32 s25, s22;
	s25 =	simm.s32 $0x4  }
0x1d: {  	s0 =	simm.s32 $0x1;
	s2 =	simm.s32 $0x2;
	s1 =	simm.s32 $0x3  }
.LBB2_8:
0x1e: {  	_ =	swait.ge [sflag:s1], $0x4000  }
0x1f: {  	[sflag:s1] =	ssyncset.done $0x0  }
0x20: {  	[sflag:s1] =	ssyncadd.s32 $0xFFFFC000  }
0x21: {  	_ =	swait.ge [sflag:s0], $0x4000  }
0x22: {  	[sflag:s0] =	ssyncset.done $0x0  }
0x23: {  	[sflag:s0] =	ssyncadd.s32 $0xFFFFC000  }
0x24: {  	_ =	swait.ge [sflag:s2], $0x80  }
0x25: {  	[sflag:s2] =	ssyncset.done $0x0  }
0x26: {  	[sflag:s2] =	ssyncadd.s32 $0xFFFFFF80  }
0x27: {  	[spmem:s3] =	stream.indirect.scatter.add.f32 [tilespmem:s29], [sflag:$0x3], $0x80, s26, s28, $0xb8;
	[tilespmem:$0x1E880] =	vst v63  }
.LBB2_9:
0x28: {  	_ =	swait.ge [sflag:s1], $0x4000  }
0x29: {  	s11 =	sadd.s32 $0x1, s11;
	[sflag:s1] =	ssyncset.done $0x0  }
0x2a: {  	p3 =	sne.s32 s11, s17;
	[sflag:s1] =	ssyncadd.s32 $0xFFFFC000  }
.Ltmp1:
0x2b: {  	[bflag:$0x0] =	sbarrier.arrive $0xFFFF;
	(pc) =	sbr.rel @!p3 .LBB2_10-.Ltmp1, $4  }
0x2c: {  	[hbm:s13], [sflag:s7] =	dma.local [spmem:s12], $0x2800  }
0x2d: {  	_ =	swait.ge [sflag:s25], $0x2800  }
0x2e: {  	[sflag:s25] =	ssyncset.done $0x0  }
0x2f: {  	[sflag:s25] =	ssyncadd.s32 $0xFFFFD800  }
.LBB2_1:
0x30: {  	s12 =	sshrl.u32 s6, $0x3  }
0x31: {  	[spmem:s12], [sflag:s7] =	dma.local [hbm:s24], $0x2800  }
.Ltmp2:
0x32: {  	_ =	swait.ge [sflag:s25], $0x2800;
	(pc) =	sbr.rel @p1 .LBB2_5-.Ltmp2, $3  }
0x33: {  	[sflag:s25] =	ssyncset.done $0x0  }
0x34: {  	[sflag:s25] =	ssyncadd.s32 $0xFFFFD800  }
0x35: {  	[bflag:$0x0] =	sbarrier.arrive $0xFFFF;
	_ =	sdelay $0x1  }
0x36: {  	[tilespmem:s4], [sflag:$0x4] =	stream.linear.gather [hbm4b:s9+s4], $0x2700, $0x38;
	[tilespmem:$0x1E880] =	vst v63  }
0x37: {  	_ =	swait.ge [sflag:s25], $0x2700  }
0x38: {  	s13 =	simm.s32 @!p2 $0x0;
	[sflag:s25] =	ssyncset.done $0x0  }
0x39: {  	s14 =	simm.s32 @!p2 $0x2700;
	s10 =	rddreg [dreg:$0xa];
	[sflag:s25] =	ssyncadd.s32 $0xFFFFD900  }
0x3a: {  	[tilespmem:s14], [sflag:$0x4] =	stream.linear.gather @!p2 [hbm4b:s10+s13], $0x80, $0x38;
	[tilespmem:$0x1E880] =	vst v63  }
0x3b: {  	s13 =	simm.s32 @!p2 $0x4  }
0x3c: {  	_ =	swait.ge @!p2 [sflag:s13], $0x80  }
0x3d: {  	[sflag:s13] =	ssyncset.done @!p2 $0x0  }
0x3e: {  	s22 =	simm.s32 $0x0;
	[sflag:s13] =	ssyncadd.s32 @!p2 $0xFFFFFF80  }
0x3f: {  	[tilespmem:s26], [sflag:$0x2] =	stream.linear.gather [hbm4b:s15+s22], $0x80, $0x38;
	[tilespmem:$0x1E880] =	vst v63  }
0x40: {  	_ = 	snop  }
0x41: {  	[tilespmem:s29], [sflag:$0x1] =	stream.indirect.gather [hbm4b:s5+s28], $0x80, s22, s28, $0xb8;
	[tilespmem:$0x1E880] =	vst v63  }
0x42: {  	s14 =	rddreg [dreg:$0xe]  }
0x43: {  	[tilespmem:s30], [sflag:$0x2] =	stream.linear.gather [hbm4b:s14+s22], $0x80, $0x38;
	[tilespmem:$0x1E880] =	vst v63  }
0x44: {  	_ = 	snop  }
0x45: {  	[tilespmem:s31], [sflag:$0x1] =	stream.indirect.gather [hbm4b:s5+s28], $0x80, s28, s28, $0xb8;
	[tilespmem:$0x1E880] =	vst v63  }
0x46: {  	_ =	swait.ge [sflag:s0], $0x4000  }
0x47: {  	[sflag:s0] =	ssyncset.done $0x0  }
0x48: {  	[sflag:s0] =	ssyncadd.s32 $0xFFFFC000  }
0x49: {  	_ =	swait.ge [sflag:s2], $0x80  }
0x4a: {  	[sflag:s2] =	ssyncset.done $0x0  }
0x4b: {  	[sflag:s2] =	ssyncadd.s32 $0xFFFFFF80  }
0x4c: {  	[spmem:s3] =	stream.indirect.scatter.add.f32 [tilespmem:s29], [sflag:$0x3], $0x80, s26, s28, $0xb8;
	[tilespmem:$0x1E880] =	vst v63  }
0x4d: {  	_ =	swait.ge [sflag:s1], $0x4000  }
0x4e: {  	[sflag:s1] =	ssyncset.done $0x0  }
0x4f: {  	s16 =	rddreg [dreg:$0xf];
	[sflag:s1] =	ssyncadd.s32 $0xFFFFC000  }
0x50: {  	[tilespmem:s26], [sflag:$0x2] =	stream.linear.gather [hbm4b:s16+s22], $0x80, $0x38;
	[tilespmem:$0x1E880] =	vst v63  }
0x51: {  	s18 =	simm.s32 $0x100  }
0x52: {  	[tilespmem:s29], [sflag:$0x1] =	stream.indirect.gather [hbm4b:s5+s28], $0x80, s18, s28, $0xb8;
	[tilespmem:$0x1E880] =	vst v63  }
0x53: {  	_ =	swait.ge [sflag:s0], $0x4000  }
0x54: {  	[sflag:s0] =	ssyncset.done $0x0  }
0x55: {  	[sflag:s0] =	ssyncadd.s32 $0xFFFFC000  }
0x56: {  	_ =	swait.ge [sflag:s2], $0x80  }
0x57: {  	[sflag:s2] =	ssyncset.done $0x0  }
0x58: {  	[sflag:s2] =	ssyncadd.s32 $0xFFFFFF80  }
0x59: {  	[spmem:s3] =	stream.indirect.scatter.add.f32 [tilespmem:s31], [sflag:$0x3], $0x80, s30, s28, $0xb8;
	[tilespmem:$0x1E880] =	vst v63  }
0x5a: {  	_ =	swait.ge [sflag:s1], $0x4000  }
0x5b: {  	s19 =	sadd.s32 $0x0, s23;
	[sflag:s1] =	ssyncset.done $0x0  }
0x5c: {  	s13 =	sadd.s32 $0x30, s19;
	[sflag:s1] =	ssyncadd.s32 $0xFFFFC000  }
0x5d: {  	[tilespmem:s30], [sflag:$0x2] =	stream.linear.gather [hbm4b:s13+s4], $0x80, $0x38;
	[tilespmem:$0x1E880] =	vst v63  }
0x5e: {  	s22 =	simm.s32 $0x180  }
0x5f: {  	[tilespmem:s31], [sflag:$0x1] =	stream.indirect.gather [hbm4b:s5+s28], $0x80, s22, s28, $0xb8;
	[tilespmem:$0x1E880] =	vst v63  }
0x60: {  	_ =	swait.ge [sflag:s0], $0x4000  }
0x61: {  	[sflag:s0] =	ssyncset.done $0x0  }
0x62: {  	[sflag:s0] =	ssyncadd.s32 $0xFFFFC000  }
0x63: {  	_ =	swait.ge [sflag:s2], $0x80  }
0x64: {  	[sflag:s2] =	ssyncset.done $0x0  }
0x65: {  	[sflag:s2] =	ssyncadd.s32 $0xFFFFFF80  }
0x66: {  	[spmem:s3] =	stream.indirect.scatter.add.f32 [tilespmem:s29], [sflag:$0x3], $0x80, s26, s28, $0xb8;
	[tilespmem:$0x1E880] =	vst v63  }
0x67: {  	p3 =	sle.u32 s8, $0x4;
	_ =	swait.ge [sflag:s1], $0x4000  }
0x68: {  	s14 =	simm.s32 @!p3 $0x2780;
	s13 =	sadd.s32 @!p3 $0x0, s23;
	[sflag:s1] =	ssyncset.done $0x0  }
0x69: {  	s16 =	simm.s32 @!p3 $0x0;
	s13 =	sadd.s32 @!p3 $0x40, s13;
	[sflag:s1] =	ssyncadd.s32 $0xFFFFC000  }
0x6a: {  	[tilespmem:s14], [sflag:$0x2] =	stream.linear.gather @!p3 [hbm4b:s13+s16], $0x80, $0x38;
	[tilespmem:$0x1E880] =	vst v63  }
0x6b: {  	s13 =	simm.s32 @!p3 $0x200;
	s14 =	simm.s32 @!p3 $0x80;
	s16 =	simm.s32 @!p3 $0x2880  }
0x6c: {  	[tilespmem:s16], [sflag:$0x1] =	stream.indirect.gather @!p3 [hbm4b:s5+s14], $0x80, s13, s14, $0xb8;
	[tilespmem:$0x1E880] =	vst v63  }
0x6d: {  	_ =	swait.ge [sflag:s0], $0x4000  }
0x6e: {  	[sflag:s0] =	ssyncset.done $0x0  }
0x6f: {  	[sflag:s0] =	ssyncadd.s32 $0xFFFFC000  }
0x70: {  	_ =	swait.ge [sflag:s2], $0x80  }
0x71: {  	s18 =	simm.s32 $0x6;
	[sflag:s2] =	ssyncset.done $0x0  }
0x72: {  	s14 =	simm.s32 $0x20;
	s13 =	simm.s32 $0x280;
	[sflag:s2] =	ssyncadd.s32 $0xFFFFFF80  }
.LBB2_3:
0x73: {  	[spmem:s3] =	stream.indirect.scatter.add.f32 [tilespmem:s31], [sflag:$0x3], $0x80, s30, s28, $0xb8;
	[tilespmem:$0x1E880] =	vst v63  }
0x74: {  	s16 =	smov.u32 s14;
	s14 =	sadd.s32 $0x20, s14;
	_ =	swait.ge [sflag:s1], $0x4000  }
0x75: {  	s19 =	sadd.s32 s16, s23;
	p3 =	sne.s32 s14, $0x4C0;
	[sflag:s1] =	ssyncset.done $0x0  }
0x76: {  	s19 =	sadd.s32 $0x30, s19;
	[sflag:s1] =	ssyncadd.s32 $0xFFFFC000  }
0x77: {  	[tilespmem:s30], [sflag:$0x2] =	stream.linear.gather [hbm4b:s19+s4], $0x80, $0x38;
	[tilespmem:$0x1E880] =	vst v63  }
0x78: {  	_ = 	snop  }
0x79: {  	[tilespmem:s31], [sflag:$0x1] =	stream.indirect.gather [hbm4b:s5+s28], $0x80, s13, s28, $0xb8;
	[tilespmem:$0x1E880] =	vst v63  }
0x7a: {  	_ =	swait.ge [sflag:s0], $0x4000  }
0x7b: {  	[sflag:s0] =	ssyncset.done $0x0  }
0x7c: {  	[sflag:s0] =	ssyncadd.s32 $0xFFFFC000  }
0x7d: {  	_ =	swait.ge [sflag:s2], $0x80  }
0x7e: {  	[sflag:s2] =	ssyncset.done $0x0  }
0x7f: {  	[sflag:s2] =	ssyncadd.s32 $0xFFFFFF80  }
0x80: {  	[spmem:s3] =	stream.indirect.scatter.add.f32 [tilespmem:s29], [sflag:$0x3], $0x80, s26, s28, $0xb8;
	[tilespmem:$0x1E880] =	vst v63  }
0x81: {  	p4 =	sge.u32 s18, s8;
	_ =	swait.ge [sflag:s1], $0x4000  }
0x82: {  	s16 =	sadd.s32 @!p4 s16, s23;
	s19 =	simm.s32 @!p4 $0x2780;
	[sflag:s1] =	ssyncset.done $0x0  }
0x83: {  	s22 =	simm.s32 @!p4 $0x0;
	s16 =	sadd.s32 @!p4 $0x40, s16;
	[sflag:s1] =	ssyncadd.s32 $0xFFFFC000  }
0x84: {  	[tilespmem:s19], [sflag:$0x2] =	stream.linear.gather @!p4 [hbm4b:s16+s22], $0x80, $0x38;
	[tilespmem:$0x1E880] =	vst v63  }
0x85: {  	s16 =	sadd.s32 @!p4 $0x80, s13;
	s19 =	simm.s32 @!p4 $0x80;
	s22 =	simm.s32 @!p4 $0x2880  }
0x86: {  	[tilespmem:s22], [sflag:$0x1] =	stream.indirect.gather @!p4 [hbm4b:s5+s19], $0x80, s16, s19, $0xb8;
	[tilespmem:$0x1E880] =	vst v63  }
0x87: {  	_ =	swait.ge [sflag:s0], $0x4000  }
.Ltmp3:
0x88: {  	[sflag:s0] =	ssyncset.done $0x0;
	(pc) =	sbr.rel @p3 .LBB2_3-.Ltmp3, $4  }
0x89: {  	[sflag:s0] =	ssyncadd.s32 $0xFFFFC000  }
0x8a: {  	_ =	swait.ge [sflag:s2], $0x80  }
0x8b: {  	[sflag:s2] =	ssyncset.done $0x0  }
0x8c: {  	s18 =	sadd.s32 $0x2, s18;
	s13 =	sadd.s32 $0x100, s13;
	[sflag:s2] =	ssyncadd.s32 $0xFFFFFF80  }
.Ltmp4:
0x8d: {  	(pc) =	sbr.rel @p0 .LBB2_8-.Ltmp4, $4  }
.Ltmp5:
0x8e: {  	(pc) =	sbr.rel @!p0 .LBB2_9-.Ltmp5, $4  }
0x8f: {  	_ = 	snop  }
0x90: {  	[spmem:s3] =	stream.indirect.scatter.add.f32 [tilespmem:s31], [sflag:$0x3], $0x80, s30, s28, $0xb8;
	[tilespmem:$0x1E880] =	vst v63  }
0x91: {  	s13 =	rddreg [dreg:$0xb]  }
0x92: {  	_ = 	snop  }
.LBB2_5:
0x93: {  	s13 =	rddreg [dreg:$0x6]  }
0x94: {  	[tilespmem:s4], [sflag:$0x4] =	stream.linear.gather [hbm4b:s13+s4], $0x2700, $0x38;
	[tilespmem:$0x1E880] =	vst v63  }
0x95: {  	_ =	swait.ge [sflag:s25], $0x2700  }
0x96: {  	s14 =	simm.s32 @!p2 $0x2700;
	[sflag:s25] =	ssyncset.done $0x0  }
0x97: {  	s13 =	simm.s32 @!p2 $0x0;
	s16 =	rddreg [dreg:$0x7];
	[sflag:s25] =	ssyncadd.s32 $0xFFFFD900  }
0x98: {  	[tilespmem:s14], [sflag:$0x4] =	stream.linear.gather @!p2 [hbm4b:s16+s13], $0x80, $0x38;
	[tilespmem:$0x1E880] =	vst v63  }
0x99: {  	s13 =	simm.s32 @!p2 $0x4  }
0x9a: {  	_ =	swait.ge @!p2 [sflag:s13], $0x80  }
0x9b: {  	[sflag:s13] =	ssyncset.done @!p2 $0x0  }
0x9c: {  	s16 =	rddreg [dreg:$0x8];
	[sflag:s13] =	ssyncadd.s32 @!p2 $0xFFFFFF80  }
0x9d: {  	[tilespmem:s26], [sflag:$0x2] =	stream.linear.gather [hbm4b:s16+s4], $0x80, $0x38;
	[tilespmem:$0x1E880] =	vst v63  }
0x9e: {  	_ = 	snop  }
0x9f: {  	[tilespmem:s29], [sflag:$0x1] =	stream.indirect.gather [hbm4b:s5+s28], $0x80, s4, s28, $0xb8;
	[tilespmem:$0x1E880] =	vst v63  }
0xa0: {  	s18 =	rddreg [dreg:$0xc]  }
0xa1: {  	[tilespmem:s30], [sflag:$0x2] =	stream.linear.gather [hbm4b:s18+s4], $0x80, $0x38;
	[tilespmem:$0x1E880] =	vst v63  }
0xa2: {  	_ = 	snop  }
0xa3: {  	[tilespmem:s31], [sflag:$0x1] =	stream.indirect.gather [hbm4b:s5+s28], $0x80, s28, s28, $0xb8;
	[tilespmem:$0x1E880] =	vst v63  }
0xa4: {  	_ =	swait.ge [sflag:s0], $0x4000  }
0xa5: {  	[sflag:s0] =	ssyncset.done $0x0  }
0xa6: {  	[sflag:s0] =	ssyncadd.s32 $0xFFFFC000  }
0xa7: {  	_ =	swait.ge [sflag:s2], $0x80  }
0xa8: {  	[sflag:s2] =	ssyncset.done $0x0  }
0xa9: {  	[sflag:s2] =	ssyncadd.s32 $0xFFFFFF80  }
0xaa: {  	[spmem:s3] =	stream.indirect.scatter.add.f32 [tilespmem:s29], [sflag:$0x3], $0x80, s26, s28, $0xb8;
	[tilespmem:$0x1E880] =	vst v63  }
0xab: {  	_ =	swait.ge [sflag:s1], $0x4000  }
0xac: {  	[sflag:s1] =	ssyncset.done $0x0  }
0xad: {  	s19 =	rddreg [dreg:$0xd];
	[sflag:s1] =	ssyncadd.s32 $0xFFFFC000  }
0xae: {  	[tilespmem:s26], [sflag:$0x2] =	stream.linear.gather [hbm4b:s19+s4], $0x80, $0x38;
	[tilespmem:$0x1E880] =	vst v63  }
0xaf: {  	s22 =	simm.s32 $0x100  }
0xb0: {  	[tilespmem:s29], [sflag:$0x1] =	stream.indirect.gather [hbm4b:s5+s28], $0x80, s22, s28, $0xb8;
	[tilespmem:$0x1E880] =	vst v63  }
0xb1: {  	_ =	swait.ge [sflag:s0], $0x4000  }
0xb2: {  	[sflag:s0] =	ssyncset.done $0x0  }
0xb3: {  	[sflag:s0] =	ssyncadd.s32 $0xFFFFC000  }
0xb4: {  	_ =	swait.ge [sflag:s2], $0x80  }
0xb5: {  	[sflag:s2] =	ssyncset.done $0x0  }
0xb6: {  	[sflag:s2] =	ssyncadd.s32 $0xFFFFFF80  }
0xb7: {  	[spmem:s3] =	stream.indirect.scatter.add.f32 [tilespmem:s31], [sflag:$0x3], $0x80, s30, s28, $0xb8;
	[tilespmem:$0x1E880] =	vst v63  }
0xb8: {  	_ =	swait.ge [sflag:s1], $0x4000  }
0xb9: {  	[sflag:s1] =	ssyncset.done $0x0  }
0xba: {  	[sflag:s1] =	ssyncadd.s32 $0xFFFFC000  }
0xbb: {  	[tilespmem:s30], [sflag:$0x2] =	stream.linear.gather [hbm4b:s20+s4], $0x80, $0x38;
	[tilespmem:$0x1E880] =	vst v63  }
0xbc: {  	s10 =	smov.u32 s24;
	s24 =	simm.s32 $0x180  }
0xbd: {  	[tilespmem:s31], [sflag:$0x1] =	stream.indirect.gather [hbm4b:s5+s28], $0x80, s24, s28, $0xb8;
	[tilespmem:$0x1E880] =	vst v63  }
0xbe: {  	_ =	swait.ge [sflag:s0], $0x4000  }
0xbf: {  	[sflag:s0] =	ssyncset.done $0x0  }
0xc0: {  	[sflag:s0] =	ssyncadd.s32 $0xFFFFC000  }
0xc1: {  	_ =	swait.ge [sflag:s2], $0x80  }
0xc2: {  	[sflag:s2] =	ssyncset.done $0x0  }
0xc3: {  	[sflag:s2] =	ssyncadd.s32 $0xFFFFFF80  }
0xc4: {  	[spmem:s3] =	stream.indirect.scatter.add.f32 [tilespmem:s29], [sflag:$0x3], $0x80, s26, s28, $0xb8;
	[tilespmem:$0x1E880] =	vst v63  }
0xc5: {  	_ =	swait.ge [sflag:s1], $0x4000  }
0xc6: {  	p3 =	sle.u32 s8, $0x4;
	[sflag:s1] =	ssyncset.done $0x0  }
0xc7: {  	s14 =	simm.s32 @!p3 $0x2780;
	s13 =	simm.s32 @!p3 $0x0;
	[sflag:s1] =	ssyncadd.s32 $0xFFFFC000  }
0xc8: {  	[tilespmem:s14], [sflag:$0x2] =	stream.linear.gather @!p3 [hbm4b:s21+s13], $0x80, $0x38;
	[tilespmem:$0x1E880] =	vst v63  }
0xc9: {  	s16 =	simm.s32 @!p3 $0x2880;
	s13 =	simm.s32 @!p3 $0x200;
	s14 =	simm.s32 @!p3 $0x80  }
0xca: {  	[tilespmem:s16], [sflag:$0x1] =	stream.indirect.gather @!p3 [hbm4b:s5+s14], $0x80, s13, s14, $0xb8;
	[tilespmem:$0x1E880] =	vst v63  }
0xcb: {  	_ =	swait.ge [sflag:s0], $0x4000  }
0xcc: {  	[sflag:s0] =	ssyncset.done $0x0  }
0xcd: {  	[sflag:s0] =	ssyncadd.s32 $0xFFFFC000  }
0xce: {  	_ =	swait.ge [sflag:s2], $0x80  }
0xcf: {  	s18 =	sadd.s32 $0x20, s20;
	s14 =	simm.s32 $0x6;
	[sflag:s2] =	ssyncset.done $0x0  }
0xd0: {  	s13 =	sadd.s32 $0x20, s21;
	s16 =	simm.s32 $0x280;
	[sflag:s2] =	ssyncadd.s32 $0xFFFFFF80  }
.LBB2_6:
0xd1: {  	[spmem:s3] =	stream.indirect.scatter.add.f32 [tilespmem:s31], [sflag:$0x3], $0x80, s30, s28, $0xb8;
	[tilespmem:$0x1E880] =	vst v63  }
0xd2: {  	s19 =	smov.u32 s14;
	s14 =	sadd.s32 $0x2, s14;
	_ =	swait.ge [sflag:s1], $0x4000  }
0xd3: {  	p3 =	sne.s32 s14, $0x50;
	[sflag:s1] =	ssyncset.done $0x0  }
0xd4: {  	[sflag:s1] =	ssyncadd.s32 $0xFFFFC000  }
0xd5: {  	[tilespmem:s30], [sflag:$0x2] =	stream.linear.gather [hbm4b:s18+s4], $0x80, $0x38;
	[tilespmem:$0x1E880] =	vst v63  }
0xd6: {  	_ = 	snop  }
0xd7: {  	[tilespmem:s31], [sflag:$0x1] =	stream.indirect.gather [hbm4b:s5+s28], $0x80, s16, s28, $0xb8;
	[tilespmem:$0x1E880] =	vst v63  }
0xd8: {  	_ =	swait.ge [sflag:s0], $0x4000  }
0xd9: {  	[sflag:s0] =	ssyncset.done $0x0  }
0xda: {  	[sflag:s0] =	ssyncadd.s32 $0xFFFFC000  }
0xdb: {  	_ =	swait.ge [sflag:s2], $0x80  }
0xdc: {  	[sflag:s2] =	ssyncset.done $0x0  }
0xdd: {  	[sflag:s2] =	ssyncadd.s32 $0xFFFFFF80  }
0xde: {  	[spmem:s3] =	stream.indirect.scatter.add.f32 [tilespmem:s29], [sflag:$0x3], $0x80, s26, s28, $0xb8;
	[tilespmem:$0x1E880] =	vst v63  }
0xdf: {  	_ =	swait.ge [sflag:s1], $0x4000  }
0xe0: {  	p4 =	sge.u32 s19, s8;
	[sflag:s1] =	ssyncset.done $0x0  }
0xe1: {  	s19 =	simm.s32 @!p4 $0x0;
	s22 =	simm.s32 @!p4 $0x2780;
	[sflag:s1] =	ssyncadd.s32 $0xFFFFC000  }
0xe2: {  	[tilespmem:s22], [sflag:$0x2] =	stream.linear.gather @!p4 [hbm4b:s13+s19], $0x80, $0x38;
	[tilespmem:$0x1E880] =	vst v63  }
0xe3: {  	s24 =	simm.s32 @!p4 $0x2880;
	s19 =	sadd.s32 @!p4 $0x80, s16;
	s22 =	simm.s32 @!p4 $0x80  }
0xe4: {  	[tilespmem:s24], [sflag:$0x1] =	stream.indirect.gather @!p4 [hbm4b:s5+s22], $0x80, s19, s22, $0xb8;
	[tilespmem:$0x1E880] =	vst v63  }
0xe5: {  	_ =	swait.ge [sflag:s0], $0x4000  }
.Ltmp6:
0xe6: {  	[sflag:s0] =	ssyncset.done $0x0;
	(pc) =	sbr.rel @p3 .LBB2_6-.Ltmp6, $4  }
0xe7: {  	[sflag:s0] =	ssyncadd.s32 $0xFFFFC000  }
0xe8: {  	_ =	swait.ge [sflag:s2], $0x80  }
0xe9: {  	s13 =	sadd.s32 $0x20, s13;
	[sflag:s2] =	ssyncset.done $0x0  }
0xea: {  	s18 =	sadd.s32 $0x20, s18;
	s16 =	sadd.s32 $0x100, s16;
	[sflag:s2] =	ssyncadd.s32 $0xFFFFFF80  }
.Ltmp7:
0xeb: {  	(pc) =	sbr.rel @p2 .LBB2_9-.Ltmp7, $4  }
.Ltmp8:
0xec: {  	(pc) =	sbr.rel @!p2 .LBB2_8-.Ltmp8, $4  }
0xed: {  	_ = 	snop  }
0xee: {  	[spmem:s3] =	stream.indirect.scatter.add.f32 [tilespmem:s31], [sflag:$0x3], $0x80, s30, s28, $0xb8;
	[tilespmem:$0x1E880] =	vst v63  }
0xef: {  	s13 =	rddreg [dreg:$0x9];
	s24 =	smov.u32 s10  }
0xf0: {  	_ = 	snop  }
.LBB2_10:
0xf1: {  	_ =	sfence.sel $0x180000  }
0xf2: {  	[bflag:$0x0] =	sbarrier.arrive $0xFFFF  }
0xf3: {  	_ =	strace $0x9000004D  }
0xf4: {  	s0 =	stileid.u32;
	[bflag:$0x2] =	sbarrier.arrive $0xFFFF  }
0xf5: {  	p0 =	sne.s32 s0, $0x0;
	s0 =	rddreg [dreg:$0x5]  }
0xf6: {  	s0 =	sadd.s32 @!p0 $0x100000, s0  }
0xf7: {  	[sflag:s0] =	ssyncadd.tile.s32 @!p0 $0x1;
	_ =	shalt  }
.Lfunc_end2:
_tile_overlayer_lowered:
.L_overlay_start_2:
0xf8: {  	(tag) =	ssettag $0x2  }
0xf9: {  	s0 =	rddreg [dreg:$0x0];
	s2 =	stileid.u32  }
0xfa: {  	s1 =	rddreg [dreg:$0x1];
	p0 =	sne.s32 s2, $0x0  }
0xfb: {  	s3 =	rddreg [dreg:$0x2];
	[bflag:$0x3] =	sbarrier.arrive $0xFFFF;
	s2 =	simm.s32 @!p0 $0x1C04  }
0xfc: {  	[timem:s3], [sflag:s2] =	dma.local @!p0 [hbm:s0], s1  }
0xfd: {  	s0 =	simm.s32 @!p0 $0x4  }
0xfe: {  	_ =	swait.ge @!p0 [sflag:s0], s1  }
0xff: {  	s1 =	ssub.s32 @!p0 $0x0, s1;
	[sflag:s0] =	ssyncset.done @!p0 $0x0  }
0x100: {  	[sflag:s0] =	ssyncadd.s32 @!p0 s1  }
0x101: {  	[bflag:$0x3] =	sbarrier.arrive $0xFFFF  }
0x102: {  	_ =	shalt  }

// kernel: kernel.22.cloned.1.call-start
scs
__scs_entry_jumppad:
0x0: {  	(pc) =	sbr.rel $0x88, $3  }
0x1: {  	(tag) =	ssettag $0x0;
	lr =	simm.s32 $0x1  }
0x2: {  	[smem:$0x3F99] =	sst lr;
	_ =	strace $0xD0000000  }
0x3: {  	_ = 	snop  }
0x4: {  	_ = 	snop  }
0x5: {  	_ = 	snop  }
0x6: {  	_ = 	snop  }
0x7: {  	_ = 	snop  }
__scs_overlays_trampoline_lowered:
0x8: {  	[smem:$0x3FA8] =	sst s0  }
0x9: {  	[smem:$0x3FA9] =	sst s1  }
0xa: {  	[smem:$0x3FAA] =	sst s2  }
0xb: {  	[smem:$0x3FAB] =	sst s3  }
0xc: {  	[smem:$0x3FAC] =	sst s4  }
0xd: {  	[smem:$0x3FAD] =	sst s5  }
0xe: {  	[smem:$0x3FAE] =	sst s6  }
0xf: {  	[smem:$0x3FAF] =	sst s7  }
0x10: {  	[smem:$0x3FB0] =	sst s8  }
0x11: {  	[smem:$0x3FB1] =	sst s9;
	s0 =	simm.s32 @!p0 $0x0  }
0x12: {  	s1 =	sld [smem:$0x3F97];
	s0 =	simm.s32 @p0 $0x1  }
0x13: {  	[smem:$0x3FB2] =	sst s0;
	s0 =	simm.s32 @!p1 $0x0  }
0x14: {  	s2 =	sld [smem:$0x3F96];
	s0 =	simm.s32 @p1 $0x1  }
0x15: {  	[smem:$0x3FB3] =	sst s0;
	s0 =	simm.s32 @!p2 $0x0  }
0x16: {  	s3 =	sld [smem:$0x3FDB];
	s0 =	simm.s32 @p2 $0x1  }
0x17: {  	s4 =	simm.s32 $0x1BF5;
	[smem:$0x3FB5] =	sst s0  }
0x18: {  	s0 =	sld [smem:$0x3F98];
	_ =	swait.ge [sflag:s4], $0x0  }
0x19: {  	s7 =	sld [smem:$0x3F99]  }
0x1a: {  	s8 =	sadd.s32 $0xFFFFE003, lr  }
0x1b: {  	s9 =	sadd.s32 $0xFFFFFEF7, lr;
	s5 =	simm.s32 $0xFFFFFFFF;
	p2 =	slt.u32 s8, $0xFFFFF086  }
0x1c: {  	p1 =	slt.u32 s9, $0xF7A;
	s5 =	simm.s32 @!p2 $0x0  }
0x1d: {  	s5 =	simm.s32 @p1 $0x1;
	p0 =	seq.s32 s7, s2  }
0x1e: {  	s7 =	smul.u32 @!p0 $0xF7A, s2;
	p2 =	seq.s32 @!p0 s5, $0x0  }
0x1f: {  	s9 =	smul.u32 $0xF7A, s1;
	s8 =	simm.s32 @!p0 $0x1BF5;
	p2 =	por !p2, p0  }
0x20: {  	[sflag:s8] =	ssyncset.s32 @!p0 $0xFFFFF086;
	s6 =	sadd.s32 @!p0 s3, s7;
	s7 =	simm.s32 @!p0 $0x108  }
0x21: {  	s3 =	sadd.s32 s3, s9;
	s6 =	sadd.s32 @!p0 $0x88, s6;
	s7 =	simm.s32 @p2 $0x1082  }
0x22: {  	[simem:s7], [sflag:s8] =	dma.local @!p0 [hbm:s6], $0xF7A  }
0x23: {  	s9 =	sor.u32 $0xD0000000, s2;
	s6 =	simm.s32 $0x108;
	_ =	swait.ge @!p0 [sflag:s8], $0x0  }
0x24: {  	s3 =	sadd.s32 $0x88, s3;
	s6 =	simm.s32 @!p1 $0x1082;
	[sflag:s4] =	ssyncset.s32 $0xFFFFF086  }
0x25: {  	[simem:s6], [sflag:s4] =	dma.local [hbm:s3], $0xF7A  }
0x26: {  	[smem:$0x3F99] =	sst s1;
	(tag) =	ssettag s2;
	_ =	strace s9  }
0x27: {  	s1 =	sld [smem:$0x3FA9]  }
0x28: {  	s2 =	sld [smem:$0x3FAA]  }
0x29: {  	s4 =	sld [smem:$0x3FAC]  }
0x2a: {  	p0 =	seq.s32 s5, $0x0;
	s5 =	sld [smem:$0x3FAD]  }
0x2b: {  	s6 =	sld [smem:$0x3FAE]  }
0x2c: {  	s7 =	sld [smem:$0x3FAF]  }
0x2d: {  	s3 =	simm.s32 $0x108;
	s8 =	sld [smem:$0x3FB0]  }
0x2e: {  	s3 =	simm.s32 @!p0 $0x1082;
	s9 =	sld [smem:$0x3FB1]  }
0x2f: {  	lr =	sadd.s32 s0, s3;
	s0 =	sld [smem:$0x3FA8]  }
0x30: {  	s3 =	sld [smem:$0x3FAB]  }
0x31: {  	[smem:$0x3FB4] =	sst s10  }
0x32: {  	s10 =	sld [smem:$0x3FB2];
	_ =	sdelay $0x3  }
0x33: {  	p0 =	seq.s32 s10, $0x1;
	s10 =	sld [smem:$0x3FB4];
	_ =	sdelay $0x3  }
0x34: {  	[smem:$0x3FB4] =	sst s10  }
0x35: {  	s10 =	sld [smem:$0x3FB3];
	_ =	sdelay $0x3  }
0x36: {  	p1 =	seq.s32 s10, $0x1;
	s10 =	sld [smem:$0x3FB4];
	_ =	sdelay $0x3  }
0x37: {  	[smem:$0x3FB4] =	sst s10  }
0x38: {  	s10 =	sld [smem:$0x3FB5]  }
0x39: {  	_ = 	snop;
	(pc) =	sbr.ind lr, $3  }
0x3a: {  	_ = 	snop  }
0x3b: {  	_ = 	snop  }
0x3c: {  	p2 =	seq.s32 s10, $0x1;
	s10 =	sld [smem:$0x3FB4]  }
0x3d: {  	_ =	shalt  }
0x3e: {  	_ =	shalt  }
0x3f: {  	_ =	shalt  }
0x40: {  	_ =	shalt  }
0x41: {  	_ =	shalt  }
0x42: {  	_ =	shalt  }
0x43: {  	_ =	shalt  }
0x44: {  	_ =	shalt  }
0x45: {  	_ =	shalt  }
0x46: {  	_ =	shalt  }
0x47: {  	_ =	shalt  }
0x48: {  	_ =	shalt  }
0x49: {  	_ =	shalt  }
0x4a: {  	_ =	shalt  }
0x4b: {  	_ =	shalt  }
0x4c: {  	_ =	shalt  }
0x4d: {  	_ =	shalt  }
0x4e: {  	_ =	shalt  }
0x4f: {  	_ =	shalt  }
0x50: {  	_ =	shalt  }
0x51: {  	_ =	shalt  }
0x52: {  	_ =	shalt  }
0x53: {  	_ =	shalt  }
0x54: {  	_ =	shalt  }
0x55: {  	_ =	shalt  }
0x56: {  	_ =	shalt  }
0x57: {  	_ =	shalt  }
0x58: {  	_ =	shalt  }
0x59: {  	_ =	shalt  }
0x5a: {  	_ =	shalt  }
0x5b: {  	_ =	shalt  }
0x5c: {  	_ =	shalt  }
0x5d: {  	_ =	shalt  }
0x5e: {  	_ =	shalt  }
0x5f: {  	_ =	shalt  }
0x60: {  	_ =	shalt  }
0x61: {  	_ =	shalt  }
0x62: {  	_ =	shalt  }
0x63: {  	_ =	shalt  }
0x64: {  	_ =	shalt  }
0x65: {  	_ =	shalt  }
0x66: {  	_ =	shalt  }
0x67: {  	_ =	shalt  }
0x68: {  	_ =	shalt  }
0x69: {  	_ =	shalt  }
0x6a: {  	_ =	shalt  }
0x6b: {  	_ =	shalt  }
0x6c: {  	_ =	shalt  }
0x6d: {  	_ =	shalt  }
0x6e: {  	_ =	shalt  }
0x6f: {  	_ =	shalt  }
0x70: {  	_ =	shalt  }
0x71: {  	_ =	shalt  }
0x72: {  	_ =	shalt  }
0x73: {  	_ =	shalt  }
0x74: {  	_ =	shalt  }
0x75: {  	_ =	shalt  }
0x76: {  	_ =	shalt  }
0x77: {  	_ =	shalt  }
0x78: {  	_ =	shalt  }
0x79: {  	_ =	shalt  }
0x7a: {  	_ =	shalt  }
0x7b: {  	_ =	shalt  }
0x7c: {  	_ =	shalt  }
0x7d: {  	_ =	shalt  }
0x7e: {  	_ =	shalt  }
0x7f: {  	_ =	shalt  }
0x80: {  	_ =	shalt  }
0x81: {  	_ =	shalt  }
0x82: {  	_ =	shalt  }
0x83: {  	_ =	shalt  }
0x84: {  	_ =	shalt  }
0x85: {  	_ =	shalt  }
0x86: {  	_ =	shalt  }
0x87: {  	_ =	shalt  }
.Lfunc_end0:
.L_simem_size_0:
called_computation.4_lowered:
.L_overlay_start_0:
0x88: {  	s2 =	sld [smem:$0x3FD9]  }
0x89: {  	s3 =	sld [smem:$0x3FFE];
	_ =	sdelay $0x1  }
0x8a: {  	s1 =	srdreg.scid  }
0x8b: {  	s0 =	sand.u32 $0x1, s1  }
0x8c: {  	s14 =	sshll.u32 s0, $0xA;
	s2 =	sadd.s32 s3, s2  }
0x8d: {  	s2 =	sadd.s32 s2, s14  }
0x8e: {  	[smem:$0x3FC0] =	sst s2  }
0x8f: {  	_ = 	snop  }
0x90: {  	s2 =	sld [smem:$0x3FD0];
	_ =	sdelay $0x2  }
0x91: {  	s15 =	simm.s32 $0xB;
	s4 =	simm.s32 $0x10  }
0x92: {  	[smem:s4], [sflag:s15] =	dma.local [hbm:s2], $0x1  }
0x93: {  	_ =	swait.eq [sflag:s15], $0x1  }
0x94: {  	s16 =	sld [smem:$0x10];
	[sflag:s15] =	ssyncset.done $0x0  }
0x95: {  	s17 =	sld [smem:$0x11];
	[sflag:s15] =	ssyncadd.s32 $0xFFFFFFFF  }
0x96: {  	s18 =	sld [smem:$0x12];
	(tm) =	ssettm $0x1  }
0x97: {  	s5 =	sld [smem:$0x3FFB];
	_ =	sdelay $0x3  }
0x98: {  	_ =	strace s5  }
0x99: {  	s5 =	sld [smem:$0x3FFC];
	_ =	sdelay $0x3  }
0x9a: {  	_ =	strace s5  }
0x9b: {  	s5 =	sld [smem:$0x3FFD];
	_ =	sdelay $0x3  }
0x9c: {  	_ =	strace s5  }
0x9d: {  	_ =	strace $0x8FFFFFFF  }
0x9e: {  	s19 =	sld [smem:$0x3FDB];
	_ =	sdelay $0x1  }
0x9f: {  	s6 =	simm.s32 $_scs_section_size  }
0xa0: {  	s7 =	simm.s32 $_size__tile_overlayer_lowered;
	s8 =	simm.s32 $_tile_overlayer_lowered  }
0xa1: {  	s22 =	simm.s32 $0x1BFF;
	s21 =	sshll.u32 s8, $0x1;
	s5 =	sadd.s32 s6, s19  }
0xa2: {  	s9 =	simm.s32 $0x0;
	s20 =	sshll.u32 s7, $0x1;
	s7 =	sadd.s32 s21, s5  }
0xa3: {  	[timem:s9], [sflag:s22] =	dma.local [hbm:s7], s20  }
0xa4: {  	_ =	swait.ge [sflag:s22], s20  }
0xa5: {  	s6 =	ssub.s32 $0x0, s20;
	[sflag:s22] =	ssyncset.done $0x0  }
0xa6: {  	[sflag:s22] =	ssyncadd.s32 s6;
	_ =	sdelay $0x1  }
0xa7: {  	s23 =	simm.s32 $0x1B8B  }
0xa8: {  	_ =	swait.ge [sflag:s23], $0x1  }
0xa9: {  	[sflag:s23] =	ssyncset.done $0x0  }
0xaa: {  	s25 =	simm.s32 $0x1B8E;
	s24 =	sld [smem:$0x3FFE];
	[sflag:s23] =	ssyncadd.s32 $0xFFFFFFFF  }
0xab: {  	s26 =	simm.s32 $execute0_lowered;
	[smem:$0x3FD2] =	sst s25  }
0xac: {  	s7 =	sshll.u32 s26, $0x1;
	_ =	strace $0x80000052;
	[dreg:$0x1] =	wrdreg $0xFFFFFFFF  }
0xad: {  	s28 =	simm.s32 $_size_execute0_lowered;
	s5 =	sadd.s32 s5, s7;
	[dreg:$0x0] =	wrdreg $0x0  }
0xae: {  	s7 =	sshll.u32 s28, $0x1;
	[dreg:$0x2] =	wrdreg s5  }
0xaf: {  	[dreg:$0x3] =	wrdreg s7  }
0xb0: {  	[dreg:$0x4] =	wrdreg $0xC0  }
0xb1: {  	_ =	task [dreg:s9], $0x5FFFF  }
0xb2: {  	[dreg:$0x1] =	wrdreg $0xFFFFFFFF  }
0xb3: {  	[dreg:$0x0] =	wrdreg $0x60  }
0xb4: {  	[dreg:$0x2] =	wrdreg s24  }
0xb5: {  	[dreg:$0x3] =	wrdreg s17  }
0xb6: {  	[dreg:$0x4] =	wrdreg s18  }
0xb7: {  	[dreg:$0x5] =	wrdreg s16  }
0xb8: {  	[dreg:$0x6] =	wrdreg $0xA8800  }
0xb9: {  	[dreg:$0x7] =	wrdreg $0x9  }
0xba: {  	_ =	task.clear_ibuf [dreg:s9], $0x8FFFF;
	_ =	strace $0x90000052  }
0xbb: {  	s29 =	simm.s32 $0x9;
	_ =	strace $0x80000054  }
0xbc: {  	_ =	swait.ge [sflag:s29], $0x1  }
0xbd: {  	[sflag:s29] =	ssyncadd.s32 $0xFFFFFFFF  }
0xbe: {  	_ =	strace $0x90000054  }
0xbf: {  	_ =	sfence  }
0xc0: {  	s30 =	sld [smem:$0x0];
	_ =	sdelay $0x2  }
0xc1: {  	s31 =	sshll.u32 s1, $0xD;
	s1 =	sshrl.u32 s1, $0x2  }
0xc2: {  	s3 =	sand.u32 $0x4000, s31;
	s1 =	sadd.s32 s1, s30  }
0xc3: {  	s0 =	sor.u32 s3, s0;
	s1 =	sshll.u32 s1, $0x11  }
0xc4: {  	s0 =	sor.u32 s1, s0  }
0xc5: {  	s0 =	sadd.s32 $0x8F2B, s0  }
0xc6: {  	[sflag:s0] =	ssyncadd.remote.s32 $0x1  }
0xc7: {  	_ =	sfence.sel $0xFFFF  }
0xc8: {  	[dreg:$0x0] =	wrdreg $0xFFFFFFFF;
	(pc) =	sbr.abs _section_cstart, $3  }
0xc9: {  	[dreg:$0x1] =	wrdreg $0xFFFFFFFF  }
0xca: {  	_ =	task.clear_ibuf [dreg:s9], $0x2FFFF;
	_ =	strace $0x9FFFFFFF  }
0xcb: {  	(tm) =	ssettm $0x7FFFFFFF  }
tec
execute0_lowered:
.L_overlay_start_1:
0x0: {  	(tag) =	ssettag $0x1  }
0x1: {  	s0 =	rddreg [dreg:$0x0]  }
0x2: {  	s1 =	rddreg [dreg:$0x1]  }
0x3: {  	s2 =	rddreg [dreg:$0x2]  }
0x4: {  	s24 =	rddreg [dreg:$0x3]  }
0x5: {  	s3 =	rddreg [dreg:$0x4];
	s4 =	simm.s32 $0x0;
	s16 =	stileid.u32  }
0x6: {  	s5 =	srdreg.scid;
	s28 =	simm.s32 $0x80;
	s29 =	simm.s32 $0x2880  }
0x7: {  	s30 =	simm.s32 $0x2800;
	s31 =	simm.s32 $0x6880;
	s6 =	smul.u32 $0x2800, s16  }
0x8: {  	[smem:$0x7FF] =	sst s4;
	s10 =	sand.u32 $0x1, s5;
	s8 =	smul.u32 $0x50000, s16  }
0x9: {  	s5 =	sadd.s32 $0x5400, s0;
	s9 =	smul.u32 $0x4E, s16;
	s12 =	smin.u32 s16, $0x2  }
0xa: {  	s18 =	sshll.u32 s16, $0x6;
	p0 =	slt.u32 s16, $0x2;
	s23 =	smul.u32 $0x2700, s16  }
0xb: {  	p2 =	sgt.u32 s16, $0x1;
	_ =	strace $0x80000053;
	s7 =	ssub.s32 $0x2, s10  }
0xc: {  	s26 =	sshll.u32 s12, $0x7;
	p1 =	sne.s32 s10, $0x0;
	s0 =	sadd.s32 s6, s0  }
0xd: {  	s15 =	sshrl.u32 s7, $0x1;
	s17 =	sshrl.u32 s8, $0x2;
	s19 =	sadd.s32 s12, s9  }
0xe: {  	s8 =	simm.s32 $0x4F;
	s11 =	ssub.s32 s7, s15;
	s6 =	sadd.s32 s17, s3  }
0xf: {  	s7 =	sor.u32 $0x1C04, s18;
	s13 =	sshll.u32 s19, $0x4;
	s8 =	simm.s32 @!p0 $0x4E  }
0x10: {  	s22 =	sadd.s32 $0x7DC00, s0;
	s0 =	sadd.s32 $0x2D400, s0;
	s19 =	smul.u32 $0x4E0, s16  }
0x11: {  	s14 =	sadd.s32 $0x4E20, s13;
	s9 =	sadd.s32 s1, s13;
	[dreg:$0x9] =	wrdreg s22  }
0x12: {  	s15 =	sadd.s32 s2, s13;
	[dreg:$0xb] =	wrdreg s0;
	s17 =	smax.u32 s11, $0x1  }
0x13: {  	s13 =	sadd.s32 s26, s23;
	s11 =	simm.s32 $0x0;
	s1 =	sadd.s32 s1, s14  }
0x14: {  	s20 =	sadd.s32 $0x5300, s9;
	s21 =	sadd.s32 s2, s14;
	[dreg:$0x6] =	wrdreg s1  }
0x15: {  	s25 =	sadd.s32 $0x4E0, s9;
	s14 =	sadd.s32 $0x4E30, s15;
	[dreg:$0x7] =	wrdreg s20  }
0x16: {  	s18 =	sadd.s32 $0x27280, s13;
	s0 =	sadd.s32 $0x27300, s13;
	[dreg:$0x8] =	wrdreg s21  }
0x17: {  	s22 =	sadd.s32 s19, s2;
	s23 =	sadd.s32 $0x10, s15;
	[dreg:$0xa] =	wrdreg s25  }
0x18: {  	s26 =	sadd.s32 $0x20, s15;
	[dreg:$0xc] =	wrdreg s14;
	s1 =	sshrl.u32 s18, $0x3  }
.Ltmp0:
0x19: {  	s0 =	sshrl.u32 s0, $0x3;
	[dreg:$0xe] =	wrdreg s23;
	(pc) =	sbr.rel .LBB2_1-.Ltmp0, $4  }
0x1a: {  	s21 =	sadd.s32 $0x4E40, s15;
	s25 =	sshll.u32 s12, $0x4;
	[dreg:$0xf] =	wrdreg s26  }
0x1b: {  	s26 =	simm.s32 $0x2780;
	[dreg:$0xd] =	wrdreg s21;
	s20 =	sadd.s32 s1, s2  }
0x1c: {  	s21 =	sadd.s32 s0, s2;
	s23 =	sadd.s32 s25, s22;
	s25 =	simm.s32 $0x4  }
0x1d: {  	s0 =	simm.s32 $0x1;
	s2 =	simm.s32 $0x2;
	s1 =	simm.s32 $0x3  }
.LBB2_8:
0x1e: {  	_ =	swait.ge [sflag:s1], $0x4000  }
0x1f: {  	[sflag:s1] =	ssyncset.done $0x0  }
0x20: {  	[sflag:s1] =	ssyncadd.s32 $0xFFFFC000  }
0x21: {  	_ =	swait.ge [sflag:s0], $0x4000  }
0x22: {  	[sflag:s0] =	ssyncset.done $0x0  }
0x23: {  	[sflag:s0] =	ssyncadd.s32 $0xFFFFC000  }
0x24: {  	_ =	swait.ge [sflag:s2], $0x80  }
0x25: {  	[sflag:s2] =	ssyncset.done $0x0  }
0x26: {  	[sflag:s2] =	ssyncadd.s32 $0xFFFFFF80  }
0x27: {  	[spmem:s3] =	stream.indirect.scatter.add.f32 [tilespmem:s29], [sflag:$0x3], $0x80, s26, s28, $0xb8;
	[tilespmem:$0x1E880] =	vst v63  }
.LBB2_9:
0x28: {  	_ =	swait.ge [sflag:s1], $0x4000  }
0x29: {  	s11 =	sadd.s32 $0x1, s11;
	[sflag:s1] =	ssyncset.done $0x0  }
0x2a: {  	p3 =	sne.s32 s11, s17;
	[sflag:s1] =	ssyncadd.s32 $0xFFFFC000  }
.Ltmp1:
0x2b: {  	[bflag:$0x0] =	sbarrier.arrive $0xFFFF;
	(pc) =	sbr.rel @!p3 .LBB2_10-.Ltmp1, $4  }
0x2c: {  	[hbm:s13], [sflag:s7] =	dma.local [spmem:s12], $0x2800  }
0x2d: {  	_ =	swait.ge [sflag:s25], $0x2800  }
0x2e: {  	[sflag:s25] =	ssyncset.done $0x0  }
0x2f: {  	[sflag:s25] =	ssyncadd.s32 $0xFFFFD800  }
.LBB2_1:
0x30: {  	s12 =	sshrl.u32 s6, $0x3  }
0x31: {  	[spmem:s12], [sflag:s7] =	dma.local [hbm:s24], $0x2800  }
.Ltmp2:
0x32: {  	_ =	swait.ge [sflag:s25], $0x2800;
	(pc) =	sbr.rel @p1 .LBB2_5-.Ltmp2, $3  }
0x33: {  	[sflag:s25] =	ssyncset.done $0x0  }
0x34: {  	[sflag:s25] =	ssyncadd.s32 $0xFFFFD800  }
0x35: {  	[bflag:$0x0] =	sbarrier.arrive $0xFFFF;
	_ =	sdelay $0x1  }
0x36: {  	[tilespmem:s4], [sflag:$0x4] =	stream.linear.gather [hbm4b:s9+s4], $0x2700, $0x38;
	[tilespmem:$0x1E880] =	vst v63  }
0x37: {  	_ =	swait.ge [sflag:s25], $0x2700  }
0x38: {  	s13 =	simm.s32 @!p2 $0x0;
	[sflag:s25] =	ssyncset.done $0x0  }
0x39: {  	s14 =	simm.s32 @!p2 $0x2700;
	s10 =	rddreg [dreg:$0xa];
	[sflag:s25] =	ssyncadd.s32 $0xFFFFD900  }
0x3a: {  	[tilespmem:s14], [sflag:$0x4] =	stream.linear.gather @!p2 [hbm4b:s10+s13], $0x80, $0x38;
	[tilespmem:$0x1E880] =	vst v63  }
0x3b: {  	s13 =	simm.s32 @!p2 $0x4  }
0x3c: {  	_ =	swait.ge @!p2 [sflag:s13], $0x80  }
0x3d: {  	[sflag:s13] =	ssyncset.done @!p2 $0x0  }
0x3e: {  	s22 =	simm.s32 $0x0;
	[sflag:s13] =	ssyncadd.s32 @!p2 $0xFFFFFF80  }
0x3f: {  	[tilespmem:s26], [sflag:$0x2] =	stream.linear.gather [hbm4b:s15+s22], $0x80, $0x38;
	[tilespmem:$0x1E880] =	vst v63  }
0x40: {  	_ = 	snop  }
0x41: {  	[tilespmem:s29], [sflag:$0x1] =	stream.indirect.gather [hbm4b:s5+s28], $0x80, s22, s28, $0xb8;
	[tilespmem:$0x1E880] =	vst v63  }
0x42: {  	s14 =	rddreg [dreg:$0xe]  }
0x43: {  	[tilespmem:s30], [sflag:$0x2] =	stream.linear.gather [hbm4b:s14+s22], $0x80, $0x38;
	[tilespmem:$0x1E880] =	vst v63  }
0x44: {  	_ = 	snop  }
0x45: {  	[tilespmem:s31], [sflag:$0x1] =	stream.indirect.gather [hbm4b:s5+s28], $0x80, s28, s28, $0xb8;
	[tilespmem:$0x1E880] =	vst v63  }
0x46: {  	_ =	swait.ge [sflag:s0], $0x4000  }
0x47: {  	[sflag:s0] =	ssyncset.done $0x0  }
0x48: {  	[sflag:s0] =	ssyncadd.s32 $0xFFFFC000  }
0x49: {  	_ =	swait.ge [sflag:s2], $0x80  }
0x4a: {  	[sflag:s2] =	ssyncset.done $0x0  }
0x4b: {  	[sflag:s2] =	ssyncadd.s32 $0xFFFFFF80  }
0x4c: {  	[spmem:s3] =	stream.indirect.scatter.add.f32 [tilespmem:s29], [sflag:$0x3], $0x80, s26, s28, $0xb8;
	[tilespmem:$0x1E880] =	vst v63  }
0x4d: {  	_ =	swait.ge [sflag:s1], $0x4000  }
0x4e: {  	[sflag:s1] =	ssyncset.done $0x0  }
0x4f: {  	s16 =	rddreg [dreg:$0xf];
	[sflag:s1] =	ssyncadd.s32 $0xFFFFC000  }
0x50: {  	[tilespmem:s26], [sflag:$0x2] =	stream.linear.gather [hbm4b:s16+s22], $0x80, $0x38;
	[tilespmem:$0x1E880] =	vst v63  }
0x51: {  	s18 =	simm.s32 $0x100  }
0x52: {  	[tilespmem:s29], [sflag:$0x1] =	stream.indirect.gather [hbm4b:s5+s28], $0x80, s18, s28, $0xb8;
	[tilespmem:$0x1E880] =	vst v63  }
0x53: {  	_ =	swait.ge [sflag:s0], $0x4000  }
0x54: {  	[sflag:s0] =	ssyncset.done $0x0  }
0x55: {  	[sflag:s0] =	ssyncadd.s32 $0xFFFFC000  }
0x56: {  	_ =	swait.ge [sflag:s2], $0x80  }
0x57: {  	[sflag:s2] =	ssyncset.done $0x0  }
0x58: {  	[sflag:s2] =	ssyncadd.s32 $0xFFFFFF80  }
0x59: {  	[spmem:s3] =	stream.indirect.scatter.add.f32 [tilespmem:s31], [sflag:$0x3], $0x80, s30, s28, $0xb8;
	[tilespmem:$0x1E880] =	vst v63  }
0x5a: {  	_ =	swait.ge [sflag:s1], $0x4000  }
0x5b: {  	s19 =	sadd.s32 $0x0, s23;
	[sflag:s1] =	ssyncset.done $0x0  }
0x5c: {  	s13 =	sadd.s32 $0x30, s19;
	[sflag:s1] =	ssyncadd.s32 $0xFFFFC000  }
0x5d: {  	[tilespmem:s30], [sflag:$0x2] =	stream.linear.gather [hbm4b:s13+s4], $0x80, $0x38;
	[tilespmem:$0x1E880] =	vst v63  }
0x5e: {  	s22 =	simm.s32 $0x180  }
0x5f: {  	[tilespmem:s31], [sflag:$0x1] =	stream.indirect.gather [hbm4b:s5+s28], $0x80, s22, s28, $0xb8;
	[tilespmem:$0x1E880] =	vst v63  }
0x60: {  	_ =	swait.ge [sflag:s0], $0x4000  }
0x61: {  	[sflag:s0] =	ssyncset.done $0x0  }
0x62: {  	[sflag:s0] =	ssyncadd.s32 $0xFFFFC000  }
0x63: {  	_ =	swait.ge [sflag:s2], $0x80  }
0x64: {  	[sflag:s2] =	ssyncset.done $0x0  }
0x65: {  	[sflag:s2] =	ssyncadd.s32 $0xFFFFFF80  }
0x66: {  	[spmem:s3] =	stream.indirect.scatter.add.f32 [tilespmem:s29], [sflag:$0x3], $0x80, s26, s28, $0xb8;
	[tilespmem:$0x1E880] =	vst v63  }
0x67: {  	p3 =	sle.u32 s8, $0x4;
	_ =	swait.ge [sflag:s1], $0x4000  }
0x68: {  	s14 =	simm.s32 @!p3 $0x2780;
	s13 =	sadd.s32 @!p3 $0x0, s23;
	[sflag:s1] =	ssyncset.done $0x0  }
0x69: {  	s16 =	simm.s32 @!p3 $0x0;
	s13 =	sadd.s32 @!p3 $0x40, s13;
	[sflag:s1] =	ssyncadd.s32 $0xFFFFC000  }
0x6a: {  	[tilespmem:s14], [sflag:$0x2] =	stream.linear.gather @!p3 [hbm4b:s13+s16], $0x80, $0x38;
	[tilespmem:$0x1E880] =	vst v63  }
0x6b: {  	s13 =	simm.s32 @!p3 $0x200;
	s14 =	simm.s32 @!p3 $0x80;
	s16 =	simm.s32 @!p3 $0x2880  }
0x6c: {  	[tilespmem:s16], [sflag:$0x1] =	stream.indirect.gather @!p3 [hbm4b:s5+s14], $0x80, s13, s14, $0xb8;
	[tilespmem:$0x1E880] =	vst v63  }
0x6d: {  	_ =	swait.ge [sflag:s0], $0x4000  }
0x6e: {  	[sflag:s0] =	ssyncset.done $0x0  }
0x6f: {  	[sflag:s0] =	ssyncadd.s32 $0xFFFFC000  }
0x70: {  	_ =	swait.ge [sflag:s2], $0x80  }
0x71: {  	s18 =	simm.s32 $0x6;
	[sflag:s2] =	ssyncset.done $0x0  }
0x72: {  	s14 =	simm.s32 $0x20;
	s13 =	simm.s32 $0x280;
	[sflag:s2] =	ssyncadd.s32 $0xFFFFFF80  }
.LBB2_3:
0x73: {  	[spmem:s3] =	stream.indirect.scatter.add.f32 [tilespmem:s31], [sflag:$0x3], $0x80, s30, s28, $0xb8;
	[tilespmem:$0x1E880] =	vst v63  }
0x74: {  	s16 =	smov.u32 s14;
	s14 =	sadd.s32 $0x20, s14;
	_ =	swait.ge [sflag:s1], $0x4000  }
0x75: {  	s19 =	sadd.s32 s16, s23;
	p3 =	sne.s32 s14, $0x4C0;
	[sflag:s1] =	ssyncset.done $0x0  }
0x76: {  	s19 =	sadd.s32 $0x30, s19;
	[sflag:s1] =	ssyncadd.s32 $0xFFFFC000  }
0x77: {  	[tilespmem:s30], [sflag:$0x2] =	stream.linear.gather [hbm4b:s19+s4], $0x80, $0x38;
	[tilespmem:$0x1E880] =	vst v63  }
0x78: {  	_ = 	snop  }
0x79: {  	[tilespmem:s31], [sflag:$0x1] =	stream.indirect.gather [hbm4b:s5+s28], $0x80, s13, s28, $0xb8;
	[tilespmem:$0x1E880] =	vst v63  }
0x7a: {  	_ =	swait.ge [sflag:s0], $0x4000  }
0x7b: {  	[sflag:s0] =	ssyncset.done $0x0  }
0x7c: {  	[sflag:s0] =	ssyncadd.s32 $0xFFFFC000  }
0x7d: {  	_ =	swait.ge [sflag:s2], $0x80  }
0x7e: {  	[sflag:s2] =	ssyncset.done $0x0  }
0x7f: {  	[sflag:s2] =	ssyncadd.s32 $0xFFFFFF80  }
0x80: {  	[spmem:s3] =	stream.indirect.scatter.add.f32 [tilespmem:s29], [sflag:$0x3], $0x80, s26, s28, $0xb8;
	[tilespmem:$0x1E880] =	vst v63  }
0x81: {  	p4 =	sge.u32 s18, s8;
	_ =	swait.ge [sflag:s1], $0x4000  }
0x82: {  	s16 =	sadd.s32 @!p4 s16, s23;
	s19 =	simm.s32 @!p4 $0x2780;
	[sflag:s1] =	ssyncset.done $0x0  }
0x83: {  	s22 =	simm.s32 @!p4 $0x0;
	s16 =	sadd.s32 @!p4 $0x40, s16;
	[sflag:s1] =	ssyncadd.s32 $0xFFFFC000  }
0x84: {  	[tilespmem:s19], [sflag:$0x2] =	stream.linear.gather @!p4 [hbm4b:s16+s22], $0x80, $0x38;
	[tilespmem:$0x1E880] =	vst v63  }
0x85: {  	s16 =	sadd.s32 @!p4 $0x80, s13;
	s19 =	simm.s32 @!p4 $0x80;
	s22 =	simm.s32 @!p4 $0x2880  }
0x86: {  	[tilespmem:s22], [sflag:$0x1] =	stream.indirect.gather @!p4 [hbm4b:s5+s19], $0x80, s16, s19, $0xb8;
	[tilespmem:$0x1E880] =	vst v63  }
0x87: {  	_ =	swait.ge [sflag:s0], $0x4000  }
.Ltmp3:
0x88: {  	[sflag:s0] =	ssyncset.done $0x0;
	(pc) =	sbr.rel @p3 .LBB2_3-.Ltmp3, $4  }
0x89: {  	[sflag:s0] =	ssyncadd.s32 $0xFFFFC000  }
0x8a: {  	_ =	swait.ge [sflag:s2], $0x80  }
0x8b: {  	[sflag:s2] =	ssyncset.done $0x0  }
0x8c: {  	s18 =	sadd.s32 $0x2, s18;
	s13 =	sadd.s32 $0x100, s13;
	[sflag:s2] =	ssyncadd.s32 $0xFFFFFF80  }
.Ltmp4:
0x8d: {  	(pc) =	sbr.rel @p0 .LBB2_8-.Ltmp4, $4  }
.Ltmp5:
0x8e: {  	(pc) =	sbr.rel @!p0 .LBB2_9-.Ltmp5, $4  }
0x8f: {  	_ = 	snop  }
0x90: {  	[spmem:s3] =	stream.indirect.scatter.add.f32 [tilespmem:s31], [sflag:$0x3], $0x80, s30, s28, $0xb8;
	[tilespmem:$0x1E880] =	vst v63  }
0x91: {  	s13 =	rddreg [dreg:$0xb]  }
0x92: {  	_ = 	snop  }
.LBB2_5:
0x93: {  	s13 =	rddreg [dreg:$0x6]  }
0x94: {  	[tilespmem:s4], [sflag:$0x4] =	stream.linear.gather [hbm4b:s13+s4], $0x2700, $0x38;
	[tilespmem:$0x1E880] =	vst v63  }
0x95: {  	_ =	swait.ge [sflag:s25], $0x2700  }
0x96: {  	s14 =	simm.s32 @!p2 $0x2700;
	[sflag:s25] =	ssyncset.done $0x0  }
0x97: {  	s13 =	simm.s32 @!p2 $0x0;
	s16 =	rddreg [dreg:$0x7];
	[sflag:s25] =	ssyncadd.s32 $0xFFFFD900  }
0x98: {  	[tilespmem:s14], [sflag:$0x4] =	stream.linear.gather @!p2 [hbm4b:s16+s13], $0x80, $0x38;
	[tilespmem:$0x1E880] =	vst v63  }
0x99: {  	s13 =	simm.s32 @!p2 $0x4  }
0x9a: {  	_ =	swait.ge @!p2 [sflag:s13], $0x80  }
0x9b: {  	[sflag:s13] =	ssyncset.done @!p2 $0x0  }
0x9c: {  	s16 =	rddreg [dreg:$0x8];
	[sflag:s13] =	ssyncadd.s32 @!p2 $0xFFFFFF80  }
0x9d: {  	[tilespmem:s26], [sflag:$0x2] =	stream.linear.gather [hbm4b:s16+s4], $0x80, $0x38;
	[tilespmem:$0x1E880] =	vst v63  }
0x9e: {  	_ = 	snop  }
0x9f: {  	[tilespmem:s29], [sflag:$0x1] =	stream.indirect.gather [hbm4b:s5+s28], $0x80, s4, s28, $0xb8;
	[tilespmem:$0x1E880] =	vst v63  }
0xa0: {  	s18 =	rddreg [dreg:$0xc]  }
0xa1: {  	[tilespmem:s30], [sflag:$0x2] =	stream.linear.gather [hbm4b:s18+s4], $0x80, $0x38;
	[tilespmem:$0x1E880] =	vst v63  }
0xa2: {  	_ = 	snop  }
0xa3: {  	[tilespmem:s31], [sflag:$0x1] =	stream.indirect.gather [hbm4b:s5+s28], $0x80, s28, s28, $0xb8;
	[tilespmem:$0x1E880] =	vst v63  }
0xa4: {  	_ =	swait.ge [sflag:s0], $0x4000  }
0xa5: {  	[sflag:s0] =	ssyncset.done $0x0  }
0xa6: {  	[sflag:s0] =	ssyncadd.s32 $0xFFFFC000  }
0xa7: {  	_ =	swait.ge [sflag:s2], $0x80  }
0xa8: {  	[sflag:s2] =	ssyncset.done $0x0  }
0xa9: {  	[sflag:s2] =	ssyncadd.s32 $0xFFFFFF80  }
0xaa: {  	[spmem:s3] =	stream.indirect.scatter.add.f32 [tilespmem:s29], [sflag:$0x3], $0x80, s26, s28, $0xb8;
	[tilespmem:$0x1E880] =	vst v63  }
0xab: {  	_ =	swait.ge [sflag:s1], $0x4000  }
0xac: {  	[sflag:s1] =	ssyncset.done $0x0  }
0xad: {  	s19 =	rddreg [dreg:$0xd];
	[sflag:s1] =	ssyncadd.s32 $0xFFFFC000  }
0xae: {  	[tilespmem:s26], [sflag:$0x2] =	stream.linear.gather [hbm4b:s19+s4], $0x80, $0x38;
	[tilespmem:$0x1E880] =	vst v63  }
0xaf: {  	s22 =	simm.s32 $0x100  }
0xb0: {  	[tilespmem:s29], [sflag:$0x1] =	stream.indirect.gather [hbm4b:s5+s28], $0x80, s22, s28, $0xb8;
	[tilespmem:$0x1E880] =	vst v63  }
0xb1: {  	_ =	swait.ge [sflag:s0], $0x4000  }
0xb2: {  	[sflag:s0] =	ssyncset.done $0x0  }
0xb3: {  	[sflag:s0] =	ssyncadd.s32 $0xFFFFC000  }
0xb4: {  	_ =	swait.ge [sflag:s2], $0x80  }
0xb5: {  	[sflag:s2] =	ssyncset.done $0x0  }
0xb6: {  	[sflag:s2] =	ssyncadd.s32 $0xFFFFFF80  }
0xb7: {  	[spmem:s3] =	stream.indirect.scatter.add.f32 [tilespmem:s31], [sflag:$0x3], $0x80, s30, s28, $0xb8;
	[tilespmem:$0x1E880] =	vst v63  }
0xb8: {  	_ =	swait.ge [sflag:s1], $0x4000  }
0xb9: {  	[sflag:s1] =	ssyncset.done $0x0  }
0xba: {  	[sflag:s1] =	ssyncadd.s32 $0xFFFFC000  }
0xbb: {  	[tilespmem:s30], [sflag:$0x2] =	stream.linear.gather [hbm4b:s20+s4], $0x80, $0x38;
	[tilespmem:$0x1E880] =	vst v63  }
0xbc: {  	s10 =	smov.u32 s24;
	s24 =	simm.s32 $0x180  }
0xbd: {  	[tilespmem:s31], [sflag:$0x1] =	stream.indirect.gather [hbm4b:s5+s28], $0x80, s24, s28, $0xb8;
	[tilespmem:$0x1E880] =	vst v63  }
0xbe: {  	_ =	swait.ge [sflag:s0], $0x4000  }
0xbf: {  	[sflag:s0] =	ssyncset.done $0x0  }
0xc0: {  	[sflag:s0] =	ssyncadd.s32 $0xFFFFC000  }
0xc1: {  	_ =	swait.ge [sflag:s2], $0x80  }
0xc2: {  	[sflag:s2] =	ssyncset.done $0x0  }
0xc3: {  	[sflag:s2] =	ssyncadd.s32 $0xFFFFFF80  }
0xc4: {  	[spmem:s3] =	stream.indirect.scatter.add.f32 [tilespmem:s29], [sflag:$0x3], $0x80, s26, s28, $0xb8;
	[tilespmem:$0x1E880] =	vst v63  }
0xc5: {  	_ =	swait.ge [sflag:s1], $0x4000  }
0xc6: {  	p3 =	sle.u32 s8, $0x4;
	[sflag:s1] =	ssyncset.done $0x0  }
0xc7: {  	s14 =	simm.s32 @!p3 $0x2780;
	s13 =	simm.s32 @!p3 $0x0;
	[sflag:s1] =	ssyncadd.s32 $0xFFFFC000  }
0xc8: {  	[tilespmem:s14], [sflag:$0x2] =	stream.linear.gather @!p3 [hbm4b:s21+s13], $0x80, $0x38;
	[tilespmem:$0x1E880] =	vst v63  }
0xc9: {  	s16 =	simm.s32 @!p3 $0x2880;
	s13 =	simm.s32 @!p3 $0x200;
	s14 =	simm.s32 @!p3 $0x80  }
0xca: {  	[tilespmem:s16], [sflag:$0x1] =	stream.indirect.gather @!p3 [hbm4b:s5+s14], $0x80, s13, s14, $0xb8;
	[tilespmem:$0x1E880] =	vst v63  }
0xcb: {  	_ =	swait.ge [sflag:s0], $0x4000  }
0xcc: {  	[sflag:s0] =	ssyncset.done $0x0  }
0xcd: {  	[sflag:s0] =	ssyncadd.s32 $0xFFFFC000  }
0xce: {  	_ =	swait.ge [sflag:s2], $0x80  }
0xcf: {  	s18 =	sadd.s32 $0x20, s20;
	s14 =	simm.s32 $0x6;
	[sflag:s2] =	ssyncset.done $0x0  }
0xd0: {  	s13 =	sadd.s32 $0x20, s21;
	s16 =	simm.s32 $0x280;
	[sflag:s2] =	ssyncadd.s32 $0xFFFFFF80  }
.LBB2_6:
0xd1: {  	[spmem:s3] =	stream.indirect.scatter.add.f32 [tilespmem:s31], [sflag:$0x3], $0x80, s30, s28, $0xb8;
	[tilespmem:$0x1E880] =	vst v63  }
0xd2: {  	s19 =	smov.u32 s14;
	s14 =	sadd.s32 $0x2, s14;
	_ =	swait.ge [sflag:s1], $0x4000  }
0xd3: {  	p3 =	sne.s32 s14, $0x50;
	[sflag:s1] =	ssyncset.done $0x0  }
0xd4: {  	[sflag:s1] =	ssyncadd.s32 $0xFFFFC000  }
0xd5: {  	[tilespmem:s30], [sflag:$0x2] =	stream.linear.gather [hbm4b:s18+s4], $0x80, $0x38;
	[tilespmem:$0x1E880] =	vst v63  }
0xd6: {  	_ = 	snop  }
0xd7: {  	[tilespmem:s31], [sflag:$0x1] =	stream.indirect.gather [hbm4b:s5+s28], $0x80, s16, s28, $0xb8;
	[tilespmem:$0x1E880] =	vst v63  }
0xd8: {  	_ =	swait.ge [sflag:s0], $0x4000  }
0xd9: {  	[sflag:s0] =	ssyncset.done $0x0  }
0xda: {  	[sflag:s0] =	ssyncadd.s32 $0xFFFFC000  }
0xdb: {  	_ =	swait.ge [sflag:s2], $0x80  }
0xdc: {  	[sflag:s2] =	ssyncset.done $0x0  }
0xdd: {  	[sflag:s2] =	ssyncadd.s32 $0xFFFFFF80  }
0xde: {  	[spmem:s3] =	stream.indirect.scatter.add.f32 [tilespmem:s29], [sflag:$0x3], $0x80, s26, s28, $0xb8;
	[tilespmem:$0x1E880] =	vst v63  }
0xdf: {  	_ =	swait.ge [sflag:s1], $0x4000  }
0xe0: {  	p4 =	sge.u32 s19, s8;
	[sflag:s1] =	ssyncset.done $0x0  }
0xe1: {  	s19 =	simm.s32 @!p4 $0x0;
	s22 =	simm.s32 @!p4 $0x2780;
	[sflag:s1] =	ssyncadd.s32 $0xFFFFC000  }
0xe2: {  	[tilespmem:s22], [sflag:$0x2] =	stream.linear.gather @!p4 [hbm4b:s13+s19], $0x80, $0x38;
	[tilespmem:$0x1E880] =	vst v63  }
0xe3: {  	s24 =	simm.s32 @!p4 $0x2880;
	s19 =	sadd.s32 @!p4 $0x80, s16;
	s22 =	simm.s32 @!p4 $0x80  }
0xe4: {  	[tilespmem:s24], [sflag:$0x1] =	stream.indirect.gather @!p4 [hbm4b:s5+s22], $0x80, s19, s22, $0xb8;
	[tilespmem:$0x1E880] =	vst v63  }
0xe5: {  	_ =	swait.ge [sflag:s0], $0x4000  }
.Ltmp6:
0xe6: {  	[sflag:s0] =	ssyncset.done $0x0;
	(pc) =	sbr.rel @p3 .LBB2_6-.Ltmp6, $4  }
0xe7: {  	[sflag:s0] =	ssyncadd.s32 $0xFFFFC000  }
0xe8: {  	_ =	swait.ge [sflag:s2], $0x80  }
0xe9: {  	s13 =	sadd.s32 $0x20, s13;
	[sflag:s2] =	ssyncset.done $0x0  }
0xea: {  	s18 =	sadd.s32 $0x20, s18;
	s16 =	sadd.s32 $0x100, s16;
	[sflag:s2] =	ssyncadd.s32 $0xFFFFFF80  }
.Ltmp7:
0xeb: {  	(pc) =	sbr.rel @p2 .LBB2_9-.Ltmp7, $4  }
.Ltmp8:
0xec: {  	(pc) =	sbr.rel @!p2 .LBB2_8-.Ltmp8, $4  }
0xed: {  	_ = 	snop  }
0xee: {  	[spmem:s3] =	stream.indirect.scatter.add.f32 [tilespmem:s31], [sflag:$0x3], $0x80, s30, s28, $0xb8;
	[tilespmem:$0x1E880] =	vst v63  }
0xef: {  	s13 =	rddreg [dreg:$0x9];
	s24 =	smov.u32 s10  }
0xf0: {  	_ = 	snop  }
.LBB2_10:
0xf1: {  	_ =	sfence.sel $0x180000  }
0xf2: {  	[bflag:$0x0] =	sbarrier.arrive $0xFFFF  }
0xf3: {  	_ =	strace $0x90000053  }
0xf4: {  	s0 =	stileid.u32;
	[bflag:$0x2] =	sbarrier.arrive $0xFFFF  }
0xf5: {  	p0 =	sne.s32 s0, $0x0;
	s0 =	rddreg [dreg:$0x5]  }
0xf6: {  	s0 =	sadd.s32 @!p0 $0x100000, s0  }
0xf7: {  	[sflag:s0] =	ssyncadd.tile.s32 @!p0 $0x1;
	_ =	shalt  }
.Lfunc_end2:
_tile_overlayer_lowered:
.L_overlay_start_2:
0xf8: {  	(tag) =	ssettag $0x2  }
0xf9: {  	s0 =	rddreg [dreg:$0x0];
	s2 =	stileid.u32  }
0xfa: {  	s1 =	rddreg [dreg:$0x1];
	p0 =	sne.s32 s2, $0x0  }
0xfb: {  	s3 =	rddreg [dreg:$0x2];
	[bflag:$0x3] =	sbarrier.arrive $0xFFFF;
	s2 =	simm.s32 @!p0 $0x1C04  }
0xfc: {  	[timem:s3], [sflag:s2] =	dma.local @!p0 [hbm:s0], s1  }
0xfd: {  	s0 =	simm.s32 @!p0 $0x4  }
0xfe: {  	_ =	swait.ge @!p0 [sflag:s0], s1  }
0xff: {  	s1 =	ssub.s32 @!p0 $0x0, s1;
	[sflag:s0] =	ssyncset.done @!p0 $0x0  }
0x100: {  	[sflag:s0] =	ssyncadd.s32 @!p0 s1  }
0x101: {  	[bflag:$0x3] =	sbarrier.arrive $0xFFFF  }
0x102: {  	_ =	shalt  }

</sc_bundles>
